<compile_context>
chip_gen: v7x
topology: tpu7x:2x2x1
jax: 0.10.2.dev20260603
libtpu: 0.0.44.dev20260713+nightly
codegen_flags: <defaults>
</compile_context>

<pallas_src>
import functools

import jax
import jax.numpy as jnp
from jax import lax
from jax.experimental import pallas as pl
from jax.experimental.pallas import tpu as pltpu
from jax.experimental.pallas import tpu_sc as plsc

N = 10000
E = 320000
D = 128

NC = 2
NS = 16
NW = NC * NS

WIN = 80
MW = E // (NW * WIN)
DPT = 3 * E // NW
DWIN = 120
DC = 25
DCH = DPT // (DWIN * DC)

ROWS_PER_SUB_DEG = 3 * N // NS
ROWS_PER_SUB_AGG = N // NS

_MESH = plsc.VectorSubcoreMesh(core_axis_name="c", subcore_axis_name="s")
_SC_PARAMS = pltpu.CompilerParams(use_tc_tiling_on_sc=False)


def _deg_call(deg_idx, ones_hbm, zeros_hbm):

  @functools.partial(
      pl.kernel,
      out_type=jax.ShapeDtypeStruct((NC, 2, NS, ROWS_PER_SUB_DEG, 16),
                                    jnp.float32),
      mesh=_MESH,
      scratch_types=[
          pltpu.VMEM((DC, DWIN), jnp.int32),
          pltpu.VMEM((DC, DWIN), jnp.int32),
          pltpu.VMEM((DWIN, 16), jnp.float32),
          pltpu.VMEM_SHARED((3 * N, 16), jnp.float32),
          pltpu.SemaphoreType.DMA,
          pltpu.SemaphoreType.DMA,
          pltpu.SemaphoreType.DMA,
          pltpu.SemaphoreType.DMA,
      ],
      compiler_params=_SC_PARAMS,
  )
  def k(idx_hbm, ones_h, zeros_h, out_hbm, idx_a, idx_b, ones_v, table_sh,
        la, lb, sa, sb):
    cid = lax.axis_index("c")
    sid = lax.axis_index("s")
    wid = sid * NC + cid
    my_rows = pl.ds(sid * ROWS_PER_SUB_DEG, ROWS_PER_SUB_DEG)
    pltpu.sync_copy(ones_h, ones_v)
    idx = [idx_a, idx_b]
    lsem = [la, lb]
    ssem = [sa, sb]

    def load_start(half, c, x):
      pltpu.async_copy(idx_hbm.at[half, wid, c], idx[x], lsem[x])

    def load_wait(half, c, x):
      pltpu.make_async_copy(idx_hbm.at[half, wid, c], idx[x], lsem[x]).wait()

    def fire(x):
      @pl.loop(0, DC)
      def _win(w):
        pltpu.async_copy(ones_v, table_sh.at[idx[x].at[w]], ssem[x], add=True)

    def drain(x):
      @pl.loop(0, DC)
      def _win(w):
        pltpu.make_async_copy(ones_v, table_sh.at[idx[x].at[w]],
                              ssem[x]).wait()

    for half in range(2):
      pltpu.sync_copy(zeros_h, table_sh.at[my_rows])
      plsc.subcore_barrier()

      load_start(half, 0, 0)
      load_wait(half, 0, 0)
      fire(0)
      load_start(half, 1, 1)

      @pl.loop(0, (DCH - 2) // 2)
      def _pair(i):
        c = 2 * i + 1
        load_wait(half, c, 1)
        fire(1)
        drain(0)
        load_start(half, c + 1, 0)
        load_wait(half, c + 1, 0)
        fire(0)
        drain(1)
        load_start(half, c + 2, 1)

      load_wait(half, DCH - 1, 1)
      fire(1)
      drain(0)
      drain(1)

      plsc.subcore_barrier()
      pltpu.sync_copy(table_sh.at[my_rows], out_hbm.at[cid, half, sid])

  return jnp.reshape(k(deg_idx, ones_hbm, zeros_hbm), (NC, 6 * N, 16))


def _h_call(xs, degp):
  bn = 2000
  nb = N // bn

  def body(deg_ref, x_ref, h_ref):
    deg = (deg_ref[0] + deg_ref[1])[:, 0:1]
    norm = jnp.where(deg > 0.0, lax.rsqrt(jnp.maximum(deg, 1.0)), 0.0)
    h_ref[0] = x_ref[0] * norm

  return pl.pallas_call(
      body,
      grid=(3, nb),
      in_specs=[
          pl.BlockSpec((NC, bn, 16), lambda k, j: (0, 2 * k * nb + j, 0)),
          pl.BlockSpec((1, bn, D), lambda k, j: (k, j, 0)),
      ],
      out_specs=pl.BlockSpec((1, bn, D), lambda k, j: (k, j, 0)),
      out_shape=jax.ShapeDtypeStruct((3, N, D), jnp.float32),
  )(degp, xs)


def _msg_call(h, src_idx, dst_idx, zeros_hbm):

  @functools.partial(
      pl.kernel,
      out_type=jax.ShapeDtypeStruct((3, NC, NS, ROWS_PER_SUB_AGG, D),
                                    jnp.float32),
      mesh=_MESH,
      scratch_types=[
          pltpu.VMEM((MW, WIN), jnp.int32),
          pltpu.VMEM((MW, WIN), jnp.int32),
          pltpu.VMEM((WIN, D), jnp.float32),
          pltpu.VMEM((WIN, D), jnp.float32),
          pltpu.VMEM((WIN, D), jnp.float32),
          pltpu.VMEM_SHARED((N, D), jnp.float32),
          pltpu.SemaphoreType.DMA,
          pltpu.SemaphoreType.DMA,
          pltpu.SemaphoreType.DMA,
          pltpu.SemaphoreType.DMA,
          pltpu.SemaphoreType.DMA,
          pltpu.SemaphoreType.DMA,
      ],
      compiler_params=_SC_PARAMS,
  )
  def k(h_hbm, sidx_hbm, didx_hbm, zeros_h, out_hbm, src_v, dst_v, rows_0,
        rows_1, rows_2, agg_sh, gs_0, gs_1, gs_2, ss_0, ss_1, ss_2):
    cid = lax.axis_index("c")
    sid = lax.axis_index("s")
    wid = sid * NC + cid
    my_rows = pl.ds(sid * ROWS_PER_SUB_AGG, ROWS_PER_SUB_AGG)
    rows = [rows_0, rows_1, rows_2]
    gs = [gs_0, gs_1, gs_2]
    ss = [ss_0, ss_1, ss_2]
    NBUF = 3

    for g in range(3):
      pltpu.sync_copy(zeros_h, agg_sh.at[my_rows])
      pltpu.sync_copy(sidx_hbm.at[g, wid], src_v)
      pltpu.sync_copy(didx_hbm.at[g, wid], dst_v)
      plsc.subcore_barrier()

      def g_start(w, j):
        pltpu.async_copy(h_hbm.at[g].at[src_v.at[w]], rows[j], gs[j])

      def g_wait(w, j):
        pltpu.make_async_copy(h_hbm.at[g].at[src_v.at[w]], rows[j],
                              gs[j]).wait()

      def s_start(w, j):
        pltpu.async_copy(rows[j], agg_sh.at[dst_v.at[w]], ss[j], add=True)

      def s_wait(w, j):
        pltpu.make_async_copy(rows[j], agg_sh.at[dst_v.at[w]], ss[j]).wait()

      g_start(0, 0)
      g_start(1, 1)
      g_wait(0, 0); s_start(0, 0); g_start(2, 2)
      s_wait(0, 0); g_wait(1, 1); s_start(1, 1); g_start(3, 0)
      s_wait(1, 1); g_wait(2, 2); s_start(2, 2); g_start(4, 1)

      @pl.loop(1, (MW - 2) // NBUF)
      def _blk(i):
        for j in range(NBUF):
          w = NBUF * i + j
          s_wait(w - 1, (j + 2) % 3)
          g_wait(w, j)
          s_start(w, j)
          g_start(w + 2, (j + 2) % 3)

      s_wait(MW - 3, 2); g_wait(MW - 2, 0); s_start(MW - 2, 0)
      s_wait(MW - 2, 0); g_wait(MW - 1, 1); s_start(MW - 1, 1)
      s_wait(MW - 1, 1)

      plsc.subcore_barrier()
      pltpu.sync_copy(agg_sh.at[my_rows], out_hbm.at[g, cid, sid])
      plsc.subcore_barrier()

  return jnp.reshape(k(h, src_idx, dst_idx, zeros_hbm), (3, NC, N, D))


def _head_call(aggp, degp, W, b):
  bn = 2000
  nb = N // bn
  scale = 1.0 / (3.0 * N * D)

  def body(agg_ref, deg_ref, w_ref, b_ref, out_ref):
    g = pl.program_id(0)
    j = pl.program_id(1)
    deg = (deg_ref[0] + deg_ref[1])[:, 0:1]
    norm = jnp.where(deg > 0.0, lax.rsqrt(jnp.maximum(deg, 1.0)), 0.0)
    agg = (agg_ref[0, 0] + agg_ref[0, 1]) * norm
    y = lax.dot_general(agg, w_ref[...], (((1,), (0,)), ((), ())),
                        preferred_element_type=jnp.float32,
                        precision=lax.Precision.HIGHEST)
    y = jnp.maximum(y + b_ref[...], 0.0)

    @pl.when((g == 0) & (j == 0))
    def _():
      out_ref[...] = jnp.zeros((1, 1), jnp.float32)

    out_ref[...] += jnp.reshape(jnp.sum(y) * scale, (1, 1))

  return pl.pallas_call(
      body,
      grid=(3, nb),
      in_specs=[
          pl.BlockSpec((1, NC, bn, D), lambda k, j: (k, 0, j, 0)),
          pl.BlockSpec((NC, bn, 16), lambda k, j: (0, (2 * k + 1) * nb + j, 0)),
          pl.BlockSpec((D, D), lambda k, j: (0, 0)),
          pl.BlockSpec((1, D), lambda k, j: (0, 0)),
      ],
      out_specs=pl.BlockSpec((1, 1), lambda k, j: (0, 0)),
      out_shape=jax.ShapeDtypeStruct((1, 1), jnp.float32),
  )(aggp, degp, W, b)


@jax.jit
def kernel(g1, x1, g2, x2, g3, x3, W, b):
  xs = jnp.stack([x1, x2, x3])
  deg_idx = jnp.stack([
      jnp.concatenate([g1[0], g1[1] + N, g2[0] + 2 * N]),
      jnp.concatenate([g2[1], g3[0] + N, g3[1] + 2 * N]),
  ]).reshape(2, NW, DCH, DC, DWIN)
  src_idx = jnp.stack([g1[0], g2[0], g3[0]]).reshape(3, NW, MW, WIN)
  dst_idx = jnp.stack([g1[1], g2[1], g3[1]]).reshape(3, NW, MW, WIN)
  ones16 = jnp.ones((DWIN, 16), jnp.float32)
  zeros_deg = jnp.zeros((ROWS_PER_SUB_DEG, 16), jnp.float32)
  zeros_agg = jnp.zeros((ROWS_PER_SUB_AGG, D), jnp.float32)

  degp = _deg_call(deg_idx, ones16, zeros_deg)
  h = _h_call(xs, degp)
  aggp = _msg_call(h, src_idx, dst_idx, zeros_agg)
  out = _head_call(aggp, degp, W, jnp.reshape(b, (1, D)))
  return out[0, 0]

# --- scband reference (transcript-rebuilt; emitter-appended) ---
"""Pipeline reference for scband-gcn2-523986010480 (READ-ONLY COPY).

The authoritative reference and input builder live on the scoring server;
editing this copy changes nothing except your own understanding.
"""

import jax, jax.numpy as jnp
import numpy as np

N = 10000
E = 320000
D = 128


def setup_inputs(seed: int = 0) -> dict:
    key = jax.random.key(seed)
    ks = jax.random.split(key, 12)
    x1 = jax.random.normal(ks[0], (N, D), dtype=jnp.float32)
    x2 = jax.random.normal(ks[1], (N, D), dtype=jnp.float32)
    x3 = jax.random.normal(ks[2], (N, D), dtype=jnp.float32)
    g1 = jax.random.randint(ks[3], (2, E), 0, N, dtype=jnp.int32)
    g2 = jax.random.randint(ks[4], (2, E), 0, N, dtype=jnp.int32)
    g3 = jax.random.randint(ks[5], (2, E), 0, N, dtype=jnp.int32)
    # Shared GraphConv (DGL norm='both') parameters: W [D, D], b [D]
    W = jax.random.normal(ks[6], (D, D), dtype=jnp.float32) * (1.0 / np.sqrt(D))
    b = jnp.zeros((D,), dtype=jnp.float32)
    return {"g1": g1, "x1": x1, "g2": g2, "x2": x2, "g3": g3, "x3": x3, "W": W, "b": b}


def _graph_conv(x, edge_index, W, b):
    # DGL GraphConv with norm='both':
    # h_i = b + W^T * sum_{j in N(i)} x_j / sqrt(deg_out(j) * deg_in(i))
    src = edge_index[0]
    dst = edge_index[1]
    n = x.shape[0]
    ones = jnp.ones((edge_index.shape[1],), dtype=jnp.float32)
    deg_out = jnp.zeros((n,), dtype=jnp.float32).at[src].add(ones)
    deg_in = jnp.zeros((n,), dtype=jnp.float32).at[dst].add(ones)
    norm_src = jnp.where(deg_out > 0, jax.lax.rsqrt(jnp.maximum(deg_out, 1.0)), 0.0)
    norm_dst = jnp.where(deg_in > 0, jax.lax.rsqrt(jnp.maximum(deg_in, 1.0)), 0.0)
    h = x * norm_src[:, None]
    msgs = jnp.take(h, src, axis=0)
    agg = jnp.zeros_like(x).at[dst].add(msgs)
    agg = agg * norm_dst[:, None]
    return agg @ W + b


def reference(g1, x1, g2, x2, g3, x3, W, b):
    h1 = jax.nn.relu(_graph_conv(x1, g1, W, b))
    h2 = jax.nn.relu(_graph_conv(x2, g2, W, b))
    h3 = jax.nn.relu(_graph_conv(x3, g3, W, b))
    # multi_graph_opt='mean' (default): mean over concatenated node axis
    x = jnp.mean(jnp.concatenate([h1, h2, h3], axis=0), axis=0)
    # output_opt='mean' (default): scalar mean
    out = jnp.mean(x)
    return out

if __name__ == "__main__":
    import jax
    _d = setup_inputs()
    print(jax.jit(kernel)(*tuple(_d.values())))

</pallas_src>

<mosaic_0001>
#map = affine_map<(d0, d1) -> (0, 0, 0, 0, 0)>
#map1 = affine_map<(d0, d1) -> (0, 0)>
module attributes {stable_mosaic.version = 14 : i64} {
  func.func @k(%arg0: i32, %arg1: i32, %arg2: memref<2x32x10x25x120xi32, #tpu.memory_space<hbm>>, %arg3: memref<120x16xf32, #tpu.memory_space<hbm>>, %arg4: memref<1875x16xf32, #tpu.memory_space<hbm>>, %arg5: memref<2x2x16x1875x16xf32, #tpu.memory_space<hbm>>, %arg6: memref<25x120xi32, #tpu.memory_space<vmem>>, %arg7: memref<25x120xi32, #tpu.memory_space<vmem>>, %arg8: memref<120x16xf32, #tpu.memory_space<vmem>>, %arg9: memref<30000x16xf32, #tpu.memory_space<vmem_shared>>, %arg10: memref<!tpu.dma_semaphore, #tpu.memory_space<semaphore_mem>>, %arg11: memref<!tpu.dma_semaphore, #tpu.memory_space<semaphore_mem>>, %arg12: memref<!tpu.dma_semaphore, #tpu.memory_space<semaphore_mem>>, %arg13: memref<!tpu.dma_semaphore, #tpu.memory_space<semaphore_mem>>) attributes {dimension_semantics = [#tpu.dimension_semantics<core_parallel>, #tpu.dimension_semantics<subcore_parallel>], iteration_bounds = array<i64: 2, 16>, scalar_prefetch = 0 : i64, scratch_operands = 8 : i64, tpu.core_type = #tpu.core_type<sc_vector_subcore>, window_params = [{transform_indices = #map}, {transform_indices = #map1}, {transform_indices = #map1}, {transform_indices = #map}]} {
    %mul3A = arith.constant 2 : i32
    %mul3A_0 = arith.muli %arg1, %mul3A : i32
    %add3A = arith.addi %mul3A_0, %arg0 : i32
    %mul3A_1 = arith.constant 1875 : i32
    %mul3A_2 = arith.muli %arg1, %mul3A_1 : i32
    "tpu.region"() ({
      %run_scoped3A_134 = tpu.sem_alloc : memref<!tpu.dma_semaphore, #tpu.memory_space<semaphore_mem>>
      tpu.enqueue_dma source(%arg3 : memref<120x16xf32, #tpu.memory_space<hbm>>) target(%arg8 : memref<120x16xf32, #tpu.memory_space<vmem>>) target_semaphore(%run_scoped3A_134 : memref<!tpu.dma_semaphore, #tpu.memory_space<semaphore_mem>>)
      tpu.wait_dma2 semaphore(%run_scoped3A_134 : memref<!tpu.dma_semaphore, #tpu.memory_space<semaphore_mem>>) src(%arg3 : memref<120x16xf32, #tpu.memory_space<hbm>>) dst(%arg8 : memref<120x16xf32, #tpu.memory_space<vmem>>)
      tpu.yield
    }) : () -> ()
    "tpu.region"() ({
      %run_scoped3A_134 = tpu.sem_alloc : memref<!tpu.dma_semaphore, #tpu.memory_space<semaphore_mem>>
      %dma_start3A_135 = arith.constant 0 : i32
      %dma_start3A_136 = tpu.memref_slice %arg9[%mul3A_2, %dma_start3A_135] : memref<30000x16xf32, #tpu.memory_space<vmem_shared>> -> memref<1875x16xf32, #tpu.memory_space<vmem_shared>>
      tpu.enqueue_dma source(%arg4 : memref<1875x16xf32, #tpu.memory_space<hbm>>) target(%dma_start3A_136 : memref<1875x16xf32, #tpu.memory_space<vmem_shared>>) target_semaphore(%run_scoped3A_134 : memref<!tpu.dma_semaphore, #tpu.memory_space<semaphore_mem>>)
      %dma_wait3A_137 = arith.constant 0 : i32
      %dma_wait3A_138 = tpu.memref_slice %arg9[%mul3A_2, %dma_wait3A_137] : memref<30000x16xf32, #tpu.memory_space<vmem_shared>> -> memref<1875x16xf32, #tpu.memory_space<vmem_shared>>
      tpu.wait_dma2 semaphore(%run_scoped3A_134 : memref<!tpu.dma_semaphore, #tpu.memory_space<semaphore_mem>>) src(%arg4 : memref<1875x16xf32, #tpu.memory_space<hbm>>) dst(%dma_wait3A_138 : memref<1875x16xf32, #tpu.memory_space<vmem_shared>>)
      tpu.yield
    }) : () -> ()
    %barrier3A = arith.constant 0 : index
    tpu.barrier barrier_id(%barrier3A)
    %dma_start3A = arith.constant 0 : i32
    %dma_start3A_3 = arith.constant 0 : i32
    %dma_start3A_4 = arith.constant 0 : i32
    %dma_start3A_5 = arith.constant 0 : i32
    %dma_start3A_6 = tpu.memref_slice %arg2[%dma_start3A, %add3A, %dma_start3A_3, %dma_start3A_4, %dma_start3A_5] : memref<2x32x10x25x120xi32, #tpu.memory_space<hbm>> -> memref<1x1x1x25x120xi32, #tpu.memory_space<hbm>>
    %dma_start3A_7 = tpu.memref_squeeze %dma_start3A_6 : memref<1x1x1x25x120xi32, #tpu.memory_space<hbm>> -> memref<25x120xi32, #tpu.memory_space<hbm>>
    %dma_start3A_8 = arith.constant 0 : i32
    %dma_start3A_9 = arith.constant 0 : i32
    %dma_start3A_10 = tpu.memref_slice %arg2[%dma_start3A, %add3A, %dma_start3A_3, %dma_start3A_8, %dma_start3A_9] : memref<2x32x10x25x120xi32, #tpu.memory_space<hbm>> -> memref<1x1x1x25x120xi32, #tpu.memory_space<hbm>>
    %dma_start3A_11 = tpu.memref_squeeze %dma_start3A_10 : memref<1x1x1x25x120xi32, #tpu.memory_space<hbm>> -> memref<25x120xi32, #tpu.memory_space<hbm>>
    tpu.enqueue_dma source(%dma_start3A_11 : memref<25x120xi32, #tpu.memory_space<hbm>>) target(%arg6 : memref<25x120xi32, #tpu.memory_space<vmem>>) target_semaphore(%arg10 : memref<!tpu.dma_semaphore, #tpu.memory_space<semaphore_mem>>)
    %dma_wait3A = arith.constant 0 : i32
    %dma_wait3A_12 = arith.constant 0 : i32
    %dma_wait3A_13 = arith.constant 0 : i32
    %dma_wait3A_14 = arith.constant 0 : i32
    %dma_wait3A_15 = tpu.memref_slice %arg2[%dma_wait3A, %add3A, %dma_wait3A_12, %dma_wait3A_13, %dma_wait3A_14] : memref<2x32x10x25x120xi32, #tpu.memory_space<hbm>> -> memref<1x1x1x25x120xi32, #tpu.memory_space<hbm>>
    %dma_wait3A_16 = tpu.memref_squeeze %dma_wait3A_15 : memref<1x1x1x25x120xi32, #tpu.memory_space<hbm>> -> memref<25x120xi32, #tpu.memory_space<hbm>>
    %dma_wait3A_17 = arith.constant 0 : i32
    %dma_wait3A_18 = arith.constant 0 : i32
    %dma_wait3A_19 = tpu.memref_slice %arg2[%dma_wait3A, %add3A, %dma_wait3A_12, %dma_wait3A_17, %dma_wait3A_18] : memref<2x32x10x25x120xi32, #tpu.memory_space<hbm>> -> memref<1x1x1x25x120xi32, #tpu.memory_space<hbm>>
    %dma_wait3A_20 = tpu.memref_squeeze %dma_wait3A_19 : memref<1x1x1x25x120xi32, #tpu.memory_space<hbm>> -> memref<25x120xi32, #tpu.memory_space<hbm>>
    tpu.wait_dma2 semaphore(%arg10 : memref<!tpu.dma_semaphore, #tpu.memory_space<semaphore_mem>>) src(%dma_wait3A_20 : memref<25x120xi32, #tpu.memory_space<hbm>>) dst(%arg6 : memref<25x120xi32, #tpu.memory_space<vmem>>)
    %scan3A = arith.constant 0 : i32
    %scan3A_21 = arith.constant 25 : i32
    %scan3A_22 = arith.addi %scan3A, %scan3A_21 : i32
    %scan3A_23 = arith.constant 1 : i32
    scf.for %scan3A_134 = %scan3A to %scan3A_22 step %scan3A_23  : i32 {
      %mul3A_135 = arith.constant 1 : i32
      %mul3A_136 = arith.muli %scan3A_134, %mul3A_135 : i32
      %add3A_137 = arith.constant 0 : i32
      %add3A_138 = arith.addi %add3A_137, %mul3A_136 : i32
      %dma_start3A_139 = arith.constant 0 : i32
      %dma_start3A_140 = tpu.memref_slice %arg6[%add3A_138, %dma_start3A_139] : memref<25x120xi32, #tpu.memory_space<vmem>> -> memref<1x120xi32, #tpu.memory_space<vmem>>
      %dma_start3A_141 = tpu.memref_squeeze %dma_start3A_140 : memref<1x120xi32, #tpu.memory_space<vmem>> -> memref<120xi32, #tpu.memory_space<vmem>>
      %dma_start3A_142 = arith.constant 0 : i32
      %dma_start3A_143 = arith.constant 0 : i32
      %dma_start3A_144 = tpu.memref_slice %arg9[%dma_start3A_142, %dma_start3A_143] : memref<30000x16xf32, #tpu.memory_space<vmem_shared>> -> memref<30000x16xf32, #tpu.memory_space<vmem_shared>>
      tpu.enqueue_indirect_dma source(%arg8 : memref<120x16xf32, #tpu.memory_space<vmem>>) target(%dma_start3A_144 : memref<30000x16xf32, #tpu.memory_space<vmem_shared>>) offsets(%dma_start3A_141 : memref<120xi32, #tpu.memory_space<vmem>>) semaphore(%arg12 : memref<!tpu.dma_semaphore, #tpu.memory_space<semaphore_mem>>) {add = true}
    }
    %scan3A_24 = arith.constant 25 : i32
    %dma_start3A_25 = arith.constant 0 : i32
    %dma_start3A_26 = arith.constant 1 : i32
    %dma_start3A_27 = arith.constant 0 : i32
    %dma_start3A_28 = arith.constant 0 : i32
    %dma_start3A_29 = tpu.memref_slice %arg2[%dma_start3A_25, %add3A, %dma_start3A_26, %dma_start3A_27, %dma_start3A_28] : memref<2x32x10x25x120xi32, #tpu.memory_space<hbm>> -> memref<1x1x1x25x120xi32, #tpu.memory_space<hbm>>
    %dma_start3A_30 = tpu.memref_squeeze %dma_start3A_29 : memref<1x1x1x25x120xi32, #tpu.memory_space<hbm>> -> memref<25x120xi32, #tpu.memory_space<hbm>>
    %dma_start3A_31 = arith.constant 0 : i32
    %dma_start3A_32 = arith.constant 0 : i32
    %dma_start3A_33 = tpu.memref_slice %arg2[%dma_start3A_25, %add3A, %dma_start3A_26, %dma_start3A_31, %dma_start3A_32] : memref<2x32x10x25x120xi32, #tpu.memory_space<hbm>> -> memref<1x1x1x25x120xi32, #tpu.memory_space<hbm>>
    %dma_start3A_34 = tpu.memref_squeeze %dma_start3A_33 : memref<1x1x1x25x120xi32, #tpu.memory_space<hbm>> -> memref<25x120xi32, #tpu.memory_space<hbm>>
    tpu.enqueue_dma source(%dma_start3A_34 : memref<25x120xi32, #tpu.memory_space<hbm>>) target(%arg7 : memref<25x120xi32, #tpu.memory_space<vmem>>) target_semaphore(%arg11 : memref<!tpu.dma_semaphore, #tpu.memory_space<semaphore_mem>>)
    %scan3A_35 = arith.constant 0 : i32
    %scan3A_36 = arith.constant 4 : i32
    %scan3A_37 = arith.addi %scan3A_35, %scan3A_36 : i32
    %scan3A_38 = arith.constant 1 : i32
    scf.for %scan3A_134 = %scan3A_35 to %scan3A_37 step %scan3A_38  : i32 {
      %mul3A_135 = arith.constant 1 : i32
      %mul3A_136 = arith.muli %scan3A_134, %mul3A_135 : i32
      %add3A_137 = arith.constant 0 : i32
      %add3A_138 = arith.addi %add3A_137, %mul3A_136 : i32
      %mul3A_139 = arith.constant 2 : i32
      %mul3A_140 = arith.muli %mul3A_139, %add3A_138 : i32
      %add3A_141 = arith.constant 1 : i32
      %add3A_142 = arith.addi %mul3A_140, %add3A_141 : i32
      %dma_wait3A_143 = arith.constant 0 : i32
      %dma_wait3A_144 = arith.constant 0 : i32
      %dma_wait3A_145 = arith.constant 0 : i32
      %dma_wait3A_146 = tpu.memref_slice %arg2[%dma_wait3A_143, %add3A, %add3A_142, %dma_wait3A_144, %dma_wait3A_145] : memref<2x32x10x25x120xi32, #tpu.memory_space<hbm>> -> memref<1x1x1x25x120xi32, #tpu.memory_space<hbm>>
      %dma_wait3A_147 = tpu.memref_squeeze %dma_wait3A_146 : memref<1x1x1x25x120xi32, #tpu.memory_space<hbm>> -> memref<25x120xi32, #tpu.memory_space<hbm>>
      %dma_wait3A_148 = arith.constant 0 : i32
      %dma_wait3A_149 = arith.constant 0 : i32
      %dma_wait3A_150 = tpu.memref_slice %arg2[%dma_wait3A_143, %add3A, %add3A_142, %dma_wait3A_148, %dma_wait3A_149] : memref<2x32x10x25x120xi32, #tpu.memory_space<hbm>> -> memref<1x1x1x25x120xi32, #tpu.memory_space<hbm>>
      %dma_wait3A_151 = tpu.memref_squeeze %dma_wait3A_150 : memref<1x1x1x25x120xi32, #tpu.memory_space<hbm>> -> memref<25x120xi32, #tpu.memory_space<hbm>>
      tpu.wait_dma2 semaphore(%arg11 : memref<!tpu.dma_semaphore, #tpu.memory_space<semaphore_mem>>) src(%dma_wait3A_151 : memref<25x120xi32, #tpu.memory_space<hbm>>) dst(%arg7 : memref<25x120xi32, #tpu.memory_space<vmem>>)
      %scan3A_152 = arith.constant 0 : i32
      %scan3A_153 = arith.constant 25 : i32
      %scan3A_154 = arith.addi %scan3A_152, %scan3A_153 : i32
      %scan3A_155 = arith.constant 1 : i32
      scf.for %scan3A_205 = %scan3A_152 to %scan3A_154 step %scan3A_155  : i32 {
        %mul3A_206 = arith.constant 1 : i32
        %mul3A_207 = arith.muli %scan3A_205, %mul3A_206 : i32
        %add3A_208 = arith.constant 0 : i32
        %add3A_209 = arith.addi %add3A_208, %mul3A_207 : i32
        %dma_start3A_210 = arith.constant 0 : i32
        %dma_start3A_211 = tpu.memref_slice %arg7[%add3A_209, %dma_start3A_210] : memref<25x120xi32, #tpu.memory_space<vmem>> -> memref<1x120xi32, #tpu.memory_space<vmem>>
        %dma_start3A_212 = tpu.memref_squeeze %dma_start3A_211 : memref<1x120xi32, #tpu.memory_space<vmem>> -> memref<120xi32, #tpu.memory_space<vmem>>
        %dma_start3A_213 = arith.constant 0 : i32
        %dma_start3A_214 = arith.constant 0 : i32
        %dma_start3A_215 = tpu.memref_slice %arg9[%dma_start3A_213, %dma_start3A_214] : memref<30000x16xf32, #tpu.memory_space<vmem_shared>> -> memref<30000x16xf32, #tpu.memory_space<vmem_shared>>
        tpu.enqueue_indirect_dma source(%arg8 : memref<120x16xf32, #tpu.memory_space<vmem>>) target(%dma_start3A_215 : memref<30000x16xf32, #tpu.memory_space<vmem_shared>>) offsets(%dma_start3A_212 : memref<120xi32, #tpu.memory_space<vmem>>) semaphore(%arg13 : memref<!tpu.dma_semaphore, #tpu.memory_space<semaphore_mem>>) {add = true}
      }
      %scan3A_156 = arith.constant 25 : i32
      %scan3A_157 = arith.constant 0 : i32
      %scan3A_158 = arith.constant 25 : i32
      %scan3A_159 = arith.addi %scan3A_157, %scan3A_158 : i32
      %scan3A_160 = arith.constant 1 : i32
      scf.for %scan3A_205 = %scan3A_157 to %scan3A_159 step %scan3A_160  : i32 {
        %mul3A_206 = arith.constant 1 : i32
        %mul3A_207 = arith.muli %scan3A_205, %mul3A_206 : i32
        %add3A_208 = arith.constant 0 : i32
        %add3A_209 = arith.addi %add3A_208, %mul3A_207 : i32
        %dma_wait3A_210 = arith.constant 0 : i32
        %dma_wait3A_211 = tpu.memref_slice %arg6[%add3A_209, %dma_wait3A_210] : memref<25x120xi32, #tpu.memory_space<vmem>> -> memref<1x120xi32, #tpu.memory_space<vmem>>
        %dma_wait3A_212 = tpu.memref_squeeze %dma_wait3A_211 : memref<1x120xi32, #tpu.memory_space<vmem>> -> memref<120xi32, #tpu.memory_space<vmem>>
        %dma_wait3A_213 = arith.constant 0 : i32
        %dma_wait3A_214 = arith.constant 0 : i32
        %dma_wait3A_215 = tpu.memref_slice %arg9[%dma_wait3A_213, %dma_wait3A_214] : memref<30000x16xf32, #tpu.memory_space<vmem_shared>> -> memref<30000x16xf32, #tpu.memory_space<vmem_shared>>
        tpu.wait_indirect_dma semaphore(%arg12 : memref<!tpu.dma_semaphore, #tpu.memory_space<semaphore_mem>>) src(%arg8 : memref<120x16xf32, #tpu.memory_space<vmem>>) dst(%dma_wait3A_215 : memref<30000x16xf32, #tpu.memory_space<vmem_shared>>)
      }
      %scan3A_161 = arith.constant 25 : i32
      %add3A_162 = arith.constant 1 : i32
      %add3A_163 = arith.addi %add3A_142, %add3A_162 : i32
      %dma_start3A_164 = arith.constant 0 : i32
      %dma_start3A_165 = arith.constant 0 : i32
      %dma_start3A_166 = arith.constant 0 : i32
      %dma_start3A_167 = tpu.memref_slice %arg2[%dma_start3A_164, %add3A, %add3A_163, %dma_start3A_165, %dma_start3A_166] : memref<2x32x10x25x120xi32, #tpu.memory_space<hbm>> -> memref<1x1x1x25x120xi32, #tpu.memory_space<hbm>>
      %dma_start3A_168 = tpu.memref_squeeze %dma_start3A_167 : memref<1x1x1x25x120xi32, #tpu.memory_space<hbm>> -> memref<25x120xi32, #tpu.memory_space<hbm>>
      %dma_start3A_169 = arith.constant 0 : i32
      %dma_start3A_170 = arith.constant 0 : i32
      %dma_start3A_171 = tpu.memref_slice %arg2[%dma_start3A_164, %add3A, %add3A_163, %dma_start3A_169, %dma_start3A_170] : memref<2x32x10x25x120xi32, #tpu.memory_space<hbm>> -> memref<1x1x1x25x120xi32, #tpu.memory_space<hbm>>
      %dma_start3A_172 = tpu.memref_squeeze %dma_start3A_171 : memref<1x1x1x25x120xi32, #tpu.memory_space<hbm>> -> memref<25x120xi32, #tpu.memory_space<hbm>>
      tpu.enqueue_dma source(%dma_start3A_172 : memref<25x120xi32, #tpu.memory_space<hbm>>) target(%arg6 : memref<25x120xi32, #tpu.memory_space<vmem>>) target_semaphore(%arg10 : memref<!tpu.dma_semaphore, #tpu.memory_space<semaphore_mem>>)
      %add3A_173 = arith.constant 1 : i32
      %add3A_174 = arith.addi %add3A_142, %add3A_173 : i32
      %dma_wait3A_175 = arith.constant 0 : i32
      %dma_wait3A_176 = arith.constant 0 : i32
      %dma_wait3A_177 = arith.constant 0 : i32
      %dma_wait3A_178 = tpu.memref_slice %arg2[%dma_wait3A_175, %add3A, %add3A_174, %dma_wait3A_176, %dma_wait3A_177] : memref<2x32x10x25x120xi32, #tpu.memory_space<hbm>> -> memref<1x1x1x25x120xi32, #tpu.memory_space<hbm>>
      %dma_wait3A_179 = tpu.memref_squeeze %dma_wait3A_178 : memref<1x1x1x25x120xi32, #tpu.memory_space<hbm>> -> memref<25x120xi32, #tpu.memory_space<hbm>>
      %dma_wait3A_180 = arith.constant 0 : i32
      %dma_wait3A_181 = arith.constant 0 : i32
      %dma_wait3A_182 = tpu.memref_slice %arg2[%dma_wait3A_175, %add3A, %add3A_174, %dma_wait3A_180, %dma_wait3A_181] : memref<2x32x10x25x120xi32, #tpu.memory_space<hbm>> -> memref<1x1x1x25x120xi32, #tpu.memory_space<hbm>>
      %dma_wait3A_183 = tpu.memref_squeeze %dma_wait3A_182 : memref<1x1x1x25x120xi32, #tpu.memory_space<hbm>> -> memref<25x120xi32, #tpu.memory_space<hbm>>
      tpu.wait_dma2 semaphore(%arg10 : memref<!tpu.dma_semaphore, #tpu.memory_space<semaphore_mem>>) src(%dma_wait3A_183 : memref<25x120xi32, #tpu.memory_space<hbm>>) dst(%arg6 : memref<25x120xi32, #tpu.memory_space<vmem>>)
      %scan3A_184 = arith.constant 0 : i32
      %scan3A_185 = arith.constant 25 : i32
      %scan3A_186 = arith.addi %scan3A_184, %scan3A_185 : i32
      %scan3A_187 = arith.constant 1 : i32
      scf.for %scan3A_205 = %scan3A_184 to %scan3A_186 step %scan3A_187  : i32 {
        %mul3A_206 = arith.constant 1 : i32
        %mul3A_207 = arith.muli %scan3A_205, %mul3A_206 : i32
        %add3A_208 = arith.constant 0 : i32
        %add3A_209 = arith.addi %add3A_208, %mul3A_207 : i32
        %dma_start3A_210 = arith.constant 0 : i32
        %dma_start3A_211 = tpu.memref_slice %arg6[%add3A_209, %dma_start3A_210] : memref<25x120xi32, #tpu.memory_space<vmem>> -> memref<1x120xi32, #tpu.memory_space<vmem>>
        %dma_start3A_212 = tpu.memref_squeeze %dma_start3A_211 : memref<1x120xi32, #tpu.memory_space<vmem>> -> memref<120xi32, #tpu.memory_space<vmem>>
        %dma_start3A_213 = arith.constant 0 : i32
        %dma_start3A_214 = arith.constant 0 : i32
        %dma_start3A_215 = tpu.memref_slice %arg9[%dma_start3A_213, %dma_start3A_214] : memref<30000x16xf32, #tpu.memory_space<vmem_shared>> -> memref<30000x16xf32, #tpu.memory_space<vmem_shared>>
        tpu.enqueue_indirect_dma source(%arg8 : memref<120x16xf32, #tpu.memory_space<vmem>>) target(%dma_start3A_215 : memref<30000x16xf32, #tpu.memory_space<vmem_shared>>) offsets(%dma_start3A_212 : memref<120xi32, #tpu.memory_space<vmem>>) semaphore(%arg12 : memref<!tpu.dma_semaphore, #tpu.memory_space<semaphore_mem>>) {add = true}
      }
      %scan3A_188 = arith.constant 25 : i32
      %scan3A_189 = arith.constant 0 : i32
      %scan3A_190 = arith.constant 25 : i32
      %scan3A_191 = arith.addi %scan3A_189, %scan3A_190 : i32
      %scan3A_192 = arith.constant 1 : i32
      scf.for %scan3A_205 = %scan3A_189 to %scan3A_191 step %scan3A_192  : i32 {
        %mul3A_206 = arith.constant 1 : i32
        %mul3A_207 = arith.muli %scan3A_205, %mul3A_206 : i32
        %add3A_208 = arith.constant 0 : i32
        %add3A_209 = arith.addi %add3A_208, %mul3A_207 : i32
        %dma_wait3A_210 = arith.constant 0 : i32
        %dma_wait3A_211 = tpu.memref_slice %arg7[%add3A_209, %dma_wait3A_210] : memref<25x120xi32, #tpu.memory_space<vmem>> -> memref<1x120xi32, #tpu.memory_space<vmem>>
        %dma_wait3A_212 = tpu.memref_squeeze %dma_wait3A_211 : memref<1x120xi32, #tpu.memory_space<vmem>> -> memref<120xi32, #tpu.memory_space<vmem>>
        %dma_wait3A_213 = arith.constant 0 : i32
        %dma_wait3A_214 = arith.constant 0 : i32
        %dma_wait3A_215 = tpu.memref_slice %arg9[%dma_wait3A_213, %dma_wait3A_214] : memref<30000x16xf32, #tpu.memory_space<vmem_shared>> -> memref<30000x16xf32, #tpu.memory_space<vmem_shared>>
        tpu.wait_indirect_dma semaphore(%arg13 : memref<!tpu.dma_semaphore, #tpu.memory_space<semaphore_mem>>) src(%arg8 : memref<120x16xf32, #tpu.memory_space<vmem>>) dst(%dma_wait3A_215 : memref<30000x16xf32, #tpu.memory_space<vmem_shared>>)
      }
      %scan3A_193 = arith.constant 25 : i32
      %add3A_194 = arith.constant 2 : i32
      %add3A_195 = arith.addi %add3A_142, %add3A_194 : i32
      %dma_start3A_196 = arith.constant 0 : i32
      %dma_start3A_197 = arith.constant 0 : i32
      %dma_start3A_198 = arith.constant 0 : i32
      %dma_start3A_199 = tpu.memref_slice %arg2[%dma_start3A_196, %add3A, %add3A_195, %dma_start3A_197, %dma_start3A_198] : memref<2x32x10x25x120xi32, #tpu.memory_space<hbm>> -> memref<1x1x1x25x120xi32, #tpu.memory_space<hbm>>
      %dma_start3A_200 = tpu.memref_squeeze %dma_start3A_199 : memref<1x1x1x25x120xi32, #tpu.memory_space<hbm>> -> memref<25x120xi32, #tpu.memory_space<hbm>>
      %dma_start3A_201 = arith.constant 0 : i32
      %dma_start3A_202 = arith.constant 0 : i32
      %dma_start3A_203 = tpu.memref_slice %arg2[%dma_start3A_196, %add3A, %add3A_195, %dma_start3A_201, %dma_start3A_202] : memref<2x32x10x25x120xi32, #tpu.memory_space<hbm>> -> memref<1x1x1x25x120xi32, #tpu.memory_space<hbm>>
      %dma_start3A_204 = tpu.memref_squeeze %dma_start3A_203 : memref<1x1x1x25x120xi32, #tpu.memory_space<hbm>> -> memref<25x120xi32, #tpu.memory_space<hbm>>
      tpu.enqueue_dma source(%dma_start3A_204 : memref<25x120xi32, #tpu.memory_space<hbm>>) target(%arg7 : memref<25x120xi32, #tpu.memory_space<vmem>>) target_semaphore(%arg11 : memref<!tpu.dma_semaphore, #tpu.memory_space<semaphore_mem>>)
    }
    %scan3A_39 = arith.constant 4 : i32
    %dma_wait3A_40 = arith.constant 0 : i32
    %dma_wait3A_41 = arith.constant 9 : i32
    %dma_wait3A_42 = arith.constant 0 : i32
    %dma_wait3A_43 = arith.constant 0 : i32
    %dma_wait3A_44 = tpu.memref_slice %arg2[%dma_wait3A_40, %add3A, %dma_wait3A_41, %dma_wait3A_42, %dma_wait3A_43] : memref<2x32x10x25x120xi32, #tpu.memory_space<hbm>> -> memref<1x1x1x25x120xi32, #tpu.memory_space<hbm>>
    %dma_wait3A_45 = tpu.memref_squeeze %dma_wait3A_44 : memref<1x1x1x25x120xi32, #tpu.memory_space<hbm>> -> memref<25x120xi32, #tpu.memory_space<hbm>>
    %dma_wait3A_46 = arith.constant 0 : i32
    %dma_wait3A_47 = arith.constant 0 : i32
    %dma_wait3A_48 = tpu.memref_slice %arg2[%dma_wait3A_40, %add3A, %dma_wait3A_41, %dma_wait3A_46, %dma_wait3A_47] : memref<2x32x10x25x120xi32, #tpu.memory_space<hbm>> -> memref<1x1x1x25x120xi32, #tpu.memory_space<hbm>>
    %dma_wait3A_49 = tpu.memref_squeeze %dma_wait3A_48 : memref<1x1x1x25x120xi32, #tpu.memory_space<hbm>> -> memref<25x120xi32, #tpu.memory_space<hbm>>
    tpu.wait_dma2 semaphore(%arg11 : memref<!tpu.dma_semaphore, #tpu.memory_space<semaphore_mem>>) src(%dma_wait3A_49 : memref<25x120xi32, #tpu.memory_space<hbm>>) dst(%arg7 : memref<25x120xi32, #tpu.memory_space<vmem>>)
    %scan3A_50 = arith.constant 0 : i32
    %scan3A_51 = arith.constant 25 : i32
    %scan3A_52 = arith.addi %scan3A_50, %scan3A_51 : i32
    %scan3A_53 = arith.constant 1 : i32
    scf.for %scan3A_134 = %scan3A_50 to %scan3A_52 step %scan3A_53  : i32 {
      %mul3A_135 = arith.constant 1 : i32
      %mul3A_136 = arith.muli %scan3A_134, %mul3A_135 : i32
      %add3A_137 = arith.constant 0 : i32
      %add3A_138 = arith.addi %add3A_137, %mul3A_136 : i32
      %dma_start3A_139 = arith.constant 0 : i32
      %dma_start3A_140 = tpu.memref_slice %arg7[%add3A_138, %dma_start3A_139] : memref<25x120xi32, #tpu.memory_space<vmem>> -> memref<1x120xi32, #tpu.memory_space<vmem>>
      %dma_start3A_141 = tpu.memref_squeeze %dma_start3A_140 : memref<1x120xi32, #tpu.memory_space<vmem>> -> memref<120xi32, #tpu.memory_space<vmem>>
      %dma_start3A_142 = arith.constant 0 : i32
      %dma_start3A_143 = arith.constant 0 : i32
      %dma_start3A_144 = tpu.memref_slice %arg9[%dma_start3A_142, %dma_start3A_143] : memref<30000x16xf32, #tpu.memory_space<vmem_shared>> -> memref<30000x16xf32, #tpu.memory_space<vmem_shared>>
      tpu.enqueue_indirect_dma source(%arg8 : memref<120x16xf32, #tpu.memory_space<vmem>>) target(%dma_start3A_144 : memref<30000x16xf32, #tpu.memory_space<vmem_shared>>) offsets(%dma_start3A_141 : memref<120xi32, #tpu.memory_space<vmem>>) semaphore(%arg13 : memref<!tpu.dma_semaphore, #tpu.memory_space<semaphore_mem>>) {add = true}
    }
    %scan3A_54 = arith.constant 25 : i32
    %scan3A_55 = arith.constant 0 : i32
    %scan3A_56 = arith.constant 25 : i32
    %scan3A_57 = arith.addi %scan3A_55, %scan3A_56 : i32
    %scan3A_58 = arith.constant 1 : i32
    scf.for %scan3A_134 = %scan3A_55 to %scan3A_57 step %scan3A_58  : i32 {
      %mul3A_135 = arith.constant 1 : i32
      %mul3A_136 = arith.muli %scan3A_134, %mul3A_135 : i32
      %add3A_137 = arith.constant 0 : i32
      %add3A_138 = arith.addi %add3A_137, %mul3A_136 : i32
      %dma_wait3A_139 = arith.constant 0 : i32
      %dma_wait3A_140 = tpu.memref_slice %arg6[%add3A_138, %dma_wait3A_139] : memref<25x120xi32, #tpu.memory_space<vmem>> -> memref<1x120xi32, #tpu.memory_space<vmem>>
      %dma_wait3A_141 = tpu.memref_squeeze %dma_wait3A_140 : memref<1x120xi32, #tpu.memory_space<vmem>> -> memref<120xi32, #tpu.memory_space<vmem>>
      %dma_wait3A_142 = arith.constant 0 : i32
      %dma_wait3A_143 = arith.constant 0 : i32
      %dma_wait3A_144 = tpu.memref_slice %arg9[%dma_wait3A_142, %dma_wait3A_143] : memref<30000x16xf32, #tpu.memory_space<vmem_shared>> -> memref<30000x16xf32, #tpu.memory_space<vmem_shared>>
      tpu.wait_indirect_dma semaphore(%arg12 : memref<!tpu.dma_semaphore, #tpu.memory_space<semaphore_mem>>) src(%arg8 : memref<120x16xf32, #tpu.memory_space<vmem>>) dst(%dma_wait3A_144 : memref<30000x16xf32, #tpu.memory_space<vmem_shared>>)
    }
    %scan3A_59 = arith.constant 25 : i32
    %scan3A_60 = arith.constant 0 : i32
    %scan3A_61 = arith.constant 25 : i32
    %scan3A_62 = arith.addi %scan3A_60, %scan3A_61 : i32
    %scan3A_63 = arith.constant 1 : i32
    scf.for %scan3A_134 = %scan3A_60 to %scan3A_62 step %scan3A_63  : i32 {
      %mul3A_135 = arith.constant 1 : i32
      %mul3A_136 = arith.muli %scan3A_134, %mul3A_135 : i32
      %add3A_137 = arith.constant 0 : i32
      %add3A_138 = arith.addi %add3A_137, %mul3A_136 : i32
      %dma_wait3A_139 = arith.constant 0 : i32
      %dma_wait3A_140 = tpu.memref_slice %arg7[%add3A_138, %dma_wait3A_139] : memref<25x120xi32, #tpu.memory_space<vmem>> -> memref<1x120xi32, #tpu.memory_space<vmem>>
      %dma_wait3A_141 = tpu.memref_squeeze %dma_wait3A_140 : memref<1x120xi32, #tpu.memory_space<vmem>> -> memref<120xi32, #tpu.memory_space<vmem>>
      %dma_wait3A_142 = arith.constant 0 : i32
      %dma_wait3A_143 = arith.constant 0 : i32
      %dma_wait3A_144 = tpu.memref_slice %arg9[%dma_wait3A_142, %dma_wait3A_143] : memref<30000x16xf32, #tpu.memory_space<vmem_shared>> -> memref<30000x16xf32, #tpu.memory_space<vmem_shared>>
      tpu.wait_indirect_dma semaphore(%arg13 : memref<!tpu.dma_semaphore, #tpu.memory_space<semaphore_mem>>) src(%arg8 : memref<120x16xf32, #tpu.memory_space<vmem>>) dst(%dma_wait3A_144 : memref<30000x16xf32, #tpu.memory_space<vmem_shared>>)
    }
    %scan3A_64 = arith.constant 25 : i32
    %barrier3A_65 = arith.constant 0 : index
    tpu.barrier barrier_id(%barrier3A_65)
    %run_scoped3A = arith.constant 0 : i32
    "tpu.region"() ({
      %run_scoped3A_134 = tpu.sem_alloc : memref<!tpu.dma_semaphore, #tpu.memory_space<semaphore_mem>>
      %dma_start3A_135 = arith.constant 0 : i32
      %dma_start3A_136 = arith.constant 0 : i32
      %dma_start3A_137 = tpu.memref_slice %arg5[%arg0, %run_scoped3A, %arg1, %dma_start3A_135, %dma_start3A_136] : memref<2x2x16x1875x16xf32, #tpu.memory_space<hbm>> -> memref<1x1x1x1875x16xf32, #tpu.memory_space<hbm>>
      %dma_start3A_138 = tpu.memref_squeeze %dma_start3A_137 : memref<1x1x1x1875x16xf32, #tpu.memory_space<hbm>> -> memref<1875x16xf32, #tpu.memory_space<hbm>>
      %dma_start3A_139 = arith.constant 0 : i32
      %dma_start3A_140 = tpu.memref_slice %arg9[%mul3A_2, %dma_start3A_139] : memref<30000x16xf32, #tpu.memory_space<vmem_shared>> -> memref<1875x16xf32, #tpu.memory_space<vmem_shared>>
      tpu.enqueue_dma source(%dma_start3A_140 : memref<1875x16xf32, #tpu.memory_space<vmem_shared>>) target(%dma_start3A_138 : memref<1875x16xf32, #tpu.memory_space<hbm>>) target_semaphore(%run_scoped3A_134 : memref<!tpu.dma_semaphore, #tpu.memory_space<semaphore_mem>>)
      %dma_wait3A_141 = arith.constant 0 : i32
      %dma_wait3A_142 = arith.constant 0 : i32
      %dma_wait3A_143 = tpu.memref_slice %arg5[%arg0, %run_scoped3A, %arg1, %dma_wait3A_141, %dma_wait3A_142] : memref<2x2x16x1875x16xf32, #tpu.memory_space<hbm>> -> memref<1x1x1x1875x16xf32, #tpu.memory_space<hbm>>
      %dma_wait3A_144 = tpu.memref_squeeze %dma_wait3A_143 : memref<1x1x1x1875x16xf32, #tpu.memory_space<hbm>> -> memref<1875x16xf32, #tpu.memory_space<hbm>>
      %dma_wait3A_145 = arith.constant 0 : i32
      %dma_wait3A_146 = tpu.memref_slice %arg9[%mul3A_2, %dma_wait3A_145] : memref<30000x16xf32, #tpu.memory_space<vmem_shared>> -> memref<1875x16xf32, #tpu.memory_space<vmem_shared>>
      tpu.wait_dma2 semaphore(%run_scoped3A_134 : memref<!tpu.dma_semaphore, #tpu.memory_space<semaphore_mem>>) src(%dma_wait3A_146 : memref<1875x16xf32, #tpu.memory_space<vmem_shared>>) dst(%dma_wait3A_144 : memref<1875x16xf32, #tpu.memory_space<hbm>>)
      tpu.yield
    }) : () -> ()
    "tpu.region"() ({
      %run_scoped3A_134 = tpu.sem_alloc : memref<!tpu.dma_semaphore, #tpu.memory_space<semaphore_mem>>
      %dma_start3A_135 = arith.constant 0 : i32
      %dma_start3A_136 = tpu.memref_slice %arg9[%mul3A_2, %dma_start3A_135] : memref<30000x16xf32, #tpu.memory_space<vmem_shared>> -> memref<1875x16xf32, #tpu.memory_space<vmem_shared>>
      tpu.enqueue_dma source(%arg4 : memref<1875x16xf32, #tpu.memory_space<hbm>>) target(%dma_start3A_136 : memref<1875x16xf32, #tpu.memory_space<vmem_shared>>) target_semaphore(%run_scoped3A_134 : memref<!tpu.dma_semaphore, #tpu.memory_space<semaphore_mem>>)
      %dma_wait3A_137 = arith.constant 0 : i32
      %dma_wait3A_138 = tpu.memref_slice %arg9[%mul3A_2, %dma_wait3A_137] : memref<30000x16xf32, #tpu.memory_space<vmem_shared>> -> memref<1875x16xf32, #tpu.memory_space<vmem_shared>>
      tpu.wait_dma2 semaphore(%run_scoped3A_134 : memref<!tpu.dma_semaphore, #tpu.memory_space<semaphore_mem>>) src(%arg4 : memref<1875x16xf32, #tpu.memory_space<hbm>>) dst(%dma_wait3A_138 : memref<1875x16xf32, #tpu.memory_space<vmem_shared>>)
      tpu.yield
    }) : () -> ()
    %barrier3A_66 = arith.constant 0 : index
    tpu.barrier barrier_id(%barrier3A_66)
    %dma_start3A_67 = arith.constant 1 : i32
    %dma_start3A_68 = arith.constant 0 : i32
    %dma_start3A_69 = arith.constant 0 : i32
    %dma_start3A_70 = arith.constant 0 : i32
    %dma_start3A_71 = tpu.memref_slice %arg2[%dma_start3A_67, %add3A, %dma_start3A_68, %dma_start3A_69, %dma_start3A_70] : memref<2x32x10x25x120xi32, #tpu.memory_space<hbm>> -> memref<1x1x1x25x120xi32, #tpu.memory_space<hbm>>
    %dma_start3A_72 = tpu.memref_squeeze %dma_start3A_71 : memref<1x1x1x25x120xi32, #tpu.memory_space<hbm>> -> memref<25x120xi32, #tpu.memory_space<hbm>>
    %dma_start3A_73 = arith.constant 0 : i32
    %dma_start3A_74 = arith.constant 0 : i32
    %dma_start3A_75 = tpu.memref_slice %arg2[%dma_start3A_67, %add3A, %dma_start3A_68, %dma_start3A_73, %dma_start3A_74] : memref<2x32x10x25x120xi32, #tpu.memory_space<hbm>> -> memref<1x1x1x25x120xi32, #tpu.memory_space<hbm>>
    %dma_start3A_76 = tpu.memref_squeeze %dma_start3A_75 : memref<1x1x1x25x120xi32, #tpu.memory_space<hbm>> -> memref<25x120xi32, #tpu.memory_space<hbm>>
    tpu.enqueue_dma source(%dma_start3A_76 : memref<25x120xi32, #tpu.memory_space<hbm>>) target(%arg6 : memref<25x120xi32, #tpu.memory_space<vmem>>) target_semaphore(%arg10 : memref<!tpu.dma_semaphore, #tpu.memory_space<semaphore_mem>>)
    %dma_wait3A_77 = arith.constant 1 : i32
    %dma_wait3A_78 = arith.constant 0 : i32
    %dma_wait3A_79 = arith.constant 0 : i32
    %dma_wait3A_80 = arith.constant 0 : i32
    %dma_wait3A_81 = tpu.memref_slice %arg2[%dma_wait3A_77, %add3A, %dma_wait3A_78, %dma_wait3A_79, %dma_wait3A_80] : memref<2x32x10x25x120xi32, #tpu.memory_space<hbm>> -> memref<1x1x1x25x120xi32, #tpu.memory_space<hbm>>
    %dma_wait3A_82 = tpu.memref_squeeze %dma_wait3A_81 : memref<1x1x1x25x120xi32, #tpu.memory_space<hbm>> -> memref<25x120xi32, #tpu.memory_space<hbm>>
    %dma_wait3A_83 = arith.constant 0 : i32
    %dma_wait3A_84 = arith.constant 0 : i32
    %dma_wait3A_85 = tpu.memref_slice %arg2[%dma_wait3A_77, %add3A, %dma_wait3A_78, %dma_wait3A_83, %dma_wait3A_84] : memref<2x32x10x25x120xi32, #tpu.memory_space<hbm>> -> memref<1x1x1x25x120xi32, #tpu.memory_space<hbm>>
    %dma_wait3A_86 = tpu.memref_squeeze %dma_wait3A_85 : memref<1x1x1x25x120xi32, #tpu.memory_space<hbm>> -> memref<25x120xi32, #tpu.memory_space<hbm>>
    tpu.wait_dma2 semaphore(%arg10 : memref<!tpu.dma_semaphore, #tpu.memory_space<semaphore_mem>>) src(%dma_wait3A_86 : memref<25x120xi32, #tpu.memory_space<hbm>>) dst(%arg6 : memref<25x120xi32, #tpu.memory_space<vmem>>)
    %scan3A_87 = arith.constant 0 : i32
    %scan3A_88 = arith.constant 25 : i32
    %scan3A_89 = arith.addi %scan3A_87, %scan3A_88 : i32
    %scan3A_90 = arith.constant 1 : i32
    scf.for %scan3A_134 = %scan3A_87 to %scan3A_89 step %scan3A_90  : i32 {
      %mul3A_135 = arith.constant 1 : i32
      %mul3A_136 = arith.muli %scan3A_134, %mul3A_135 : i32
      %add3A_137 = arith.constant 0 : i32
      %add3A_138 = arith.addi %add3A_137, %mul3A_136 : i32
      %dma_start3A_139 = arith.constant 0 : i32
      %dma_start3A_140 = tpu.memref_slice %arg6[%add3A_138, %dma_start3A_139] : memref<25x120xi32, #tpu.memory_space<vmem>> -> memref<1x120xi32, #tpu.memory_space<vmem>>
      %dma_start3A_141 = tpu.memref_squeeze %dma_start3A_140 : memref<1x120xi32, #tpu.memory_space<vmem>> -> memref<120xi32, #tpu.memory_space<vmem>>
      %dma_start3A_142 = arith.constant 0 : i32
      %dma_start3A_143 = arith.constant 0 : i32
      %dma_start3A_144 = tpu.memref_slice %arg9[%dma_start3A_142, %dma_start3A_143] : memref<30000x16xf32, #tpu.memory_space<vmem_shared>> -> memref<30000x16xf32, #tpu.memory_space<vmem_shared>>
      tpu.enqueue_indirect_dma source(%arg8 : memref<120x16xf32, #tpu.memory_space<vmem>>) target(%dma_start3A_144 : memref<30000x16xf32, #tpu.memory_space<vmem_shared>>) offsets(%dma_start3A_141 : memref<120xi32, #tpu.memory_space<vmem>>) semaphore(%arg12 : memref<!tpu.dma_semaphore, #tpu.memory_space<semaphore_mem>>) {add = true}
    }
    %scan3A_91 = arith.constant 25 : i32
    %dma_start3A_92 = arith.constant 1 : i32
    %dma_start3A_93 = arith.constant 1 : i32
    %dma_start3A_94 = arith.constant 0 : i32
    %dma_start3A_95 = arith.constant 0 : i32
    %dma_start3A_96 = tpu.memref_slice %arg2[%dma_start3A_92, %add3A, %dma_start3A_93, %dma_start3A_94, %dma_start3A_95] : memref<2x32x10x25x120xi32, #tpu.memory_space<hbm>> -> memref<1x1x1x25x120xi32, #tpu.memory_space<hbm>>
    %dma_start3A_97 = tpu.memref_squeeze %dma_start3A_96 : memref<1x1x1x25x120xi32, #tpu.memory_space<hbm>> -> memref<25x120xi32, #tpu.memory_space<hbm>>
    %dma_start3A_98 = arith.constant 0 : i32
    %dma_start3A_99 = arith.constant 0 : i32
    %dma_start3A_100 = tpu.memref_slice %arg2[%dma_start3A_92, %add3A, %dma_start3A_93, %dma_start3A_98, %dma_start3A_99] : memref<2x32x10x25x120xi32, #tpu.memory_space<hbm>> -> memref<1x1x1x25x120xi32, #tpu.memory_space<hbm>>
    %dma_start3A_101 = tpu.memref_squeeze %dma_start3A_100 : memref<1x1x1x25x120xi32, #tpu.memory_space<hbm>> -> memref<25x120xi32, #tpu.memory_space<hbm>>
    tpu.enqueue_dma source(%dma_start3A_101 : memref<25x120xi32, #tpu.memory_space<hbm>>) target(%arg7 : memref<25x120xi32, #tpu.memory_space<vmem>>) target_semaphore(%arg11 : memref<!tpu.dma_semaphore, #tpu.memory_space<semaphore_mem>>)
    %scan3A_102 = arith.constant 0 : i32
    %scan3A_103 = arith.constant 4 : i32
    %scan3A_104 = arith.addi %scan3A_102, %scan3A_103 : i32
    %scan3A_105 = arith.constant 1 : i32
    scf.for %scan3A_134 = %scan3A_102 to %scan3A_104 step %scan3A_105  : i32 {
      %mul3A_135 = arith.constant 1 : i32
      %mul3A_136 = arith.muli %scan3A_134, %mul3A_135 : i32
      %add3A_137 = arith.constant 0 : i32
      %add3A_138 = arith.addi %add3A_137, %mul3A_136 : i32
      %mul3A_139 = arith.constant 2 : i32
      %mul3A_140 = arith.muli %mul3A_139, %add3A_138 : i32
      %add3A_141 = arith.constant 1 : i32
      %add3A_142 = arith.addi %mul3A_140, %add3A_141 : i32
      %dma_wait3A_143 = arith.constant 1 : i32
      %dma_wait3A_144 = arith.constant 0 : i32
      %dma_wait3A_145 = arith.constant 0 : i32
      %dma_wait3A_146 = tpu.memref_slice %arg2[%dma_wait3A_143, %add3A, %add3A_142, %dma_wait3A_144, %dma_wait3A_145] : memref<2x32x10x25x120xi32, #tpu.memory_space<hbm>> -> memref<1x1x1x25x120xi32, #tpu.memory_space<hbm>>
      %dma_wait3A_147 = tpu.memref_squeeze %dma_wait3A_146 : memref<1x1x1x25x120xi32, #tpu.memory_space<hbm>> -> memref<25x120xi32, #tpu.memory_space<hbm>>
      %dma_wait3A_148 = arith.constant 0 : i32
      %dma_wait3A_149 = arith.constant 0 : i32
      %dma_wait3A_150 = tpu.memref_slice %arg2[%dma_wait3A_143, %add3A, %add3A_142, %dma_wait3A_148, %dma_wait3A_149] : memref<2x32x10x25x120xi32, #tpu.memory_space<hbm>> -> memref<1x1x1x25x120xi32, #tpu.memory_space<hbm>>
      %dma_wait3A_151 = tpu.memref_squeeze %dma_wait3A_150 : memref<1x1x1x25x120xi32, #tpu.memory_space<hbm>> -> memref<25x120xi32, #tpu.memory_space<hbm>>
      tpu.wait_dma2 semaphore(%arg11 : memref<!tpu.dma_semaphore, #tpu.memory_space<semaphore_mem>>) src(%dma_wait3A_151 : memref<25x120xi32, #tpu.memory_space<hbm>>) dst(%arg7 : memref<25x120xi32, #tpu.memory_space<vmem>>)
      %scan3A_152 = arith.constant 0 : i32
      %scan3A_153 = arith.constant 25 : i32
      %scan3A_154 = arith.addi %scan3A_152, %scan3A_153 : i32
      %scan3A_155 = arith.constant 1 : i32
      scf.for %scan3A_205 = %scan3A_152 to %scan3A_154 step %scan3A_155  : i32 {
        %mul3A_206 = arith.constant 1 : i32
        %mul3A_207 = arith.muli %scan3A_205, %mul3A_206 : i32
        %add3A_208 = arith.constant 0 : i32
        %add3A_209 = arith.addi %add3A_208, %mul3A_207 : i32
        %dma_start3A_210 = arith.constant 0 : i32
        %dma_start3A_211 = tpu.memref_slice %arg7[%add3A_209, %dma_start3A_210] : memref<25x120xi32, #tpu.memory_space<vmem>> -> memref<1x120xi32, #tpu.memory_space<vmem>>
        %dma_start3A_212 = tpu.memref_squeeze %dma_start3A_211 : memref<1x120xi32, #tpu.memory_space<vmem>> -> memref<120xi32, #tpu.memory_space<vmem>>
        %dma_start3A_213 = arith.constant 0 : i32
        %dma_start3A_214 = arith.constant 0 : i32
        %dma_start3A_215 = tpu.memref_slice %arg9[%dma_start3A_213, %dma_start3A_214] : memref<30000x16xf32, #tpu.memory_space<vmem_shared>> -> memref<30000x16xf32, #tpu.memory_space<vmem_shared>>
        tpu.enqueue_indirect_dma source(%arg8 : memref<120x16xf32, #tpu.memory_space<vmem>>) target(%dma_start3A_215 : memref<30000x16xf32, #tpu.memory_space<vmem_shared>>) offsets(%dma_start3A_212 : memref<120xi32, #tpu.memory_space<vmem>>) semaphore(%arg13 : memref<!tpu.dma_semaphore, #tpu.memory_space<semaphore_mem>>) {add = true}
      }
      %scan3A_156 = arith.constant 25 : i32
      %scan3A_157 = arith.constant 0 : i32
      %scan3A_158 = arith.constant 25 : i32
      %scan3A_159 = arith.addi %scan3A_157, %scan3A_158 : i32
      %scan3A_160 = arith.constant 1 : i32
      scf.for %scan3A_205 = %scan3A_157 to %scan3A_159 step %scan3A_160  : i32 {
        %mul3A_206 = arith.constant 1 : i32
        %mul3A_207 = arith.muli %scan3A_205, %mul3A_206 : i32
        %add3A_208 = arith.constant 0 : i32
        %add3A_209 = arith.addi %add3A_208, %mul3A_207 : i32
        %dma_wait3A_210 = arith.constant 0 : i32
        %dma_wait3A_211 = tpu.memref_slice %arg6[%add3A_209, %dma_wait3A_210] : memref<25x120xi32, #tpu.memory_space<vmem>> -> memref<1x120xi32, #tpu.memory_space<vmem>>
        %dma_wait3A_212 = tpu.memref_squeeze %dma_wait3A_211 : memref<1x120xi32, #tpu.memory_space<vmem>> -> memref<120xi32, #tpu.memory_space<vmem>>
        %dma_wait3A_213 = arith.constant 0 : i32
        %dma_wait3A_214 = arith.constant 0 : i32
        %dma_wait3A_215 = tpu.memref_slice %arg9[%dma_wait3A_213, %dma_wait3A_214] : memref<30000x16xf32, #tpu.memory_space<vmem_shared>> -> memref<30000x16xf32, #tpu.memory_space<vmem_shared>>
        tpu.wait_indirect_dma semaphore(%arg12 : memref<!tpu.dma_semaphore, #tpu.memory_space<semaphore_mem>>) src(%arg8 : memref<120x16xf32, #tpu.memory_space<vmem>>) dst(%dma_wait3A_215 : memref<30000x16xf32, #tpu.memory_space<vmem_shared>>)
      }
      %scan3A_161 = arith.constant 25 : i32
      %add3A_162 = arith.constant 1 : i32
      %add3A_163 = arith.addi %add3A_142, %add3A_162 : i32
      %dma_start3A_164 = arith.constant 1 : i32
      %dma_start3A_165 = arith.constant 0 : i32
      %dma_start3A_166 = arith.constant 0 : i32
      %dma_start3A_167 = tpu.memref_slice %arg2[%dma_start3A_164, %add3A, %add3A_163, %dma_start3A_165, %dma_start3A_166] : memref<2x32x10x25x120xi32, #tpu.memory_space<hbm>> -> memref<1x1x1x25x120xi32, #tpu.memory_space<hbm>>
      %dma_start3A_168 = tpu.memref_squeeze %dma_start3A_167 : memref<1x1x1x25x120xi32, #tpu.memory_space<hbm>> -> memref<25x120xi32, #tpu.memory_space<hbm>>
      %dma_start3A_169 = arith.constant 0 : i32
      %dma_start3A_170 = arith.constant 0 : i32
      %dma_start3A_171 = tpu.memref_slice %arg2[%dma_start3A_164, %add3A, %add3A_163, %dma_start3A_169, %dma_start3A_170] : memref<2x32x10x25x120xi32, #tpu.memory_space<hbm>> -> memref<1x1x1x25x120xi32, #tpu.memory_space<hbm>>
      %dma_start3A_172 = tpu.memref_squeeze %dma_start3A_171 : memref<1x1x1x25x120xi32, #tpu.memory_space<hbm>> -> memref<25x120xi32, #tpu.memory_space<hbm>>
      tpu.enqueue_dma source(%dma_start3A_172 : memref<25x120xi32, #tpu.memory_space<hbm>>) target(%arg6 : memref<25x120xi32, #tpu.memory_space<vmem>>) target_semaphore(%arg10 : memref<!tpu.dma_semaphore, #tpu.memory_space<semaphore_mem>>)
      %add3A_173 = arith.constant 1 : i32
      %add3A_174 = arith.addi %add3A_142, %add3A_173 : i32
      %dma_wait3A_175 = arith.constant 1 : i32
      %dma_wait3A_176 = arith.constant 0 : i32
      %dma_wait3A_177 = arith.constant 0 : i32
      %dma_wait3A_178 = tpu.memref_slice %arg2[%dma_wait3A_175, %add3A, %add3A_174, %dma_wait3A_176, %dma_wait3A_177] : memref<2x32x10x25x120xi32, #tpu.memory_space<hbm>> -> memref<1x1x1x25x120xi32, #tpu.memory_space<hbm>>
      %dma_wait3A_179 = tpu.memref_squeeze %dma_wait3A_178 : memref<1x1x1x25x120xi32, #tpu.memory_space<hbm>> -> memref<25x120xi32, #tpu.memory_space<hbm>>
      %dma_wait3A_180 = arith.constant 0 : i32
      %dma_wait3A_181 = arith.constant 0 : i32
      %dma_wait3A_182 = tpu.memref_slice %arg2[%dma_wait3A_175, %add3A, %add3A_174, %dma_wait3A_180, %dma_wait3A_181] : memref<2x32x10x25x120xi32, #tpu.memory_space<hbm>> -> memref<1x1x1x25x120xi32, #tpu.memory_space<hbm>>
      %dma_wait3A_183 = tpu.memref_squeeze %dma_wait3A_182 : memref<1x1x1x25x120xi32, #tpu.memory_space<hbm>> -> memref<25x120xi32, #tpu.memory_space<hbm>>
      tpu.wait_dma2 semaphore(%arg10 : memref<!tpu.dma_semaphore, #tpu.memory_space<semaphore_mem>>) src(%dma_wait3A_183 : memref<25x120xi32, #tpu.memory_space<hbm>>) dst(%arg6 : memref<25x120xi32, #tpu.memory_space<vmem>>)
      %scan3A_184 = arith.constant 0 : i32
      %scan3A_185 = arith.constant 25 : i32
      %scan3A_186 = arith.addi %scan3A_184, %scan3A_185 : i32
      %scan3A_187 = arith.constant 1 : i32
      scf.for %scan3A_205 = %scan3A_184 to %scan3A_186 step %scan3A_187  : i32 {
        %mul3A_206 = arith.constant 1 : i32
        %mul3A_207 = arith.muli %scan3A_205, %mul3A_206 : i32
        %add3A_208 = arith.constant 0 : i32
        %add3A_209 = arith.addi %add3A_208, %mul3A_207 : i32
        %dma_start3A_210 = arith.constant 0 : i32
        %dma_start3A_211 = tpu.memref_slice %arg6[%add3A_209, %dma_start3A_210] : memref<25x120xi32, #tpu.memory_space<vmem>> -> memref<1x120xi32, #tpu.memory_space<vmem>>
        %dma_start3A_212 = tpu.memref_squeeze %dma_start3A_211 : memref<1x120xi32, #tpu.memory_space<vmem>> -> memref<120xi32, #tpu.memory_space<vmem>>
        %dma_start3A_213 = arith.constant 0 : i32
        %dma_start3A_214 = arith.constant 0 : i32
        %dma_start3A_215 = tpu.memref_slice %arg9[%dma_start3A_213, %dma_start3A_214] : memref<30000x16xf32, #tpu.memory_space<vmem_shared>> -> memref<30000x16xf32, #tpu.memory_space<vmem_shared>>
        tpu.enqueue_indirect_dma source(%arg8 : memref<120x16xf32, #tpu.memory_space<vmem>>) target(%dma_start3A_215 : memref<30000x16xf32, #tpu.memory_space<vmem_shared>>) offsets(%dma_start3A_212 : memref<120xi32, #tpu.memory_space<vmem>>) semaphore(%arg12 : memref<!tpu.dma_semaphore, #tpu.memory_space<semaphore_mem>>) {add = true}
      }
      %scan3A_188 = arith.constant 25 : i32
      %scan3A_189 = arith.constant 0 : i32
      %scan3A_190 = arith.constant 25 : i32
      %scan3A_191 = arith.addi %scan3A_189, %scan3A_190 : i32
      %scan3A_192 = arith.constant 1 : i32
      scf.for %scan3A_205 = %scan3A_189 to %scan3A_191 step %scan3A_192  : i32 {
        %mul3A_206 = arith.constant 1 : i32
        %mul3A_207 = arith.muli %scan3A_205, %mul3A_206 : i32
        %add3A_208 = arith.constant 0 : i32
        %add3A_209 = arith.addi %add3A_208, %mul3A_207 : i32
        %dma_wait3A_210 = arith.constant 0 : i32
        %dma_wait3A_211 = tpu.memref_slice %arg7[%add3A_209, %dma_wait3A_210] : memref<25x120xi32, #tpu.memory_space<vmem>> -> memref<1x120xi32, #tpu.memory_space<vmem>>
        %dma_wait3A_212 = tpu.memref_squeeze %dma_wait3A_211 : memref<1x120xi32, #tpu.memory_space<vmem>> -> memref<120xi32, #tpu.memory_space<vmem>>
        %dma_wait3A_213 = arith.constant 0 : i32
        %dma_wait3A_214 = arith.constant 0 : i32
        %dma_wait3A_215 = tpu.memref_slice %arg9[%dma_wait3A_213, %dma_wait3A_214] : memref<30000x16xf32, #tpu.memory_space<vmem_shared>> -> memref<30000x16xf32, #tpu.memory_space<vmem_shared>>
        tpu.wait_indirect_dma semaphore(%arg13 : memref<!tpu.dma_semaphore, #tpu.memory_space<semaphore_mem>>) src(%arg8 : memref<120x16xf32, #tpu.memory_space<vmem>>) dst(%dma_wait3A_215 : memref<30000x16xf32, #tpu.memory_space<vmem_shared>>)
      }
      %scan3A_193 = arith.constant 25 : i32
      %add3A_194 = arith.constant 2 : i32
      %add3A_195 = arith.addi %add3A_142, %add3A_194 : i32
      %dma_start3A_196 = arith.constant 1 : i32
      %dma_start3A_197 = arith.constant 0 : i32
      %dma_start3A_198 = arith.constant 0 : i32
      %dma_start3A_199 = tpu.memref_slice %arg2[%dma_start3A_196, %add3A, %add3A_195, %dma_start3A_197, %dma_start3A_198] : memref<2x32x10x25x120xi32, #tpu.memory_space<hbm>> -> memref<1x1x1x25x120xi32, #tpu.memory_space<hbm>>
      %dma_start3A_200 = tpu.memref_squeeze %dma_start3A_199 : memref<1x1x1x25x120xi32, #tpu.memory_space<hbm>> -> memref<25x120xi32, #tpu.memory_space<hbm>>
      %dma_start3A_201 = arith.constant 0 : i32
      %dma_start3A_202 = arith.constant 0 : i32
      %dma_start3A_203 = tpu.memref_slice %arg2[%dma_start3A_196, %add3A, %add3A_195, %dma_start3A_201, %dma_start3A_202] : memref<2x32x10x25x120xi32, #tpu.memory_space<hbm>> -> memref<1x1x1x25x120xi32, #tpu.memory_space<hbm>>
      %dma_start3A_204 = tpu.memref_squeeze %dma_start3A_203 : memref<1x1x1x25x120xi32, #tpu.memory_space<hbm>> -> memref<25x120xi32, #tpu.memory_space<hbm>>
      tpu.enqueue_dma source(%dma_start3A_204 : memref<25x120xi32, #tpu.memory_space<hbm>>) target(%arg7 : memref<25x120xi32, #tpu.memory_space<vmem>>) target_semaphore(%arg11 : memref<!tpu.dma_semaphore, #tpu.memory_space<semaphore_mem>>)
    }
    %scan3A_106 = arith.constant 4 : i32
    %dma_wait3A_107 = arith.constant 1 : i32
    %dma_wait3A_108 = arith.constant 9 : i32
    %dma_wait3A_109 = arith.constant 0 : i32
    %dma_wait3A_110 = arith.constant 0 : i32
    %dma_wait3A_111 = tpu.memref_slice %arg2[%dma_wait3A_107, %add3A, %dma_wait3A_108, %dma_wait3A_109, %dma_wait3A_110] : memref<2x32x10x25x120xi32, #tpu.memory_space<hbm>> -> memref<1x1x1x25x120xi32, #tpu.memory_space<hbm>>
    %dma_wait3A_112 = tpu.memref_squeeze %dma_wait3A_111 : memref<1x1x1x25x120xi32, #tpu.memory_space<hbm>> -> memref<25x120xi32, #tpu.memory_space<hbm>>
    %dma_wait3A_113 = arith.constant 0 : i32
    %dma_wait3A_114 = arith.constant 0 : i32
    %dma_wait3A_115 = tpu.memref_slice %arg2[%dma_wait3A_107, %add3A, %dma_wait3A_108, %dma_wait3A_113, %dma_wait3A_114] : memref<2x32x10x25x120xi32, #tpu.memory_space<hbm>> -> memref<1x1x1x25x120xi32, #tpu.memory_space<hbm>>
    %dma_wait3A_116 = tpu.memref_squeeze %dma_wait3A_115 : memref<1x1x1x25x120xi32, #tpu.memory_space<hbm>> -> memref<25x120xi32, #tpu.memory_space<hbm>>
    tpu.wait_dma2 semaphore(%arg11 : memref<!tpu.dma_semaphore, #tpu.memory_space<semaphore_mem>>) src(%dma_wait3A_116 : memref<25x120xi32, #tpu.memory_space<hbm>>) dst(%arg7 : memref<25x120xi32, #tpu.memory_space<vmem>>)
    %scan3A_117 = arith.constant 0 : i32
    %scan3A_118 = arith.constant 25 : i32
    %scan3A_119 = arith.addi %scan3A_117, %scan3A_118 : i32
    %scan3A_120 = arith.constant 1 : i32
    scf.for %scan3A_134 = %scan3A_117 to %scan3A_119 step %scan3A_120  : i32 {
      %mul3A_135 = arith.constant 1 : i32
      %mul3A_136 = arith.muli %scan3A_134, %mul3A_135 : i32
      %add3A_137 = arith.constant 0 : i32
      %add3A_138 = arith.addi %add3A_137, %mul3A_136 : i32
      %dma_start3A_139 = arith.constant 0 : i32
      %dma_start3A_140 = tpu.memref_slice %arg7[%add3A_138, %dma_start3A_139] : memref<25x120xi32, #tpu.memory_space<vmem>> -> memref<1x120xi32, #tpu.memory_space<vmem>>
      %dma_start3A_141 = tpu.memref_squeeze %dma_start3A_140 : memref<1x120xi32, #tpu.memory_space<vmem>> -> memref<120xi32, #tpu.memory_space<vmem>>
      %dma_start3A_142 = arith.constant 0 : i32
      %dma_start3A_143 = arith.constant 0 : i32
      %dma_start3A_144 = tpu.memref_slice %arg9[%dma_start3A_142, %dma_start3A_143] : memref<30000x16xf32, #tpu.memory_space<vmem_shared>> -> memref<30000x16xf32, #tpu.memory_space<vmem_shared>>
      tpu.enqueue_indirect_dma source(%arg8 : memref<120x16xf32, #tpu.memory_space<vmem>>) target(%dma_start3A_144 : memref<30000x16xf32, #tpu.memory_space<vmem_shared>>) offsets(%dma_start3A_141 : memref<120xi32, #tpu.memory_space<vmem>>) semaphore(%arg13 : memref<!tpu.dma_semaphore, #tpu.memory_space<semaphore_mem>>) {add = true}
    }
    %scan3A_121 = arith.constant 25 : i32
    %scan3A_122 = arith.constant 0 : i32
    %scan3A_123 = arith.constant 25 : i32
    %scan3A_124 = arith.addi %scan3A_122, %scan3A_123 : i32
    %scan3A_125 = arith.constant 1 : i32
    scf.for %scan3A_134 = %scan3A_122 to %scan3A_124 step %scan3A_125  : i32 {
      %mul3A_135 = arith.constant 1 : i32
      %mul3A_136 = arith.muli %scan3A_134, %mul3A_135 : i32
      %add3A_137 = arith.constant 0 : i32
      %add3A_138 = arith.addi %add3A_137, %mul3A_136 : i32
      %dma_wait3A_139 = arith.constant 0 : i32
      %dma_wait3A_140 = tpu.memref_slice %arg6[%add3A_138, %dma_wait3A_139] : memref<25x120xi32, #tpu.memory_space<vmem>> -> memref<1x120xi32, #tpu.memory_space<vmem>>
      %dma_wait3A_141 = tpu.memref_squeeze %dma_wait3A_140 : memref<1x120xi32, #tpu.memory_space<vmem>> -> memref<120xi32, #tpu.memory_space<vmem>>
      %dma_wait3A_142 = arith.constant 0 : i32
      %dma_wait3A_143 = arith.constant 0 : i32
      %dma_wait3A_144 = tpu.memref_slice %arg9[%dma_wait3A_142, %dma_wait3A_143] : memref<30000x16xf32, #tpu.memory_space<vmem_shared>> -> memref<30000x16xf32, #tpu.memory_space<vmem_shared>>
      tpu.wait_indirect_dma semaphore(%arg12 : memref<!tpu.dma_semaphore, #tpu.memory_space<semaphore_mem>>) src(%arg8 : memref<120x16xf32, #tpu.memory_space<vmem>>) dst(%dma_wait3A_144 : memref<30000x16xf32, #tpu.memory_space<vmem_shared>>)
    }
    %scan3A_126 = arith.constant 25 : i32
    %scan3A_127 = arith.constant 0 : i32
    %scan3A_128 = arith.constant 25 : i32
    %scan3A_129 = arith.addi %scan3A_127, %scan3A_128 : i32
    %scan3A_130 = arith.constant 1 : i32
    scf.for %scan3A_134 = %scan3A_127 to %scan3A_129 step %scan3A_130  : i32 {
      %mul3A_135 = arith.constant 1 : i32
      %mul3A_136 = arith.muli %scan3A_134, %mul3A_135 : i32
      %add3A_137 = arith.constant 0 : i32
      %add3A_138 = arith.addi %add3A_137, %mul3A_136 : i32
      %dma_wait3A_139 = arith.constant 0 : i32
      %dma_wait3A_140 = tpu.memref_slice %arg7[%add3A_138, %dma_wait3A_139] : memref<25x120xi32, #tpu.memory_space<vmem>> -> memref<1x120xi32, #tpu.memory_space<vmem>>
      %dma_wait3A_141 = tpu.memref_squeeze %dma_wait3A_140 : memref<1x120xi32, #tpu.memory_space<vmem>> -> memref<120xi32, #tpu.memory_space<vmem>>
      %dma_wait3A_142 = arith.constant 0 : i32
      %dma_wait3A_143 = arith.constant 0 : i32
      %dma_wait3A_144 = tpu.memref_slice %arg9[%dma_wait3A_142, %dma_wait3A_143] : memref<30000x16xf32, #tpu.memory_space<vmem_shared>> -> memref<30000x16xf32, #tpu.memory_space<vmem_shared>>
      tpu.wait_indirect_dma semaphore(%arg13 : memref<!tpu.dma_semaphore, #tpu.memory_space<semaphore_mem>>) src(%arg8 : memref<120x16xf32, #tpu.memory_space<vmem>>) dst(%dma_wait3A_144 : memref<30000x16xf32, #tpu.memory_space<vmem_shared>>)
    }
    %scan3A_131 = arith.constant 25 : i32
    %barrier3A_132 = arith.constant 0 : index
    tpu.barrier barrier_id(%barrier3A_132)
    %run_scoped3A_133 = arith.constant 1 : i32
    "tpu.region"() ({
      %run_scoped3A_134 = tpu.sem_alloc : memref<!tpu.dma_semaphore, #tpu.memory_space<semaphore_mem>>
      %dma_start3A_135 = arith.constant 0 : i32
      %dma_start3A_136 = arith.constant 0 : i32
      %dma_start3A_137 = tpu.memref_slice %arg5[%arg0, %run_scoped3A_133, %arg1, %dma_start3A_135, %dma_start3A_136] : memref<2x2x16x1875x16xf32, #tpu.memory_space<hbm>> -> memref<1x1x1x1875x16xf32, #tpu.memory_space<hbm>>
      %dma_start3A_138 = tpu.memref_squeeze %dma_start3A_137 : memref<1x1x1x1875x16xf32, #tpu.memory_space<hbm>> -> memref<1875x16xf32, #tpu.memory_space<hbm>>
      %dma_start3A_139 = arith.constant 0 : i32
      %dma_start3A_140 = tpu.memref_slice %arg9[%mul3A_2, %dma_start3A_139] : memref<30000x16xf32, #tpu.memory_space<vmem_shared>> -> memref<1875x16xf32, #tpu.memory_space<vmem_shared>>
      tpu.enqueue_dma source(%dma_start3A_140 : memref<1875x16xf32, #tpu.memory_space<vmem_shared>>) target(%dma_start3A_138 : memref<1875x16xf32, #tpu.memory_space<hbm>>) target_semaphore(%run_scoped3A_134 : memref<!tpu.dma_semaphore, #tpu.memory_space<semaphore_mem>>)
      %dma_wait3A_141 = arith.constant 0 : i32
      %dma_wait3A_142 = arith.constant 0 : i32
      %dma_wait3A_143 = tpu.memref_slice %arg5[%arg0, %run_scoped3A_133, %arg1, %dma_wait3A_141, %dma_wait3A_142] : memref<2x2x16x1875x16xf32, #tpu.memory_space<hbm>> -> memref<1x1x1x1875x16xf32, #tpu.memory_space<hbm>>
      %dma_wait3A_144 = tpu.memref_squeeze %dma_wait3A_143 : memref<1x1x1x1875x16xf32, #tpu.memory_space<hbm>> -> memref<1875x16xf32, #tpu.memory_space<hbm>>
      %dma_wait3A_145 = arith.constant 0 : i32
      %dma_wait3A_146 = tpu.memref_slice %arg9[%mul3A_2, %dma_wait3A_145] : memref<30000x16xf32, #tpu.memory_space<vmem_shared>> -> memref<1875x16xf32, #tpu.memory_space<vmem_shared>>
      tpu.wait_dma2 semaphore(%run_scoped3A_134 : memref<!tpu.dma_semaphore, #tpu.memory_space<semaphore_mem>>) src(%dma_wait3A_146 : memref<1875x16xf32, #tpu.memory_space<vmem_shared>>) dst(%dma_wait3A_144 : memref<1875x16xf32, #tpu.memory_space<hbm>>)
      tpu.yield
    }) : () -> ()
    return
  }
}

#map = affine_map<(d0, d1) -> (0, 0, 0)>
#map1 = affine_map<(d0, d1) -> (0, 0, 0, 0)>
#map2 = affine_map<(d0, d1) -> (0, 0)>
#map3 = affine_map<(d0, d1) -> (0, 0, 0, 0, 0)>
module attributes {stable_mosaic.version = 14 : i64} {
  func.func @k(%arg0: i32, %arg1: i32, %arg2: memref<3x10000x128xf32, #tpu.memory_space<hbm>>, %arg3: memref<3x32x125x80xi32, #tpu.memory_space<hbm>>, %arg4: memref<3x32x125x80xi32, #tpu.memory_space<hbm>>, %arg5: memref<625x128xf32, #tpu.memory_space<hbm>>, %arg6: memref<3x2x16x625x128xf32, #tpu.memory_space<hbm>>, %arg7: memref<125x80xi32, #tpu.memory_space<vmem>>, %arg8: memref<125x80xi32, #tpu.memory_space<vmem>>, %arg9: memref<80x128xf32, #tpu.memory_space<vmem>>, %arg10: memref<80x128xf32, #tpu.memory_space<vmem>>, %arg11: memref<80x128xf32, #tpu.memory_space<vmem>>, %arg12: memref<10000x128xf32, #tpu.memory_space<vmem_shared>>, %arg13: memref<!tpu.dma_semaphore, #tpu.memory_space<semaphore_mem>>, %arg14: memref<!tpu.dma_semaphore, #tpu.memory_space<semaphore_mem>>, %arg15: memref<!tpu.dma_semaphore, #tpu.memory_space<semaphore_mem>>, %arg16: memref<!tpu.dma_semaphore, #tpu.memory_space<semaphore_mem>>, %arg17: memref<!tpu.dma_semaphore, #tpu.memory_space<semaphore_mem>>, %arg18: memref<!tpu.dma_semaphore, #tpu.memory_space<semaphore_mem>>) attributes {dimension_semantics = [#tpu.dimension_semantics<core_parallel>, #tpu.dimension_semantics<subcore_parallel>], iteration_bounds = array<i64: 2, 16>, scalar_prefetch = 0 : i64, scratch_operands = 12 : i64, tpu.core_type = #tpu.core_type<sc_vector_subcore>, window_params = [{transform_indices = #map}, {transform_indices = #map1}, {transform_indices = #map1}, {transform_indices = #map2}, {transform_indices = #map3}]} {
    %mul3A = arith.constant 2 : i32
    %mul3A_0 = arith.muli %arg1, %mul3A : i32
    %add3A = arith.addi %mul3A_0, %arg0 : i32
    %mul3A_1 = arith.constant 625 : i32
    %mul3A_2 = arith.muli %arg1, %mul3A_1 : i32
    "tpu.region"() ({
      %run_scoped3A_601 = tpu.sem_alloc : memref<!tpu.dma_semaphore, #tpu.memory_space<semaphore_mem>>
      %dma_start3A_602 = arith.constant 0 : i32
      %dma_start3A_603 = tpu.memref_slice %arg12[%mul3A_2, %dma_start3A_602] : memref<10000x128xf32, #tpu.memory_space<vmem_shared>> -> memref<625x128xf32, #tpu.memory_space<vmem_shared>>
      tpu.enqueue_dma source(%arg5 : memref<625x128xf32, #tpu.memory_space<hbm>>) target(%dma_start3A_603 : memref<625x128xf32, #tpu.memory_space<vmem_shared>>) target_semaphore(%run_scoped3A_601 : memref<!tpu.dma_semaphore, #tpu.memory_space<semaphore_mem>>)
      %dma_wait3A_604 = arith.constant 0 : i32
      %dma_wait3A_605 = tpu.memref_slice %arg12[%mul3A_2, %dma_wait3A_604] : memref<10000x128xf32, #tpu.memory_space<vmem_shared>> -> memref<625x128xf32, #tpu.memory_space<vmem_shared>>
      tpu.wait_dma2 semaphore(%run_scoped3A_601 : memref<!tpu.dma_semaphore, #tpu.memory_space<semaphore_mem>>) src(%arg5 : memref<625x128xf32, #tpu.memory_space<hbm>>) dst(%dma_wait3A_605 : memref<625x128xf32, #tpu.memory_space<vmem_shared>>)
      tpu.yield
    }) : () -> ()
    %run_scoped3A = arith.constant 0 : i32
    "tpu.region"() ({
      %run_scoped3A_601 = tpu.sem_alloc : memref<!tpu.dma_semaphore, #tpu.memory_space<semaphore_mem>>
      %dma_start3A_602 = arith.constant 0 : i32
      %dma_start3A_603 = arith.constant 0 : i32
      %dma_start3A_604 = tpu.memref_slice %arg3[%run_scoped3A, %add3A, %dma_start3A_602, %dma_start3A_603] : memref<3x32x125x80xi32, #tpu.memory_space<hbm>> -> memref<1x1x125x80xi32, #tpu.memory_space<hbm>>
      %dma_start3A_605 = tpu.memref_squeeze %dma_start3A_604 : memref<1x1x125x80xi32, #tpu.memory_space<hbm>> -> memref<125x80xi32, #tpu.memory_space<hbm>>
      %dma_start3A_606 = arith.constant 0 : i32
      %dma_start3A_607 = arith.constant 0 : i32
      %dma_start3A_608 = tpu.memref_slice %arg3[%run_scoped3A, %add3A, %dma_start3A_606, %dma_start3A_607] : memref<3x32x125x80xi32, #tpu.memory_space<hbm>> -> memref<1x1x125x80xi32, #tpu.memory_space<hbm>>
      %dma_start3A_609 = tpu.memref_squeeze %dma_start3A_608 : memref<1x1x125x80xi32, #tpu.memory_space<hbm>> -> memref<125x80xi32, #tpu.memory_space<hbm>>
      tpu.enqueue_dma source(%dma_start3A_609 : memref<125x80xi32, #tpu.memory_space<hbm>>) target(%arg7 : memref<125x80xi32, #tpu.memory_space<vmem>>) target_semaphore(%run_scoped3A_601 : memref<!tpu.dma_semaphore, #tpu.memory_space<semaphore_mem>>)
      %dma_wait3A_610 = arith.constant 0 : i32
      %dma_wait3A_611 = arith.constant 0 : i32
      %dma_wait3A_612 = tpu.memref_slice %arg3[%run_scoped3A, %add3A, %dma_wait3A_610, %dma_wait3A_611] : memref<3x32x125x80xi32, #tpu.memory_space<hbm>> -> memref<1x1x125x80xi32, #tpu.memory_space<hbm>>
      %dma_wait3A_613 = tpu.memref_squeeze %dma_wait3A_612 : memref<1x1x125x80xi32, #tpu.memory_space<hbm>> -> memref<125x80xi32, #tpu.memory_space<hbm>>
      %dma_wait3A_614 = arith.constant 0 : i32
      %dma_wait3A_615 = arith.constant 0 : i32
      %dma_wait3A_616 = tpu.memref_slice %arg3[%run_scoped3A, %add3A, %dma_wait3A_614, %dma_wait3A_615] : memref<3x32x125x80xi32, #tpu.memory_space<hbm>> -> memref<1x1x125x80xi32, #tpu.memory_space<hbm>>
      %dma_wait3A_617 = tpu.memref_squeeze %dma_wait3A_616 : memref<1x1x125x80xi32, #tpu.memory_space<hbm>> -> memref<125x80xi32, #tpu.memory_space<hbm>>
      tpu.wait_dma2 semaphore(%run_scoped3A_601 : memref<!tpu.dma_semaphore, #tpu.memory_space<semaphore_mem>>) src(%dma_wait3A_617 : memref<125x80xi32, #tpu.memory_space<hbm>>) dst(%arg7 : memref<125x80xi32, #tpu.memory_space<vmem>>)
      tpu.yield
    }) : () -> ()
    %run_scoped3A_3 = arith.constant 0 : i32
    "tpu.region"() ({
      %run_scoped3A_601 = tpu.sem_alloc : memref<!tpu.dma_semaphore, #tpu.memory_space<semaphore_mem>>
      %dma_start3A_602 = arith.constant 0 : i32
      %dma_start3A_603 = arith.constant 0 : i32
      %dma_start3A_604 = tpu.memref_slice %arg4[%run_scoped3A_3, %add3A, %dma_start3A_602, %dma_start3A_603] : memref<3x32x125x80xi32, #tpu.memory_space<hbm>> -> memref<1x1x125x80xi32, #tpu.memory_space<hbm>>
      %dma_start3A_605 = tpu.memref_squeeze %dma_start3A_604 : memref<1x1x125x80xi32, #tpu.memory_space<hbm>> -> memref<125x80xi32, #tpu.memory_space<hbm>>
      %dma_start3A_606 = arith.constant 0 : i32
      %dma_start3A_607 = arith.constant 0 : i32
      %dma_start3A_608 = tpu.memref_slice %arg4[%run_scoped3A_3, %add3A, %dma_start3A_606, %dma_start3A_607] : memref<3x32x125x80xi32, #tpu.memory_space<hbm>> -> memref<1x1x125x80xi32, #tpu.memory_space<hbm>>
      %dma_start3A_609 = tpu.memref_squeeze %dma_start3A_608 : memref<1x1x125x80xi32, #tpu.memory_space<hbm>> -> memref<125x80xi32, #tpu.memory_space<hbm>>
      tpu.enqueue_dma source(%dma_start3A_609 : memref<125x80xi32, #tpu.memory_space<hbm>>) target(%arg8 : memref<125x80xi32, #tpu.memory_space<vmem>>) target_semaphore(%run_scoped3A_601 : memref<!tpu.dma_semaphore, #tpu.memory_space<semaphore_mem>>)
      %dma_wait3A_610 = arith.constant 0 : i32
      %dma_wait3A_611 = arith.constant 0 : i32
      %dma_wait3A_612 = tpu.memref_slice %arg4[%run_scoped3A_3, %add3A, %dma_wait3A_610, %dma_wait3A_611] : memref<3x32x125x80xi32, #tpu.memory_space<hbm>> -> memref<1x1x125x80xi32, #tpu.memory_space<hbm>>
      %dma_wait3A_613 = tpu.memref_squeeze %dma_wait3A_612 : memref<1x1x125x80xi32, #tpu.memory_space<hbm>> -> memref<125x80xi32, #tpu.memory_space<hbm>>
      %dma_wait3A_614 = arith.constant 0 : i32
      %dma_wait3A_615 = arith.constant 0 : i32
      %dma_wait3A_616 = tpu.memref_slice %arg4[%run_scoped3A_3, %add3A, %dma_wait3A_614, %dma_wait3A_615] : memref<3x32x125x80xi32, #tpu.memory_space<hbm>> -> memref<1x1x125x80xi32, #tpu.memory_space<hbm>>
      %dma_wait3A_617 = tpu.memref_squeeze %dma_wait3A_616 : memref<1x1x125x80xi32, #tpu.memory_space<hbm>> -> memref<125x80xi32, #tpu.memory_space<hbm>>
      tpu.wait_dma2 semaphore(%run_scoped3A_601 : memref<!tpu.dma_semaphore, #tpu.memory_space<semaphore_mem>>) src(%dma_wait3A_617 : memref<125x80xi32, #tpu.memory_space<hbm>>) dst(%arg8 : memref<125x80xi32, #tpu.memory_space<vmem>>)
      tpu.yield
    }) : () -> ()
    %barrier3A = arith.constant 0 : index
    tpu.barrier barrier_id(%barrier3A)
    %dma_start3A = arith.constant 0 : i32
    %dma_start3A_4 = arith.constant 0 : i32
    %dma_start3A_5 = arith.constant 0 : i32
    %dma_start3A_6 = tpu.memref_slice %arg7[%dma_start3A_4, %dma_start3A_5] : memref<125x80xi32, #tpu.memory_space<vmem>> -> memref<1x80xi32, #tpu.memory_space<vmem>>
    %dma_start3A_7 = tpu.memref_squeeze %dma_start3A_6 : memref<1x80xi32, #tpu.memory_space<vmem>> -> memref<80xi32, #tpu.memory_space<vmem>>
    %dma_start3A_8 = arith.constant 0 : i32
    %dma_start3A_9 = arith.constant 0 : i32
    %dma_start3A_10 = tpu.memref_slice %arg2[%dma_start3A, %dma_start3A_8, %dma_start3A_9] : memref<3x10000x128xf32, #tpu.memory_space<hbm>> -> memref<1x10000x128xf32, #tpu.memory_space<hbm>>
    %dma_start3A_11 = tpu.memref_squeeze %dma_start3A_10 : memref<1x10000x128xf32, #tpu.memory_space<hbm>> -> memref<10000x128xf32, #tpu.memory_space<hbm>>
    %dma_start3A_12 = arith.constant 0 : i32
    %dma_start3A_13 = arith.constant 0 : i32
    %dma_start3A_14 = tpu.memref_slice %dma_start3A_11[%dma_start3A_12, %dma_start3A_13] : memref<10000x128xf32, #tpu.memory_space<hbm>> -> memref<10000x128xf32, #tpu.memory_space<hbm>>
    tpu.enqueue_indirect_dma source(%dma_start3A_14 : memref<10000x128xf32, #tpu.memory_space<hbm>>) target(%arg9 : memref<80x128xf32, #tpu.memory_space<vmem>>) offsets(%dma_start3A_7 : memref<80xi32, #tpu.memory_space<vmem>>) semaphore(%arg13 : memref<!tpu.dma_semaphore, #tpu.memory_space<semaphore_mem>>)
    %dma_start3A_15 = arith.constant 0 : i32
    %dma_start3A_16 = arith.constant 1 : i32
    %dma_start3A_17 = arith.constant 0 : i32
    %dma_start3A_18 = tpu.memref_slice %arg7[%dma_start3A_16, %dma_start3A_17] : memref<125x80xi32, #tpu.memory_space<vmem>> -> memref<1x80xi32, #tpu.memory_space<vmem>>
    %dma_start3A_19 = tpu.memref_squeeze %dma_start3A_18 : memref<1x80xi32, #tpu.memory_space<vmem>> -> memref<80xi32, #tpu.memory_space<vmem>>
    %dma_start3A_20 = arith.constant 0 : i32
    %dma_start3A_21 = arith.constant 0 : i32
    %dma_start3A_22 = tpu.memref_slice %arg2[%dma_start3A_15, %dma_start3A_20, %dma_start3A_21] : memref<3x10000x128xf32, #tpu.memory_space<hbm>> -> memref<1x10000x128xf32, #tpu.memory_space<hbm>>
    %dma_start3A_23 = tpu.memref_squeeze %dma_start3A_22 : memref<1x10000x128xf32, #tpu.memory_space<hbm>> -> memref<10000x128xf32, #tpu.memory_space<hbm>>
    %dma_start3A_24 = arith.constant 0 : i32
    %dma_start3A_25 = arith.constant 0 : i32
    %dma_start3A_26 = tpu.memref_slice %dma_start3A_23[%dma_start3A_24, %dma_start3A_25] : memref<10000x128xf32, #tpu.memory_space<hbm>> -> memref<10000x128xf32, #tpu.memory_space<hbm>>
    tpu.enqueue_indirect_dma source(%dma_start3A_26 : memref<10000x128xf32, #tpu.memory_space<hbm>>) target(%arg10 : memref<80x128xf32, #tpu.memory_space<vmem>>) offsets(%dma_start3A_19 : memref<80xi32, #tpu.memory_space<vmem>>) semaphore(%arg14 : memref<!tpu.dma_semaphore, #tpu.memory_space<semaphore_mem>>)
    %dma_wait3A = arith.constant 0 : i32
    %dma_wait3A_27 = arith.constant 0 : i32
    %dma_wait3A_28 = arith.constant 0 : i32
    %dma_wait3A_29 = tpu.memref_slice %arg7[%dma_wait3A_27, %dma_wait3A_28] : memref<125x80xi32, #tpu.memory_space<vmem>> -> memref<1x80xi32, #tpu.memory_space<vmem>>
    %dma_wait3A_30 = tpu.memref_squeeze %dma_wait3A_29 : memref<1x80xi32, #tpu.memory_space<vmem>> -> memref<80xi32, #tpu.memory_space<vmem>>
    %dma_wait3A_31 = arith.constant 0 : i32
    %dma_wait3A_32 = arith.constant 0 : i32
    %dma_wait3A_33 = tpu.memref_slice %arg2[%dma_wait3A, %dma_wait3A_31, %dma_wait3A_32] : memref<3x10000x128xf32, #tpu.memory_space<hbm>> -> memref<1x10000x128xf32, #tpu.memory_space<hbm>>
    %dma_wait3A_34 = tpu.memref_squeeze %dma_wait3A_33 : memref<1x10000x128xf32, #tpu.memory_space<hbm>> -> memref<10000x128xf32, #tpu.memory_space<hbm>>
    %dma_wait3A_35 = arith.constant 0 : i32
    %dma_wait3A_36 = arith.constant 0 : i32
    %dma_wait3A_37 = tpu.memref_slice %dma_wait3A_34[%dma_wait3A_35, %dma_wait3A_36] : memref<10000x128xf32, #tpu.memory_space<hbm>> -> memref<10000x128xf32, #tpu.memory_space<hbm>>
    tpu.wait_indirect_dma semaphore(%arg13 : memref<!tpu.dma_semaphore, #tpu.memory_space<semaphore_mem>>) src(%dma_wait3A_37 : memref<10000x128xf32, #tpu.memory_space<hbm>>) dst(%arg9 : memref<80x128xf32, #tpu.memory_space<vmem>>)
    %dma_start3A_38 = arith.constant 0 : i32
    %dma_start3A_39 = arith.constant 0 : i32
    %dma_start3A_40 = tpu.memref_slice %arg8[%dma_start3A_38, %dma_start3A_39] : memref<125x80xi32, #tpu.memory_space<vmem>> -> memref<1x80xi32, #tpu.memory_space<vmem>>
    %dma_start3A_41 = tpu.memref_squeeze %dma_start3A_40 : memref<1x80xi32, #tpu.memory_space<vmem>> -> memref<80xi32, #tpu.memory_space<vmem>>
    %dma_start3A_42 = arith.constant 0 : i32
    %dma_start3A_43 = arith.constant 0 : i32
    %dma_start3A_44 = tpu.memref_slice %arg12[%dma_start3A_42, %dma_start3A_43] : memref<10000x128xf32, #tpu.memory_space<vmem_shared>> -> memref<10000x128xf32, #tpu.memory_space<vmem_shared>>
    tpu.enqueue_indirect_dma source(%arg9 : memref<80x128xf32, #tpu.memory_space<vmem>>) target(%dma_start3A_44 : memref<10000x128xf32, #tpu.memory_space<vmem_shared>>) offsets(%dma_start3A_41 : memref<80xi32, #tpu.memory_space<vmem>>) semaphore(%arg16 : memref<!tpu.dma_semaphore, #tpu.memory_space<semaphore_mem>>) {add = true}
    %dma_start3A_45 = arith.constant 0 : i32
    %dma_start3A_46 = arith.constant 2 : i32
    %dma_start3A_47 = arith.constant 0 : i32
    %dma_start3A_48 = tpu.memref_slice %arg7[%dma_start3A_46, %dma_start3A_47] : memref<125x80xi32, #tpu.memory_space<vmem>> -> memref<1x80xi32, #tpu.memory_space<vmem>>
    %dma_start3A_49 = tpu.memref_squeeze %dma_start3A_48 : memref<1x80xi32, #tpu.memory_space<vmem>> -> memref<80xi32, #tpu.memory_space<vmem>>
    %dma_start3A_50 = arith.constant 0 : i32
    %dma_start3A_51 = arith.constant 0 : i32
    %dma_start3A_52 = tpu.memref_slice %arg2[%dma_start3A_45, %dma_start3A_50, %dma_start3A_51] : memref<3x10000x128xf32, #tpu.memory_space<hbm>> -> memref<1x10000x128xf32, #tpu.memory_space<hbm>>
    %dma_start3A_53 = tpu.memref_squeeze %dma_start3A_52 : memref<1x10000x128xf32, #tpu.memory_space<hbm>> -> memref<10000x128xf32, #tpu.memory_space<hbm>>
    %dma_start3A_54 = arith.constant 0 : i32
    %dma_start3A_55 = arith.constant 0 : i32
    %dma_start3A_56 = tpu.memref_slice %dma_start3A_53[%dma_start3A_54, %dma_start3A_55] : memref<10000x128xf32, #tpu.memory_space<hbm>> -> memref<10000x128xf32, #tpu.memory_space<hbm>>
    tpu.enqueue_indirect_dma source(%dma_start3A_56 : memref<10000x128xf32, #tpu.memory_space<hbm>>) target(%arg11 : memref<80x128xf32, #tpu.memory_space<vmem>>) offsets(%dma_start3A_49 : memref<80xi32, #tpu.memory_space<vmem>>) semaphore(%arg15 : memref<!tpu.dma_semaphore, #tpu.memory_space<semaphore_mem>>)
    %dma_wait3A_57 = arith.constant 0 : i32
    %dma_wait3A_58 = arith.constant 0 : i32
    %dma_wait3A_59 = tpu.memref_slice %arg8[%dma_wait3A_57, %dma_wait3A_58] : memref<125x80xi32, #tpu.memory_space<vmem>> -> memref<1x80xi32, #tpu.memory_space<vmem>>
    %dma_wait3A_60 = tpu.memref_squeeze %dma_wait3A_59 : memref<1x80xi32, #tpu.memory_space<vmem>> -> memref<80xi32, #tpu.memory_space<vmem>>
    %dma_wait3A_61 = arith.constant 0 : i32
    %dma_wait3A_62 = arith.constant 0 : i32
    %dma_wait3A_63 = tpu.memref_slice %arg12[%dma_wait3A_61, %dma_wait3A_62] : memref<10000x128xf32, #tpu.memory_space<vmem_shared>> -> memref<10000x128xf32, #tpu.memory_space<vmem_shared>>
    tpu.wait_indirect_dma semaphore(%arg16 : memref<!tpu.dma_semaphore, #tpu.memory_space<semaphore_mem>>) src(%arg9 : memref<80x128xf32, #tpu.memory_space<vmem>>) dst(%dma_wait3A_63 : memref<10000x128xf32, #tpu.memory_space<vmem_shared>>)
    %dma_wait3A_64 = arith.constant 0 : i32
    %dma_wait3A_65 = arith.constant 1 : i32
    %dma_wait3A_66 = arith.constant 0 : i32
    %dma_wait3A_67 = tpu.memref_slice %arg7[%dma_wait3A_65, %dma_wait3A_66] : memref<125x80xi32, #tpu.memory_space<vmem>> -> memref<1x80xi32, #tpu.memory_space<vmem>>
    %dma_wait3A_68 = tpu.memref_squeeze %dma_wait3A_67 : memref<1x80xi32, #tpu.memory_space<vmem>> -> memref<80xi32, #tpu.memory_space<vmem>>
    %dma_wait3A_69 = arith.constant 0 : i32
    %dma_wait3A_70 = arith.constant 0 : i32
    %dma_wait3A_71 = tpu.memref_slice %arg2[%dma_wait3A_64, %dma_wait3A_69, %dma_wait3A_70] : memref<3x10000x128xf32, #tpu.memory_space<hbm>> -> memref<1x10000x128xf32, #tpu.memory_space<hbm>>
    %dma_wait3A_72 = tpu.memref_squeeze %dma_wait3A_71 : memref<1x10000x128xf32, #tpu.memory_space<hbm>> -> memref<10000x128xf32, #tpu.memory_space<hbm>>
    %dma_wait3A_73 = arith.constant 0 : i32
    %dma_wait3A_74 = arith.constant 0 : i32
    %dma_wait3A_75 = tpu.memref_slice %dma_wait3A_72[%dma_wait3A_73, %dma_wait3A_74] : memref<10000x128xf32, #tpu.memory_space<hbm>> -> memref<10000x128xf32, #tpu.memory_space<hbm>>
    tpu.wait_indirect_dma semaphore(%arg14 : memref<!tpu.dma_semaphore, #tpu.memory_space<semaphore_mem>>) src(%dma_wait3A_75 : memref<10000x128xf32, #tpu.memory_space<hbm>>) dst(%arg10 : memref<80x128xf32, #tpu.memory_space<vmem>>)
    %dma_start3A_76 = arith.constant 1 : i32
    %dma_start3A_77 = arith.constant 0 : i32
    %dma_start3A_78 = tpu.memref_slice %arg8[%dma_start3A_76, %dma_start3A_77] : memref<125x80xi32, #tpu.memory_space<vmem>> -> memref<1x80xi32, #tpu.memory_space<vmem>>
    %dma_start3A_79 = tpu.memref_squeeze %dma_start3A_78 : memref<1x80xi32, #tpu.memory_space<vmem>> -> memref<80xi32, #tpu.memory_space<vmem>>
    %dma_start3A_80 = arith.constant 0 : i32
    %dma_start3A_81 = arith.constant 0 : i32
    %dma_start3A_82 = tpu.memref_slice %arg12[%dma_start3A_80, %dma_start3A_81] : memref<10000x128xf32, #tpu.memory_space<vmem_shared>> -> memref<10000x128xf32, #tpu.memory_space<vmem_shared>>
    tpu.enqueue_indirect_dma source(%arg10 : memref<80x128xf32, #tpu.memory_space<vmem>>) target(%dma_start3A_82 : memref<10000x128xf32, #tpu.memory_space<vmem_shared>>) offsets(%dma_start3A_79 : memref<80xi32, #tpu.memory_space<vmem>>) semaphore(%arg17 : memref<!tpu.dma_semaphore, #tpu.memory_space<semaphore_mem>>) {add = true}
    %dma_start3A_83 = arith.constant 0 : i32
    %dma_start3A_84 = arith.constant 3 : i32
    %dma_start3A_85 = arith.constant 0 : i32
    %dma_start3A_86 = tpu.memref_slice %arg7[%dma_start3A_84, %dma_start3A_85] : memref<125x80xi32, #tpu.memory_space<vmem>> -> memref<1x80xi32, #tpu.memory_space<vmem>>
    %dma_start3A_87 = tpu.memref_squeeze %dma_start3A_86 : memref<1x80xi32, #tpu.memory_space<vmem>> -> memref<80xi32, #tpu.memory_space<vmem>>
    %dma_start3A_88 = arith.constant 0 : i32
    %dma_start3A_89 = arith.constant 0 : i32
    %dma_start3A_90 = tpu.memref_slice %arg2[%dma_start3A_83, %dma_start3A_88, %dma_start3A_89] : memref<3x10000x128xf32, #tpu.memory_space<hbm>> -> memref<1x10000x128xf32, #tpu.memory_space<hbm>>
    %dma_start3A_91 = tpu.memref_squeeze %dma_start3A_90 : memref<1x10000x128xf32, #tpu.memory_space<hbm>> -> memref<10000x128xf32, #tpu.memory_space<hbm>>
    %dma_start3A_92 = arith.constant 0 : i32
    %dma_start3A_93 = arith.constant 0 : i32
    %dma_start3A_94 = tpu.memref_slice %dma_start3A_91[%dma_start3A_92, %dma_start3A_93] : memref<10000x128xf32, #tpu.memory_space<hbm>> -> memref<10000x128xf32, #tpu.memory_space<hbm>>
    tpu.enqueue_indirect_dma source(%dma_start3A_94 : memref<10000x128xf32, #tpu.memory_space<hbm>>) target(%arg9 : memref<80x128xf32, #tpu.memory_space<vmem>>) offsets(%dma_start3A_87 : memref<80xi32, #tpu.memory_space<vmem>>) semaphore(%arg13 : memref<!tpu.dma_semaphore, #tpu.memory_space<semaphore_mem>>)
    %dma_wait3A_95 = arith.constant 1 : i32
    %dma_wait3A_96 = arith.constant 0 : i32
    %dma_wait3A_97 = tpu.memref_slice %arg8[%dma_wait3A_95, %dma_wait3A_96] : memref<125x80xi32, #tpu.memory_space<vmem>> -> memref<1x80xi32, #tpu.memory_space<vmem>>
    %dma_wait3A_98 = tpu.memref_squeeze %dma_wait3A_97 : memref<1x80xi32, #tpu.memory_space<vmem>> -> memref<80xi32, #tpu.memory_space<vmem>>
    %dma_wait3A_99 = arith.constant 0 : i32
    %dma_wait3A_100 = arith.constant 0 : i32
    %dma_wait3A_101 = tpu.memref_slice %arg12[%dma_wait3A_99, %dma_wait3A_100] : memref<10000x128xf32, #tpu.memory_space<vmem_shared>> -> memref<10000x128xf32, #tpu.memory_space<vmem_shared>>
    tpu.wait_indirect_dma semaphore(%arg17 : memref<!tpu.dma_semaphore, #tpu.memory_space<semaphore_mem>>) src(%arg10 : memref<80x128xf32, #tpu.memory_space<vmem>>) dst(%dma_wait3A_101 : memref<10000x128xf32, #tpu.memory_space<vmem_shared>>)
    %dma_wait3A_102 = arith.constant 0 : i32
    %dma_wait3A_103 = arith.constant 2 : i32
    %dma_wait3A_104 = arith.constant 0 : i32
    %dma_wait3A_105 = tpu.memref_slice %arg7[%dma_wait3A_103, %dma_wait3A_104] : memref<125x80xi32, #tpu.memory_space<vmem>> -> memref<1x80xi32, #tpu.memory_space<vmem>>
    %dma_wait3A_106 = tpu.memref_squeeze %dma_wait3A_105 : memref<1x80xi32, #tpu.memory_space<vmem>> -> memref<80xi32, #tpu.memory_space<vmem>>
    %dma_wait3A_107 = arith.constant 0 : i32
    %dma_wait3A_108 = arith.constant 0 : i32
    %dma_wait3A_109 = tpu.memref_slice %arg2[%dma_wait3A_102, %dma_wait3A_107, %dma_wait3A_108] : memref<3x10000x128xf32, #tpu.memory_space<hbm>> -> memref<1x10000x128xf32, #tpu.memory_space<hbm>>
    %dma_wait3A_110 = tpu.memref_squeeze %dma_wait3A_109 : memref<1x10000x128xf32, #tpu.memory_space<hbm>> -> memref<10000x128xf32, #tpu.memory_space<hbm>>
    %dma_wait3A_111 = arith.constant 0 : i32
    %dma_wait3A_112 = arith.constant 0 : i32
    %dma_wait3A_113 = tpu.memref_slice %dma_wait3A_110[%dma_wait3A_111, %dma_wait3A_112] : memref<10000x128xf32, #tpu.memory_space<hbm>> -> memref<10000x128xf32, #tpu.memory_space<hbm>>
    tpu.wait_indirect_dma semaphore(%arg15 : memref<!tpu.dma_semaphore, #tpu.memory_space<semaphore_mem>>) src(%dma_wait3A_113 : memref<10000x128xf32, #tpu.memory_space<hbm>>) dst(%arg11 : memref<80x128xf32, #tpu.memory_space<vmem>>)
    %dma_start3A_114 = arith.constant 2 : i32
    %dma_start3A_115 = arith.constant 0 : i32
    %dma_start3A_116 = tpu.memref_slice %arg8[%dma_start3A_114, %dma_start3A_115] : memref<125x80xi32, #tpu.memory_space<vmem>> -> memref<1x80xi32, #tpu.memory_space<vmem>>
    %dma_start3A_117 = tpu.memref_squeeze %dma_start3A_116 : memref<1x80xi32, #tpu.memory_space<vmem>> -> memref<80xi32, #tpu.memory_space<vmem>>
    %dma_start3A_118 = arith.constant 0 : i32
    %dma_start3A_119 = arith.constant 0 : i32
    %dma_start3A_120 = tpu.memref_slice %arg12[%dma_start3A_118, %dma_start3A_119] : memref<10000x128xf32, #tpu.memory_space<vmem_shared>> -> memref<10000x128xf32, #tpu.memory_space<vmem_shared>>
    tpu.enqueue_indirect_dma source(%arg11 : memref<80x128xf32, #tpu.memory_space<vmem>>) target(%dma_start3A_120 : memref<10000x128xf32, #tpu.memory_space<vmem_shared>>) offsets(%dma_start3A_117 : memref<80xi32, #tpu.memory_space<vmem>>) semaphore(%arg18 : memref<!tpu.dma_semaphore, #tpu.memory_space<semaphore_mem>>) {add = true}
    %dma_start3A_121 = arith.constant 0 : i32
    %dma_start3A_122 = arith.constant 4 : i32
    %dma_start3A_123 = arith.constant 0 : i32
    %dma_start3A_124 = tpu.memref_slice %arg7[%dma_start3A_122, %dma_start3A_123] : memref<125x80xi32, #tpu.memory_space<vmem>> -> memref<1x80xi32, #tpu.memory_space<vmem>>
    %dma_start3A_125 = tpu.memref_squeeze %dma_start3A_124 : memref<1x80xi32, #tpu.memory_space<vmem>> -> memref<80xi32, #tpu.memory_space<vmem>>
    %dma_start3A_126 = arith.constant 0 : i32
    %dma_start3A_127 = arith.constant 0 : i32
    %dma_start3A_128 = tpu.memref_slice %arg2[%dma_start3A_121, %dma_start3A_126, %dma_start3A_127] : memref<3x10000x128xf32, #tpu.memory_space<hbm>> -> memref<1x10000x128xf32, #tpu.memory_space<hbm>>
    %dma_start3A_129 = tpu.memref_squeeze %dma_start3A_128 : memref<1x10000x128xf32, #tpu.memory_space<hbm>> -> memref<10000x128xf32, #tpu.memory_space<hbm>>
    %dma_start3A_130 = arith.constant 0 : i32
    %dma_start3A_131 = arith.constant 0 : i32
    %dma_start3A_132 = tpu.memref_slice %dma_start3A_129[%dma_start3A_130, %dma_start3A_131] : memref<10000x128xf32, #tpu.memory_space<hbm>> -> memref<10000x128xf32, #tpu.memory_space<hbm>>
    tpu.enqueue_indirect_dma source(%dma_start3A_132 : memref<10000x128xf32, #tpu.memory_space<hbm>>) target(%arg10 : memref<80x128xf32, #tpu.memory_space<vmem>>) offsets(%dma_start3A_125 : memref<80xi32, #tpu.memory_space<vmem>>) semaphore(%arg14 : memref<!tpu.dma_semaphore, #tpu.memory_space<semaphore_mem>>)
    %scan3A = arith.constant 0 : i32
    %scan3A_133 = arith.constant 40 : i32
    %scan3A_134 = arith.addi %scan3A, %scan3A_133 : i32
    %scan3A_135 = arith.constant 1 : i32
    scf.for %scan3A_601 = %scan3A to %scan3A_134 step %scan3A_135  : i32 {
      %mul3A_602 = arith.constant 1 : i32
      %mul3A_603 = arith.muli %scan3A_601, %mul3A_602 : i32
      %add3A_604 = arith.constant 1 : i32
      %add3A_605 = arith.addi %add3A_604, %mul3A_603 : i32
      %mul3A_606 = arith.constant 3 : i32
      %mul3A_607 = arith.muli %mul3A_606, %add3A_605 : i32
      %add3A_608 = arith.constant 0 : i32
      %add3A_609 = arith.addi %mul3A_607, %add3A_608 : i32
      %sub3A = arith.constant 1 : i32
      %sub3A_610 = arith.subi %add3A_609, %sub3A : i32
      %dma_wait3A_611 = arith.constant 0 : i32
      %dma_wait3A_612 = tpu.memref_slice %arg8[%sub3A_610, %dma_wait3A_611] : memref<125x80xi32, #tpu.memory_space<vmem>> -> memref<1x80xi32, #tpu.memory_space<vmem>>
      %dma_wait3A_613 = tpu.memref_squeeze %dma_wait3A_612 : memref<1x80xi32, #tpu.memory_space<vmem>> -> memref<80xi32, #tpu.memory_space<vmem>>
      %dma_wait3A_614 = arith.constant 0 : i32
      %dma_wait3A_615 = arith.constant 0 : i32
      %dma_wait3A_616 = tpu.memref_slice %arg12[%dma_wait3A_614, %dma_wait3A_615] : memref<10000x128xf32, #tpu.memory_space<vmem_shared>> -> memref<10000x128xf32, #tpu.memory_space<vmem_shared>>
      tpu.wait_indirect_dma semaphore(%arg18 : memref<!tpu.dma_semaphore, #tpu.memory_space<semaphore_mem>>) src(%arg11 : memref<80x128xf32, #tpu.memory_space<vmem>>) dst(%dma_wait3A_616 : memref<10000x128xf32, #tpu.memory_space<vmem_shared>>)
      %dma_wait3A_617 = arith.constant 0 : i32
      %dma_wait3A_618 = arith.constant 0 : i32
      %dma_wait3A_619 = tpu.memref_slice %arg7[%add3A_609, %dma_wait3A_618] : memref<125x80xi32, #tpu.memory_space<vmem>> -> memref<1x80xi32, #tpu.memory_space<vmem>>
      %dma_wait3A_620 = tpu.memref_squeeze %dma_wait3A_619 : memref<1x80xi32, #tpu.memory_space<vmem>> -> memref<80xi32, #tpu.memory_space<vmem>>
      %dma_wait3A_621 = arith.constant 0 : i32
      %dma_wait3A_622 = arith.constant 0 : i32
      %dma_wait3A_623 = tpu.memref_slice %arg2[%dma_wait3A_617, %dma_wait3A_621, %dma_wait3A_622] : memref<3x10000x128xf32, #tpu.memory_space<hbm>> -> memref<1x10000x128xf32, #tpu.memory_space<hbm>>
      %dma_wait3A_624 = tpu.memref_squeeze %dma_wait3A_623 : memref<1x10000x128xf32, #tpu.memory_space<hbm>> -> memref<10000x128xf32, #tpu.memory_space<hbm>>
      %dma_wait3A_625 = arith.constant 0 : i32
      %dma_wait3A_626 = arith.constant 0 : i32
      %dma_wait3A_627 = tpu.memref_slice %dma_wait3A_624[%dma_wait3A_625, %dma_wait3A_626] : memref<10000x128xf32, #tpu.memory_space<hbm>> -> memref<10000x128xf32, #tpu.memory_space<hbm>>
      tpu.wait_indirect_dma semaphore(%arg13 : memref<!tpu.dma_semaphore, #tpu.memory_space<semaphore_mem>>) src(%dma_wait3A_627 : memref<10000x128xf32, #tpu.memory_space<hbm>>) dst(%arg9 : memref<80x128xf32, #tpu.memory_space<vmem>>)
      %dma_start3A_628 = arith.constant 0 : i32
      %dma_start3A_629 = tpu.memref_slice %arg8[%add3A_609, %dma_start3A_628] : memref<125x80xi32, #tpu.memory_space<vmem>> -> memref<1x80xi32, #tpu.memory_space<vmem>>
      %dma_start3A_630 = tpu.memref_squeeze %dma_start3A_629 : memref<1x80xi32, #tpu.memory_space<vmem>> -> memref<80xi32, #tpu.memory_space<vmem>>
      %dma_start3A_631 = arith.constant 0 : i32
      %dma_start3A_632 = arith.constant 0 : i32
      %dma_start3A_633 = tpu.memref_slice %arg12[%dma_start3A_631, %dma_start3A_632] : memref<10000x128xf32, #tpu.memory_space<vmem_shared>> -> memref<10000x128xf32, #tpu.memory_space<vmem_shared>>
      tpu.enqueue_indirect_dma source(%arg9 : memref<80x128xf32, #tpu.memory_space<vmem>>) target(%dma_start3A_633 : memref<10000x128xf32, #tpu.memory_space<vmem_shared>>) offsets(%dma_start3A_630 : memref<80xi32, #tpu.memory_space<vmem>>) semaphore(%arg16 : memref<!tpu.dma_semaphore, #tpu.memory_space<semaphore_mem>>) {add = true}
      %add3A_634 = arith.constant 2 : i32
      %add3A_635 = arith.addi %add3A_609, %add3A_634 : i32
      %dma_start3A_636 = arith.constant 0 : i32
      %dma_start3A_637 = arith.constant 0 : i32
      %dma_start3A_638 = tpu.memref_slice %arg7[%add3A_635, %dma_start3A_637] : memref<125x80xi32, #tpu.memory_space<vmem>> -> memref<1x80xi32, #tpu.memory_space<vmem>>
      %dma_start3A_639 = tpu.memref_squeeze %dma_start3A_638 : memref<1x80xi32, #tpu.memory_space<vmem>> -> memref<80xi32, #tpu.memory_space<vmem>>
      %dma_start3A_640 = arith.constant 0 : i32
      %dma_start3A_641 = arith.constant 0 : i32
      %dma_start3A_642 = tpu.memref_slice %arg2[%dma_start3A_636, %dma_start3A_640, %dma_start3A_641] : memref<3x10000x128xf32, #tpu.memory_space<hbm>> -> memref<1x10000x128xf32, #tpu.memory_space<hbm>>
      %dma_start3A_643 = tpu.memref_squeeze %dma_start3A_642 : memref<1x10000x128xf32, #tpu.memory_space<hbm>> -> memref<10000x128xf32, #tpu.memory_space<hbm>>
      %dma_start3A_644 = arith.constant 0 : i32
      %dma_start3A_645 = arith.constant 0 : i32
      %dma_start3A_646 = tpu.memref_slice %dma_start3A_643[%dma_start3A_644, %dma_start3A_645] : memref<10000x128xf32, #tpu.memory_space<hbm>> -> memref<10000x128xf32, #tpu.memory_space<hbm>>
      tpu.enqueue_indirect_dma source(%dma_start3A_646 : memref<10000x128xf32, #tpu.memory_space<hbm>>) target(%arg11 : memref<80x128xf32, #tpu.memory_space<vmem>>) offsets(%dma_start3A_639 : memref<80xi32, #tpu.memory_space<vmem>>) semaphore(%arg15 : memref<!tpu.dma_semaphore, #tpu.memory_space<semaphore_mem>>)
      %mul3A_647 = arith.constant 3 : i32
      %mul3A_648 = arith.muli %mul3A_647, %add3A_605 : i32
      %add3A_649 = arith.constant 1 : i32
      %add3A_650 = arith.addi %mul3A_648, %add3A_649 : i32
      %sub3A_651 = arith.constant 1 : i32
      %sub3A_652 = arith.subi %add3A_650, %sub3A_651 : i32
      %dma_wait3A_653 = arith.constant 0 : i32
      %dma_wait3A_654 = tpu.memref_slice %arg8[%sub3A_652, %dma_wait3A_653] : memref<125x80xi32, #tpu.memory_space<vmem>> -> memref<1x80xi32, #tpu.memory_space<vmem>>
      %dma_wait3A_655 = tpu.memref_squeeze %dma_wait3A_654 : memref<1x80xi32, #tpu.memory_space<vmem>> -> memref<80xi32, #tpu.memory_space<vmem>>
      %dma_wait3A_656 = arith.constant 0 : i32
      %dma_wait3A_657 = arith.constant 0 : i32
      %dma_wait3A_658 = tpu.memref_slice %arg12[%dma_wait3A_656, %dma_wait3A_657] : memref<10000x128xf32, #tpu.memory_space<vmem_shared>> -> memref<10000x128xf32, #tpu.memory_space<vmem_shared>>
      tpu.wait_indirect_dma semaphore(%arg16 : memref<!tpu.dma_semaphore, #tpu.memory_space<semaphore_mem>>) src(%arg9 : memref<80x128xf32, #tpu.memory_space<vmem>>) dst(%dma_wait3A_658 : memref<10000x128xf32, #tpu.memory_space<vmem_shared>>)
      %dma_wait3A_659 = arith.constant 0 : i32
      %dma_wait3A_660 = arith.constant 0 : i32
      %dma_wait3A_661 = tpu.memref_slice %arg7[%add3A_650, %dma_wait3A_660] : memref<125x80xi32, #tpu.memory_space<vmem>> -> memref<1x80xi32, #tpu.memory_space<vmem>>
      %dma_wait3A_662 = tpu.memref_squeeze %dma_wait3A_661 : memref<1x80xi32, #tpu.memory_space<vmem>> -> memref<80xi32, #tpu.memory_space<vmem>>
      %dma_wait3A_663 = arith.constant 0 : i32
      %dma_wait3A_664 = arith.constant 0 : i32
      %dma_wait3A_665 = tpu.memref_slice %arg2[%dma_wait3A_659, %dma_wait3A_663, %dma_wait3A_664] : memref<3x10000x128xf32, #tpu.memory_space<hbm>> -> memref<1x10000x128xf32, #tpu.memory_space<hbm>>
      %dma_wait3A_666 = tpu.memref_squeeze %dma_wait3A_665 : memref<1x10000x128xf32, #tpu.memory_space<hbm>> -> memref<10000x128xf32, #tpu.memory_space<hbm>>
      %dma_wait3A_667 = arith.constant 0 : i32
      %dma_wait3A_668 = arith.constant 0 : i32
      %dma_wait3A_669 = tpu.memref_slice %dma_wait3A_666[%dma_wait3A_667, %dma_wait3A_668] : memref<10000x128xf32, #tpu.memory_space<hbm>> -> memref<10000x128xf32, #tpu.memory_space<hbm>>
      tpu.wait_indirect_dma semaphore(%arg14 : memref<!tpu.dma_semaphore, #tpu.memory_space<semaphore_mem>>) src(%dma_wait3A_669 : memref<10000x128xf32, #tpu.memory_space<hbm>>) dst(%arg10 : memref<80x128xf32, #tpu.memory_space<vmem>>)
      %dma_start3A_670 = arith.constant 0 : i32
      %dma_start3A_671 = tpu.memref_slice %arg8[%add3A_650, %dma_start3A_670] : memref<125x80xi32, #tpu.memory_space<vmem>> -> memref<1x80xi32, #tpu.memory_space<vmem>>
      %dma_start3A_672 = tpu.memref_squeeze %dma_start3A_671 : memref<1x80xi32, #tpu.memory_space<vmem>> -> memref<80xi32, #tpu.memory_space<vmem>>
      %dma_start3A_673 = arith.constant 0 : i32
      %dma_start3A_674 = arith.constant 0 : i32
      %dma_start3A_675 = tpu.memref_slice %arg12[%dma_start3A_673, %dma_start3A_674] : memref<10000x128xf32, #tpu.memory_space<vmem_shared>> -> memref<10000x128xf32, #tpu.memory_space<vmem_shared>>
      tpu.enqueue_indirect_dma source(%arg10 : memref<80x128xf32, #tpu.memory_space<vmem>>) target(%dma_start3A_675 : memref<10000x128xf32, #tpu.memory_space<vmem_shared>>) offsets(%dma_start3A_672 : memref<80xi32, #tpu.memory_space<vmem>>) semaphore(%arg17 : memref<!tpu.dma_semaphore, #tpu.memory_space<semaphore_mem>>) {add = true}
      %add3A_676 = arith.constant 2 : i32
      %add3A_677 = arith.addi %add3A_650, %add3A_676 : i32
      %dma_start3A_678 = arith.constant 0 : i32
      %dma_start3A_679 = arith.constant 0 : i32
      %dma_start3A_680 = tpu.memref_slice %arg7[%add3A_677, %dma_start3A_679] : memref<125x80xi32, #tpu.memory_space<vmem>> -> memref<1x80xi32, #tpu.memory_space<vmem>>
      %dma_start3A_681 = tpu.memref_squeeze %dma_start3A_680 : memref<1x80xi32, #tpu.memory_space<vmem>> -> memref<80xi32, #tpu.memory_space<vmem>>
      %dma_start3A_682 = arith.constant 0 : i32
      %dma_start3A_683 = arith.constant 0 : i32
      %dma_start3A_684 = tpu.memref_slice %arg2[%dma_start3A_678, %dma_start3A_682, %dma_start3A_683] : memref<3x10000x128xf32, #tpu.memory_space<hbm>> -> memref<1x10000x128xf32, #tpu.memory_space<hbm>>
      %dma_start3A_685 = tpu.memref_squeeze %dma_start3A_684 : memref<1x10000x128xf32, #tpu.memory_space<hbm>> -> memref<10000x128xf32, #tpu.memory_space<hbm>>
      %dma_start3A_686 = arith.constant 0 : i32
      %dma_start3A_687 = arith.constant 0 : i32
      %dma_start3A_688 = tpu.memref_slice %dma_start3A_685[%dma_start3A_686, %dma_start3A_687] : memref<10000x128xf32, #tpu.memory_space<hbm>> -> memref<10000x128xf32, #tpu.memory_space<hbm>>
      tpu.enqueue_indirect_dma source(%dma_start3A_688 : memref<10000x128xf32, #tpu.memory_space<hbm>>) target(%arg9 : memref<80x128xf32, #tpu.memory_space<vmem>>) offsets(%dma_start3A_681 : memref<80xi32, #tpu.memory_space<vmem>>) semaphore(%arg13 : memref<!tpu.dma_semaphore, #tpu.memory_space<semaphore_mem>>)
      %mul3A_689 = arith.constant 3 : i32
      %mul3A_690 = arith.muli %mul3A_689, %add3A_605 : i32
      %add3A_691 = arith.constant 2 : i32
      %add3A_692 = arith.addi %mul3A_690, %add3A_691 : i32
      %sub3A_693 = arith.constant 1 : i32
      %sub3A_694 = arith.subi %add3A_692, %sub3A_693 : i32
      %dma_wait3A_695 = arith.constant 0 : i32
      %dma_wait3A_696 = tpu.memref_slice %arg8[%sub3A_694, %dma_wait3A_695] : memref<125x80xi32, #tpu.memory_space<vmem>> -> memref<1x80xi32, #tpu.memory_space<vmem>>
      %dma_wait3A_697 = tpu.memref_squeeze %dma_wait3A_696 : memref<1x80xi32, #tpu.memory_space<vmem>> -> memref<80xi32, #tpu.memory_space<vmem>>
      %dma_wait3A_698 = arith.constant 0 : i32
      %dma_wait3A_699 = arith.constant 0 : i32
      %dma_wait3A_700 = tpu.memref_slice %arg12[%dma_wait3A_698, %dma_wait3A_699] : memref<10000x128xf32, #tpu.memory_space<vmem_shared>> -> memref<10000x128xf32, #tpu.memory_space<vmem_shared>>
      tpu.wait_indirect_dma semaphore(%arg17 : memref<!tpu.dma_semaphore, #tpu.memory_space<semaphore_mem>>) src(%arg10 : memref<80x128xf32, #tpu.memory_space<vmem>>) dst(%dma_wait3A_700 : memref<10000x128xf32, #tpu.memory_space<vmem_shared>>)
      %dma_wait3A_701 = arith.constant 0 : i32
      %dma_wait3A_702 = arith.constant 0 : i32
      %dma_wait3A_703 = tpu.memref_slice %arg7[%add3A_692, %dma_wait3A_702] : memref<125x80xi32, #tpu.memory_space<vmem>> -> memref<1x80xi32, #tpu.memory_space<vmem>>
      %dma_wait3A_704 = tpu.memref_squeeze %dma_wait3A_703 : memref<1x80xi32, #tpu.memory_space<vmem>> -> memref<80xi32, #tpu.memory_space<vmem>>
      %dma_wait3A_705 = arith.constant 0 : i32
      %dma_wait3A_706 = arith.constant 0 : i32
      %dma_wait3A_707 = tpu.memref_slice %arg2[%dma_wait3A_701, %dma_wait3A_705, %dma_wait3A_706] : memref<3x10000x128xf32, #tpu.memory_space<hbm>> -> memref<1x10000x128xf32, #tpu.memory_space<hbm>>
      %dma_wait3A_708 = tpu.memref_squeeze %dma_wait3A_707 : memref<1x10000x128xf32, #tpu.memory_space<hbm>> -> memref<10000x128xf32, #tpu.memory_space<hbm>>
      %dma_wait3A_709 = arith.constant 0 : i32
      %dma_wait3A_710 = arith.constant 0 : i32
      %dma_wait3A_711 = tpu.memref_slice %dma_wait3A_708[%dma_wait3A_709, %dma_wait3A_710] : memref<10000x128xf32, #tpu.memory_space<hbm>> -> memref<10000x128xf32, #tpu.memory_space<hbm>>
      tpu.wait_indirect_dma semaphore(%arg15 : memref<!tpu.dma_semaphore, #tpu.memory_space<semaphore_mem>>) src(%dma_wait3A_711 : memref<10000x128xf32, #tpu.memory_space<hbm>>) dst(%arg11 : memref<80x128xf32, #tpu.memory_space<vmem>>)
      %dma_start3A_712 = arith.constant 0 : i32
      %dma_start3A_713 = tpu.memref_slice %arg8[%add3A_692, %dma_start3A_712] : memref<125x80xi32, #tpu.memory_space<vmem>> -> memref<1x80xi32, #tpu.memory_space<vmem>>
      %dma_start3A_714 = tpu.memref_squeeze %dma_start3A_713 : memref<1x80xi32, #tpu.memory_space<vmem>> -> memref<80xi32, #tpu.memory_space<vmem>>
      %dma_start3A_715 = arith.constant 0 : i32
      %dma_start3A_716 = arith.constant 0 : i32
      %dma_start3A_717 = tpu.memref_slice %arg12[%dma_start3A_715, %dma_start3A_716] : memref<10000x128xf32, #tpu.memory_space<vmem_shared>> -> memref<10000x128xf32, #tpu.memory_space<vmem_shared>>
      tpu.enqueue_indirect_dma source(%arg11 : memref<80x128xf32, #tpu.memory_space<vmem>>) target(%dma_start3A_717 : memref<10000x128xf32, #tpu.memory_space<vmem_shared>>) offsets(%dma_start3A_714 : memref<80xi32, #tpu.memory_space<vmem>>) semaphore(%arg18 : memref<!tpu.dma_semaphore, #tpu.memory_space<semaphore_mem>>) {add = true}
      %add3A_718 = arith.constant 2 : i32
      %add3A_719 = arith.addi %add3A_692, %add3A_718 : i32
      %dma_start3A_720 = arith.constant 0 : i32
      %dma_start3A_721 = arith.constant 0 : i32
      %dma_start3A_722 = tpu.memref_slice %arg7[%add3A_719, %dma_start3A_721] : memref<125x80xi32, #tpu.memory_space<vmem>> -> memref<1x80xi32, #tpu.memory_space<vmem>>
      %dma_start3A_723 = tpu.memref_squeeze %dma_start3A_722 : memref<1x80xi32, #tpu.memory_space<vmem>> -> memref<80xi32, #tpu.memory_space<vmem>>
      %dma_start3A_724 = arith.constant 0 : i32
      %dma_start3A_725 = arith.constant 0 : i32
      %dma_start3A_726 = tpu.memref_slice %arg2[%dma_start3A_720, %dma_start3A_724, %dma_start3A_725] : memref<3x10000x128xf32, #tpu.memory_space<hbm>> -> memref<1x10000x128xf32, #tpu.memory_space<hbm>>
      %dma_start3A_727 = tpu.memref_squeeze %dma_start3A_726 : memref<1x10000x128xf32, #tpu.memory_space<hbm>> -> memref<10000x128xf32, #tpu.memory_space<hbm>>
      %dma_start3A_728 = arith.constant 0 : i32
      %dma_start3A_729 = arith.constant 0 : i32
      %dma_start3A_730 = tpu.memref_slice %dma_start3A_727[%dma_start3A_728, %dma_start3A_729] : memref<10000x128xf32, #tpu.memory_space<hbm>> -> memref<10000x128xf32, #tpu.memory_space<hbm>>
      tpu.enqueue_indirect_dma source(%dma_start3A_730 : memref<10000x128xf32, #tpu.memory_space<hbm>>) target(%arg10 : memref<80x128xf32, #tpu.memory_space<vmem>>) offsets(%dma_start3A_723 : memref<80xi32, #tpu.memory_space<vmem>>) semaphore(%arg14 : memref<!tpu.dma_semaphore, #tpu.memory_space<semaphore_mem>>)
    }
    %scan3A_136 = arith.constant 40 : i32
    %dma_wait3A_137 = arith.constant 122 : i32
    %dma_wait3A_138 = arith.constant 0 : i32
    %dma_wait3A_139 = tpu.memref_slice %arg8[%dma_wait3A_137, %dma_wait3A_138] : memref<125x80xi32, #tpu.memory_space<vmem>> -> memref<1x80xi32, #tpu.memory_space<vmem>>
    %dma_wait3A_140 = tpu.memref_squeeze %dma_wait3A_139 : memref<1x80xi32, #tpu.memory_space<vmem>> -> memref<80xi32, #tpu.memory_space<vmem>>
    %dma_wait3A_141 = arith.constant 0 : i32
    %dma_wait3A_142 = arith.constant 0 : i32
    %dma_wait3A_143 = tpu.memref_slice %arg12[%dma_wait3A_141, %dma_wait3A_142] : memref<10000x128xf32, #tpu.memory_space<vmem_shared>> -> memref<10000x128xf32, #tpu.memory_space<vmem_shared>>
    tpu.wait_indirect_dma semaphore(%arg18 : memref<!tpu.dma_semaphore, #tpu.memory_space<semaphore_mem>>) src(%arg11 : memref<80x128xf32, #tpu.memory_space<vmem>>) dst(%dma_wait3A_143 : memref<10000x128xf32, #tpu.memory_space<vmem_shared>>)
    %dma_wait3A_144 = arith.constant 0 : i32
    %dma_wait3A_145 = arith.constant 123 : i32
    %dma_wait3A_146 = arith.constant 0 : i32
    %dma_wait3A_147 = tpu.memref_slice %arg7[%dma_wait3A_145, %dma_wait3A_146] : memref<125x80xi32, #tpu.memory_space<vmem>> -> memref<1x80xi32, #tpu.memory_space<vmem>>
    %dma_wait3A_148 = tpu.memref_squeeze %dma_wait3A_147 : memref<1x80xi32, #tpu.memory_space<vmem>> -> memref<80xi32, #tpu.memory_space<vmem>>
    %dma_wait3A_149 = arith.constant 0 : i32
    %dma_wait3A_150 = arith.constant 0 : i32
    %dma_wait3A_151 = tpu.memref_slice %arg2[%dma_wait3A_144, %dma_wait3A_149, %dma_wait3A_150] : memref<3x10000x128xf32, #tpu.memory_space<hbm>> -> memref<1x10000x128xf32, #tpu.memory_space<hbm>>
    %dma_wait3A_152 = tpu.memref_squeeze %dma_wait3A_151 : memref<1x10000x128xf32, #tpu.memory_space<hbm>> -> memref<10000x128xf32, #tpu.memory_space<hbm>>
    %dma_wait3A_153 = arith.constant 0 : i32
    %dma_wait3A_154 = arith.constant 0 : i32
    %dma_wait3A_155 = tpu.memref_slice %dma_wait3A_152[%dma_wait3A_153, %dma_wait3A_154] : memref<10000x128xf32, #tpu.memory_space<hbm>> -> memref<10000x128xf32, #tpu.memory_space<hbm>>
    tpu.wait_indirect_dma semaphore(%arg13 : memref<!tpu.dma_semaphore, #tpu.memory_space<semaphore_mem>>) src(%dma_wait3A_155 : memref<10000x128xf32, #tpu.memory_space<hbm>>) dst(%arg9 : memref<80x128xf32, #tpu.memory_space<vmem>>)
    %dma_start3A_156 = arith.constant 123 : i32
    %dma_start3A_157 = arith.constant 0 : i32
    %dma_start3A_158 = tpu.memref_slice %arg8[%dma_start3A_156, %dma_start3A_157] : memref<125x80xi32, #tpu.memory_space<vmem>> -> memref<1x80xi32, #tpu.memory_space<vmem>>
    %dma_start3A_159 = tpu.memref_squeeze %dma_start3A_158 : memref<1x80xi32, #tpu.memory_space<vmem>> -> memref<80xi32, #tpu.memory_space<vmem>>
    %dma_start3A_160 = arith.constant 0 : i32
    %dma_start3A_161 = arith.constant 0 : i32
    %dma_start3A_162 = tpu.memref_slice %arg12[%dma_start3A_160, %dma_start3A_161] : memref<10000x128xf32, #tpu.memory_space<vmem_shared>> -> memref<10000x128xf32, #tpu.memory_space<vmem_shared>>
    tpu.enqueue_indirect_dma source(%arg9 : memref<80x128xf32, #tpu.memory_space<vmem>>) target(%dma_start3A_162 : memref<10000x128xf32, #tpu.memory_space<vmem_shared>>) offsets(%dma_start3A_159 : memref<80xi32, #tpu.memory_space<vmem>>) semaphore(%arg16 : memref<!tpu.dma_semaphore, #tpu.memory_space<semaphore_mem>>) {add = true}
    %dma_wait3A_163 = arith.constant 123 : i32
    %dma_wait3A_164 = arith.constant 0 : i32
    %dma_wait3A_165 = tpu.memref_slice %arg8[%dma_wait3A_163, %dma_wait3A_164] : memref<125x80xi32, #tpu.memory_space<vmem>> -> memref<1x80xi32, #tpu.memory_space<vmem>>
    %dma_wait3A_166 = tpu.memref_squeeze %dma_wait3A_165 : memref<1x80xi32, #tpu.memory_space<vmem>> -> memref<80xi32, #tpu.memory_space<vmem>>
    %dma_wait3A_167 = arith.constant 0 : i32
    %dma_wait3A_168 = arith.constant 0 : i32
    %dma_wait3A_169 = tpu.memref_slice %arg12[%dma_wait3A_167, %dma_wait3A_168] : memref<10000x128xf32, #tpu.memory_space<vmem_shared>> -> memref<10000x128xf32, #tpu.memory_space<vmem_shared>>
    tpu.wait_indirect_dma semaphore(%arg16 : memref<!tpu.dma_semaphore, #tpu.memory_space<semaphore_mem>>) src(%arg9 : memref<80x128xf32, #tpu.memory_space<vmem>>) dst(%dma_wait3A_169 : memref<10000x128xf32, #tpu.memory_space<vmem_shared>>)
    %dma_wait3A_170 = arith.constant 0 : i32
    %dma_wait3A_171 = arith.constant 124 : i32
    %dma_wait3A_172 = arith.constant 0 : i32
    %dma_wait3A_173 = tpu.memref_slice %arg7[%dma_wait3A_171, %dma_wait3A_172] : memref<125x80xi32, #tpu.memory_space<vmem>> -> memref<1x80xi32, #tpu.memory_space<vmem>>
    %dma_wait3A_174 = tpu.memref_squeeze %dma_wait3A_173 : memref<1x80xi32, #tpu.memory_space<vmem>> -> memref<80xi32, #tpu.memory_space<vmem>>
    %dma_wait3A_175 = arith.constant 0 : i32
    %dma_wait3A_176 = arith.constant 0 : i32
    %dma_wait3A_177 = tpu.memref_slice %arg2[%dma_wait3A_170, %dma_wait3A_175, %dma_wait3A_176] : memref<3x10000x128xf32, #tpu.memory_space<hbm>> -> memref<1x10000x128xf32, #tpu.memory_space<hbm>>
    %dma_wait3A_178 = tpu.memref_squeeze %dma_wait3A_177 : memref<1x10000x128xf32, #tpu.memory_space<hbm>> -> memref<10000x128xf32, #tpu.memory_space<hbm>>
    %dma_wait3A_179 = arith.constant 0 : i32
    %dma_wait3A_180 = arith.constant 0 : i32
    %dma_wait3A_181 = tpu.memref_slice %dma_wait3A_178[%dma_wait3A_179, %dma_wait3A_180] : memref<10000x128xf32, #tpu.memory_space<hbm>> -> memref<10000x128xf32, #tpu.memory_space<hbm>>
    tpu.wait_indirect_dma semaphore(%arg14 : memref<!tpu.dma_semaphore, #tpu.memory_space<semaphore_mem>>) src(%dma_wait3A_181 : memref<10000x128xf32, #tpu.memory_space<hbm>>) dst(%arg10 : memref<80x128xf32, #tpu.memory_space<vmem>>)
    %dma_start3A_182 = arith.constant 124 : i32
    %dma_start3A_183 = arith.constant 0 : i32
    %dma_start3A_184 = tpu.memref_slice %arg8[%dma_start3A_182, %dma_start3A_183] : memref<125x80xi32, #tpu.memory_space<vmem>> -> memref<1x80xi32, #tpu.memory_space<vmem>>
    %dma_start3A_185 = tpu.memref_squeeze %dma_start3A_184 : memref<1x80xi32, #tpu.memory_space<vmem>> -> memref<80xi32, #tpu.memory_space<vmem>>
    %dma_start3A_186 = arith.constant 0 : i32
    %dma_start3A_187 = arith.constant 0 : i32
    %dma_start3A_188 = tpu.memref_slice %arg12[%dma_start3A_186, %dma_start3A_187] : memref<10000x128xf32, #tpu.memory_space<vmem_shared>> -> memref<10000x128xf32, #tpu.memory_space<vmem_shared>>
    tpu.enqueue_indirect_dma source(%arg10 : memref<80x128xf32, #tpu.memory_space<vmem>>) target(%dma_start3A_188 : memref<10000x128xf32, #tpu.memory_space<vmem_shared>>) offsets(%dma_start3A_185 : memref<80xi32, #tpu.memory_space<vmem>>) semaphore(%arg17 : memref<!tpu.dma_semaphore, #tpu.memory_space<semaphore_mem>>) {add = true}
    %dma_wait3A_189 = arith.constant 124 : i32
    %dma_wait3A_190 = arith.constant 0 : i32
    %dma_wait3A_191 = tpu.memref_slice %arg8[%dma_wait3A_189, %dma_wait3A_190] : memref<125x80xi32, #tpu.memory_space<vmem>> -> memref<1x80xi32, #tpu.memory_space<vmem>>
    %dma_wait3A_192 = tpu.memref_squeeze %dma_wait3A_191 : memref<1x80xi32, #tpu.memory_space<vmem>> -> memref<80xi32, #tpu.memory_space<vmem>>
    %dma_wait3A_193 = arith.constant 0 : i32
    %dma_wait3A_194 = arith.constant 0 : i32
    %dma_wait3A_195 = tpu.memref_slice %arg12[%dma_wait3A_193, %dma_wait3A_194] : memref<10000x128xf32, #tpu.memory_space<vmem_shared>> -> memref<10000x128xf32, #tpu.memory_space<vmem_shared>>
    tpu.wait_indirect_dma semaphore(%arg17 : memref<!tpu.dma_semaphore, #tpu.memory_space<semaphore_mem>>) src(%arg10 : memref<80x128xf32, #tpu.memory_space<vmem>>) dst(%dma_wait3A_195 : memref<10000x128xf32, #tpu.memory_space<vmem_shared>>)
    %barrier3A_196 = arith.constant 0 : index
    tpu.barrier barrier_id(%barrier3A_196)
    %run_scoped3A_197 = arith.constant 0 : i32
    "tpu.region"() ({
      %run_scoped3A_601 = tpu.sem_alloc : memref<!tpu.dma_semaphore, #tpu.memory_space<semaphore_mem>>
      %dma_start3A_602 = arith.constant 0 : i32
      %dma_start3A_603 = arith.constant 0 : i32
      %dma_start3A_604 = tpu.memref_slice %arg6[%run_scoped3A_197, %arg0, %arg1, %dma_start3A_602, %dma_start3A_603] : memref<3x2x16x625x128xf32, #tpu.memory_space<hbm>> -> memref<1x1x1x625x128xf32, #tpu.memory_space<hbm>>
      %dma_start3A_605 = tpu.memref_squeeze %dma_start3A_604 : memref<1x1x1x625x128xf32, #tpu.memory_space<hbm>> -> memref<625x128xf32, #tpu.memory_space<hbm>>
      %dma_start3A_606 = arith.constant 0 : i32
      %dma_start3A_607 = tpu.memref_slice %arg12[%mul3A_2, %dma_start3A_606] : memref<10000x128xf32, #tpu.memory_space<vmem_shared>> -> memref<625x128xf32, #tpu.memory_space<vmem_shared>>
      tpu.enqueue_dma source(%dma_start3A_607 : memref<625x128xf32, #tpu.memory_space<vmem_shared>>) target(%dma_start3A_605 : memref<625x128xf32, #tpu.memory_space<hbm>>) target_semaphore(%run_scoped3A_601 : memref<!tpu.dma_semaphore, #tpu.memory_space<semaphore_mem>>)
      %dma_wait3A_608 = arith.constant 0 : i32
      %dma_wait3A_609 = arith.constant 0 : i32
      %dma_wait3A_610 = tpu.memref_slice %arg6[%run_scoped3A_197, %arg0, %arg1, %dma_wait3A_608, %dma_wait3A_609] : memref<3x2x16x625x128xf32, #tpu.memory_space<hbm>> -> memref<1x1x1x625x128xf32, #tpu.memory_space<hbm>>
      %dma_wait3A_611 = tpu.memref_squeeze %dma_wait3A_610 : memref<1x1x1x625x128xf32, #tpu.memory_space<hbm>> -> memref<625x128xf32, #tpu.memory_space<hbm>>
      %dma_wait3A_612 = arith.constant 0 : i32
      %dma_wait3A_613 = tpu.memref_slice %arg12[%mul3A_2, %dma_wait3A_612] : memref<10000x128xf32, #tpu.memory_space<vmem_shared>> -> memref<625x128xf32, #tpu.memory_space<vmem_shared>>
      tpu.wait_dma2 semaphore(%run_scoped3A_601 : memref<!tpu.dma_semaphore, #tpu.memory_space<semaphore_mem>>) src(%dma_wait3A_613 : memref<625x128xf32, #tpu.memory_space<vmem_shared>>) dst(%dma_wait3A_611 : memref<625x128xf32, #tpu.memory_space<hbm>>)
      tpu.yield
    }) : () -> ()
    %barrier3A_198 = arith.constant 0 : index
    tpu.barrier barrier_id(%barrier3A_198)
    "tpu.region"() ({
      %run_scoped3A_601 = tpu.sem_alloc : memref<!tpu.dma_semaphore, #tpu.memory_space<semaphore_mem>>
      %dma_start3A_602 = arith.constant 0 : i32
      %dma_start3A_603 = tpu.memref_slice %arg12[%mul3A_2, %dma_start3A_602] : memref<10000x128xf32, #tpu.memory_space<vmem_shared>> -> memref<625x128xf32, #tpu.memory_space<vmem_shared>>
      tpu.enqueue_dma source(%arg5 : memref<625x128xf32, #tpu.memory_space<hbm>>) target(%dma_start3A_603 : memref<625x128xf32, #tpu.memory_space<vmem_shared>>) target_semaphore(%run_scoped3A_601 : memref<!tpu.dma_semaphore, #tpu.memory_space<semaphore_mem>>)
      %dma_wait3A_604 = arith.constant 0 : i32
      %dma_wait3A_605 = tpu.memref_slice %arg12[%mul3A_2, %dma_wait3A_604] : memref<10000x128xf32, #tpu.memory_space<vmem_shared>> -> memref<625x128xf32, #tpu.memory_space<vmem_shared>>
      tpu.wait_dma2 semaphore(%run_scoped3A_601 : memref<!tpu.dma_semaphore, #tpu.memory_space<semaphore_mem>>) src(%arg5 : memref<625x128xf32, #tpu.memory_space<hbm>>) dst(%dma_wait3A_605 : memref<625x128xf32, #tpu.memory_space<vmem_shared>>)
      tpu.yield
    }) : () -> ()
    %run_scoped3A_199 = arith.constant 1 : i32
    "tpu.region"() ({
      %run_scoped3A_601 = tpu.sem_alloc : memref<!tpu.dma_semaphore, #tpu.memory_space<semaphore_mem>>
      %dma_start3A_602 = arith.constant 0 : i32
      %dma_start3A_603 = arith.constant 0 : i32
      %dma_start3A_604 = tpu.memref_slice %arg3[%run_scoped3A_199, %add3A, %dma_start3A_602, %dma_start3A_603] : memref<3x32x125x80xi32, #tpu.memory_space<hbm>> -> memref<1x1x125x80xi32, #tpu.memory_space<hbm>>
      %dma_start3A_605 = tpu.memref_squeeze %dma_start3A_604 : memref<1x1x125x80xi32, #tpu.memory_space<hbm>> -> memref<125x80xi32, #tpu.memory_space<hbm>>
      %dma_start3A_606 = arith.constant 0 : i32
      %dma_start3A_607 = arith.constant 0 : i32
      %dma_start3A_608 = tpu.memref_slice %arg3[%run_scoped3A_199, %add3A, %dma_start3A_606, %dma_start3A_607] : memref<3x32x125x80xi32, #tpu.memory_space<hbm>> -> memref<1x1x125x80xi32, #tpu.memory_space<hbm>>
      %dma_start3A_609 = tpu.memref_squeeze %dma_start3A_608 : memref<1x1x125x80xi32, #tpu.memory_space<hbm>> -> memref<125x80xi32, #tpu.memory_space<hbm>>
      tpu.enqueue_dma source(%dma_start3A_609 : memref<125x80xi32, #tpu.memory_space<hbm>>) target(%arg7 : memref<125x80xi32, #tpu.memory_space<vmem>>) target_semaphore(%run_scoped3A_601 : memref<!tpu.dma_semaphore, #tpu.memory_space<semaphore_mem>>)
      %dma_wait3A_610 = arith.constant 0 : i32
      %dma_wait3A_611 = arith.constant 0 : i32
      %dma_wait3A_612 = tpu.memref_slice %arg3[%run_scoped3A_199, %add3A, %dma_wait3A_610, %dma_wait3A_611] : memref<3x32x125x80xi32, #tpu.memory_space<hbm>> -> memref<1x1x125x80xi32, #tpu.memory_space<hbm>>
      %dma_wait3A_613 = tpu.memref_squeeze %dma_wait3A_612 : memref<1x1x125x80xi32, #tpu.memory_space<hbm>> -> memref<125x80xi32, #tpu.memory_space<hbm>>
      %dma_wait3A_614 = arith.constant 0 : i32
      %dma_wait3A_615 = arith.constant 0 : i32
      %dma_wait3A_616 = tpu.memref_slice %arg3[%run_scoped3A_199, %add3A, %dma_wait3A_614, %dma_wait3A_615] : memref<3x32x125x80xi32, #tpu.memory_space<hbm>> -> memref<1x1x125x80xi32, #tpu.memory_space<hbm>>
      %dma_wait3A_617 = tpu.memref_squeeze %dma_wait3A_616 : memref<1x1x125x80xi32, #tpu.memory_space<hbm>> -> memref<125x80xi32, #tpu.memory_space<hbm>>
      tpu.wait_dma2 semaphore(%run_scoped3A_601 : memref<!tpu.dma_semaphore, #tpu.memory_space<semaphore_mem>>) src(%dma_wait3A_617 : memref<125x80xi32, #tpu.memory_space<hbm>>) dst(%arg7 : memref<125x80xi32, #tpu.memory_space<vmem>>)
      tpu.yield
    }) : () -> ()
    %run_scoped3A_200 = arith.constant 1 : i32
    "tpu.region"() ({
      %run_scoped3A_601 = tpu.sem_alloc : memref<!tpu.dma_semaphore, #tpu.memory_space<semaphore_mem>>
      %dma_start3A_602 = arith.constant 0 : i32
      %dma_start3A_603 = arith.constant 0 : i32
      %dma_start3A_604 = tpu.memref_slice %arg4[%run_scoped3A_200, %add3A, %dma_start3A_602, %dma_start3A_603] : memref<3x32x125x80xi32, #tpu.memory_space<hbm>> -> memref<1x1x125x80xi32, #tpu.memory_space<hbm>>
      %dma_start3A_605 = tpu.memref_squeeze %dma_start3A_604 : memref<1x1x125x80xi32, #tpu.memory_space<hbm>> -> memref<125x80xi32, #tpu.memory_space<hbm>>
      %dma_start3A_606 = arith.constant 0 : i32
      %dma_start3A_607 = arith.constant 0 : i32
      %dma_start3A_608 = tpu.memref_slice %arg4[%run_scoped3A_200, %add3A, %dma_start3A_606, %dma_start3A_607] : memref<3x32x125x80xi32, #tpu.memory_space<hbm>> -> memref<1x1x125x80xi32, #tpu.memory_space<hbm>>
      %dma_start3A_609 = tpu.memref_squeeze %dma_start3A_608 : memref<1x1x125x80xi32, #tpu.memory_space<hbm>> -> memref<125x80xi32, #tpu.memory_space<hbm>>
      tpu.enqueue_dma source(%dma_start3A_609 : memref<125x80xi32, #tpu.memory_space<hbm>>) target(%arg8 : memref<125x80xi32, #tpu.memory_space<vmem>>) target_semaphore(%run_scoped3A_601 : memref<!tpu.dma_semaphore, #tpu.memory_space<semaphore_mem>>)
      %dma_wait3A_610 = arith.constant 0 : i32
      %dma_wait3A_611 = arith.constant 0 : i32
      %dma_wait3A_612 = tpu.memref_slice %arg4[%run_scoped3A_200, %add3A, %dma_wait3A_610, %dma_wait3A_611] : memref<3x32x125x80xi32, #tpu.memory_space<hbm>> -> memref<1x1x125x80xi32, #tpu.memory_space<hbm>>
      %dma_wait3A_613 = tpu.memref_squeeze %dma_wait3A_612 : memref<1x1x125x80xi32, #tpu.memory_space<hbm>> -> memref<125x80xi32, #tpu.memory_space<hbm>>
      %dma_wait3A_614 = arith.constant 0 : i32
      %dma_wait3A_615 = arith.constant 0 : i32
      %dma_wait3A_616 = tpu.memref_slice %arg4[%run_scoped3A_200, %add3A, %dma_wait3A_614, %dma_wait3A_615] : memref<3x32x125x80xi32, #tpu.memory_space<hbm>> -> memref<1x1x125x80xi32, #tpu.memory_space<hbm>>
      %dma_wait3A_617 = tpu.memref_squeeze %dma_wait3A_616 : memref<1x1x125x80xi32, #tpu.memory_space<hbm>> -> memref<125x80xi32, #tpu.memory_space<hbm>>
      tpu.wait_dma2 semaphore(%run_scoped3A_601 : memref<!tpu.dma_semaphore, #tpu.memory_space<semaphore_mem>>) src(%dma_wait3A_617 : memref<125x80xi32, #tpu.memory_space<hbm>>) dst(%arg8 : memref<125x80xi32, #tpu.memory_space<vmem>>)
      tpu.yield
    }) : () -> ()
    %barrier3A_201 = arith.constant 0 : index
    tpu.barrier barrier_id(%barrier3A_201)
    %dma_start3A_202 = arith.constant 1 : i32
    %dma_start3A_203 = arith.constant 0 : i32
    %dma_start3A_204 = arith.constant 0 : i32
    %dma_start3A_205 = tpu.memref_slice %arg7[%dma_start3A_203, %dma_start3A_204] : memref<125x80xi32, #tpu.memory_space<vmem>> -> memref<1x80xi32, #tpu.memory_space<vmem>>
    %dma_start3A_206 = tpu.memref_squeeze %dma_start3A_205 : memref<1x80xi32, #tpu.memory_space<vmem>> -> memref<80xi32, #tpu.memory_space<vmem>>
    %dma_start3A_207 = arith.constant 0 : i32
    %dma_start3A_208 = arith.constant 0 : i32
    %dma_start3A_209 = tpu.memref_slice %arg2[%dma_start3A_202, %dma_start3A_207, %dma_start3A_208] : memref<3x10000x128xf32, #tpu.memory_space<hbm>> -> memref<1x10000x128xf32, #tpu.memory_space<hbm>>
    %dma_start3A_210 = tpu.memref_squeeze %dma_start3A_209 : memref<1x10000x128xf32, #tpu.memory_space<hbm>> -> memref<10000x128xf32, #tpu.memory_space<hbm>>
    %dma_start3A_211 = arith.constant 0 : i32
    %dma_start3A_212 = arith.constant 0 : i32
    %dma_start3A_213 = tpu.memref_slice %dma_start3A_210[%dma_start3A_211, %dma_start3A_212] : memref<10000x128xf32, #tpu.memory_space<hbm>> -> memref<10000x128xf32, #tpu.memory_space<hbm>>
    tpu.enqueue_indirect_dma source(%dma_start3A_213 : memref<10000x128xf32, #tpu.memory_space<hbm>>) target(%arg9 : memref<80x128xf32, #tpu.memory_space<vmem>>) offsets(%dma_start3A_206 : memref<80xi32, #tpu.memory_space<vmem>>) semaphore(%arg13 : memref<!tpu.dma_semaphore, #tpu.memory_space<semaphore_mem>>)
    %dma_start3A_214 = arith.constant 1 : i32
    %dma_start3A_215 = arith.constant 1 : i32
    %dma_start3A_216 = arith.constant 0 : i32
    %dma_start3A_217 = tpu.memref_slice %arg7[%dma_start3A_215, %dma_start3A_216] : memref<125x80xi32, #tpu.memory_space<vmem>> -> memref<1x80xi32, #tpu.memory_space<vmem>>
    %dma_start3A_218 = tpu.memref_squeeze %dma_start3A_217 : memref<1x80xi32, #tpu.memory_space<vmem>> -> memref<80xi32, #tpu.memory_space<vmem>>
    %dma_start3A_219 = arith.constant 0 : i32
    %dma_start3A_220 = arith.constant 0 : i32
    %dma_start3A_221 = tpu.memref_slice %arg2[%dma_start3A_214, %dma_start3A_219, %dma_start3A_220] : memref<3x10000x128xf32, #tpu.memory_space<hbm>> -> memref<1x10000x128xf32, #tpu.memory_space<hbm>>
    %dma_start3A_222 = tpu.memref_squeeze %dma_start3A_221 : memref<1x10000x128xf32, #tpu.memory_space<hbm>> -> memref<10000x128xf32, #tpu.memory_space<hbm>>
    %dma_start3A_223 = arith.constant 0 : i32
    %dma_start3A_224 = arith.constant 0 : i32
    %dma_start3A_225 = tpu.memref_slice %dma_start3A_222[%dma_start3A_223, %dma_start3A_224] : memref<10000x128xf32, #tpu.memory_space<hbm>> -> memref<10000x128xf32, #tpu.memory_space<hbm>>
    tpu.enqueue_indirect_dma source(%dma_start3A_225 : memref<10000x128xf32, #tpu.memory_space<hbm>>) target(%arg10 : memref<80x128xf32, #tpu.memory_space<vmem>>) offsets(%dma_start3A_218 : memref<80xi32, #tpu.memory_space<vmem>>) semaphore(%arg14 : memref<!tpu.dma_semaphore, #tpu.memory_space<semaphore_mem>>)
    %dma_wait3A_226 = arith.constant 1 : i32
    %dma_wait3A_227 = arith.constant 0 : i32
    %dma_wait3A_228 = arith.constant 0 : i32
    %dma_wait3A_229 = tpu.memref_slice %arg7[%dma_wait3A_227, %dma_wait3A_228] : memref<125x80xi32, #tpu.memory_space<vmem>> -> memref<1x80xi32, #tpu.memory_space<vmem>>
    %dma_wait3A_230 = tpu.memref_squeeze %dma_wait3A_229 : memref<1x80xi32, #tpu.memory_space<vmem>> -> memref<80xi32, #tpu.memory_space<vmem>>
    %dma_wait3A_231 = arith.constant 0 : i32
    %dma_wait3A_232 = arith.constant 0 : i32
    %dma_wait3A_233 = tpu.memref_slice %arg2[%dma_wait3A_226, %dma_wait3A_231, %dma_wait3A_232] : memref<3x10000x128xf32, #tpu.memory_space<hbm>> -> memref<1x10000x128xf32, #tpu.memory_space<hbm>>
    %dma_wait3A_234 = tpu.memref_squeeze %dma_wait3A_233 : memref<1x10000x128xf32, #tpu.memory_space<hbm>> -> memref<10000x128xf32, #tpu.memory_space<hbm>>
    %dma_wait3A_235 = arith.constant 0 : i32
    %dma_wait3A_236 = arith.constant 0 : i32
    %dma_wait3A_237 = tpu.memref_slice %dma_wait3A_234[%dma_wait3A_235, %dma_wait3A_236] : memref<10000x128xf32, #tpu.memory_space<hbm>> -> memref<10000x128xf32, #tpu.memory_space<hbm>>
    tpu.wait_indirect_dma semaphore(%arg13 : memref<!tpu.dma_semaphore, #tpu.memory_space<semaphore_mem>>) src(%dma_wait3A_237 : memref<10000x128xf32, #tpu.memory_space<hbm>>) dst(%arg9 : memref<80x128xf32, #tpu.memory_space<vmem>>)
    %dma_start3A_238 = arith.constant 0 : i32
    %dma_start3A_239 = arith.constant 0 : i32
    %dma_start3A_240 = tpu.memref_slice %arg8[%dma_start3A_238, %dma_start3A_239] : memref<125x80xi32, #tpu.memory_space<vmem>> -> memref<1x80xi32, #tpu.memory_space<vmem>>
    %dma_start3A_241 = tpu.memref_squeeze %dma_start3A_240 : memref<1x80xi32, #tpu.memory_space<vmem>> -> memref<80xi32, #tpu.memory_space<vmem>>
    %dma_start3A_242 = arith.constant 0 : i32
    %dma_start3A_243 = arith.constant 0 : i32
    %dma_start3A_244 = tpu.memref_slice %arg12[%dma_start3A_242, %dma_start3A_243] : memref<10000x128xf32, #tpu.memory_space<vmem_shared>> -> memref<10000x128xf32, #tpu.memory_space<vmem_shared>>
    tpu.enqueue_indirect_dma source(%arg9 : memref<80x128xf32, #tpu.memory_space<vmem>>) target(%dma_start3A_244 : memref<10000x128xf32, #tpu.memory_space<vmem_shared>>) offsets(%dma_start3A_241 : memref<80xi32, #tpu.memory_space<vmem>>) semaphore(%arg16 : memref<!tpu.dma_semaphore, #tpu.memory_space<semaphore_mem>>) {add = true}
    %dma_start3A_245 = arith.constant 1 : i32
    %dma_start3A_246 = arith.constant 2 : i32
    %dma_start3A_247 = arith.constant 0 : i32
    %dma_start3A_248 = tpu.memref_slice %arg7[%dma_start3A_246, %dma_start3A_247] : memref<125x80xi32, #tpu.memory_space<vmem>> -> memref<1x80xi32, #tpu.memory_space<vmem>>
    %dma_start3A_249 = tpu.memref_squeeze %dma_start3A_248 : memref<1x80xi32, #tpu.memory_space<vmem>> -> memref<80xi32, #tpu.memory_space<vmem>>
    %dma_start3A_250 = arith.constant 0 : i32
    %dma_start3A_251 = arith.constant 0 : i32
    %dma_start3A_252 = tpu.memref_slice %arg2[%dma_start3A_245, %dma_start3A_250, %dma_start3A_251] : memref<3x10000x128xf32, #tpu.memory_space<hbm>> -> memref<1x10000x128xf32, #tpu.memory_space<hbm>>
    %dma_start3A_253 = tpu.memref_squeeze %dma_start3A_252 : memref<1x10000x128xf32, #tpu.memory_space<hbm>> -> memref<10000x128xf32, #tpu.memory_space<hbm>>
    %dma_start3A_254 = arith.constant 0 : i32
    %dma_start3A_255 = arith.constant 0 : i32
    %dma_start3A_256 = tpu.memref_slice %dma_start3A_253[%dma_start3A_254, %dma_start3A_255] : memref<10000x128xf32, #tpu.memory_space<hbm>> -> memref<10000x128xf32, #tpu.memory_space<hbm>>
    tpu.enqueue_indirect_dma source(%dma_start3A_256 : memref<10000x128xf32, #tpu.memory_space<hbm>>) target(%arg11 : memref<80x128xf32, #tpu.memory_space<vmem>>) offsets(%dma_start3A_249 : memref<80xi32, #tpu.memory_space<vmem>>) semaphore(%arg15 : memref<!tpu.dma_semaphore, #tpu.memory_space<semaphore_mem>>)
    %dma_wait3A_257 = arith.constant 0 : i32
    %dma_wait3A_258 = arith.constant 0 : i32
    %dma_wait3A_259 = tpu.memref_slice %arg8[%dma_wait3A_257, %dma_wait3A_258] : memref<125x80xi32, #tpu.memory_space<vmem>> -> memref<1x80xi32, #tpu.memory_space<vmem>>
    %dma_wait3A_260 = tpu.memref_squeeze %dma_wait3A_259 : memref<1x80xi32, #tpu.memory_space<vmem>> -> memref<80xi32, #tpu.memory_space<vmem>>
    %dma_wait3A_261 = arith.constant 0 : i32
    %dma_wait3A_262 = arith.constant 0 : i32
    %dma_wait3A_263 = tpu.memref_slice %arg12[%dma_wait3A_261, %dma_wait3A_262] : memref<10000x128xf32, #tpu.memory_space<vmem_shared>> -> memref<10000x128xf32, #tpu.memory_space<vmem_shared>>
    tpu.wait_indirect_dma semaphore(%arg16 : memref<!tpu.dma_semaphore, #tpu.memory_space<semaphore_mem>>) src(%arg9 : memref<80x128xf32, #tpu.memory_space<vmem>>) dst(%dma_wait3A_263 : memref<10000x128xf32, #tpu.memory_space<vmem_shared>>)
    %dma_wait3A_264 = arith.constant 1 : i32
    %dma_wait3A_265 = arith.constant 1 : i32
    %dma_wait3A_266 = arith.constant 0 : i32
    %dma_wait3A_267 = tpu.memref_slice %arg7[%dma_wait3A_265, %dma_wait3A_266] : memref<125x80xi32, #tpu.memory_space<vmem>> -> memref<1x80xi32, #tpu.memory_space<vmem>>
    %dma_wait3A_268 = tpu.memref_squeeze %dma_wait3A_267 : memref<1x80xi32, #tpu.memory_space<vmem>> -> memref<80xi32, #tpu.memory_space<vmem>>
    %dma_wait3A_269 = arith.constant 0 : i32
    %dma_wait3A_270 = arith.constant 0 : i32
    %dma_wait3A_271 = tpu.memref_slice %arg2[%dma_wait3A_264, %dma_wait3A_269, %dma_wait3A_270] : memref<3x10000x128xf32, #tpu.memory_space<hbm>> -> memref<1x10000x128xf32, #tpu.memory_space<hbm>>
    %dma_wait3A_272 = tpu.memref_squeeze %dma_wait3A_271 : memref<1x10000x128xf32, #tpu.memory_space<hbm>> -> memref<10000x128xf32, #tpu.memory_space<hbm>>
    %dma_wait3A_273 = arith.constant 0 : i32
    %dma_wait3A_274 = arith.constant 0 : i32
    %dma_wait3A_275 = tpu.memref_slice %dma_wait3A_272[%dma_wait3A_273, %dma_wait3A_274] : memref<10000x128xf32, #tpu.memory_space<hbm>> -> memref<10000x128xf32, #tpu.memory_space<hbm>>
    tpu.wait_indirect_dma semaphore(%arg14 : memref<!tpu.dma_semaphore, #tpu.memory_space<semaphore_mem>>) src(%dma_wait3A_275 : memref<10000x128xf32, #tpu.memory_space<hbm>>) dst(%arg10 : memref<80x128xf32, #tpu.memory_space<vmem>>)
    %dma_start3A_276 = arith.constant 1 : i32
    %dma_start3A_277 = arith.constant 0 : i32
    %dma_start3A_278 = tpu.memref_slice %arg8[%dma_start3A_276, %dma_start3A_277] : memref<125x80xi32, #tpu.memory_space<vmem>> -> memref<1x80xi32, #tpu.memory_space<vmem>>
    %dma_start3A_279 = tpu.memref_squeeze %dma_start3A_278 : memref<1x80xi32, #tpu.memory_space<vmem>> -> memref<80xi32, #tpu.memory_space<vmem>>
    %dma_start3A_280 = arith.constant 0 : i32
    %dma_start3A_281 = arith.constant 0 : i32
    %dma_start3A_282 = tpu.memref_slice %arg12[%dma_start3A_280, %dma_start3A_281] : memref<10000x128xf32, #tpu.memory_space<vmem_shared>> -> memref<10000x128xf32, #tpu.memory_space<vmem_shared>>
    tpu.enqueue_indirect_dma source(%arg10 : memref<80x128xf32, #tpu.memory_space<vmem>>) target(%dma_start3A_282 : memref<10000x128xf32, #tpu.memory_space<vmem_shared>>) offsets(%dma_start3A_279 : memref<80xi32, #tpu.memory_space<vmem>>) semaphore(%arg17 : memref<!tpu.dma_semaphore, #tpu.memory_space<semaphore_mem>>) {add = true}
    %dma_start3A_283 = arith.constant 1 : i32
    %dma_start3A_284 = arith.constant 3 : i32
    %dma_start3A_285 = arith.constant 0 : i32
    %dma_start3A_286 = tpu.memref_slice %arg7[%dma_start3A_284, %dma_start3A_285] : memref<125x80xi32, #tpu.memory_space<vmem>> -> memref<1x80xi32, #tpu.memory_space<vmem>>
    %dma_start3A_287 = tpu.memref_squeeze %dma_start3A_286 : memref<1x80xi32, #tpu.memory_space<vmem>> -> memref<80xi32, #tpu.memory_space<vmem>>
    %dma_start3A_288 = arith.constant 0 : i32
    %dma_start3A_289 = arith.constant 0 : i32
    %dma_start3A_290 = tpu.memref_slice %arg2[%dma_start3A_283, %dma_start3A_288, %dma_start3A_289] : memref<3x10000x128xf32, #tpu.memory_space<hbm>> -> memref<1x10000x128xf32, #tpu.memory_space<hbm>>
    %dma_start3A_291 = tpu.memref_squeeze %dma_start3A_290 : memref<1x10000x128xf32, #tpu.memory_space<hbm>> -> memref<10000x128xf32, #tpu.memory_space<hbm>>
    %dma_start3A_292 = arith.constant 0 : i32
    %dma_start3A_293 = arith.constant 0 : i32
    %dma_start3A_294 = tpu.memref_slice %dma_start3A_291[%dma_start3A_292, %dma_start3A_293] : memref<10000x128xf32, #tpu.memory_space<hbm>> -> memref<10000x128xf32, #tpu.memory_space<hbm>>
    tpu.enqueue_indirect_dma source(%dma_start3A_294 : memref<10000x128xf32, #tpu.memory_space<hbm>>) target(%arg9 : memref<80x128xf32, #tpu.memory_space<vmem>>) offsets(%dma_start3A_287 : memref<80xi32, #tpu.memory_space<vmem>>) semaphore(%arg13 : memref<!tpu.dma_semaphore, #tpu.memory_space<semaphore_mem>>)
    %dma_wait3A_295 = arith.constant 1 : i32
    %dma_wait3A_296 = arith.constant 0 : i32
    %dma_wait3A_297 = tpu.memref_slice %arg8[%dma_wait3A_295, %dma_wait3A_296] : memref<125x80xi32, #tpu.memory_space<vmem>> -> memref<1x80xi32, #tpu.memory_space<vmem>>
    %dma_wait3A_298 = tpu.memref_squeeze %dma_wait3A_297 : memref<1x80xi32, #tpu.memory_space<vmem>> -> memref<80xi32, #tpu.memory_space<vmem>>
    %dma_wait3A_299 = arith.constant 0 : i32
    %dma_wait3A_300 = arith.constant 0 : i32
    %dma_wait3A_301 = tpu.memref_slice %arg12[%dma_wait3A_299, %dma_wait3A_300] : memref<10000x128xf32, #tpu.memory_space<vmem_shared>> -> memref<10000x128xf32, #tpu.memory_space<vmem_shared>>
    tpu.wait_indirect_dma semaphore(%arg17 : memref<!tpu.dma_semaphore, #tpu.memory_space<semaphore_mem>>) src(%arg10 : memref<80x128xf32, #tpu.memory_space<vmem>>) dst(%dma_wait3A_301 : memref<10000x128xf32, #tpu.memory_space<vmem_shared>>)
    %dma_wait3A_302 = arith.constant 1 : i32
    %dma_wait3A_303 = arith.constant 2 : i32
    %dma_wait3A_304 = arith.constant 0 : i32
    %dma_wait3A_305 = tpu.memref_slice %arg7[%dma_wait3A_303, %dma_wait3A_304] : memref<125x80xi32, #tpu.memory_space<vmem>> -> memref<1x80xi32, #tpu.memory_space<vmem>>
    %dma_wait3A_306 = tpu.memref_squeeze %dma_wait3A_305 : memref<1x80xi32, #tpu.memory_space<vmem>> -> memref<80xi32, #tpu.memory_space<vmem>>
    %dma_wait3A_307 = arith.constant 0 : i32
    %dma_wait3A_308 = arith.constant 0 : i32
    %dma_wait3A_309 = tpu.memref_slice %arg2[%dma_wait3A_302, %dma_wait3A_307, %dma_wait3A_308] : memref<3x10000x128xf32, #tpu.memory_space<hbm>> -> memref<1x10000x128xf32, #tpu.memory_space<hbm>>
    %dma_wait3A_310 = tpu.memref_squeeze %dma_wait3A_309 : memref<1x10000x128xf32, #tpu.memory_space<hbm>> -> memref<10000x128xf32, #tpu.memory_space<hbm>>
    %dma_wait3A_311 = arith.constant 0 : i32
    %dma_wait3A_312 = arith.constant 0 : i32
    %dma_wait3A_313 = tpu.memref_slice %dma_wait3A_310[%dma_wait3A_311, %dma_wait3A_312] : memref<10000x128xf32, #tpu.memory_space<hbm>> -> memref<10000x128xf32, #tpu.memory_space<hbm>>
    tpu.wait_indirect_dma semaphore(%arg15 : memref<!tpu.dma_semaphore, #tpu.memory_space<semaphore_mem>>) src(%dma_wait3A_313 : memref<10000x128xf32, #tpu.memory_space<hbm>>) dst(%arg11 : memref<80x128xf32, #tpu.memory_space<vmem>>)
    %dma_start3A_314 = arith.constant 2 : i32
    %dma_start3A_315 = arith.constant 0 : i32
    %dma_start3A_316 = tpu.memref_slice %arg8[%dma_start3A_314, %dma_start3A_315] : memref<125x80xi32, #tpu.memory_space<vmem>> -> memref<1x80xi32, #tpu.memory_space<vmem>>
    %dma_start3A_317 = tpu.memref_squeeze %dma_start3A_316 : memref<1x80xi32, #tpu.memory_space<vmem>> -> memref<80xi32, #tpu.memory_space<vmem>>
    %dma_start3A_318 = arith.constant 0 : i32
    %dma_start3A_319 = arith.constant 0 : i32
    %dma_start3A_320 = tpu.memref_slice %arg12[%dma_start3A_318, %dma_start3A_319] : memref<10000x128xf32, #tpu.memory_space<vmem_shared>> -> memref<10000x128xf32, #tpu.memory_space<vmem_shared>>
    tpu.enqueue_indirect_dma source(%arg11 : memref<80x128xf32, #tpu.memory_space<vmem>>) target(%dma_start3A_320 : memref<10000x128xf32, #tpu.memory_space<vmem_shared>>) offsets(%dma_start3A_317 : memref<80xi32, #tpu.memory_space<vmem>>) semaphore(%arg18 : memref<!tpu.dma_semaphore, #tpu.memory_space<semaphore_mem>>) {add = true}
    %dma_start3A_321 = arith.constant 1 : i32
    %dma_start3A_322 = arith.constant 4 : i32
    %dma_start3A_323 = arith.constant 0 : i32
    %dma_start3A_324 = tpu.memref_slice %arg7[%dma_start3A_322, %dma_start3A_323] : memref<125x80xi32, #tpu.memory_space<vmem>> -> memref<1x80xi32, #tpu.memory_space<vmem>>
    %dma_start3A_325 = tpu.memref_squeeze %dma_start3A_324 : memref<1x80xi32, #tpu.memory_space<vmem>> -> memref<80xi32, #tpu.memory_space<vmem>>
    %dma_start3A_326 = arith.constant 0 : i32
    %dma_start3A_327 = arith.constant 0 : i32
    %dma_start3A_328 = tpu.memref_slice %arg2[%dma_start3A_321, %dma_start3A_326, %dma_start3A_327] : memref<3x10000x128xf32, #tpu.memory_space<hbm>> -> memref<1x10000x128xf32, #tpu.memory_space<hbm>>
    %dma_start3A_329 = tpu.memref_squeeze %dma_start3A_328 : memref<1x10000x128xf32, #tpu.memory_space<hbm>> -> memref<10000x128xf32, #tpu.memory_space<hbm>>
    %dma_start3A_330 = arith.constant 0 : i32
    %dma_start3A_331 = arith.constant 0 : i32
    %dma_start3A_332 = tpu.memref_slice %dma_start3A_329[%dma_start3A_330, %dma_start3A_331] : memref<10000x128xf32, #tpu.memory_space<hbm>> -> memref<10000x128xf32, #tpu.memory_space<hbm>>
    tpu.enqueue_indirect_dma source(%dma_start3A_332 : memref<10000x128xf32, #tpu.memory_space<hbm>>) target(%arg10 : memref<80x128xf32, #tpu.memory_space<vmem>>) offsets(%dma_start3A_325 : memref<80xi32, #tpu.memory_space<vmem>>) semaphore(%arg14 : memref<!tpu.dma_semaphore, #tpu.memory_space<semaphore_mem>>)
    %scan3A_333 = arith.constant 0 : i32
    %scan3A_334 = arith.constant 40 : i32
    %scan3A_335 = arith.addi %scan3A_333, %scan3A_334 : i32
    %scan3A_336 = arith.constant 1 : i32
    scf.for %scan3A_601 = %scan3A_333 to %scan3A_335 step %scan3A_336  : i32 {
      %mul3A_602 = arith.constant 1 : i32
      %mul3A_603 = arith.muli %scan3A_601, %mul3A_602 : i32
      %add3A_604 = arith.constant 1 : i32
      %add3A_605 = arith.addi %add3A_604, %mul3A_603 : i32
      %mul3A_606 = arith.constant 3 : i32
      %mul3A_607 = arith.muli %mul3A_606, %add3A_605 : i32
      %add3A_608 = arith.constant 0 : i32
      %add3A_609 = arith.addi %mul3A_607, %add3A_608 : i32
      %sub3A = arith.constant 1 : i32
      %sub3A_610 = arith.subi %add3A_609, %sub3A : i32
      %dma_wait3A_611 = arith.constant 0 : i32
      %dma_wait3A_612 = tpu.memref_slice %arg8[%sub3A_610, %dma_wait3A_611] : memref<125x80xi32, #tpu.memory_space<vmem>> -> memref<1x80xi32, #tpu.memory_space<vmem>>
      %dma_wait3A_613 = tpu.memref_squeeze %dma_wait3A_612 : memref<1x80xi32, #tpu.memory_space<vmem>> -> memref<80xi32, #tpu.memory_space<vmem>>
      %dma_wait3A_614 = arith.constant 0 : i32
      %dma_wait3A_615 = arith.constant 0 : i32
      %dma_wait3A_616 = tpu.memref_slice %arg12[%dma_wait3A_614, %dma_wait3A_615] : memref<10000x128xf32, #tpu.memory_space<vmem_shared>> -> memref<10000x128xf32, #tpu.memory_space<vmem_shared>>
      tpu.wait_indirect_dma semaphore(%arg18 : memref<!tpu.dma_semaphore, #tpu.memory_space<semaphore_mem>>) src(%arg11 : memref<80x128xf32, #tpu.memory_space<vmem>>) dst(%dma_wait3A_616 : memref<10000x128xf32, #tpu.memory_space<vmem_shared>>)
      %dma_wait3A_617 = arith.constant 1 : i32
      %dma_wait3A_618 = arith.constant 0 : i32
      %dma_wait3A_619 = tpu.memref_slice %arg7[%add3A_609, %dma_wait3A_618] : memref<125x80xi32, #tpu.memory_space<vmem>> -> memref<1x80xi32, #tpu.memory_space<vmem>>
      %dma_wait3A_620 = tpu.memref_squeeze %dma_wait3A_619 : memref<1x80xi32, #tpu.memory_space<vmem>> -> memref<80xi32, #tpu.memory_space<vmem>>
      %dma_wait3A_621 = arith.constant 0 : i32
      %dma_wait3A_622 = arith.constant 0 : i32
      %dma_wait3A_623 = tpu.memref_slice %arg2[%dma_wait3A_617, %dma_wait3A_621, %dma_wait3A_622] : memref<3x10000x128xf32, #tpu.memory_space<hbm>> -> memref<1x10000x128xf32, #tpu.memory_space<hbm>>
      %dma_wait3A_624 = tpu.memref_squeeze %dma_wait3A_623 : memref<1x10000x128xf32, #tpu.memory_space<hbm>> -> memref<10000x128xf32, #tpu.memory_space<hbm>>
      %dma_wait3A_625 = arith.constant 0 : i32
      %dma_wait3A_626 = arith.constant 0 : i32
      %dma_wait3A_627 = tpu.memref_slice %dma_wait3A_624[%dma_wait3A_625, %dma_wait3A_626] : memref<10000x128xf32, #tpu.memory_space<hbm>> -> memref<10000x128xf32, #tpu.memory_space<hbm>>
      tpu.wait_indirect_dma semaphore(%arg13 : memref<!tpu.dma_semaphore, #tpu.memory_space<semaphore_mem>>) src(%dma_wait3A_627 : memref<10000x128xf32, #tpu.memory_space<hbm>>) dst(%arg9 : memref<80x128xf32, #tpu.memory_space<vmem>>)
      %dma_start3A_628 = arith.constant 0 : i32
      %dma_start3A_629 = tpu.memref_slice %arg8[%add3A_609, %dma_start3A_628] : memref<125x80xi32, #tpu.memory_space<vmem>> -> memref<1x80xi32, #tpu.memory_space<vmem>>
      %dma_start3A_630 = tpu.memref_squeeze %dma_start3A_629 : memref<1x80xi32, #tpu.memory_space<vmem>> -> memref<80xi32, #tpu.memory_space<vmem>>
      %dma_start3A_631 = arith.constant 0 : i32
      %dma_start3A_632 = arith.constant 0 : i32
      %dma_start3A_633 = tpu.memref_slice %arg12[%dma_start3A_631, %dma_start3A_632] : memref<10000x128xf32, #tpu.memory_space<vmem_shared>> -> memref<10000x128xf32, #tpu.memory_space<vmem_shared>>
      tpu.enqueue_indirect_dma source(%arg9 : memref<80x128xf32, #tpu.memory_space<vmem>>) target(%dma_start3A_633 : memref<10000x128xf32, #tpu.memory_space<vmem_shared>>) offsets(%dma_start3A_630 : memref<80xi32, #tpu.memory_space<vmem>>) semaphore(%arg16 : memref<!tpu.dma_semaphore, #tpu.memory_space<semaphore_mem>>) {add = true}
      %add3A_634 = arith.constant 2 : i32
      %add3A_635 = arith.addi %add3A_609, %add3A_634 : i32
      %dma_start3A_636 = arith.constant 1 : i32
      %dma_start3A_637 = arith.constant 0 : i32
      %dma_start3A_638 = tpu.memref_slice %arg7[%add3A_635, %dma_start3A_637] : memref<125x80xi32, #tpu.memory_space<vmem>> -> memref<1x80xi32, #tpu.memory_space<vmem>>
      %dma_start3A_639 = tpu.memref_squeeze %dma_start3A_638 : memref<1x80xi32, #tpu.memory_space<vmem>> -> memref<80xi32, #tpu.memory_space<vmem>>
      %dma_start3A_640 = arith.constant 0 : i32
      %dma_start3A_641 = arith.constant 0 : i32
      %dma_start3A_642 = tpu.memref_slice %arg2[%dma_start3A_636, %dma_start3A_640, %dma_start3A_641] : memref<3x10000x128xf32, #tpu.memory_space<hbm>> -> memref<1x10000x128xf32, #tpu.memory_space<hbm>>
      %dma_start3A_643 = tpu.memref_squeeze %dma_start3A_642 : memref<1x10000x128xf32, #tpu.memory_space<hbm>> -> memref<10000x128xf32, #tpu.memory_space<hbm>>
      %dma_start3A_644 = arith.constant 0 : i32
      %dma_start3A_645 = arith.constant 0 : i32
      %dma_start3A_646 = tpu.memref_slice %dma_start3A_643[%dma_start3A_644, %dma_start3A_645] : memref<10000x128xf32, #tpu.memory_space<hbm>> -> memref<10000x128xf32, #tpu.memory_space<hbm>>
      tpu.enqueue_indirect_dma source(%dma_start3A_646 : memref<10000x128xf32, #tpu.memory_space<hbm>>) target(%arg11 : memref<80x128xf32, #tpu.memory_space<vmem>>) offsets(%dma_start3A_639 : memref<80xi32, #tpu.memory_space<vmem>>) semaphore(%arg15 : memref<!tpu.dma_semaphore, #tpu.memory_space<semaphore_mem>>)
      %mul3A_647 = arith.constant 3 : i32
      %mul3A_648 = arith.muli %mul3A_647, %add3A_605 : i32
      %add3A_649 = arith.constant 1 : i32
      %add3A_650 = arith.addi %mul3A_648, %add3A_649 : i32
      %sub3A_651 = arith.constant 1 : i32
      %sub3A_652 = arith.subi %add3A_650, %sub3A_651 : i32
      %dma_wait3A_653 = arith.constant 0 : i32
      %dma_wait3A_654 = tpu.memref_slice %arg8[%sub3A_652, %dma_wait3A_653] : memref<125x80xi32, #tpu.memory_space<vmem>> -> memref<1x80xi32, #tpu.memory_space<vmem>>
      %dma_wait3A_655 = tpu.memref_squeeze %dma_wait3A_654 : memref<1x80xi32, #tpu.memory_space<vmem>> -> memref<80xi32, #tpu.memory_space<vmem>>
      %dma_wait3A_656 = arith.constant 0 : i32
      %dma_wait3A_657 = arith.constant 0 : i32
      %dma_wait3A_658 = tpu.memref_slice %arg12[%dma_wait3A_656, %dma_wait3A_657] : memref<10000x128xf32, #tpu.memory_space<vmem_shared>> -> memref<10000x128xf32, #tpu.memory_space<vmem_shared>>
      tpu.wait_indirect_dma semaphore(%arg16 : memref<!tpu.dma_semaphore, #tpu.memory_space<semaphore_mem>>) src(%arg9 : memref<80x128xf32, #tpu.memory_space<vmem>>) dst(%dma_wait3A_658 : memref<10000x128xf32, #tpu.memory_space<vmem_shared>>)
      %dma_wait3A_659 = arith.constant 1 : i32
      %dma_wait3A_660 = arith.constant 0 : i32
      %dma_wait3A_661 = tpu.memref_slice %arg7[%add3A_650, %dma_wait3A_660] : memref<125x80xi32, #tpu.memory_space<vmem>> -> memref<1x80xi32, #tpu.memory_space<vmem>>
      %dma_wait3A_662 = tpu.memref_squeeze %dma_wait3A_661 : memref<1x80xi32, #tpu.memory_space<vmem>> -> memref<80xi32, #tpu.memory_space<vmem>>
      %dma_wait3A_663 = arith.constant 0 : i32
      %dma_wait3A_664 = arith.constant 0 : i32
      %dma_wait3A_665 = tpu.memref_slice %arg2[%dma_wait3A_659, %dma_wait3A_663, %dma_wait3A_664] : memref<3x10000x128xf32, #tpu.memory_space<hbm>> -> memref<1x10000x128xf32, #tpu.memory_space<hbm>>
      %dma_wait3A_666 = tpu.memref_squeeze %dma_wait3A_665 : memref<1x10000x128xf32, #tpu.memory_space<hbm>> -> memref<10000x128xf32, #tpu.memory_space<hbm>>
      %dma_wait3A_667 = arith.constant 0 : i32
      %dma_wait3A_668 = arith.constant 0 : i32
      %dma_wait3A_669 = tpu.memref_slice %dma_wait3A_666[%dma_wait3A_667, %dma_wait3A_668] : memref<10000x128xf32, #tpu.memory_space<hbm>> -> memref<10000x128xf32, #tpu.memory_space<hbm>>
      tpu.wait_indirect_dma semaphore(%arg14 : memref<!tpu.dma_semaphore, #tpu.memory_space<semaphore_mem>>) src(%dma_wait3A_669 : memref<10000x128xf32, #tpu.memory_space<hbm>>) dst(%arg10 : memref<80x128xf32, #tpu.memory_space<vmem>>)
      %dma_start3A_670 = arith.constant 0 : i32
      %dma_start3A_671 = tpu.memref_slice %arg8[%add3A_650, %dma_start3A_670] : memref<125x80xi32, #tpu.memory_space<vmem>> -> memref<1x80xi32, #tpu.memory_space<vmem>>
      %dma_start3A_672 = tpu.memref_squeeze %dma_start3A_671 : memref<1x80xi32, #tpu.memory_space<vmem>> -> memref<80xi32, #tpu.memory_space<vmem>>
      %dma_start3A_673 = arith.constant 0 : i32
      %dma_start3A_674 = arith.constant 0 : i32
      %dma_start3A_675 = tpu.memref_slice %arg12[%dma_start3A_673, %dma_start3A_674] : memref<10000x128xf32, #tpu.memory_space<vmem_shared>> -> memref<10000x128xf32, #tpu.memory_space<vmem_shared>>
      tpu.enqueue_indirect_dma source(%arg10 : memref<80x128xf32, #tpu.memory_space<vmem>>) target(%dma_start3A_675 : memref<10000x128xf32, #tpu.memory_space<vmem_shared>>) offsets(%dma_start3A_672 : memref<80xi32, #tpu.memory_space<vmem>>) semaphore(%arg17 : memref<!tpu.dma_semaphore, #tpu.memory_space<semaphore_mem>>) {add = true}
      %add3A_676 = arith.constant 2 : i32
      %add3A_677 = arith.addi %add3A_650, %add3A_676 : i32
      %dma_start3A_678 = arith.constant 1 : i32
      %dma_start3A_679 = arith.constant 0 : i32
      %dma_start3A_680 = tpu.memref_slice %arg7[%add3A_677, %dma_start3A_679] : memref<125x80xi32, #tpu.memory_space<vmem>> -> memref<1x80xi32, #tpu.memory_space<vmem>>
      %dma_start3A_681 = tpu.memref_squeeze %dma_start3A_680 : memref<1x80xi32, #tpu.memory_space<vmem>> -> memref<80xi32, #tpu.memory_space<vmem>>
      %dma_start3A_682 = arith.constant 0 : i32
      %dma_start3A_683 = arith.constant 0 : i32
      %dma_start3A_684 = tpu.memref_slice %arg2[%dma_start3A_678, %dma_start3A_682, %dma_start3A_683] : memref<3x10000x128xf32, #tpu.memory_space<hbm>> -> memref<1x10000x128xf32, #tpu.memory_space<hbm>>
      %dma_start3A_685 = tpu.memref_squeeze %dma_start3A_684 : memref<1x10000x128xf32, #tpu.memory_space<hbm>> -> memref<10000x128xf32, #tpu.memory_space<hbm>>
      %dma_start3A_686 = arith.constant 0 : i32
      %dma_start3A_687 = arith.constant 0 : i32
      %dma_start3A_688 = tpu.memref_slice %dma_start3A_685[%dma_start3A_686, %dma_start3A_687] : memref<10000x128xf32, #tpu.memory_space<hbm>> -> memref<10000x128xf32, #tpu.memory_space<hbm>>
      tpu.enqueue_indirect_dma source(%dma_start3A_688 : memref<10000x128xf32, #tpu.memory_space<hbm>>) target(%arg9 : memref<80x128xf32, #tpu.memory_space<vmem>>) offsets(%dma_start3A_681 : memref<80xi32, #tpu.memory_space<vmem>>) semaphore(%arg13 : memref<!tpu.dma_semaphore, #tpu.memory_space<semaphore_mem>>)
      %mul3A_689 = arith.constant 3 : i32
      %mul3A_690 = arith.muli %mul3A_689, %add3A_605 : i32
      %add3A_691 = arith.constant 2 : i32
      %add3A_692 = arith.addi %mul3A_690, %add3A_691 : i32
      %sub3A_693 = arith.constant 1 : i32
      %sub3A_694 = arith.subi %add3A_692, %sub3A_693 : i32
      %dma_wait3A_695 = arith.constant 0 : i32
      %dma_wait3A_696 = tpu.memref_slice %arg8[%sub3A_694, %dma_wait3A_695] : memref<125x80xi32, #tpu.memory_space<vmem>> -> memref<1x80xi32, #tpu.memory_space<vmem>>
      %dma_wait3A_697 = tpu.memref_squeeze %dma_wait3A_696 : memref<1x80xi32, #tpu.memory_space<vmem>> -> memref<80xi32, #tpu.memory_space<vmem>>
      %dma_wait3A_698 = arith.constant 0 : i32
      %dma_wait3A_699 = arith.constant 0 : i32
      %dma_wait3A_700 = tpu.memref_slice %arg12[%dma_wait3A_698, %dma_wait3A_699] : memref<10000x128xf32, #tpu.memory_space<vmem_shared>> -> memref<10000x128xf32, #tpu.memory_space<vmem_shared>>
      tpu.wait_indirect_dma semaphore(%arg17 : memref<!tpu.dma_semaphore, #tpu.memory_space<semaphore_mem>>) src(%arg10 : memref<80x128xf32, #tpu.memory_space<vmem>>) dst(%dma_wait3A_700 : memref<10000x128xf32, #tpu.memory_space<vmem_shared>>)
      %dma_wait3A_701 = arith.constant 1 : i32
      %dma_wait3A_702 = arith.constant 0 : i32
      %dma_wait3A_703 = tpu.memref_slice %arg7[%add3A_692, %dma_wait3A_702] : memref<125x80xi32, #tpu.memory_space<vmem>> -> memref<1x80xi32, #tpu.memory_space<vmem>>
      %dma_wait3A_704 = tpu.memref_squeeze %dma_wait3A_703 : memref<1x80xi32, #tpu.memory_space<vmem>> -> memref<80xi32, #tpu.memory_space<vmem>>
      %dma_wait3A_705 = arith.constant 0 : i32
      %dma_wait3A_706 = arith.constant 0 : i32
      %dma_wait3A_707 = tpu.memref_slice %arg2[%dma_wait3A_701, %dma_wait3A_705, %dma_wait3A_706] : memref<3x10000x128xf32, #tpu.memory_space<hbm>> -> memref<1x10000x128xf32, #tpu.memory_space<hbm>>
      %dma_wait3A_708 = tpu.memref_squeeze %dma_wait3A_707 : memref<1x10000x128xf32, #tpu.memory_space<hbm>> -> memref<10000x128xf32, #tpu.memory_space<hbm>>
      %dma_wait3A_709 = arith.constant 0 : i32
      %dma_wait3A_710 = arith.constant 0 : i32
      %dma_wait3A_711 = tpu.memref_slice %dma_wait3A_708[%dma_wait3A_709, %dma_wait3A_710] : memref<10000x128xf32, #tpu.memory_space<hbm>> -> memref<10000x128xf32, #tpu.memory_space<hbm>>
      tpu.wait_indirect_dma semaphore(%arg15 : memref<!tpu.dma_semaphore, #tpu.memory_space<semaphore_mem>>) src(%dma_wait3A_711 : memref<10000x128xf32, #tpu.memory_space<hbm>>) dst(%arg11 : memref<80x128xf32, #tpu.memory_space<vmem>>)
      %dma_start3A_712 = arith.constant 0 : i32
      %dma_start3A_713 = tpu.memref_slice %arg8[%add3A_692, %dma_start3A_712] : memref<125x80xi32, #tpu.memory_space<vmem>> -> memref<1x80xi32, #tpu.memory_space<vmem>>
      %dma_start3A_714 = tpu.memref_squeeze %dma_start3A_713 : memref<1x80xi32, #tpu.memory_space<vmem>> -> memref<80xi32, #tpu.memory_space<vmem>>
      %dma_start3A_715 = arith.constant 0 : i32
      %dma_start3A_716 = arith.constant 0 : i32
      %dma_start3A_717 = tpu.memref_slice %arg12[%dma_start3A_715, %dma_start3A_716] : memref<10000x128xf32, #tpu.memory_space<vmem_shared>> -> memref<10000x128xf32, #tpu.memory_space<vmem_shared>>
      tpu.enqueue_indirect_dma source(%arg11 : memref<80x128xf32, #tpu.memory_space<vmem>>) target(%dma_start3A_717 : memref<10000x128xf32, #tpu.memory_space<vmem_shared>>) offsets(%dma_start3A_714 : memref<80xi32, #tpu.memory_space<vmem>>) semaphore(%arg18 : memref<!tpu.dma_semaphore, #tpu.memory_space<semaphore_mem>>) {add = true}
      %add3A_718 = arith.constant 2 : i32
      %add3A_719 = arith.addi %add3A_692, %add3A_718 : i32
      %dma_start3A_720 = arith.constant 1 : i32
      %dma_start3A_721 = arith.constant 0 : i32
      %dma_start3A_722 = tpu.memref_slice %arg7[%add3A_719, %dma_start3A_721] : memref<125x80xi32, #tpu.memory_space<vmem>> -> memref<1x80xi32, #tpu.memory_space<vmem>>
      %dma_start3A_723 = tpu.memref_squeeze %dma_start3A_722 : memref<1x80xi32, #tpu.memory_space<vmem>> -> memref<80xi32, #tpu.memory_space<vmem>>
      %dma_start3A_724 = arith.constant 0 : i32
      %dma_start3A_725 = arith.constant 0 : i32
      %dma_start3A_726 = tpu.memref_slice %arg2[%dma_start3A_720, %dma_start3A_724, %dma_start3A_725] : memref<3x10000x128xf32, #tpu.memory_space<hbm>> -> memref<1x10000x128xf32, #tpu.memory_space<hbm>>
      %dma_start3A_727 = tpu.memref_squeeze %dma_start3A_726 : memref<1x10000x128xf32, #tpu.memory_space<hbm>> -> memref<10000x128xf32, #tpu.memory_space<hbm>>
      %dma_start3A_728 = arith.constant 0 : i32
      %dma_start3A_729 = arith.constant 0 : i32
      %dma_start3A_730 = tpu.memref_slice %dma_start3A_727[%dma_start3A_728, %dma_start3A_729] : memref<10000x128xf32, #tpu.memory_space<hbm>> -> memref<10000x128xf32, #tpu.memory_space<hbm>>
      tpu.enqueue_indirect_dma source(%dma_start3A_730 : memref<10000x128xf32, #tpu.memory_space<hbm>>) target(%arg10 : memref<80x128xf32, #tpu.memory_space<vmem>>) offsets(%dma_start3A_723 : memref<80xi32, #tpu.memory_space<vmem>>) semaphore(%arg14 : memref<!tpu.dma_semaphore, #tpu.memory_space<semaphore_mem>>)
    }
    %scan3A_337 = arith.constant 40 : i32
    %dma_wait3A_338 = arith.constant 122 : i32
    %dma_wait3A_339 = arith.constant 0 : i32
    %dma_wait3A_340 = tpu.memref_slice %arg8[%dma_wait3A_338, %dma_wait3A_339] : memref<125x80xi32, #tpu.memory_space<vmem>> -> memref<1x80xi32, #tpu.memory_space<vmem>>
    %dma_wait3A_341 = tpu.memref_squeeze %dma_wait3A_340 : memref<1x80xi32, #tpu.memory_space<vmem>> -> memref<80xi32, #tpu.memory_space<vmem>>
    %dma_wait3A_342 = arith.constant 0 : i32
    %dma_wait3A_343 = arith.constant 0 : i32
    %dma_wait3A_344 = tpu.memref_slice %arg12[%dma_wait3A_342, %dma_wait3A_343] : memref<10000x128xf32, #tpu.memory_space<vmem_shared>> -> memref<10000x128xf32, #tpu.memory_space<vmem_shared>>
    tpu.wait_indirect_dma semaphore(%arg18 : memref<!tpu.dma_semaphore, #tpu.memory_space<semaphore_mem>>) src(%arg11 : memref<80x128xf32, #tpu.memory_space<vmem>>) dst(%dma_wait3A_344 : memref<10000x128xf32, #tpu.memory_space<vmem_shared>>)
    %dma_wait3A_345 = arith.constant 1 : i32
    %dma_wait3A_346 = arith.constant 123 : i32
    %dma_wait3A_347 = arith.constant 0 : i32
    %dma_wait3A_348 = tpu.memref_slice %arg7[%dma_wait3A_346, %dma_wait3A_347] : memref<125x80xi32, #tpu.memory_space<vmem>> -> memref<1x80xi32, #tpu.memory_space<vmem>>
    %dma_wait3A_349 = tpu.memref_squeeze %dma_wait3A_348 : memref<1x80xi32, #tpu.memory_space<vmem>> -> memref<80xi32, #tpu.memory_space<vmem>>
    %dma_wait3A_350 = arith.constant 0 : i32
    %dma_wait3A_351 = arith.constant 0 : i32
    %dma_wait3A_352 = tpu.memref_slice %arg2[%dma_wait3A_345, %dma_wait3A_350, %dma_wait3A_351] : memref<3x10000x128xf32, #tpu.memory_space<hbm>> -> memref<1x10000x128xf32, #tpu.memory_space<hbm>>
    %dma_wait3A_353 = tpu.memref_squeeze %dma_wait3A_352 : memref<1x10000x128xf32, #tpu.memory_space<hbm>> -> memref<10000x128xf32, #tpu.memory_space<hbm>>
    %dma_wait3A_354 = arith.constant 0 : i32
    %dma_wait3A_355 = arith.constant 0 : i32
    %dma_wait3A_356 = tpu.memref_slice %dma_wait3A_353[%dma_wait3A_354, %dma_wait3A_355] : memref<10000x128xf32, #tpu.memory_space<hbm>> -> memref<10000x128xf32, #tpu.memory_space<hbm>>
    tpu.wait_indirect_dma semaphore(%arg13 : memref<!tpu.dma_semaphore, #tpu.memory_space<semaphore_mem>>) src(%dma_wait3A_356 : memref<10000x128xf32, #tpu.memory_space<hbm>>) dst(%arg9 : memref<80x128xf32, #tpu.memory_space<vmem>>)
    %dma_start3A_357 = arith.constant 123 : i32
    %dma_start3A_358 = arith.constant 0 : i32
    %dma_start3A_359 = tpu.memref_slice %arg8[%dma_start3A_357, %dma_start3A_358] : memref<125x80xi32, #tpu.memory_space<vmem>> -> memref<1x80xi32, #tpu.memory_space<vmem>>
    %dma_start3A_360 = tpu.memref_squeeze %dma_start3A_359 : memref<1x80xi32, #tpu.memory_space<vmem>> -> memref<80xi32, #tpu.memory_space<vmem>>
    %dma_start3A_361 = arith.constant 0 : i32
    %dma_start3A_362 = arith.constant 0 : i32
    %dma_start3A_363 = tpu.memref_slice %arg12[%dma_start3A_361, %dma_start3A_362] : memref<10000x128xf32, #tpu.memory_space<vmem_shared>> -> memref<10000x128xf32, #tpu.memory_space<vmem_shared>>
    tpu.enqueue_indirect_dma source(%arg9 : memref<80x128xf32, #tpu.memory_space<vmem>>) target(%dma_start3A_363 : memref<10000x128xf32, #tpu.memory_space<vmem_shared>>) offsets(%dma_start3A_360 : memref<80xi32, #tpu.memory_space<vmem>>) semaphore(%arg16 : memref<!tpu.dma_semaphore, #tpu.memory_space<semaphore_mem>>) {add = true}
    %dma_wait3A_364 = arith.constant 123 : i32
    %dma_wait3A_365 = arith.constant 0 : i32
    %dma_wait3A_366 = tpu.memref_slice %arg8[%dma_wait3A_364, %dma_wait3A_365] : memref<125x80xi32, #tpu.memory_space<vmem>> -> memref<1x80xi32, #tpu.memory_space<vmem>>
    %dma_wait3A_367 = tpu.memref_squeeze %dma_wait3A_366 : memref<1x80xi32, #tpu.memory_space<vmem>> -> memref<80xi32, #tpu.memory_space<vmem>>
    %dma_wait3A_368 = arith.constant 0 : i32
    %dma_wait3A_369 = arith.constant 0 : i32
    %dma_wait3A_370 = tpu.memref_slice %arg12[%dma_wait3A_368, %dma_wait3A_369] : memref<10000x128xf32, #tpu.memory_space<vmem_shared>> -> memref<10000x128xf32, #tpu.memory_space<vmem_shared>>
    tpu.wait_indirect_dma semaphore(%arg16 : memref<!tpu.dma_semaphore, #tpu.memory_space<semaphore_mem>>) src(%arg9 : memref<80x128xf32, #tpu.memory_space<vmem>>) dst(%dma_wait3A_370 : memref<10000x128xf32, #tpu.memory_space<vmem_shared>>)
    %dma_wait3A_371 = arith.constant 1 : i32
    %dma_wait3A_372 = arith.constant 124 : i32
    %dma_wait3A_373 = arith.constant 0 : i32
    %dma_wait3A_374 = tpu.memref_slice %arg7[%dma_wait3A_372, %dma_wait3A_373] : memref<125x80xi32, #tpu.memory_space<vmem>> -> memref<1x80xi32, #tpu.memory_space<vmem>>
    %dma_wait3A_375 = tpu.memref_squeeze %dma_wait3A_374 : memref<1x80xi32, #tpu.memory_space<vmem>> -> memref<80xi32, #tpu.memory_space<vmem>>
    %dma_wait3A_376 = arith.constant 0 : i32
    %dma_wait3A_377 = arith.constant 0 : i32
    %dma_wait3A_378 = tpu.memref_slice %arg2[%dma_wait3A_371, %dma_wait3A_376, %dma_wait3A_377] : memref<3x10000x128xf32, #tpu.memory_space<hbm>> -> memref<1x10000x128xf32, #tpu.memory_space<hbm>>
    %dma_wait3A_379 = tpu.memref_squeeze %dma_wait3A_378 : memref<1x10000x128xf32, #tpu.memory_space<hbm>> -> memref<10000x128xf32, #tpu.memory_space<hbm>>
    %dma_wait3A_380 = arith.constant 0 : i32
    %dma_wait3A_381 = arith.constant 0 : i32
    %dma_wait3A_382 = tpu.memref_slice %dma_wait3A_379[%dma_wait3A_380, %dma_wait3A_381] : memref<10000x128xf32, #tpu.memory_space<hbm>> -> memref<10000x128xf32, #tpu.memory_space<hbm>>
    tpu.wait_indirect_dma semaphore(%arg14 : memref<!tpu.dma_semaphore, #tpu.memory_space<semaphore_mem>>) src(%dma_wait3A_382 : memref<10000x128xf32, #tpu.memory_space<hbm>>) dst(%arg10 : memref<80x128xf32, #tpu.memory_space<vmem>>)
    %dma_start3A_383 = arith.constant 124 : i32
    %dma_start3A_384 = arith.constant 0 : i32
    %dma_start3A_385 = tpu.memref_slice %arg8[%dma_start3A_383, %dma_start3A_384] : memref<125x80xi32, #tpu.memory_space<vmem>> -> memref<1x80xi32, #tpu.memory_space<vmem>>
    %dma_start3A_386 = tpu.memref_squeeze %dma_start3A_385 : memref<1x80xi32, #tpu.memory_space<vmem>> -> memref<80xi32, #tpu.memory_space<vmem>>
    %dma_start3A_387 = arith.constant 0 : i32
    %dma_start3A_388 = arith.constant 0 : i32
    %dma_start3A_389 = tpu.memref_slice %arg12[%dma_start3A_387, %dma_start3A_388] : memref<10000x128xf32, #tpu.memory_space<vmem_shared>> -> memref<10000x128xf32, #tpu.memory_space<vmem_shared>>
    tpu.enqueue_indirect_dma source(%arg10 : memref<80x128xf32, #tpu.memory_space<vmem>>) target(%dma_start3A_389 : memref<10000x128xf32, #tpu.memory_space<vmem_shared>>) offsets(%dma_start3A_386 : memref<80xi32, #tpu.memory_space<vmem>>) semaphore(%arg17 : memref<!tpu.dma_semaphore, #tpu.memory_space<semaphore_mem>>) {add = true}
    %dma_wait3A_390 = arith.constant 124 : i32
    %dma_wait3A_391 = arith.constant 0 : i32
    %dma_wait3A_392 = tpu.memref_slice %arg8[%dma_wait3A_390, %dma_wait3A_391] : memref<125x80xi32, #tpu.memory_space<vmem>> -> memref<1x80xi32, #tpu.memory_space<vmem>>
    %dma_wait3A_393 = tpu.memref_squeeze %dma_wait3A_392 : memref<1x80xi32, #tpu.memory_space<vmem>> -> memref<80xi32, #tpu.memory_space<vmem>>
    %dma_wait3A_394 = arith.constant 0 : i32
    %dma_wait3A_395 = arith.constant 0 : i32
    %dma_wait3A_396 = tpu.memref_slice %arg12[%dma_wait3A_394, %dma_wait3A_395] : memref<10000x128xf32, #tpu.memory_space<vmem_shared>> -> memref<10000x128xf32, #tpu.memory_space<vmem_shared>>
    tpu.wait_indirect_dma semaphore(%arg17 : memref<!tpu.dma_semaphore, #tpu.memory_space<semaphore_mem>>) src(%arg10 : memref<80x128xf32, #tpu.memory_space<vmem>>) dst(%dma_wait3A_396 : memref<10000x128xf32, #tpu.memory_space<vmem_shared>>)
    %barrier3A_397 = arith.constant 0 : index
    tpu.barrier barrier_id(%barrier3A_397)
    %run_scoped3A_398 = arith.constant 1 : i32
    "tpu.region"() ({
      %run_scoped3A_601 = tpu.sem_alloc : memref<!tpu.dma_semaphore, #tpu.memory_space<semaphore_mem>>
      %dma_start3A_602 = arith.constant 0 : i32
      %dma_start3A_603 = arith.constant 0 : i32
      %dma_start3A_604 = tpu.memref_slice %arg6[%run_scoped3A_398, %arg0, %arg1, %dma_start3A_602, %dma_start3A_603] : memref<3x2x16x625x128xf32, #tpu.memory_space<hbm>> -> memref<1x1x1x625x128xf32, #tpu.memory_space<hbm>>
      %dma_start3A_605 = tpu.memref_squeeze %dma_start3A_604 : memref<1x1x1x625x128xf32, #tpu.memory_space<hbm>> -> memref<625x128xf32, #tpu.memory_space<hbm>>
      %dma_start3A_606 = arith.constant 0 : i32
      %dma_start3A_607 = tpu.memref_slice %arg12[%mul3A_2, %dma_start3A_606] : memref<10000x128xf32, #tpu.memory_space<vmem_shared>> -> memref<625x128xf32, #tpu.memory_space<vmem_shared>>
      tpu.enqueue_dma source(%dma_start3A_607 : memref<625x128xf32, #tpu.memory_space<vmem_shared>>) target(%dma_start3A_605 : memref<625x128xf32, #tpu.memory_space<hbm>>) target_semaphore(%run_scoped3A_601 : memref<!tpu.dma_semaphore, #tpu.memory_space<semaphore_mem>>)
      %dma_wait3A_608 = arith.constant 0 : i32
      %dma_wait3A_609 = arith.constant 0 : i32
      %dma_wait3A_610 = tpu.memref_slice %arg6[%run_scoped3A_398, %arg0, %arg1, %dma_wait3A_608, %dma_wait3A_609] : memref<3x2x16x625x128xf32, #tpu.memory_space<hbm>> -> memref<1x1x1x625x128xf32, #tpu.memory_space<hbm>>
      %dma_wait3A_611 = tpu.memref_squeeze %dma_wait3A_610 : memref<1x1x1x625x128xf32, #tpu.memory_space<hbm>> -> memref<625x128xf32, #tpu.memory_space<hbm>>
      %dma_wait3A_612 = arith.constant 0 : i32
      %dma_wait3A_613 = tpu.memref_slice %arg12[%mul3A_2, %dma_wait3A_612] : memref<10000x128xf32, #tpu.memory_space<vmem_shared>> -> memref<625x128xf32, #tpu.memory_space<vmem_shared>>
      tpu.wait_dma2 semaphore(%run_scoped3A_601 : memref<!tpu.dma_semaphore, #tpu.memory_space<semaphore_mem>>) src(%dma_wait3A_613 : memref<625x128xf32, #tpu.memory_space<vmem_shared>>) dst(%dma_wait3A_611 : memref<625x128xf32, #tpu.memory_space<hbm>>)
      tpu.yield
    }) : () -> ()
    %barrier3A_399 = arith.constant 0 : index
    tpu.barrier barrier_id(%barrier3A_399)
    "tpu.region"() ({
      %run_scoped3A_601 = tpu.sem_alloc : memref<!tpu.dma_semaphore, #tpu.memory_space<semaphore_mem>>
      %dma_start3A_602 = arith.constant 0 : i32
      %dma_start3A_603 = tpu.memref_slice %arg12[%mul3A_2, %dma_start3A_602] : memref<10000x128xf32, #tpu.memory_space<vmem_shared>> -> memref<625x128xf32, #tpu.memory_space<vmem_shared>>
      tpu.enqueue_dma source(%arg5 : memref<625x128xf32, #tpu.memory_space<hbm>>) target(%dma_start3A_603 : memref<625x128xf32, #tpu.memory_space<vmem_shared>>) target_semaphore(%run_scoped3A_601 : memref<!tpu.dma_semaphore, #tpu.memory_space<semaphore_mem>>)
      %dma_wait3A_604 = arith.constant 0 : i32
      %dma_wait3A_605 = tpu.memref_slice %arg12[%mul3A_2, %dma_wait3A_604] : memref<10000x128xf32, #tpu.memory_space<vmem_shared>> -> memref<625x128xf32, #tpu.memory_space<vmem_shared>>
      tpu.wait_dma2 semaphore(%run_scoped3A_601 : memref<!tpu.dma_semaphore, #tpu.memory_space<semaphore_mem>>) src(%arg5 : memref<625x128xf32, #tpu.memory_space<hbm>>) dst(%dma_wait3A_605 : memref<625x128xf32, #tpu.memory_space<vmem_shared>>)
      tpu.yield
    }) : () -> ()
    %run_scoped3A_400 = arith.constant 2 : i32
    "tpu.region"() ({
      %run_scoped3A_601 = tpu.sem_alloc : memref<!tpu.dma_semaphore, #tpu.memory_space<semaphore_mem>>
      %dma_start3A_602 = arith.constant 0 : i32
      %dma_start3A_603 = arith.constant 0 : i32
      %dma_start3A_604 = tpu.memref_slice %arg3[%run_scoped3A_400, %add3A, %dma_start3A_602, %dma_start3A_603] : memref<3x32x125x80xi32, #tpu.memory_space<hbm>> -> memref<1x1x125x80xi32, #tpu.memory_space<hbm>>
      %dma_start3A_605 = tpu.memref_squeeze %dma_start3A_604 : memref<1x1x125x80xi32, #tpu.memory_space<hbm>> -> memref<125x80xi32, #tpu.memory_space<hbm>>
      %dma_start3A_606 = arith.constant 0 : i32
      %dma_start3A_607 = arith.constant 0 : i32
      %dma_start3A_608 = tpu.memref_slice %arg3[%run_scoped3A_400, %add3A, %dma_start3A_606, %dma_start3A_607] : memref<3x32x125x80xi32, #tpu.memory_space<hbm>> -> memref<1x1x125x80xi32, #tpu.memory_space<hbm>>
      %dma_start3A_609 = tpu.memref_squeeze %dma_start3A_608 : memref<1x1x125x80xi32, #tpu.memory_space<hbm>> -> memref<125x80xi32, #tpu.memory_space<hbm>>
      tpu.enqueue_dma source(%dma_start3A_609 : memref<125x80xi32, #tpu.memory_space<hbm>>) target(%arg7 : memref<125x80xi32, #tpu.memory_space<vmem>>) target_semaphore(%run_scoped3A_601 : memref<!tpu.dma_semaphore, #tpu.memory_space<semaphore_mem>>)
      %dma_wait3A_610 = arith.constant 0 : i32
      %dma_wait3A_611 = arith.constant 0 : i32
      %dma_wait3A_612 = tpu.memref_slice %arg3[%run_scoped3A_400, %add3A, %dma_wait3A_610, %dma_wait3A_611] : memref<3x32x125x80xi32, #tpu.memory_space<hbm>> -> memref<1x1x125x80xi32, #tpu.memory_space<hbm>>
      %dma_wait3A_613 = tpu.memref_squeeze %dma_wait3A_612 : memref<1x1x125x80xi32, #tpu.memory_space<hbm>> -> memref<125x80xi32, #tpu.memory_space<hbm>>
      %dma_wait3A_614 = arith.constant 0 : i32
      %dma_wait3A_615 = arith.constant 0 : i32
      %dma_wait3A_616 = tpu.memref_slice %arg3[%run_scoped3A_400, %add3A, %dma_wait3A_614, %dma_wait3A_615] : memref<3x32x125x80xi32, #tpu.memory_space<hbm>> -> memref<1x1x125x80xi32, #tpu.memory_space<hbm>>
      %dma_wait3A_617 = tpu.memref_squeeze %dma_wait3A_616 : memref<1x1x125x80xi32, #tpu.memory_space<hbm>> -> memref<125x80xi32, #tpu.memory_space<hbm>>
      tpu.wait_dma2 semaphore(%run_scoped3A_601 : memref<!tpu.dma_semaphore, #tpu.memory_space<semaphore_mem>>) src(%dma_wait3A_617 : memref<125x80xi32, #tpu.memory_space<hbm>>) dst(%arg7 : memref<125x80xi32, #tpu.memory_space<vmem>>)
      tpu.yield
    }) : () -> ()
    %run_scoped3A_401 = arith.constant 2 : i32
    "tpu.region"() ({
      %run_scoped3A_601 = tpu.sem_alloc : memref<!tpu.dma_semaphore, #tpu.memory_space<semaphore_mem>>
      %dma_start3A_602 = arith.constant 0 : i32
      %dma_start3A_603 = arith.constant 0 : i32
      %dma_start3A_604 = tpu.memref_slice %arg4[%run_scoped3A_401, %add3A, %dma_start3A_602, %dma_start3A_603] : memref<3x32x125x80xi32, #tpu.memory_space<hbm>> -> memref<1x1x125x80xi32, #tpu.memory_space<hbm>>
      %dma_start3A_605 = tpu.memref_squeeze %dma_start3A_604 : memref<1x1x125x80xi32, #tpu.memory_space<hbm>> -> memref<125x80xi32, #tpu.memory_space<hbm>>
      %dma_start3A_606 = arith.constant 0 : i32
      %dma_start3A_607 = arith.constant 0 : i32
      %dma_start3A_608 = tpu.memref_slice %arg4[%run_scoped3A_401, %add3A, %dma_start3A_606, %dma_start3A_607] : memref<3x32x125x80xi32, #tpu.memory_space<hbm>> -> memref<1x1x125x80xi32, #tpu.memory_space<hbm>>
      %dma_start3A_609 = tpu.memref_squeeze %dma_start3A_608 : memref<1x1x125x80xi32, #tpu.memory_space<hbm>> -> memref<125x80xi32, #tpu.memory_space<hbm>>
      tpu.enqueue_dma source(%dma_start3A_609 : memref<125x80xi32, #tpu.memory_space<hbm>>) target(%arg8 : memref<125x80xi32, #tpu.memory_space<vmem>>) target_semaphore(%run_scoped3A_601 : memref<!tpu.dma_semaphore, #tpu.memory_space<semaphore_mem>>)
      %dma_wait3A_610 = arith.constant 0 : i32
      %dma_wait3A_611 = arith.constant 0 : i32
      %dma_wait3A_612 = tpu.memref_slice %arg4[%run_scoped3A_401, %add3A, %dma_wait3A_610, %dma_wait3A_611] : memref<3x32x125x80xi32, #tpu.memory_space<hbm>> -> memref<1x1x125x80xi32, #tpu.memory_space<hbm>>
      %dma_wait3A_613 = tpu.memref_squeeze %dma_wait3A_612 : memref<1x1x125x80xi32, #tpu.memory_space<hbm>> -> memref<125x80xi32, #tpu.memory_space<hbm>>
      %dma_wait3A_614 = arith.constant 0 : i32
      %dma_wait3A_615 = arith.constant 0 : i32
      %dma_wait3A_616 = tpu.memref_slice %arg4[%run_scoped3A_401, %add3A, %dma_wait3A_614, %dma_wait3A_615] : memref<3x32x125x80xi32, #tpu.memory_space<hbm>> -> memref<1x1x125x80xi32, #tpu.memory_space<hbm>>
      %dma_wait3A_617 = tpu.memref_squeeze %dma_wait3A_616 : memref<1x1x125x80xi32, #tpu.memory_space<hbm>> -> memref<125x80xi32, #tpu.memory_space<hbm>>
      tpu.wait_dma2 semaphore(%run_scoped3A_601 : memref<!tpu.dma_semaphore, #tpu.memory_space<semaphore_mem>>) src(%dma_wait3A_617 : memref<125x80xi32, #tpu.memory_space<hbm>>) dst(%arg8 : memref<125x80xi32, #tpu.memory_space<vmem>>)
      tpu.yield
    }) : () -> ()
    %barrier3A_402 = arith.constant 0 : index
    tpu.barrier barrier_id(%barrier3A_402)
    %dma_start3A_403 = arith.constant 2 : i32
    %dma_start3A_404 = arith.constant 0 : i32
    %dma_start3A_405 = arith.constant 0 : i32
    %dma_start3A_406 = tpu.memref_slice %arg7[%dma_start3A_404, %dma_start3A_405] : memref<125x80xi32, #tpu.memory_space<vmem>> -> memref<1x80xi32, #tpu.memory_space<vmem>>
    %dma_start3A_407 = tpu.memref_squeeze %dma_start3A_406 : memref<1x80xi32, #tpu.memory_space<vmem>> -> memref<80xi32, #tpu.memory_space<vmem>>
    %dma_start3A_408 = arith.constant 0 : i32
    %dma_start3A_409 = arith.constant 0 : i32
    %dma_start3A_410 = tpu.memref_slice %arg2[%dma_start3A_403, %dma_start3A_408, %dma_start3A_409] : memref<3x10000x128xf32, #tpu.memory_space<hbm>> -> memref<1x10000x128xf32, #tpu.memory_space<hbm>>
    %dma_start3A_411 = tpu.memref_squeeze %dma_start3A_410 : memref<1x10000x128xf32, #tpu.memory_space<hbm>> -> memref<10000x128xf32, #tpu.memory_space<hbm>>
    %dma_start3A_412 = arith.constant 0 : i32
    %dma_start3A_413 = arith.constant 0 : i32
    %dma_start3A_414 = tpu.memref_slice %dma_start3A_411[%dma_start3A_412, %dma_start3A_413] : memref<10000x128xf32, #tpu.memory_space<hbm>> -> memref<10000x128xf32, #tpu.memory_space<hbm>>
    tpu.enqueue_indirect_dma source(%dma_start3A_414 : memref<10000x128xf32, #tpu.memory_space<hbm>>) target(%arg9 : memref<80x128xf32, #tpu.memory_space<vmem>>) offsets(%dma_start3A_407 : memref<80xi32, #tpu.memory_space<vmem>>) semaphore(%arg13 : memref<!tpu.dma_semaphore, #tpu.memory_space<semaphore_mem>>)
    %dma_start3A_415 = arith.constant 2 : i32
    %dma_start3A_416 = arith.constant 1 : i32
    %dma_start3A_417 = arith.constant 0 : i32
    %dma_start3A_418 = tpu.memref_slice %arg7[%dma_start3A_416, %dma_start3A_417] : memref<125x80xi32, #tpu.memory_space<vmem>> -> memref<1x80xi32, #tpu.memory_space<vmem>>
    %dma_start3A_419 = tpu.memref_squeeze %dma_start3A_418 : memref<1x80xi32, #tpu.memory_space<vmem>> -> memref<80xi32, #tpu.memory_space<vmem>>
    %dma_start3A_420 = arith.constant 0 : i32
    %dma_start3A_421 = arith.constant 0 : i32
    %dma_start3A_422 = tpu.memref_slice %arg2[%dma_start3A_415, %dma_start3A_420, %dma_start3A_421] : memref<3x10000x128xf32, #tpu.memory_space<hbm>> -> memref<1x10000x128xf32, #tpu.memory_space<hbm>>
    %dma_start3A_423 = tpu.memref_squeeze %dma_start3A_422 : memref<1x10000x128xf32, #tpu.memory_space<hbm>> -> memref<10000x128xf32, #tpu.memory_space<hbm>>
    %dma_start3A_424 = arith.constant 0 : i32
    %dma_start3A_425 = arith.constant 0 : i32
    %dma_start3A_426 = tpu.memref_slice %dma_start3A_423[%dma_start3A_424, %dma_start3A_425] : memref<10000x128xf32, #tpu.memory_space<hbm>> -> memref<10000x128xf32, #tpu.memory_space<hbm>>
    tpu.enqueue_indirect_dma source(%dma_start3A_426 : memref<10000x128xf32, #tpu.memory_space<hbm>>) target(%arg10 : memref<80x128xf32, #tpu.memory_space<vmem>>) offsets(%dma_start3A_419 : memref<80xi32, #tpu.memory_space<vmem>>) semaphore(%arg14 : memref<!tpu.dma_semaphore, #tpu.memory_space<semaphore_mem>>)
    %dma_wait3A_427 = arith.constant 2 : i32
    %dma_wait3A_428 = arith.constant 0 : i32
    %dma_wait3A_429 = arith.constant 0 : i32
    %dma_wait3A_430 = tpu.memref_slice %arg7[%dma_wait3A_428, %dma_wait3A_429] : memref<125x80xi32, #tpu.memory_space<vmem>> -> memref<1x80xi32, #tpu.memory_space<vmem>>
    %dma_wait3A_431 = tpu.memref_squeeze %dma_wait3A_430 : memref<1x80xi32, #tpu.memory_space<vmem>> -> memref<80xi32, #tpu.memory_space<vmem>>
    %dma_wait3A_432 = arith.constant 0 : i32
    %dma_wait3A_433 = arith.constant 0 : i32
    %dma_wait3A_434 = tpu.memref_slice %arg2[%dma_wait3A_427, %dma_wait3A_432, %dma_wait3A_433] : memref<3x10000x128xf32, #tpu.memory_space<hbm>> -> memref<1x10000x128xf32, #tpu.memory_space<hbm>>
    %dma_wait3A_435 = tpu.memref_squeeze %dma_wait3A_434 : memref<1x10000x128xf32, #tpu.memory_space<hbm>> -> memref<10000x128xf32, #tpu.memory_space<hbm>>
    %dma_wait3A_436 = arith.constant 0 : i32
    %dma_wait3A_437 = arith.constant 0 : i32
    %dma_wait3A_438 = tpu.memref_slice %dma_wait3A_435[%dma_wait3A_436, %dma_wait3A_437] : memref<10000x128xf32, #tpu.memory_space<hbm>> -> memref<10000x128xf32, #tpu.memory_space<hbm>>
    tpu.wait_indirect_dma semaphore(%arg13 : memref<!tpu.dma_semaphore, #tpu.memory_space<semaphore_mem>>) src(%dma_wait3A_438 : memref<10000x128xf32, #tpu.memory_space<hbm>>) dst(%arg9 : memref<80x128xf32, #tpu.memory_space<vmem>>)
    %dma_start3A_439 = arith.constant 0 : i32
    %dma_start3A_440 = arith.constant 0 : i32
    %dma_start3A_441 = tpu.memref_slice %arg8[%dma_start3A_439, %dma_start3A_440] : memref<125x80xi32, #tpu.memory_space<vmem>> -> memref<1x80xi32, #tpu.memory_space<vmem>>
    %dma_start3A_442 = tpu.memref_squeeze %dma_start3A_441 : memref<1x80xi32, #tpu.memory_space<vmem>> -> memref<80xi32, #tpu.memory_space<vmem>>
    %dma_start3A_443 = arith.constant 0 : i32
    %dma_start3A_444 = arith.constant 0 : i32
    %dma_start3A_445 = tpu.memref_slice %arg12[%dma_start3A_443, %dma_start3A_444] : memref<10000x128xf32, #tpu.memory_space<vmem_shared>> -> memref<10000x128xf32, #tpu.memory_space<vmem_shared>>
    tpu.enqueue_indirect_dma source(%arg9 : memref<80x128xf32, #tpu.memory_space<vmem>>) target(%dma_start3A_445 : memref<10000x128xf32, #tpu.memory_space<vmem_shared>>) offsets(%dma_start3A_442 : memref<80xi32, #tpu.memory_space<vmem>>) semaphore(%arg16 : memref<!tpu.dma_semaphore, #tpu.memory_space<semaphore_mem>>) {add = true}
    %dma_start3A_446 = arith.constant 2 : i32
    %dma_start3A_447 = arith.constant 2 : i32
    %dma_start3A_448 = arith.constant 0 : i32
    %dma_start3A_449 = tpu.memref_slice %arg7[%dma_start3A_447, %dma_start3A_448] : memref<125x80xi32, #tpu.memory_space<vmem>> -> memref<1x80xi32, #tpu.memory_space<vmem>>
    %dma_start3A_450 = tpu.memref_squeeze %dma_start3A_449 : memref<1x80xi32, #tpu.memory_space<vmem>> -> memref<80xi32, #tpu.memory_space<vmem>>
    %dma_start3A_451 = arith.constant 0 : i32
    %dma_start3A_452 = arith.constant 0 : i32
    %dma_start3A_453 = tpu.memref_slice %arg2[%dma_start3A_446, %dma_start3A_451, %dma_start3A_452] : memref<3x10000x128xf32, #tpu.memory_space<hbm>> -> memref<1x10000x128xf32, #tpu.memory_space<hbm>>
    %dma_start3A_454 = tpu.memref_squeeze %dma_start3A_453 : memref<1x10000x128xf32, #tpu.memory_space<hbm>> -> memref<10000x128xf32, #tpu.memory_space<hbm>>
    %dma_start3A_455 = arith.constant 0 : i32
    %dma_start3A_456 = arith.constant 0 : i32
    %dma_start3A_457 = tpu.memref_slice %dma_start3A_454[%dma_start3A_455, %dma_start3A_456] : memref<10000x128xf32, #tpu.memory_space<hbm>> -> memref<10000x128xf32, #tpu.memory_space<hbm>>
    tpu.enqueue_indirect_dma source(%dma_start3A_457 : memref<10000x128xf32, #tpu.memory_space<hbm>>) target(%arg11 : memref<80x128xf32, #tpu.memory_space<vmem>>) offsets(%dma_start3A_450 : memref<80xi32, #tpu.memory_space<vmem>>) semaphore(%arg15 : memref<!tpu.dma_semaphore, #tpu.memory_space<semaphore_mem>>)
    %dma_wait3A_458 = arith.constant 0 : i32
    %dma_wait3A_459 = arith.constant 0 : i32
    %dma_wait3A_460 = tpu.memref_slice %arg8[%dma_wait3A_458, %dma_wait3A_459] : memref<125x80xi32, #tpu.memory_space<vmem>> -> memref<1x80xi32, #tpu.memory_space<vmem>>
    %dma_wait3A_461 = tpu.memref_squeeze %dma_wait3A_460 : memref<1x80xi32, #tpu.memory_space<vmem>> -> memref<80xi32, #tpu.memory_space<vmem>>
    %dma_wait3A_462 = arith.constant 0 : i32
    %dma_wait3A_463 = arith.constant 0 : i32
    %dma_wait3A_464 = tpu.memref_slice %arg12[%dma_wait3A_462, %dma_wait3A_463] : memref<10000x128xf32, #tpu.memory_space<vmem_shared>> -> memref<10000x128xf32, #tpu.memory_space<vmem_shared>>
    tpu.wait_indirect_dma semaphore(%arg16 : memref<!tpu.dma_semaphore, #tpu.memory_space<semaphore_mem>>) src(%arg9 : memref<80x128xf32, #tpu.memory_space<vmem>>) dst(%dma_wait3A_464 : memref<10000x128xf32, #tpu.memory_space<vmem_shared>>)
    %dma_wait3A_465 = arith.constant 2 : i32
    %dma_wait3A_466 = arith.constant 1 : i32
    %dma_wait3A_467 = arith.constant 0 : i32
    %dma_wait3A_468 = tpu.memref_slice %arg7[%dma_wait3A_466, %dma_wait3A_467] : memref<125x80xi32, #tpu.memory_space<vmem>> -> memref<1x80xi32, #tpu.memory_space<vmem>>
    %dma_wait3A_469 = tpu.memref_squeeze %dma_wait3A_468 : memref<1x80xi32, #tpu.memory_space<vmem>> -> memref<80xi32, #tpu.memory_space<vmem>>
    %dma_wait3A_470 = arith.constant 0 : i32
    %dma_wait3A_471 = arith.constant 0 : i32
    %dma_wait3A_472 = tpu.memref_slice %arg2[%dma_wait3A_465, %dma_wait3A_470, %dma_wait3A_471] : memref<3x10000x128xf32, #tpu.memory_space<hbm>> -> memref<1x10000x128xf32, #tpu.memory_space<hbm>>
    %dma_wait3A_473 = tpu.memref_squeeze %dma_wait3A_472 : memref<1x10000x128xf32, #tpu.memory_space<hbm>> -> memref<10000x128xf32, #tpu.memory_space<hbm>>
    %dma_wait3A_474 = arith.constant 0 : i32
    %dma_wait3A_475 = arith.constant 0 : i32
    %dma_wait3A_476 = tpu.memref_slice %dma_wait3A_473[%dma_wait3A_474, %dma_wait3A_475] : memref<10000x128xf32, #tpu.memory_space<hbm>> -> memref<10000x128xf32, #tpu.memory_space<hbm>>
    tpu.wait_indirect_dma semaphore(%arg14 : memref<!tpu.dma_semaphore, #tpu.memory_space<semaphore_mem>>) src(%dma_wait3A_476 : memref<10000x128xf32, #tpu.memory_space<hbm>>) dst(%arg10 : memref<80x128xf32, #tpu.memory_space<vmem>>)
    %dma_start3A_477 = arith.constant 1 : i32
    %dma_start3A_478 = arith.constant 0 : i32
    %dma_start3A_479 = tpu.memref_slice %arg8[%dma_start3A_477, %dma_start3A_478] : memref<125x80xi32, #tpu.memory_space<vmem>> -> memref<1x80xi32, #tpu.memory_space<vmem>>
    %dma_start3A_480 = tpu.memref_squeeze %dma_start3A_479 : memref<1x80xi32, #tpu.memory_space<vmem>> -> memref<80xi32, #tpu.memory_space<vmem>>
    %dma_start3A_481 = arith.constant 0 : i32
    %dma_start3A_482 = arith.constant 0 : i32
    %dma_start3A_483 = tpu.memref_slice %arg12[%dma_start3A_481, %dma_start3A_482] : memref<10000x128xf32, #tpu.memory_space<vmem_shared>> -> memref<10000x128xf32, #tpu.memory_space<vmem_shared>>
    tpu.enqueue_indirect_dma source(%arg10 : memref<80x128xf32, #tpu.memory_space<vmem>>) target(%dma_start3A_483 : memref<10000x128xf32, #tpu.memory_space<vmem_shared>>) offsets(%dma_start3A_480 : memref<80xi32, #tpu.memory_space<vmem>>) semaphore(%arg17 : memref<!tpu.dma_semaphore, #tpu.memory_space<semaphore_mem>>) {add = true}
    %dma_start3A_484 = arith.constant 2 : i32
    %dma_start3A_485 = arith.constant 3 : i32
    %dma_start3A_486 = arith.constant 0 : i32
    %dma_start3A_487 = tpu.memref_slice %arg7[%dma_start3A_485, %dma_start3A_486] : memref<125x80xi32, #tpu.memory_space<vmem>> -> memref<1x80xi32, #tpu.memory_space<vmem>>
    %dma_start3A_488 = tpu.memref_squeeze %dma_start3A_487 : memref<1x80xi32, #tpu.memory_space<vmem>> -> memref<80xi32, #tpu.memory_space<vmem>>
    %dma_start3A_489 = arith.constant 0 : i32
    %dma_start3A_490 = arith.constant 0 : i32
    %dma_start3A_491 = tpu.memref_slice %arg2[%dma_start3A_484, %dma_start3A_489, %dma_start3A_490] : memref<3x10000x128xf32, #tpu.memory_space<hbm>> -> memref<1x10000x128xf32, #tpu.memory_space<hbm>>
    %dma_start3A_492 = tpu.memref_squeeze %dma_start3A_491 : memref<1x10000x128xf32, #tpu.memory_space<hbm>> -> memref<10000x128xf32, #tpu.memory_space<hbm>>
    %dma_start3A_493 = arith.constant 0 : i32
    %dma_start3A_494 = arith.constant 0 : i32
    %dma_start3A_495 = tpu.memref_slice %dma_start3A_492[%dma_start3A_493, %dma_start3A_494] : memref<10000x128xf32, #tpu.memory_space<hbm>> -> memref<10000x128xf32, #tpu.memory_space<hbm>>
    tpu.enqueue_indirect_dma source(%dma_start3A_495 : memref<10000x128xf32, #tpu.memory_space<hbm>>) target(%arg9 : memref<80x128xf32, #tpu.memory_space<vmem>>) offsets(%dma_start3A_488 : memref<80xi32, #tpu.memory_space<vmem>>) semaphore(%arg13 : memref<!tpu.dma_semaphore, #tpu.memory_space<semaphore_mem>>)
    %dma_wait3A_496 = arith.constant 1 : i32
    %dma_wait3A_497 = arith.constant 0 : i32
    %dma_wait3A_498 = tpu.memref_slice %arg8[%dma_wait3A_496, %dma_wait3A_497] : memref<125x80xi32, #tpu.memory_space<vmem>> -> memref<1x80xi32, #tpu.memory_space<vmem>>
    %dma_wait3A_499 = tpu.memref_squeeze %dma_wait3A_498 : memref<1x80xi32, #tpu.memory_space<vmem>> -> memref<80xi32, #tpu.memory_space<vmem>>
    %dma_wait3A_500 = arith.constant 0 : i32
    %dma_wait3A_501 = arith.constant 0 : i32
    %dma_wait3A_502 = tpu.memref_slice %arg12[%dma_wait3A_500, %dma_wait3A_501] : memref<10000x128xf32, #tpu.memory_space<vmem_shared>> -> memref<10000x128xf32, #tpu.memory_space<vmem_shared>>
    tpu.wait_indirect_dma semaphore(%arg17 : memref<!tpu.dma_semaphore, #tpu.memory_space<semaphore_mem>>) src(%arg10 : memref<80x128xf32, #tpu.memory_space<vmem>>) dst(%dma_wait3A_502 : memref<10000x128xf32, #tpu.memory_space<vmem_shared>>)
    %dma_wait3A_503 = arith.constant 2 : i32
    %dma_wait3A_504 = arith.constant 2 : i32
    %dma_wait3A_505 = arith.constant 0 : i32
    %dma_wait3A_506 = tpu.memref_slice %arg7[%dma_wait3A_504, %dma_wait3A_505] : memref<125x80xi32, #tpu.memory_space<vmem>> -> memref<1x80xi32, #tpu.memory_space<vmem>>
    %dma_wait3A_507 = tpu.memref_squeeze %dma_wait3A_506 : memref<1x80xi32, #tpu.memory_space<vmem>> -> memref<80xi32, #tpu.memory_space<vmem>>
    %dma_wait3A_508 = arith.constant 0 : i32
    %dma_wait3A_509 = arith.constant 0 : i32
    %dma_wait3A_510 = tpu.memref_slice %arg2[%dma_wait3A_503, %dma_wait3A_508, %dma_wait3A_509] : memref<3x10000x128xf32, #tpu.memory_space<hbm>> -> memref<1x10000x128xf32, #tpu.memory_space<hbm>>
    %dma_wait3A_511 = tpu.memref_squeeze %dma_wait3A_510 : memref<1x10000x128xf32, #tpu.memory_space<hbm>> -> memref<10000x128xf32, #tpu.memory_space<hbm>>
    %dma_wait3A_512 = arith.constant 0 : i32
    %dma_wait3A_513 = arith.constant 0 : i32
    %dma_wait3A_514 = tpu.memref_slice %dma_wait3A_511[%dma_wait3A_512, %dma_wait3A_513] : memref<10000x128xf32, #tpu.memory_space<hbm>> -> memref<10000x128xf32, #tpu.memory_space<hbm>>
    tpu.wait_indirect_dma semaphore(%arg15 : memref<!tpu.dma_semaphore, #tpu.memory_space<semaphore_mem>>) src(%dma_wait3A_514 : memref<10000x128xf32, #tpu.memory_space<hbm>>) dst(%arg11 : memref<80x128xf32, #tpu.memory_space<vmem>>)
    %dma_start3A_515 = arith.constant 2 : i32
    %dma_start3A_516 = arith.constant 0 : i32
    %dma_start3A_517 = tpu.memref_slice %arg8[%dma_start3A_515, %dma_start3A_516] : memref<125x80xi32, #tpu.memory_space<vmem>> -> memref<1x80xi32, #tpu.memory_space<vmem>>
    %dma_start3A_518 = tpu.memref_squeeze %dma_start3A_517 : memref<1x80xi32, #tpu.memory_space<vmem>> -> memref<80xi32, #tpu.memory_space<vmem>>
    %dma_start3A_519 = arith.constant 0 : i32
    %dma_start3A_520 = arith.constant 0 : i32
    %dma_start3A_521 = tpu.memref_slice %arg12[%dma_start3A_519, %dma_start3A_520] : memref<10000x128xf32, #tpu.memory_space<vmem_shared>> -> memref<10000x128xf32, #tpu.memory_space<vmem_shared>>
    tpu.enqueue_indirect_dma source(%arg11 : memref<80x128xf32, #tpu.memory_space<vmem>>) target(%dma_start3A_521 : memref<10000x128xf32, #tpu.memory_space<vmem_shared>>) offsets(%dma_start3A_518 : memref<80xi32, #tpu.memory_space<vmem>>) semaphore(%arg18 : memref<!tpu.dma_semaphore, #tpu.memory_space<semaphore_mem>>) {add = true}
    %dma_start3A_522 = arith.constant 2 : i32
    %dma_start3A_523 = arith.constant 4 : i32
    %dma_start3A_524 = arith.constant 0 : i32
    %dma_start3A_525 = tpu.memref_slice %arg7[%dma_start3A_523, %dma_start3A_524] : memref<125x80xi32, #tpu.memory_space<vmem>> -> memref<1x80xi32, #tpu.memory_space<vmem>>
    %dma_start3A_526 = tpu.memref_squeeze %dma_start3A_525 : memref<1x80xi32, #tpu.memory_space<vmem>> -> memref<80xi32, #tpu.memory_space<vmem>>
    %dma_start3A_527 = arith.constant 0 : i32
    %dma_start3A_528 = arith.constant 0 : i32
    %dma_start3A_529 = tpu.memref_slice %arg2[%dma_start3A_522, %dma_start3A_527, %dma_start3A_528] : memref<3x10000x128xf32, #tpu.memory_space<hbm>> -> memref<1x10000x128xf32, #tpu.memory_space<hbm>>
    %dma_start3A_530 = tpu.memref_squeeze %dma_start3A_529 : memref<1x10000x128xf32, #tpu.memory_space<hbm>> -> memref<10000x128xf32, #tpu.memory_space<hbm>>
    %dma_start3A_531 = arith.constant 0 : i32
    %dma_start3A_532 = arith.constant 0 : i32
    %dma_start3A_533 = tpu.memref_slice %dma_start3A_530[%dma_start3A_531, %dma_start3A_532] : memref<10000x128xf32, #tpu.memory_space<hbm>> -> memref<10000x128xf32, #tpu.memory_space<hbm>>
    tpu.enqueue_indirect_dma source(%dma_start3A_533 : memref<10000x128xf32, #tpu.memory_space<hbm>>) target(%arg10 : memref<80x128xf32, #tpu.memory_space<vmem>>) offsets(%dma_start3A_526 : memref<80xi32, #tpu.memory_space<vmem>>) semaphore(%arg14 : memref<!tpu.dma_semaphore, #tpu.memory_space<semaphore_mem>>)
    %scan3A_534 = arith.constant 0 : i32
    %scan3A_535 = arith.constant 40 : i32
    %scan3A_536 = arith.addi %scan3A_534, %scan3A_535 : i32
    %scan3A_537 = arith.constant 1 : i32
    scf.for %scan3A_601 = %scan3A_534 to %scan3A_536 step %scan3A_537  : i32 {
      %mul3A_602 = arith.constant 1 : i32
      %mul3A_603 = arith.muli %scan3A_601, %mul3A_602 : i32
      %add3A_604 = arith.constant 1 : i32
      %add3A_605 = arith.addi %add3A_604, %mul3A_603 : i32
      %mul3A_606 = arith.constant 3 : i32
      %mul3A_607 = arith.muli %mul3A_606, %add3A_605 : i32
      %add3A_608 = arith.constant 0 : i32
      %add3A_609 = arith.addi %mul3A_607, %add3A_608 : i32
      %sub3A = arith.constant 1 : i32
      %sub3A_610 = arith.subi %add3A_609, %sub3A : i32
      %dma_wait3A_611 = arith.constant 0 : i32
      %dma_wait3A_612 = tpu.memref_slice %arg8[%sub3A_610, %dma_wait3A_611] : memref<125x80xi32, #tpu.memory_space<vmem>> -> memref<1x80xi32, #tpu.memory_space<vmem>>
      %dma_wait3A_613 = tpu.memref_squeeze %dma_wait3A_612 : memref<1x80xi32, #tpu.memory_space<vmem>> -> memref<80xi32, #tpu.memory_space<vmem>>
      %dma_wait3A_614 = arith.constant 0 : i32
      %dma_wait3A_615 = arith.constant 0 : i32
      %dma_wait3A_616 = tpu.memref_slice %arg12[%dma_wait3A_614, %dma_wait3A_615] : memref<10000x128xf32, #tpu.memory_space<vmem_shared>> -> memref<10000x128xf32, #tpu.memory_space<vmem_shared>>
      tpu.wait_indirect_dma semaphore(%arg18 : memref<!tpu.dma_semaphore, #tpu.memory_space<semaphore_mem>>) src(%arg11 : memref<80x128xf32, #tpu.memory_space<vmem>>) dst(%dma_wait3A_616 : memref<10000x128xf32, #tpu.memory_space<vmem_shared>>)
      %dma_wait3A_617 = arith.constant 2 : i32
      %dma_wait3A_618 = arith.constant 0 : i32
      %dma_wait3A_619 = tpu.memref_slice %arg7[%add3A_609, %dma_wait3A_618] : memref<125x80xi32, #tpu.memory_space<vmem>> -> memref<1x80xi32, #tpu.memory_space<vmem>>
      %dma_wait3A_620 = tpu.memref_squeeze %dma_wait3A_619 : memref<1x80xi32, #tpu.memory_space<vmem>> -> memref<80xi32, #tpu.memory_space<vmem>>
      %dma_wait3A_621 = arith.constant 0 : i32
      %dma_wait3A_622 = arith.constant 0 : i32
      %dma_wait3A_623 = tpu.memref_slice %arg2[%dma_wait3A_617, %dma_wait3A_621, %dma_wait3A_622] : memref<3x10000x128xf32, #tpu.memory_space<hbm>> -> memref<1x10000x128xf32, #tpu.memory_space<hbm>>
      %dma_wait3A_624 = tpu.memref_squeeze %dma_wait3A_623 : memref<1x10000x128xf32, #tpu.memory_space<hbm>> -> memref<10000x128xf32, #tpu.memory_space<hbm>>
      %dma_wait3A_625 = arith.constant 0 : i32
      %dma_wait3A_626 = arith.constant 0 : i32
      %dma_wait3A_627 = tpu.memref_slice %dma_wait3A_624[%dma_wait3A_625, %dma_wait3A_626] : memref<10000x128xf32, #tpu.memory_space<hbm>> -> memref<10000x128xf32, #tpu.memory_space<hbm>>
      tpu.wait_indirect_dma semaphore(%arg13 : memref<!tpu.dma_semaphore, #tpu.memory_space<semaphore_mem>>) src(%dma_wait3A_627 : memref<10000x128xf32, #tpu.memory_space<hbm>>) dst(%arg9 : memref<80x128xf32, #tpu.memory_space<vmem>>)
      %dma_start3A_628 = arith.constant 0 : i32
      %dma_start3A_629 = tpu.memref_slice %arg8[%add3A_609, %dma_start3A_628] : memref<125x80xi32, #tpu.memory_space<vmem>> -> memref<1x80xi32, #tpu.memory_space<vmem>>
      %dma_start3A_630 = tpu.memref_squeeze %dma_start3A_629 : memref<1x80xi32, #tpu.memory_space<vmem>> -> memref<80xi32, #tpu.memory_space<vmem>>
      %dma_start3A_631 = arith.constant 0 : i32
      %dma_start3A_632 = arith.constant 0 : i32
      %dma_start3A_633 = tpu.memref_slice %arg12[%dma_start3A_631, %dma_start3A_632] : memref<10000x128xf32, #tpu.memory_space<vmem_shared>> -> memref<10000x128xf32, #tpu.memory_space<vmem_shared>>
      tpu.enqueue_indirect_dma source(%arg9 : memref<80x128xf32, #tpu.memory_space<vmem>>) target(%dma_start3A_633 : memref<10000x128xf32, #tpu.memory_space<vmem_shared>>) offsets(%dma_start3A_630 : memref<80xi32, #tpu.memory_space<vmem>>) semaphore(%arg16 : memref<!tpu.dma_semaphore, #tpu.memory_space<semaphore_mem>>) {add = true}
      %add3A_634 = arith.constant 2 : i32
      %add3A_635 = arith.addi %add3A_609, %add3A_634 : i32
      %dma_start3A_636 = arith.constant 2 : i32
      %dma_start3A_637 = arith.constant 0 : i32
      %dma_start3A_638 = tpu.memref_slice %arg7[%add3A_635, %dma_start3A_637] : memref<125x80xi32, #tpu.memory_space<vmem>> -> memref<1x80xi32, #tpu.memory_space<vmem>>
      %dma_start3A_639 = tpu.memref_squeeze %dma_start3A_638 : memref<1x80xi32, #tpu.memory_space<vmem>> -> memref<80xi32, #tpu.memory_space<vmem>>
      %dma_start3A_640 = arith.constant 0 : i32
      %dma_start3A_641 = arith.constant 0 : i32
      %dma_start3A_642 = tpu.memref_slice %arg2[%dma_start3A_636, %dma_start3A_640, %dma_start3A_641] : memref<3x10000x128xf32, #tpu.memory_space<hbm>> -> memref<1x10000x128xf32, #tpu.memory_space<hbm>>
      %dma_start3A_643 = tpu.memref_squeeze %dma_start3A_642 : memref<1x10000x128xf32, #tpu.memory_space<hbm>> -> memref<10000x128xf32, #tpu.memory_space<hbm>>
      %dma_start3A_644 = arith.constant 0 : i32
      %dma_start3A_645 = arith.constant 0 : i32
      %dma_start3A_646 = tpu.memref_slice %dma_start3A_643[%dma_start3A_644, %dma_start3A_645] : memref<10000x128xf32, #tpu.memory_space<hbm>> -> memref<10000x128xf32, #tpu.memory_space<hbm>>
      tpu.enqueue_indirect_dma source(%dma_start3A_646 : memref<10000x128xf32, #tpu.memory_space<hbm>>) target(%arg11 : memref<80x128xf32, #tpu.memory_space<vmem>>) offsets(%dma_start3A_639 : memref<80xi32, #tpu.memory_space<vmem>>) semaphore(%arg15 : memref<!tpu.dma_semaphore, #tpu.memory_space<semaphore_mem>>)
      %mul3A_647 = arith.constant 3 : i32
      %mul3A_648 = arith.muli %mul3A_647, %add3A_605 : i32
      %add3A_649 = arith.constant 1 : i32
      %add3A_650 = arith.addi %mul3A_648, %add3A_649 : i32
      %sub3A_651 = arith.constant 1 : i32
      %sub3A_652 = arith.subi %add3A_650, %sub3A_651 : i32
      %dma_wait3A_653 = arith.constant 0 : i32
      %dma_wait3A_654 = tpu.memref_slice %arg8[%sub3A_652, %dma_wait3A_653] : memref<125x80xi32, #tpu.memory_space<vmem>> -> memref<1x80xi32, #tpu.memory_space<vmem>>
      %dma_wait3A_655 = tpu.memref_squeeze %dma_wait3A_654 : memref<1x80xi32, #tpu.memory_space<vmem>> -> memref<80xi32, #tpu.memory_space<vmem>>
      %dma_wait3A_656 = arith.constant 0 : i32
      %dma_wait3A_657 = arith.constant 0 : i32
      %dma_wait3A_658 = tpu.memref_slice %arg12[%dma_wait3A_656, %dma_wait3A_657] : memref<10000x128xf32, #tpu.memory_space<vmem_shared>> -> memref<10000x128xf32, #tpu.memory_space<vmem_shared>>
      tpu.wait_indirect_dma semaphore(%arg16 : memref<!tpu.dma_semaphore, #tpu.memory_space<semaphore_mem>>) src(%arg9 : memref<80x128xf32, #tpu.memory_space<vmem>>) dst(%dma_wait3A_658 : memref<10000x128xf32, #tpu.memory_space<vmem_shared>>)
      %dma_wait3A_659 = arith.constant 2 : i32
      %dma_wait3A_660 = arith.constant 0 : i32
      %dma_wait3A_661 = tpu.memref_slice %arg7[%add3A_650, %dma_wait3A_660] : memref<125x80xi32, #tpu.memory_space<vmem>> -> memref<1x80xi32, #tpu.memory_space<vmem>>
      %dma_wait3A_662 = tpu.memref_squeeze %dma_wait3A_661 : memref<1x80xi32, #tpu.memory_space<vmem>> -> memref<80xi32, #tpu.memory_space<vmem>>
      %dma_wait3A_663 = arith.constant 0 : i32
      %dma_wait3A_664 = arith.constant 0 : i32
      %dma_wait3A_665 = tpu.memref_slice %arg2[%dma_wait3A_659, %dma_wait3A_663, %dma_wait3A_664] : memref<3x10000x128xf32, #tpu.memory_space<hbm>> -> memref<1x10000x128xf32, #tpu.memory_space<hbm>>
      %dma_wait3A_666 = tpu.memref_squeeze %dma_wait3A_665 : memref<1x10000x128xf32, #tpu.memory_space<hbm>> -> memref<10000x128xf32, #tpu.memory_space<hbm>>
      %dma_wait3A_667 = arith.constant 0 : i32
      %dma_wait3A_668 = arith.constant 0 : i32
      %dma_wait3A_669 = tpu.memref_slice %dma_wait3A_666[%dma_wait3A_667, %dma_wait3A_668] : memref<10000x128xf32, #tpu.memory_space<hbm>> -> memref<10000x128xf32, #tpu.memory_space<hbm>>
      tpu.wait_indirect_dma semaphore(%arg14 : memref<!tpu.dma_semaphore, #tpu.memory_space<semaphore_mem>>) src(%dma_wait3A_669 : memref<10000x128xf32, #tpu.memory_space<hbm>>) dst(%arg10 : memref<80x128xf32, #tpu.memory_space<vmem>>)
      %dma_start3A_670 = arith.constant 0 : i32
      %dma_start3A_671 = tpu.memref_slice %arg8[%add3A_650, %dma_start3A_670] : memref<125x80xi32, #tpu.memory_space<vmem>> -> memref<1x80xi32, #tpu.memory_space<vmem>>
      %dma_start3A_672 = tpu.memref_squeeze %dma_start3A_671 : memref<1x80xi32, #tpu.memory_space<vmem>> -> memref<80xi32, #tpu.memory_space<vmem>>
      %dma_start3A_673 = arith.constant 0 : i32
      %dma_start3A_674 = arith.constant 0 : i32
      %dma_start3A_675 = tpu.memref_slice %arg12[%dma_start3A_673, %dma_start3A_674] : memref<10000x128xf32, #tpu.memory_space<vmem_shared>> -> memref<10000x128xf32, #tpu.memory_space<vmem_shared>>
      tpu.enqueue_indirect_dma source(%arg10 : memref<80x128xf32, #tpu.memory_space<vmem>>) target(%dma_start3A_675 : memref<10000x128xf32, #tpu.memory_space<vmem_shared>>) offsets(%dma_start3A_672 : memref<80xi32, #tpu.memory_space<vmem>>) semaphore(%arg17 : memref<!tpu.dma_semaphore, #tpu.memory_space<semaphore_mem>>) {add = true}
      %add3A_676 = arith.constant 2 : i32
      %add3A_677 = arith.addi %add3A_650, %add3A_676 : i32
      %dma_start3A_678 = arith.constant 2 : i32
      %dma_start3A_679 = arith.constant 0 : i32
      %dma_start3A_680 = tpu.memref_slice %arg7[%add3A_677, %dma_start3A_679] : memref<125x80xi32, #tpu.memory_space<vmem>> -> memref<1x80xi32, #tpu.memory_space<vmem>>
      %dma_start3A_681 = tpu.memref_squeeze %dma_start3A_680 : memref<1x80xi32, #tpu.memory_space<vmem>> -> memref<80xi32, #tpu.memory_space<vmem>>
      %dma_start3A_682 = arith.constant 0 : i32
      %dma_start3A_683 = arith.constant 0 : i32
      %dma_start3A_684 = tpu.memref_slice %arg2[%dma_start3A_678, %dma_start3A_682, %dma_start3A_683] : memref<3x10000x128xf32, #tpu.memory_space<hbm>> -> memref<1x10000x128xf32, #tpu.memory_space<hbm>>
      %dma_start3A_685 = tpu.memref_squeeze %dma_start3A_684 : memref<1x10000x128xf32, #tpu.memory_space<hbm>> -> memref<10000x128xf32, #tpu.memory_space<hbm>>
      %dma_start3A_686 = arith.constant 0 : i32
      %dma_start3A_687 = arith.constant 0 : i32
      %dma_start3A_688 = tpu.memref_slice %dma_start3A_685[%dma_start3A_686, %dma_start3A_687] : memref<10000x128xf32, #tpu.memory_space<hbm>> -> memref<10000x128xf32, #tpu.memory_space<hbm>>
      tpu.enqueue_indirect_dma source(%dma_start3A_688 : memref<10000x128xf32, #tpu.memory_space<hbm>>) target(%arg9 : memref<80x128xf32, #tpu.memory_space<vmem>>) offsets(%dma_start3A_681 : memref<80xi32, #tpu.memory_space<vmem>>) semaphore(%arg13 : memref<!tpu.dma_semaphore, #tpu.memory_space<semaphore_mem>>)
      %mul3A_689 = arith.constant 3 : i32
      %mul3A_690 = arith.muli %mul3A_689, %add3A_605 : i32
      %add3A_691 = arith.constant 2 : i32
      %add3A_692 = arith.addi %mul3A_690, %add3A_691 : i32
      %sub3A_693 = arith.constant 1 : i32
      %sub3A_694 = arith.subi %add3A_692, %sub3A_693 : i32
      %dma_wait3A_695 = arith.constant 0 : i32
      %dma_wait3A_696 = tpu.memref_slice %arg8[%sub3A_694, %dma_wait3A_695] : memref<125x80xi32, #tpu.memory_space<vmem>> -> memref<1x80xi32, #tpu.memory_space<vmem>>
      %dma_wait3A_697 = tpu.memref_squeeze %dma_wait3A_696 : memref<1x80xi32, #tpu.memory_space<vmem>> -> memref<80xi32, #tpu.memory_space<vmem>>
      %dma_wait3A_698 = arith.constant 0 : i32
      %dma_wait3A_699 = arith.constant 0 : i32
      %dma_wait3A_700 = tpu.memref_slice %arg12[%dma_wait3A_698, %dma_wait3A_699] : memref<10000x128xf32, #tpu.memory_space<vmem_shared>> -> memref<10000x128xf32, #tpu.memory_space<vmem_shared>>
      tpu.wait_indirect_dma semaphore(%arg17 : memref<!tpu.dma_semaphore, #tpu.memory_space<semaphore_mem>>) src(%arg10 : memref<80x128xf32, #tpu.memory_space<vmem>>) dst(%dma_wait3A_700 : memref<10000x128xf32, #tpu.memory_space<vmem_shared>>)
      %dma_wait3A_701 = arith.constant 2 : i32
      %dma_wait3A_702 = arith.constant 0 : i32
      %dma_wait3A_703 = tpu.memref_slice %arg7[%add3A_692, %dma_wait3A_702] : memref<125x80xi32, #tpu.memory_space<vmem>> -> memref<1x80xi32, #tpu.memory_space<vmem>>
      %dma_wait3A_704 = tpu.memref_squeeze %dma_wait3A_703 : memref<1x80xi32, #tpu.memory_space<vmem>> -> memref<80xi32, #tpu.memory_space<vmem>>
      %dma_wait3A_705 = arith.constant 0 : i32
      %dma_wait3A_706 = arith.constant 0 : i32
      %dma_wait3A_707 = tpu.memref_slice %arg2[%dma_wait3A_701, %dma_wait3A_705, %dma_wait3A_706] : memref<3x10000x128xf32, #tpu.memory_space<hbm>> -> memref<1x10000x128xf32, #tpu.memory_space<hbm>>
      %dma_wait3A_708 = tpu.memref_squeeze %dma_wait3A_707 : memref<1x10000x128xf32, #tpu.memory_space<hbm>> -> memref<10000x128xf32, #tpu.memory_space<hbm>>
      %dma_wait3A_709 = arith.constant 0 : i32
      %dma_wait3A_710 = arith.constant 0 : i32
      %dma_wait3A_711 = tpu.memref_slice %dma_wait3A_708[%dma_wait3A_709, %dma_wait3A_710] : memref<10000x128xf32, #tpu.memory_space<hbm>> -> memref<10000x128xf32, #tpu.memory_space<hbm>>
      tpu.wait_indirect_dma semaphore(%arg15 : memref<!tpu.dma_semaphore, #tpu.memory_space<semaphore_mem>>) src(%dma_wait3A_711 : memref<10000x128xf32, #tpu.memory_space<hbm>>) dst(%arg11 : memref<80x128xf32, #tpu.memory_space<vmem>>)
      %dma_start3A_712 = arith.constant 0 : i32
      %dma_start3A_713 = tpu.memref_slice %arg8[%add3A_692, %dma_start3A_712] : memref<125x80xi32, #tpu.memory_space<vmem>> -> memref<1x80xi32, #tpu.memory_space<vmem>>
      %dma_start3A_714 = tpu.memref_squeeze %dma_start3A_713 : memref<1x80xi32, #tpu.memory_space<vmem>> -> memref<80xi32, #tpu.memory_space<vmem>>
      %dma_start3A_715 = arith.constant 0 : i32
      %dma_start3A_716 = arith.constant 0 : i32
      %dma_start3A_717 = tpu.memref_slice %arg12[%dma_start3A_715, %dma_start3A_716] : memref<10000x128xf32, #tpu.memory_space<vmem_shared>> -> memref<10000x128xf32, #tpu.memory_space<vmem_shared>>
      tpu.enqueue_indirect_dma source(%arg11 : memref<80x128xf32, #tpu.memory_space<vmem>>) target(%dma_start3A_717 : memref<10000x128xf32, #tpu.memory_space<vmem_shared>>) offsets(%dma_start3A_714 : memref<80xi32, #tpu.memory_space<vmem>>) semaphore(%arg18 : memref<!tpu.dma_semaphore, #tpu.memory_space<semaphore_mem>>) {add = true}
      %add3A_718 = arith.constant 2 : i32
      %add3A_719 = arith.addi %add3A_692, %add3A_718 : i32
      %dma_start3A_720 = arith.constant 2 : i32
      %dma_start3A_721 = arith.constant 0 : i32
      %dma_start3A_722 = tpu.memref_slice %arg7[%add3A_719, %dma_start3A_721] : memref<125x80xi32, #tpu.memory_space<vmem>> -> memref<1x80xi32, #tpu.memory_space<vmem>>
      %dma_start3A_723 = tpu.memref_squeeze %dma_start3A_722 : memref<1x80xi32, #tpu.memory_space<vmem>> -> memref<80xi32, #tpu.memory_space<vmem>>
      %dma_start3A_724 = arith.constant 0 : i32
      %dma_start3A_725 = arith.constant 0 : i32
      %dma_start3A_726 = tpu.memref_slice %arg2[%dma_start3A_720, %dma_start3A_724, %dma_start3A_725] : memref<3x10000x128xf32, #tpu.memory_space<hbm>> -> memref<1x10000x128xf32, #tpu.memory_space<hbm>>
      %dma_start3A_727 = tpu.memref_squeeze %dma_start3A_726 : memref<1x10000x128xf32, #tpu.memory_space<hbm>> -> memref<10000x128xf32, #tpu.memory_space<hbm>>
      %dma_start3A_728 = arith.constant 0 : i32
      %dma_start3A_729 = arith.constant 0 : i32
      %dma_start3A_730 = tpu.memref_slice %dma_start3A_727[%dma_start3A_728, %dma_start3A_729] : memref<10000x128xf32, #tpu.memory_space<hbm>> -> memref<10000x128xf32, #tpu.memory_space<hbm>>
      tpu.enqueue_indirect_dma source(%dma_start3A_730 : memref<10000x128xf32, #tpu.memory_space<hbm>>) target(%arg10 : memref<80x128xf32, #tpu.memory_space<vmem>>) offsets(%dma_start3A_723 : memref<80xi32, #tpu.memory_space<vmem>>) semaphore(%arg14 : memref<!tpu.dma_semaphore, #tpu.memory_space<semaphore_mem>>)
    }
    %scan3A_538 = arith.constant 40 : i32
    %dma_wait3A_539 = arith.constant 122 : i32
    %dma_wait3A_540 = arith.constant 0 : i32
    %dma_wait3A_541 = tpu.memref_slice %arg8[%dma_wait3A_539, %dma_wait3A_540] : memref<125x80xi32, #tpu.memory_space<vmem>> -> memref<1x80xi32, #tpu.memory_space<vmem>>
    %dma_wait3A_542 = tpu.memref_squeeze %dma_wait3A_541 : memref<1x80xi32, #tpu.memory_space<vmem>> -> memref<80xi32, #tpu.memory_space<vmem>>
    %dma_wait3A_543 = arith.constant 0 : i32
    %dma_wait3A_544 = arith.constant 0 : i32
    %dma_wait3A_545 = tpu.memref_slice %arg12[%dma_wait3A_543, %dma_wait3A_544] : memref<10000x128xf32, #tpu.memory_space<vmem_shared>> -> memref<10000x128xf32, #tpu.memory_space<vmem_shared>>
    tpu.wait_indirect_dma semaphore(%arg18 : memref<!tpu.dma_semaphore, #tpu.memory_space<semaphore_mem>>) src(%arg11 : memref<80x128xf32, #tpu.memory_space<vmem>>) dst(%dma_wait3A_545 : memref<10000x128xf32, #tpu.memory_space<vmem_shared>>)
    %dma_wait3A_546 = arith.constant 2 : i32
    %dma_wait3A_547 = arith.constant 123 : i32
    %dma_wait3A_548 = arith.constant 0 : i32
    %dma_wait3A_549 = tpu.memref_slice %arg7[%dma_wait3A_547, %dma_wait3A_548] : memref<125x80xi32, #tpu.memory_space<vmem>> -> memref<1x80xi32, #tpu.memory_space<vmem>>
    %dma_wait3A_550 = tpu.memref_squeeze %dma_wait3A_549 : memref<1x80xi32, #tpu.memory_space<vmem>> -> memref<80xi32, #tpu.memory_space<vmem>>
    %dma_wait3A_551 = arith.constant 0 : i32
    %dma_wait3A_552 = arith.constant 0 : i32
    %dma_wait3A_553 = tpu.memref_slice %arg2[%dma_wait3A_546, %dma_wait3A_551, %dma_wait3A_552] : memref<3x10000x128xf32, #tpu.memory_space<hbm>> -> memref<1x10000x128xf32, #tpu.memory_space<hbm>>
    %dma_wait3A_554 = tpu.memref_squeeze %dma_wait3A_553 : memref<1x10000x128xf32, #tpu.memory_space<hbm>> -> memref<10000x128xf32, #tpu.memory_space<hbm>>
    %dma_wait3A_555 = arith.constant 0 : i32
    %dma_wait3A_556 = arith.constant 0 : i32
    %dma_wait3A_557 = tpu.memref_slice %dma_wait3A_554[%dma_wait3A_555, %dma_wait3A_556] : memref<10000x128xf32, #tpu.memory_space<hbm>> -> memref<10000x128xf32, #tpu.memory_space<hbm>>
    tpu.wait_indirect_dma semaphore(%arg13 : memref<!tpu.dma_semaphore, #tpu.memory_space<semaphore_mem>>) src(%dma_wait3A_557 : memref<10000x128xf32, #tpu.memory_space<hbm>>) dst(%arg9 : memref<80x128xf32, #tpu.memory_space<vmem>>)
    %dma_start3A_558 = arith.constant 123 : i32
    %dma_start3A_559 = arith.constant 0 : i32
    %dma_start3A_560 = tpu.memref_slice %arg8[%dma_start3A_558, %dma_start3A_559] : memref<125x80xi32, #tpu.memory_space<vmem>> -> memref<1x80xi32, #tpu.memory_space<vmem>>
    %dma_start3A_561 = tpu.memref_squeeze %dma_start3A_560 : memref<1x80xi32, #tpu.memory_space<vmem>> -> memref<80xi32, #tpu.memory_space<vmem>>
    %dma_start3A_562 = arith.constant 0 : i32
    %dma_start3A_563 = arith.constant 0 : i32
    %dma_start3A_564 = tpu.memref_slice %arg12[%dma_start3A_562, %dma_start3A_563] : memref<10000x128xf32, #tpu.memory_space<vmem_shared>> -> memref<10000x128xf32, #tpu.memory_space<vmem_shared>>
    tpu.enqueue_indirect_dma source(%arg9 : memref<80x128xf32, #tpu.memory_space<vmem>>) target(%dma_start3A_564 : memref<10000x128xf32, #tpu.memory_space<vmem_shared>>) offsets(%dma_start3A_561 : memref<80xi32, #tpu.memory_space<vmem>>) semaphore(%arg16 : memref<!tpu.dma_semaphore, #tpu.memory_space<semaphore_mem>>) {add = true}
    %dma_wait3A_565 = arith.constant 123 : i32
    %dma_wait3A_566 = arith.constant 0 : i32
    %dma_wait3A_567 = tpu.memref_slice %arg8[%dma_wait3A_565, %dma_wait3A_566] : memref<125x80xi32, #tpu.memory_space<vmem>> -> memref<1x80xi32, #tpu.memory_space<vmem>>
    %dma_wait3A_568 = tpu.memref_squeeze %dma_wait3A_567 : memref<1x80xi32, #tpu.memory_space<vmem>> -> memref<80xi32, #tpu.memory_space<vmem>>
    %dma_wait3A_569 = arith.constant 0 : i32
    %dma_wait3A_570 = arith.constant 0 : i32
    %dma_wait3A_571 = tpu.memref_slice %arg12[%dma_wait3A_569, %dma_wait3A_570] : memref<10000x128xf32, #tpu.memory_space<vmem_shared>> -> memref<10000x128xf32, #tpu.memory_space<vmem_shared>>
    tpu.wait_indirect_dma semaphore(%arg16 : memref<!tpu.dma_semaphore, #tpu.memory_space<semaphore_mem>>) src(%arg9 : memref<80x128xf32, #tpu.memory_space<vmem>>) dst(%dma_wait3A_571 : memref<10000x128xf32, #tpu.memory_space<vmem_shared>>)
    %dma_wait3A_572 = arith.constant 2 : i32
    %dma_wait3A_573 = arith.constant 124 : i32
    %dma_wait3A_574 = arith.constant 0 : i32
    %dma_wait3A_575 = tpu.memref_slice %arg7[%dma_wait3A_573, %dma_wait3A_574] : memref<125x80xi32, #tpu.memory_space<vmem>> -> memref<1x80xi32, #tpu.memory_space<vmem>>
    %dma_wait3A_576 = tpu.memref_squeeze %dma_wait3A_575 : memref<1x80xi32, #tpu.memory_space<vmem>> -> memref<80xi32, #tpu.memory_space<vmem>>
    %dma_wait3A_577 = arith.constant 0 : i32
    %dma_wait3A_578 = arith.constant 0 : i32
    %dma_wait3A_579 = tpu.memref_slice %arg2[%dma_wait3A_572, %dma_wait3A_577, %dma_wait3A_578] : memref<3x10000x128xf32, #tpu.memory_space<hbm>> -> memref<1x10000x128xf32, #tpu.memory_space<hbm>>
    %dma_wait3A_580 = tpu.memref_squeeze %dma_wait3A_579 : memref<1x10000x128xf32, #tpu.memory_space<hbm>> -> memref<10000x128xf32, #tpu.memory_space<hbm>>
    %dma_wait3A_581 = arith.constant 0 : i32
    %dma_wait3A_582 = arith.constant 0 : i32
    %dma_wait3A_583 = tpu.memref_slice %dma_wait3A_580[%dma_wait3A_581, %dma_wait3A_582] : memref<10000x128xf32, #tpu.memory_space<hbm>> -> memref<10000x128xf32, #tpu.memory_space<hbm>>
    tpu.wait_indirect_dma semaphore(%arg14 : memref<!tpu.dma_semaphore, #tpu.memory_space<semaphore_mem>>) src(%dma_wait3A_583 : memref<10000x128xf32, #tpu.memory_space<hbm>>) dst(%arg10 : memref<80x128xf32, #tpu.memory_space<vmem>>)
    %dma_start3A_584 = arith.constant 124 : i32
    %dma_start3A_585 = arith.constant 0 : i32
    %dma_start3A_586 = tpu.memref_slice %arg8[%dma_start3A_584, %dma_start3A_585] : memref<125x80xi32, #tpu.memory_space<vmem>> -> memref<1x80xi32, #tpu.memory_space<vmem>>
    %dma_start3A_587 = tpu.memref_squeeze %dma_start3A_586 : memref<1x80xi32, #tpu.memory_space<vmem>> -> memref<80xi32, #tpu.memory_space<vmem>>
    %dma_start3A_588 = arith.constant 0 : i32
    %dma_start3A_589 = arith.constant 0 : i32
    %dma_start3A_590 = tpu.memref_slice %arg12[%dma_start3A_588, %dma_start3A_589] : memref<10000x128xf32, #tpu.memory_space<vmem_shared>> -> memref<10000x128xf32, #tpu.memory_space<vmem_shared>>
    tpu.enqueue_indirect_dma source(%arg10 : memref<80x128xf32, #tpu.memory_space<vmem>>) target(%dma_start3A_590 : memref<10000x128xf32, #tpu.memory_space<vmem_shared>>) offsets(%dma_start3A_587 : memref<80xi32, #tpu.memory_space<vmem>>) semaphore(%arg17 : memref<!tpu.dma_semaphore, #tpu.memory_space<semaphore_mem>>) {add = true}
    %dma_wait3A_591 = arith.constant 124 : i32
    %dma_wait3A_592 = arith.constant 0 : i32
    %dma_wait3A_593 = tpu.memref_slice %arg8[%dma_wait3A_591, %dma_wait3A_592] : memref<125x80xi32, #tpu.memory_space<vmem>> -> memref<1x80xi32, #tpu.memory_space<vmem>>
    %dma_wait3A_594 = tpu.memref_squeeze %dma_wait3A_593 : memref<1x80xi32, #tpu.memory_space<vmem>> -> memref<80xi32, #tpu.memory_space<vmem>>
    %dma_wait3A_595 = arith.constant 0 : i32
    %dma_wait3A_596 = arith.constant 0 : i32
    %dma_wait3A_597 = tpu.memref_slice %arg12[%dma_wait3A_595, %dma_wait3A_596] : memref<10000x128xf32, #tpu.memory_space<vmem_shared>> -> memref<10000x128xf32, #tpu.memory_space<vmem_shared>>
    tpu.wait_indirect_dma semaphore(%arg17 : memref<!tpu.dma_semaphore, #tpu.memory_space<semaphore_mem>>) src(%arg10 : memref<80x128xf32, #tpu.memory_space<vmem>>) dst(%dma_wait3A_597 : memref<10000x128xf32, #tpu.memory_space<vmem_shared>>)
    %barrier3A_598 = arith.constant 0 : index
    tpu.barrier barrier_id(%barrier3A_598)
    %run_scoped3A_599 = arith.constant 2 : i32
    "tpu.region"() ({
      %run_scoped3A_601 = tpu.sem_alloc : memref<!tpu.dma_semaphore, #tpu.memory_space<semaphore_mem>>
      %dma_start3A_602 = arith.constant 0 : i32
      %dma_start3A_603 = arith.constant 0 : i32
      %dma_start3A_604 = tpu.memref_slice %arg6[%run_scoped3A_599, %arg0, %arg1, %dma_start3A_602, %dma_start3A_603] : memref<3x2x16x625x128xf32, #tpu.memory_space<hbm>> -> memref<1x1x1x625x128xf32, #tpu.memory_space<hbm>>
      %dma_start3A_605 = tpu.memref_squeeze %dma_start3A_604 : memref<1x1x1x625x128xf32, #tpu.memory_space<hbm>> -> memref<625x128xf32, #tpu.memory_space<hbm>>
      %dma_start3A_606 = arith.constant 0 : i32
      %dma_start3A_607 = tpu.memref_slice %arg12[%mul3A_2, %dma_start3A_606] : memref<10000x128xf32, #tpu.memory_space<vmem_shared>> -> memref<625x128xf32, #tpu.memory_space<vmem_shared>>
      tpu.enqueue_dma source(%dma_start3A_607 : memref<625x128xf32, #tpu.memory_space<vmem_shared>>) target(%dma_start3A_605 : memref<625x128xf32, #tpu.memory_space<hbm>>) target_semaphore(%run_scoped3A_601 : memref<!tpu.dma_semaphore, #tpu.memory_space<semaphore_mem>>)
      %dma_wait3A_608 = arith.constant 0 : i32
      %dma_wait3A_609 = arith.constant 0 : i32
      %dma_wait3A_610 = tpu.memref_slice %arg6[%run_scoped3A_599, %arg0, %arg1, %dma_wait3A_608, %dma_wait3A_609] : memref<3x2x16x625x128xf32, #tpu.memory_space<hbm>> -> memref<1x1x1x625x128xf32, #tpu.memory_space<hbm>>
      %dma_wait3A_611 = tpu.memref_squeeze %dma_wait3A_610 : memref<1x1x1x625x128xf32, #tpu.memory_space<hbm>> -> memref<625x128xf32, #tpu.memory_space<hbm>>
      %dma_wait3A_612 = arith.constant 0 : i32
      %dma_wait3A_613 = tpu.memref_slice %arg12[%mul3A_2, %dma_wait3A_612] : memref<10000x128xf32, #tpu.memory_space<vmem_shared>> -> memref<625x128xf32, #tpu.memory_space<vmem_shared>>
      tpu.wait_dma2 semaphore(%run_scoped3A_601 : memref<!tpu.dma_semaphore, #tpu.memory_space<semaphore_mem>>) src(%dma_wait3A_613 : memref<625x128xf32, #tpu.memory_space<vmem_shared>>) dst(%dma_wait3A_611 : memref<625x128xf32, #tpu.memory_space<hbm>>)
      tpu.yield
    }) : () -> ()
    %barrier3A_600 = arith.constant 0 : index
    tpu.barrier barrier_id(%barrier3A_600)
    return
  }
}

module attributes {stable_mosaic.version = 14 : i64} {
  func.func @body(%arg0: i32, %arg1: i32, %arg2: memref<2x2000x16xf32, #tpu.memory_space<vmem>>, %arg3: memref<1x2000x128xf32, #tpu.memory_space<vmem>>, %arg4: memref<1x2000x128xf32, #tpu.memory_space<vmem>>) attributes {dimension_semantics = [#tpu.dimension_semantics<arbitrary>, #tpu.dimension_semantics<arbitrary>], iteration_bounds = array<i64: 3, 5>, scalar_prefetch = 0 : i64, scratch_operands = 0 : i64, tpu.core_type = #tpu.core_type<tc>, window_params = [{transform_indices = @transform_0, window_bounds = array<i64: 2, 2000, 16>}, {transform_indices = @transform_1, window_bounds = array<i64: 1, 2000, 128>}, {transform_indices = @transform_2, window_bounds = array<i64: 1, 2000, 128>}]} {
    %get3A = arith.constant 0 : index
    %get3A_0 = arith.constant 0 : index
    %get3A_1 = arith.constant 0 : index
    %get3A_2 = vector.load %arg2[%get3A, %get3A_0, %get3A_1] : memref<2x2000x16xf32, #tpu.memory_space<vmem>>, vector<1x2000x16xf32>
    %get3A_3 = vector.shape_cast %get3A_2 : vector<1x2000x16xf32> to vector<2000x16xf32>
    %get3A_4 = arith.constant 1 : index
    %get3A_5 = arith.constant 0 : index
    %get3A_6 = arith.constant 0 : index
    %get3A_7 = vector.load %arg2[%get3A_4, %get3A_5, %get3A_6] : memref<2x2000x16xf32, #tpu.memory_space<vmem>>, vector<1x2000x16xf32>
    %get3A_8 = vector.shape_cast %get3A_7 : vector<1x2000x16xf32> to vector<2000x16xf32>
    %add3A = arith.addf %get3A_3, %get3A_8 : vector<2000x16xf32>
    %slice3A = vector.extract_strided_slice %add3A {offsets = [0, 0], sizes = [2000, 1], strides = [1, 1]} : vector<2000x16xf32> to vector<2000x1xf32>
    %gt3A = arith.constant 0.000000e+00 : f32
    %gt3A_9 = vector.broadcast %gt3A : f32 to vector<2000x1xf32>
    %gt3A_10 = arith.cmpf ogt, %slice3A, %gt3A_9 : vector<2000x1xf32>
    %max3A = arith.constant 1.000000e+00 : f32
    %max3A_11 = vector.broadcast %max3A : f32 to vector<2000x1xf32>
    %max3A_12 = arith.maximumf %slice3A, %max3A_11 : vector<2000x1xf32>
    %rsqrt3A = math.rsqrt %max3A_12 : vector<2000x1xf32>
    %jit3A = arith.constant 0.000000e+00 : f32
    %broadcast_in_dim3A = vector.broadcast %jit3A : f32 to vector<2000x1xf32>
    %select_n3A = arith.select %gt3A_10, %rsqrt3A, %broadcast_in_dim3A : vector<2000x1xi1>, vector<2000x1xf32>
    %get3A_13 = arith.constant 0 : index
    %get3A_14 = arith.constant 0 : index
    %get3A_15 = arith.constant 0 : index
    %get3A_16 = vector.load %arg3[%get3A_13, %get3A_14, %get3A_15] : memref<1x2000x128xf32, #tpu.memory_space<vmem>>, vector<1x2000x128xf32>
    %get3A_17 = vector.shape_cast %get3A_16 : vector<1x2000x128xf32> to vector<2000x128xf32>
    %mul3A = vector.broadcast %select_n3A : vector<2000x1xf32> to vector<2000x128xf32>
    %mul3A_18 = arith.mulf %get3A_17, %mul3A : vector<2000x128xf32>
    %swap3A = arith.constant 0 : index
    %swap3A_19 = arith.constant 0 : index
    %swap3A_20 = arith.constant 0 : index
    %swap3A_21 = vector.load %arg4[%swap3A, %swap3A_19, %swap3A_20] : memref<1x2000x128xf32, #tpu.memory_space<vmem>>, vector<1x2000x128xf32>
    %swap3A_22 = vector.shape_cast %swap3A_21 : vector<1x2000x128xf32> to vector<2000x128xf32>
    %swap3A_23 = vector.shape_cast %mul3A_18 : vector<2000x128xf32> to vector<1x2000x128xf32>
    tpu.vector_store %arg4[%swap3A, %swap3A_19, %swap3A_20], %swap3A_23 {strides = array<i32>} : memref<1x2000x128xf32, #tpu.memory_space<vmem>>, vector<1x2000x128xf32>,
    return
  }
  func.func @transform_0(%arg0: i32, %arg1: i32) -> (i32, i32, i32) {
    %mul3A = arith.constant 2 : i32
    %mul3A_0 = arith.muli %mul3A, %arg0 : i32
    %mul3A_1 = arith.constant 5 : i32
    %mul3A_2 = arith.muli %mul3A_0, %mul3A_1 : i32
    %add3A = arith.addi %mul3A_2, %arg1 : i32
    %c0_i32 = arith.constant 0 : i32
    %c0_i32_3 = arith.constant 0 : i32
    %c0_i32_4 = arith.constant 0 : i32
    return %c0_i32, %add3A, %c0_i32_3 : i32, i32, i32
  }
  func.func @transform_1(%arg0: i32, %arg1: i32) -> (i32, i32, i32) {
    %c0_i32 = arith.constant 0 : i32
    %c0_i32_0 = arith.constant 0 : i32
    return %arg0, %arg1, %c0_i32 : i32, i32, i32
  }
  func.func @transform_2(%arg0: i32, %arg1: i32) -> (i32, i32, i32) {
    %c0_i32 = arith.constant 0 : i32
    %c0_i32_0 = arith.constant 0 : i32
    return %arg0, %arg1, %c0_i32 : i32, i32, i32
  }
}

module attributes {stable_mosaic.version = 14 : i64} {
  func.func @body(%arg0: i32, %arg1: i32, %arg2: memref<1x2x2000x128xf32, #tpu.memory_space<vmem>>, %arg3: memref<2x2000x16xf32, #tpu.memory_space<vmem>>, %arg4: memref<128x128xf32, #tpu.memory_space<vmem>>, %arg5: memref<1x128xf32, #tpu.memory_space<vmem>>, %arg6: memref<1x1xf32, #tpu.memory_space<vmem>>) attributes {dimension_semantics = [#tpu.dimension_semantics<arbitrary>, #tpu.dimension_semantics<arbitrary>], iteration_bounds = array<i64: 3, 5>, scalar_prefetch = 0 : i64, scratch_operands = 0 : i64, tpu.core_type = #tpu.core_type<tc>, window_params = [{transform_indices = @transform_0, window_bounds = array<i64: 1, 2, 2000, 128>}, {transform_indices = @transform_1, window_bounds = array<i64: 2, 2000, 16>}, {pipeline_mode = #tpu.pipeline_mode<synchronous>, transform_indices = @transform_2, window_bounds = array<i64: 128, 128>}, {pipeline_mode = #tpu.pipeline_mode<synchronous>, transform_indices = @transform_3, window_bounds = array<i64: 1, 128>}, {pipeline_mode = #tpu.pipeline_mode<synchronous>, transform_indices = @transform_4, window_bounds = array<i64: 1, 1>}]} {
    %get3A = arith.constant 0 : index
    %get3A_0 = arith.constant 0 : index
    %get3A_1 = arith.constant 0 : index
    %get3A_2 = vector.load %arg3[%get3A, %get3A_0, %get3A_1] : memref<2x2000x16xf32, #tpu.memory_space<vmem>>, vector<1x2000x16xf32>
    %get3A_3 = vector.shape_cast %get3A_2 : vector<1x2000x16xf32> to vector<2000x16xf32>
    %get3A_4 = arith.constant 1 : index
    %get3A_5 = arith.constant 0 : index
    %get3A_6 = arith.constant 0 : index
    %get3A_7 = vector.load %arg3[%get3A_4, %get3A_5, %get3A_6] : memref<2x2000x16xf32, #tpu.memory_space<vmem>>, vector<1x2000x16xf32>
    %get3A_8 = vector.shape_cast %get3A_7 : vector<1x2000x16xf32> to vector<2000x16xf32>
    %add3A = arith.addf %get3A_3, %get3A_8 : vector<2000x16xf32>
    %slice3A = vector.extract_strided_slice %add3A {offsets = [0, 0], sizes = [2000, 1], strides = [1, 1]} : vector<2000x16xf32> to vector<2000x1xf32>
    %gt3A = arith.constant 0.000000e+00 : f32
    %gt3A_9 = vector.broadcast %gt3A : f32 to vector<2000x1xf32>
    %gt3A_10 = arith.cmpf ogt, %slice3A, %gt3A_9 : vector<2000x1xf32>
    %max3A = arith.constant 1.000000e+00 : f32
    %max3A_11 = vector.broadcast %max3A : f32 to vector<2000x1xf32>
    %max3A_12 = arith.maximumf %slice3A, %max3A_11 : vector<2000x1xf32>
    %rsqrt3A = math.rsqrt %max3A_12 : vector<2000x1xf32>
    %jit3A = arith.constant 0.000000e+00 : f32
    %broadcast_in_dim3A = vector.broadcast %jit3A : f32 to vector<2000x1xf32>
    %select_n3A = arith.select %gt3A_10, %rsqrt3A, %broadcast_in_dim3A : vector<2000x1xi1>, vector<2000x1xf32>
    %get3A_13 = arith.constant 0 : index
    %get3A_14 = arith.constant 0 : index
    %get3A_15 = arith.constant 0 : index
    %get3A_16 = arith.constant 0 : index
    %get3A_17 = vector.load %arg2[%get3A_13, %get3A_14, %get3A_15, %get3A_16] : memref<1x2x2000x128xf32, #tpu.memory_space<vmem>>, vector<1x1x2000x128xf32>
    %get3A_18 = vector.shape_cast %get3A_17 : vector<1x1x2000x128xf32> to vector<2000x128xf32>
    %get3A_19 = arith.constant 0 : index
    %get3A_20 = arith.constant 1 : index
    %get3A_21 = arith.constant 0 : index
    %get3A_22 = arith.constant 0 : index
    %get3A_23 = vector.load %arg2[%get3A_19, %get3A_20, %get3A_21, %get3A_22] : memref<1x2x2000x128xf32, #tpu.memory_space<vmem>>, vector<1x1x2000x128xf32>
    %get3A_24 = vector.shape_cast %get3A_23 : vector<1x1x2000x128xf32> to vector<2000x128xf32>
    %add3A_25 = arith.addf %get3A_18, %get3A_24 : vector<2000x128xf32>
    %mul3A = vector.broadcast %select_n3A : vector<2000x1xf32> to vector<2000x128xf32>
    %mul3A_26 = arith.mulf %add3A_25, %mul3A : vector<2000x128xf32>
    %get3A_27 = arith.constant 0 : index
    %get3A_28 = arith.constant 0 : index
    %get3A_29 = vector.load %arg4[%get3A_27, %get3A_28] : memref<128x128xf32, #tpu.memory_space<vmem>>, vector<128x128xf32>
    %dot_general3A = arith.constant dense<0.000000e+00> : vector<2000x128xf32>
    %dot_general3A_30 = tpu.matmul %mul3A_26, %get3A_29, %dot_general3A {dimension_numbers = #tpu.dot_dimension_numbers<[1], [0], [0], [1], [0, 0, 1, 1], [], []>, precision = #tpu.contract_precision<fp32>, transpose_lhs_hint = false} : vector<2000x128xf32>, vector<128x128xf32>, vector<2000x128xf32> -> vector<2000x128xf32>
    %get3A_31 = arith.constant 0 : index
    %get3A_32 = arith.constant 0 : index
    %get3A_33 = vector.load %arg5[%get3A_31, %get3A_32] : memref<1x128xf32, #tpu.memory_space<vmem>>, vector<1x128xf32>
    %add3A_34 = vector.broadcast %get3A_33 : vector<1x128xf32> to vector<2000x128xf32>
    %add3A_35 = arith.addf %dot_general3A_30, %add3A_34 : vector<2000x128xf32>
    %max3A_36 = arith.constant 0.000000e+00 : f32
    %max3A_37 = vector.broadcast %max3A_36 : f32 to vector<2000x128xf32>
    %max3A_38 = arith.maximumf %add3A_35, %max3A_37 : vector<2000x128xf32>
    %eq3A = arith.constant 0 : i32
    %eq3A_39 = arith.cmpi eq, %arg0, %eq3A : i32
    %eq3A_40 = arith.constant 0 : i32
    %eq3A_41 = arith.cmpi eq, %arg1, %eq3A_40 : i32
    %and3A = arith.andi %eq3A_39, %eq3A_41 : i1
    %convert_element_type3A = arith.extui %and3A : i1 to i32
    %cond3A = arith.constant 0 : i32
    %cond3A_42 = arith.cmpi ne, %convert_element_type3A, %cond3A : i32
    scf.if %cond3A_42 {
      %broadcast_in_dim3A_55 = arith.constant 0.000000e+00 : f32
      %broadcast_in_dim3A_56 = vector.broadcast %broadcast_in_dim3A_55 : f32 to vector<1x1xf32>
      %swap3A_57 = arith.constant 0 : index
      %swap3A_58 = arith.constant 0 : index
      %swap3A_59 = vector.load %arg6[%swap3A_57, %swap3A_58] : memref<1x1xf32, #tpu.memory_space<vmem>>, vector<1x1xf32>
      tpu.vector_store %arg6[%swap3A_57, %swap3A_58], %broadcast_in_dim3A_56 {strides = array<i32>} : memref<1x1xf32, #tpu.memory_space<vmem>>, vector<1x1xf32>,
    } else {
    }
    %get3A_43 = arith.constant 0 : index
    %get3A_44 = arith.constant 0 : index
    %get3A_45 = vector.load %arg6[%get3A_43, %get3A_44] : memref<1x1xf32, #tpu.memory_space<vmem>>, vector<1x1xf32>
    %reduce_sum3A = vector.shape_cast %max3A_38 : vector<2000x128xf32> to vector<1x2000x128xf32>
    %reduce_sum3A_46 = arith.constant dense<0.000000e+00> : vector<1xf32>
    %reduce_sum3A_47 = vector.multi_reduction <add>, %reduce_sum3A, %reduce_sum3A_46 [1, 2] : vector<1x2000x128xf32> to vector<1xf32>
    %reduce_sum3A_48 = vector.shape_cast %reduce_sum3A_47 : vector<1xf32> to vector<1x1x1xf32>
    %reduce_sum3A_49 = vector.extract %reduce_sum3A_48[0, 0, 0] : f32 from vector<1x1x1xf32>
    %mul3A_50 = arith.constant 2.6041667E-7 : f32
    %mul3A_51 = arith.mulf %reduce_sum3A_49, %mul3A_50 : f32
    %reshape3A = vector.broadcast %mul3A_51 : f32 to vector<1x1xf32>
    %add3A_52 = arith.addf %get3A_45, %reshape3A : vector<1x1xf32>
    %swap3A = arith.constant 0 : index
    %swap3A_53 = arith.constant 0 : index
    %swap3A_54 = vector.load %arg6[%swap3A, %swap3A_53] : memref<1x1xf32, #tpu.memory_space<vmem>>, vector<1x1xf32>
    tpu.vector_store %arg6[%swap3A, %swap3A_53], %add3A_52 {strides = array<i32>} : memref<1x1xf32, #tpu.memory_space<vmem>>, vector<1x1xf32>,
    return
  }
  func.func @transform_0(%arg0: i32, %arg1: i32) -> (i32, i32, i32, i32) {
    %c0_i32 = arith.constant 0 : i32
    %c0_i32_0 = arith.constant 0 : i32
    %c0_i32_1 = arith.constant 0 : i32
    return %arg0, %c0_i32, %arg1, %c0_i32_0 : i32, i32, i32, i32
  }
  func.func @transform_1(%arg0: i32, %arg1: i32) -> (i32, i32, i32) {
    %mul3A = arith.constant 2 : i32
    %mul3A_0 = arith.muli %mul3A, %arg0 : i32
    %add3A = arith.constant 1 : i32
    %add3A_1 = arith.addi %mul3A_0, %add3A : i32
    %mul3A_2 = arith.constant 5 : i32
    %mul3A_3 = arith.muli %add3A_1, %mul3A_2 : i32
    %add3A_4 = arith.addi %mul3A_3, %arg1 : i32
    %c0_i32 = arith.constant 0 : i32
    %c0_i32_5 = arith.constant 0 : i32
    %c0_i32_6 = arith.constant 0 : i32
    return %c0_i32, %add3A_4, %c0_i32_5 : i32, i32, i32
  }
  func.func @transform_2(%arg0: i32, %arg1: i32) -> (i32, i32) {
    %c0_i32 = arith.constant 0 : i32
    %c0_i32_0 = arith.constant 0 : i32
    %c0_i32_1 = arith.constant 0 : i32
    return %c0_i32, %c0_i32_0 : i32, i32
  }
  func.func @transform_3(%arg0: i32, %arg1: i32) -> (i32, i32) {
    %c0_i32 = arith.constant 0 : i32
    %c0_i32_0 = arith.constant 0 : i32
    %c0_i32_1 = arith.constant 0 : i32
    return %c0_i32, %c0_i32_0 : i32, i32
  }
  func.func @transform_4(%arg0: i32, %arg1: i32) -> (i32, i32) {
    %c0_i32 = arith.constant 0 : i32
    %c0_i32_0 = arith.constant 0 : i32
    %c0_i32_1 = arith.constant 0 : i32
    return %c0_i32, %c0_i32_0 : i32, i32
  }
}

</mosaic_0001>

<sc_bundles>
// kernel: kernel.6.cloned.1.call-start
scs
__scs_entry_jumppad:
0x0: {  	(pc) =	sbr.rel $0x88, $3  }
0x1: {  	(tag) =	ssettag $0x0;
	lr =	simm.s32 $0x1  }
0x2: {  	[smem:$0x3F99] =	sst lr;
	_ =	strace $0xD0000000  }
0x3: {  	_ = 	snop  }
0x4: {  	_ = 	snop  }
0x5: {  	_ = 	snop  }
0x6: {  	_ = 	snop  }
0x7: {  	_ = 	snop  }
__scs_overlays_trampoline_lowered:
0x8: {  	[smem:$0x3FA8] =	sst s0  }
0x9: {  	[smem:$0x3FA9] =	sst s1  }
0xa: {  	[smem:$0x3FAA] =	sst s2  }
0xb: {  	[smem:$0x3FAB] =	sst s3  }
0xc: {  	[smem:$0x3FAC] =	sst s4  }
0xd: {  	[smem:$0x3FAD] =	sst s5  }
0xe: {  	[smem:$0x3FAE] =	sst s6  }
0xf: {  	[smem:$0x3FAF] =	sst s7  }
0x10: {  	[smem:$0x3FB0] =	sst s8  }
0x11: {  	[smem:$0x3FB1] =	sst s9;
	s0 =	simm.s32 @!p0 $0x0  }
0x12: {  	s1 =	sld [smem:$0x3F97];
	s0 =	simm.s32 @p0 $0x1  }
0x13: {  	[smem:$0x3FB2] =	sst s0;
	s0 =	simm.s32 @!p1 $0x0  }
0x14: {  	s2 =	sld [smem:$0x3F96];
	s0 =	simm.s32 @p1 $0x1  }
0x15: {  	[smem:$0x3FB3] =	sst s0;
	s0 =	simm.s32 @!p2 $0x0  }
0x16: {  	s3 =	sld [smem:$0x3FDB];
	s0 =	simm.s32 @p2 $0x1  }
0x17: {  	s4 =	simm.s32 $0x1BF5;
	[smem:$0x3FB5] =	sst s0  }
0x18: {  	s0 =	sld [smem:$0x3F98];
	_ =	swait.ge [sflag:s4], $0x0  }
0x19: {  	s7 =	sld [smem:$0x3F99]  }
0x1a: {  	s8 =	sadd.s32 $0xFFFFE003, lr  }
0x1b: {  	s9 =	sadd.s32 $0xFFFFFEF7, lr;
	s5 =	simm.s32 $0xFFFFFFFF;
	p2 =	slt.u32 s8, $0xFFFFF086  }
0x1c: {  	p1 =	slt.u32 s9, $0xF7A;
	s5 =	simm.s32 @!p2 $0x0  }
0x1d: {  	s5 =	simm.s32 @p1 $0x1;
	p0 =	seq.s32 s7, s2  }
0x1e: {  	s7 =	smul.u32 @!p0 $0xF7A, s2;
	p2 =	seq.s32 @!p0 s5, $0x0  }
0x1f: {  	s9 =	smul.u32 $0xF7A, s1;
	s8 =	simm.s32 @!p0 $0x1BF5;
	p2 =	por !p2, p0  }
0x20: {  	[sflag:s8] =	ssyncset.s32 @!p0 $0xFFFFF086;
	s6 =	sadd.s32 @!p0 s3, s7;
	s7 =	simm.s32 @!p0 $0x108  }
0x21: {  	s3 =	sadd.s32 s3, s9;
	s6 =	sadd.s32 @!p0 $0x88, s6;
	s7 =	simm.s32 @p2 $0x1082  }
0x22: {  	[simem:s7], [sflag:s8] =	dma.local @!p0 [hbm:s6], $0xF7A  }
0x23: {  	s9 =	sor.u32 $0xD0000000, s2;
	s6 =	simm.s32 $0x108;
	_ =	swait.ge @!p0 [sflag:s8], $0x0  }
0x24: {  	s3 =	sadd.s32 $0x88, s3;
	s6 =	simm.s32 @!p1 $0x1082;
	[sflag:s4] =	ssyncset.s32 $0xFFFFF086  }
0x25: {  	[simem:s6], [sflag:s4] =	dma.local [hbm:s3], $0xF7A  }
0x26: {  	[smem:$0x3F99] =	sst s1;
	(tag) =	ssettag s2;
	_ =	strace s9  }
0x27: {  	s1 =	sld [smem:$0x3FA9]  }
0x28: {  	s2 =	sld [smem:$0x3FAA]  }
0x29: {  	s4 =	sld [smem:$0x3FAC]  }
0x2a: {  	p0 =	seq.s32 s5, $0x0;
	s5 =	sld [smem:$0x3FAD]  }
0x2b: {  	s6 =	sld [smem:$0x3FAE]  }
0x2c: {  	s7 =	sld [smem:$0x3FAF]  }
0x2d: {  	s3 =	simm.s32 $0x108;
	s8 =	sld [smem:$0x3FB0]  }
0x2e: {  	s3 =	simm.s32 @!p0 $0x1082;
	s9 =	sld [smem:$0x3FB1]  }
0x2f: {  	lr =	sadd.s32 s0, s3;
	s0 =	sld [smem:$0x3FA8]  }
0x30: {  	s3 =	sld [smem:$0x3FAB]  }
0x31: {  	[smem:$0x3FB4] =	sst s10  }
0x32: {  	s10 =	sld [smem:$0x3FB2];
	_ =	sdelay $0x3  }
0x33: {  	p0 =	seq.s32 s10, $0x1;
	s10 =	sld [smem:$0x3FB4];
	_ =	sdelay $0x3  }
0x34: {  	[smem:$0x3FB4] =	sst s10  }
0x35: {  	s10 =	sld [smem:$0x3FB3];
	_ =	sdelay $0x3  }
0x36: {  	p1 =	seq.s32 s10, $0x1;
	s10 =	sld [smem:$0x3FB4];
	_ =	sdelay $0x3  }
0x37: {  	[smem:$0x3FB4] =	sst s10  }
0x38: {  	s10 =	sld [smem:$0x3FB5]  }
0x39: {  	_ = 	snop;
	(pc) =	sbr.ind lr, $3  }
0x3a: {  	_ = 	snop  }
0x3b: {  	_ = 	snop  }
0x3c: {  	p2 =	seq.s32 s10, $0x1;
	s10 =	sld [smem:$0x3FB4]  }
0x3d: {  	_ =	shalt  }
0x3e: {  	_ =	shalt  }
0x3f: {  	_ =	shalt  }
0x40: {  	_ =	shalt  }
0x41: {  	_ =	shalt  }
0x42: {  	_ =	shalt  }
0x43: {  	_ =	shalt  }
0x44: {  	_ =	shalt  }
0x45: {  	_ =	shalt  }
0x46: {  	_ =	shalt  }
0x47: {  	_ =	shalt  }
0x48: {  	_ =	shalt  }
0x49: {  	_ =	shalt  }
0x4a: {  	_ =	shalt  }
0x4b: {  	_ =	shalt  }
0x4c: {  	_ =	shalt  }
0x4d: {  	_ =	shalt  }
0x4e: {  	_ =	shalt  }
0x4f: {  	_ =	shalt  }
0x50: {  	_ =	shalt  }
0x51: {  	_ =	shalt  }
0x52: {  	_ =	shalt  }
0x53: {  	_ =	shalt  }
0x54: {  	_ =	shalt  }
0x55: {  	_ =	shalt  }
0x56: {  	_ =	shalt  }
0x57: {  	_ =	shalt  }
0x58: {  	_ =	shalt  }
0x59: {  	_ =	shalt  }
0x5a: {  	_ =	shalt  }
0x5b: {  	_ =	shalt  }
0x5c: {  	_ =	shalt  }
0x5d: {  	_ =	shalt  }
0x5e: {  	_ =	shalt  }
0x5f: {  	_ =	shalt  }
0x60: {  	_ =	shalt  }
0x61: {  	_ =	shalt  }
0x62: {  	_ =	shalt  }
0x63: {  	_ =	shalt  }
0x64: {  	_ =	shalt  }
0x65: {  	_ =	shalt  }
0x66: {  	_ =	shalt  }
0x67: {  	_ =	shalt  }
0x68: {  	_ =	shalt  }
0x69: {  	_ =	shalt  }
0x6a: {  	_ =	shalt  }
0x6b: {  	_ =	shalt  }
0x6c: {  	_ =	shalt  }
0x6d: {  	_ =	shalt  }
0x6e: {  	_ =	shalt  }
0x6f: {  	_ =	shalt  }
0x70: {  	_ =	shalt  }
0x71: {  	_ =	shalt  }
0x72: {  	_ =	shalt  }
0x73: {  	_ =	shalt  }
0x74: {  	_ =	shalt  }
0x75: {  	_ =	shalt  }
0x76: {  	_ =	shalt  }
0x77: {  	_ =	shalt  }
0x78: {  	_ =	shalt  }
0x79: {  	_ =	shalt  }
0x7a: {  	_ =	shalt  }
0x7b: {  	_ =	shalt  }
0x7c: {  	_ =	shalt  }
0x7d: {  	_ =	shalt  }
0x7e: {  	_ =	shalt  }
0x7f: {  	_ =	shalt  }
0x80: {  	_ =	shalt  }
0x81: {  	_ =	shalt  }
0x82: {  	_ =	shalt  }
0x83: {  	_ =	shalt  }
0x84: {  	_ =	shalt  }
0x85: {  	_ =	shalt  }
0x86: {  	_ =	shalt  }
0x87: {  	_ =	shalt  }
.Lfunc_end0:
.L_simem_size_0:
called_computation_lowered:
.L_overlay_start_0:
0x88: {  	s2 =	sld [smem:$0x3FD9]  }
0x89: {  	s3 =	sld [smem:$0x3FFE];
	_ =	sdelay $0x1  }
0x8a: {  	s1 =	srdreg.scid  }
0x8b: {  	s0 =	sand.u32 $0x1, s1  }
0x8c: {  	s16 =	sshll.u32 s0, $0xA;
	s2 =	sadd.s32 s3, s2  }
0x8d: {  	s2 =	sadd.s32 s2, s16  }
0x8e: {  	[smem:$0x3FC0] =	sst s2  }
0x8f: {  	_ = 	snop  }
0x90: {  	(tm) =	ssettm $0x1  }
0x91: {  	s17 =	sld [smem:$0x3FFB];
	_ =	sdelay $0x3  }
0x92: {  	_ =	strace s17  }
0x93: {  	s2 =	sld [smem:$0x3FFC];
	_ =	sdelay $0x3  }
0x94: {  	_ =	strace s2  }
0x95: {  	s2 =	sld [smem:$0x3FFD];
	_ =	sdelay $0x3  }
0x96: {  	_ =	strace s2  }
0x97: {  	_ =	strace $0x8FFFFFFF  }
0x98: {  	s18 =	sld [smem:$0x3FDB];
	_ =	sdelay $0x1  }
0x99: {  	s19 =	simm.s32 $_scs_section_size  }
0x9a: {  	s4 =	simm.s32 $_size__tile_overlayer_lowered;
	s5 =	simm.s32 $_tile_overlayer_lowered  }
0x9b: {  	s22 =	simm.s32 $0x1BFF;
	s21 =	sshll.u32 s5, $0x1;
	s2 =	sadd.s32 s19, s18  }
0x9c: {  	s6 =	simm.s32 $0x0;
	s20 =	sshll.u32 s4, $0x1;
	s4 =	sadd.s32 s21, s2  }
0x9d: {  	[timem:s6], [sflag:s22] =	dma.local [hbm:s4], s20  }
0x9e: {  	_ =	swait.ge [sflag:s22], s20  }
0x9f: {  	s3 =	ssub.s32 $0x0, s20;
	[sflag:s22] =	ssyncset.done $0x0  }
0xa0: {  	[sflag:s22] =	ssyncadd.s32 s3;
	_ =	sdelay $0x1  }
0xa1: {  	s23 =	simm.s32 $0x1B8B  }
0xa2: {  	_ =	swait.ge [sflag:s23], $0x1  }
0xa3: {  	[sflag:s23] =	ssyncset.done $0x0  }
0xa4: {  	s25 =	simm.s32 $0x1B8E;
	s24 =	sld [smem:$0x3FFE];
	[sflag:s23] =	ssyncadd.s32 $0xFFFFFFFF  }
0xa5: {  	s26 =	simm.s32 $execute0_lowered;
	[smem:$0x3FD2] =	sst s25  }
0xa6: {  	s4 =	sshll.u32 s26, $0x1;
	_ =	strace $0x80000046;
	[dreg:$0x1] =	wrdreg $0xFFFFFFFF  }
0xa7: {  	s28 =	simm.s32 $_size_execute0_lowered;
	s2 =	sadd.s32 s2, s4;
	[dreg:$0x0] =	wrdreg $0x0  }
0xa8: {  	s4 =	sshll.u32 s28, $0x1;
	[dreg:$0x2] =	wrdreg s2  }
0xa9: {  	[dreg:$0x3] =	wrdreg s4  }
0xaa: {  	[dreg:$0x4] =	wrdreg $0xC0  }
0xab: {  	_ =	task [dreg:s6], $0x5FFFF  }
0xac: {  	[dreg:$0x1] =	wrdreg $0xFFFFFFFF  }
0xad: {  	[dreg:$0x0] =	wrdreg $0x60  }
0xae: {  	[dreg:$0x2] =	wrdreg s24  }
0xaf: {  	[dreg:$0x3] =	wrdreg $0x1EF00  }
0xb0: {  	[dreg:$0x4] =	wrdreg $0x9  }
0xb1: {  	_ =	task.clear_ibuf [dreg:s6], $0x5FFFF;
	_ =	strace $0x90000046  }
0xb2: {  	s29 =	simm.s32 $0x9;
	_ =	strace $0x80000048  }
0xb3: {  	_ =	swait.ge [sflag:s29], $0x1  }
0xb4: {  	[sflag:s29] =	ssyncadd.s32 $0xFFFFFFFF  }
0xb5: {  	_ =	strace $0x90000048  }
0xb6: {  	_ =	sfence  }
0xb7: {  	s30 =	sld [smem:$0x0];
	_ =	sdelay $0x2  }
0xb8: {  	s31 =	sshll.u32 s1, $0xD;
	s1 =	sshrl.u32 s1, $0x2  }
0xb9: {  	s3 =	sand.u32 $0x4000, s31;
	s1 =	sadd.s32 s1, s30  }
0xba: {  	s0 =	sor.u32 s3, s0;
	s1 =	sshll.u32 s1, $0x11  }
0xbb: {  	s0 =	sor.u32 s1, s0  }
0xbc: {  	s0 =	sadd.s32 $0x8F2B, s0  }
0xbd: {  	[sflag:s0] =	ssyncadd.remote.s32 $0x1  }
0xbe: {  	_ =	sfence.sel $0xFFFF  }
0xbf: {  	[dreg:$0x0] =	wrdreg $0xFFFFFFFF;
	(pc) =	sbr.abs _section_cstart, $3  }
0xc0: {  	[dreg:$0x1] =	wrdreg $0xFFFFFFFF  }
0xc1: {  	_ =	task.clear_ibuf [dreg:s6], $0x2FFFF;
	_ =	strace $0x9FFFFFFF  }
0xc2: {  	(tm) =	ssettm $0x7FFFFFFF  }
0xc3: {  	_ =	shalt  }
tec
execute0_lowered:
.L_overlay_start_1:
0x0: {  	(tag) =	ssettag $0x1  }
0x1: {  	s0 =	rddreg [dreg:$0x0]  }
0x2: {  	s1 =	rddreg [dreg:$0x1];
	s3 =	simm.s32 $0x0  }
0x3: {  	s2 =	srdreg.scid;
	s10 =	stileid.u32;
	s28 =	simm.s32 $0x1248  }
0x4: {  	s29 =	simm.s32 $0x12C0;
	s30 =	simm.s32 $0x1338;
	s31 =	simm.s32 $0x13B0  }
0x5: {  	[smem:$0x7FF] =	sst s3;
	s2 =	sand.u32 $0x1, s2;
	s5 =	smul.u32 $0x7530, s10  }
0x6: {  	s23 =	sadd.s32 $0x1200, s0;
	s6 =	sadd.s32 $0x3BC00, s0;
	s9 =	sadd.s32 $0x3BE00, s0  }
0x7: {  	s11 =	sshll.u32 s10, $0x1;
	s12 =	smul.u32 $0x1D4C0, s10;
	s26 =	sshll.u32 s10, $0x6  }
0x8: {  	s4 =	smul.u32 $0xEA600, s2;
	_ =	strace $0x80000047;
	[dreg:$0x6] =	wrdreg s6  }
0x9: {  	[dreg:$0x7] =	wrdreg s9;
	s7 =	ssub.s32 $0x2, s2;
	s9 =	smul.u32 $0xEA60, s10  }
0xa: {  	s10 =	simm.s32 $0x16F8;
	[dreg:$0x11] =	wrdreg s23;
	s8 =	sshrl.u32 s7, $0x1  }
0xb: {  	s6 =	sshrl.u32 s12, $0x2;
	s12 =	simm.s32 $0xF78;
	s4 =	sadd.s32 s5, s4  }
0xc: {  	s5 =	sor.u32 s2, s11;
	s13 =	ssub.s32 s7, s8;
	s2 =	smul.u32 $0x7530, s2  }
0xd: {  	s6 =	sadd.s32 s6, s1;
	s8 =	simm.s32 $0x1608;
	s4 =	sshrl.u32 s4, $0x3  }
0xe: {  	s5 =	smul.u32 $0x7530, s5;
	s0 =	sadd.s32 s4, s0;
	s2 =	sadd.s32 s2, s9  }
0xf: {  	s4 =	smax.u32 s13, $0x1;
	s13 =	simm.s32 $0xFF0;
	s9 =	simm.s32 $0x1680  }
0x10: {  	s14 =	sshrl.u32 s5, $0x3;
	s15 =	sadd.s32 $0xBB8, s5;
	s17 =	sadd.s32 $0x3CE00, s0  }
0x11: {  	s5 =	sadd.s32 $0xEB1B8, s5;
	s0 =	sadd.s32 $0x4B860, s0;
	s19 =	sadd.s32 $0x2328, s2  }
0x12: {  	[dreg:$0xe] =	wrdreg s4;
	s20 =	sadd.s32 $0xEC928, s2;
	s21 =	sadd.s32 $0xEBD70, s2  }
0x13: {  	s2 =	sadd.s32 $0x1770, s2;
	s11 =	sadd.s32 s23, s14;
	[dreg:$0xa] =	wrdreg s17  }
0x14: {  	s16 =	sshrl.u32 s15, $0x3;
	s5 =	sshrl.u32 s5, $0x3;
	[dreg:$0xd] =	wrdreg s0  }
0x15: {  	s0 =	sshrl.u32 s19, $0x3;
	s4 =	sshrl.u32 s20, $0x3;
	s24 =	sshrl.u32 s21, $0x3  }
0x16: {  	[dreg:$0xf] =	wrdreg s2;
	s15 =	simm.s32 $0x1770;
	s19 =	simm.s32 $0x1  }
0x17: {  	s20 =	simm.s32 $0x78;
	s14 =	simm.s32 $0x1158;
	s17 =	simm.s32 $0x11D0  }
0x18: {  	s2 =	simm.s32 $0x1518;
	s7 =	sadd.s32 s23, s16;
	[dreg:$0x8] =	wrdreg s11  }
0x19: {  	s21 =	simm.s32 $0x4;
	s18 =	sadd.s32 $0x1D4C0, s11;
	[dreg:$0x9] =	wrdreg s7  }
0x1a: {  	s5 =	sadd.s32 s23, s5;
	s0 =	sadd.s32 s0, s23;
	[dreg:$0xb] =	wrdreg s18  }
0x1b: {  	s22 =	sadd.s32 s4, s23;
	s25 =	sadd.s32 s24, s23;
	[dreg:$0xc] =	wrdreg s5  }
0x1c: {  	s24 =	simm.s32 $0x5;
	s16 =	simm.s32 $0x2;
	[dreg:$0x3] =	wrdreg s0  }
0x1d: {  	s11 =	simm.s32 $0xF00;
	s4 =	simm.s32 $0x3;
	[dreg:$0x4] =	wrdreg s22  }
0x1e: {  	[dreg:$0x5] =	wrdreg s25;
	s25 =	sor.u32 $0x1C05, s26;
	s22 =	simm.s32 $0x0  }
0x1f: {  	s26 =	sshrl.u32 s6, $0x3;
	s7 =	simm.s32 $0x1068;
	[dreg:$0x13] =	wrdreg s22  }
0x20: {  	s6 =	simm.s32 $0x10E0;
	s18 =	simm.s32 $0x1428;
	[dreg:$0x10] =	wrdreg s25  }
0x21: {  	s0 =	simm.s32 $0x14A0;
	s5 =	simm.s32 $0x1590;
	[dreg:$0x12] =	wrdreg s26  }
.LBB2_1:
0x22: {  	s22 =	rddreg [dreg:$0x6]  }
0x23: {  	[tilespmem:s15], [sflag:$0x5] =	stream.linear.gather [hbm4b:s22+s3], $0x780, $0x38;
	[tilespmem:$0x9420] =	vst v63  }
0x24: {  	_ =	swait.ge [sflag:s24], $0x780  }
0x25: {  	[sflag:s24] =	ssyncset.done $0x0  }
0x26: {  	s22 =	rddreg [dreg:$0x7];
	[sflag:s24] =	ssyncadd.s32 $0xFFFFF880  }
0x27: {  	[spmem:s26], [sflag:s25] =	dma.local [hbm:s22], $0xEA6  }
0x28: {  	_ =	swait.ge [sflag:s24], $0xEA6  }
0x29: {  	[sflag:s24] =	ssyncset.done $0x0  }
0x2a: {  	[sflag:s24] =	ssyncadd.s32 $0xFFFFF15A  }
0x2b: {  	[bflag:$0x0] =	sbarrier.arrive $0xFFFF  }
0x2c: {  	s24 =	rddreg [dreg:$0x8]  }
0x2d: {  	[tilespmem:s3], [sflag:$0x1] =	stream.linear.gather [hbm4b:s24+s3], $0xBB8, $0x38;
	[tilespmem:$0x9420] =	vst v63  }
0x2e: {  	_ =	swait.ge [sflag:s19], $0xBB8  }
0x2f: {  	[sflag:s19] =	ssyncset.done $0x0  }
0x30: {  	[sflag:s19] =	ssyncadd.s32 $0xFFFFF448  }
0x31: {  	[spmem:s1] =	stream.indirect.scatter.add.f32 [tilespmem:s15], [sflag:$0x3], $0x10, s3, s20, $0xb8;
	[tilespmem:$0x9420] =	vst v63  }
0x32: {  	_ = 	snop  }
0x33: {  	[spmem:s1] =	stream.indirect.scatter.add.f32 [tilespmem:s15], [sflag:$0x3], $0x10, s20, s20, $0xb8;
	[tilespmem:$0x9420] =	vst v63  }
0x34: {  	s25 =	simm.s32 $0xF0  }
0x35: {  	[spmem:s1] =	stream.indirect.scatter.add.f32 [tilespmem:s15], [sflag:$0x3], $0x10, s25, s20, $0xb8;
	[tilespmem:$0x9420] =	vst v63  }
0x36: {  	s26 =	simm.s32 $0x168  }
0x37: {  	[spmem:s1] =	stream.indirect.scatter.add.f32 [tilespmem:s15], [sflag:$0x3], $0x10, s26, s20, $0xb8;
	[tilespmem:$0x9420] =	vst v63  }
0x38: {  	s26 =	simm.s32 $0x1E0  }
0x39: {  	[spmem:s1] =	stream.indirect.scatter.add.f32 [tilespmem:s15], [sflag:$0x3], $0x10, s26, s20, $0xb8;
	[tilespmem:$0x9420] =	vst v63  }
0x3a: {  	s24 =	simm.s32 $0x258  }
0x3b: {  	[spmem:s1] =	stream.indirect.scatter.add.f32 [tilespmem:s15], [sflag:$0x3], $0x10, s24, s20, $0xb8;
	[tilespmem:$0x9420] =	vst v63  }
0x3c: {  	s25 =	simm.s32 $0x2D0  }
0x3d: {  	[spmem:s1] =	stream.indirect.scatter.add.f32 [tilespmem:s15], [sflag:$0x3], $0x10, s25, s20, $0xb8;
	[tilespmem:$0x9420] =	vst v63  }
0x3e: {  	s24 =	simm.s32 $0x348  }
0x3f: {  	[spmem:s1] =	stream.indirect.scatter.add.f32 [tilespmem:s15], [sflag:$0x3], $0x10, s24, s20, $0xb8;
	[tilespmem:$0x9420] =	vst v63  }
0x40: {  	s25 =	simm.s32 $0x3C0  }
0x41: {  	[spmem:s1] =	stream.indirect.scatter.add.f32 [tilespmem:s15], [sflag:$0x3], $0x10, s25, s20, $0xb8;
	[tilespmem:$0x9420] =	vst v63  }
0x42: {  	s24 =	simm.s32 $0x438  }
0x43: {  	[spmem:s1] =	stream.indirect.scatter.add.f32 [tilespmem:s15], [sflag:$0x3], $0x10, s24, s20, $0xb8;
	[tilespmem:$0x9420] =	vst v63  }
0x44: {  	s25 =	simm.s32 $0x4B0  }
0x45: {  	[spmem:s1] =	stream.indirect.scatter.add.f32 [tilespmem:s15], [sflag:$0x3], $0x10, s25, s20, $0xb8;
	[tilespmem:$0x9420] =	vst v63  }
0x46: {  	s24 =	simm.s32 $0x528  }
0x47: {  	[spmem:s1] =	stream.indirect.scatter.add.f32 [tilespmem:s15], [sflag:$0x3], $0x10, s24, s20, $0xb8;
	[tilespmem:$0x9420] =	vst v63  }
0x48: {  	s25 =	simm.s32 $0x5A0  }
0x49: {  	[spmem:s1] =	stream.indirect.scatter.add.f32 [tilespmem:s15], [sflag:$0x3], $0x10, s25, s20, $0xb8;
	[tilespmem:$0x9420] =	vst v63  }
0x4a: {  	s24 =	simm.s32 $0x618  }
0x4b: {  	[spmem:s1] =	stream.indirect.scatter.add.f32 [tilespmem:s15], [sflag:$0x3], $0x10, s24, s20, $0xb8;
	[tilespmem:$0x9420] =	vst v63  }
0x4c: {  	s25 =	simm.s32 $0x690  }
0x4d: {  	[spmem:s1] =	stream.indirect.scatter.add.f32 [tilespmem:s15], [sflag:$0x3], $0x10, s25, s20, $0xb8;
	[tilespmem:$0x9420] =	vst v63  }
0x4e: {  	s24 =	simm.s32 $0x708  }
0x4f: {  	[spmem:s1] =	stream.indirect.scatter.add.f32 [tilespmem:s15], [sflag:$0x3], $0x10, s24, s20, $0xb8;
	[tilespmem:$0x9420] =	vst v63  }
0x50: {  	s25 =	simm.s32 $0x780  }
0x51: {  	[spmem:s1] =	stream.indirect.scatter.add.f32 [tilespmem:s15], [sflag:$0x3], $0x10, s25, s20, $0xb8;
	[tilespmem:$0x9420] =	vst v63  }
0x52: {  	s24 =	simm.s32 $0x7F8  }
0x53: {  	[spmem:s1] =	stream.indirect.scatter.add.f32 [tilespmem:s15], [sflag:$0x3], $0x10, s24, s20, $0xb8;
	[tilespmem:$0x9420] =	vst v63  }
0x54: {  	s25 =	simm.s32 $0x870  }
0x55: {  	[spmem:s1] =	stream.indirect.scatter.add.f32 [tilespmem:s15], [sflag:$0x3], $0x10, s25, s20, $0xb8;
	[tilespmem:$0x9420] =	vst v63  }
0x56: {  	s24 =	simm.s32 $0x8E8  }
0x57: {  	[spmem:s1] =	stream.indirect.scatter.add.f32 [tilespmem:s15], [sflag:$0x3], $0x10, s24, s20, $0xb8;
	[tilespmem:$0x9420] =	vst v63  }
0x58: {  	s25 =	simm.s32 $0x960  }
0x59: {  	[spmem:s1] =	stream.indirect.scatter.add.f32 [tilespmem:s15], [sflag:$0x3], $0x10, s25, s20, $0xb8;
	[tilespmem:$0x9420] =	vst v63  }
0x5a: {  	s24 =	simm.s32 $0x9D8  }
0x5b: {  	[spmem:s1] =	stream.indirect.scatter.add.f32 [tilespmem:s15], [sflag:$0x3], $0x10, s24, s20, $0xb8;
	[tilespmem:$0x9420] =	vst v63  }
0x5c: {  	s25 =	simm.s32 $0xA50  }
0x5d: {  	[spmem:s1] =	stream.indirect.scatter.add.f32 [tilespmem:s15], [sflag:$0x3], $0x10, s25, s20, $0xb8;
	[tilespmem:$0x9420] =	vst v63  }
0x5e: {  	s24 =	simm.s32 $0xAC8  }
0x5f: {  	[spmem:s1] =	stream.indirect.scatter.add.f32 [tilespmem:s15], [sflag:$0x3], $0x10, s24, s20, $0xb8;
	[tilespmem:$0x9420] =	vst v63  }
0x60: {  	s25 =	simm.s32 $0xB40  }
0x61: {  	[spmem:s1] =	stream.indirect.scatter.add.f32 [tilespmem:s15], [sflag:$0x3], $0x10, s25, s20, $0xb8;
	[tilespmem:$0x9420] =	vst v63  }
0x62: {  	s24 =	rddreg [dreg:$0x9];
	s25 =	simm.s32 $0xBB8  }
0x63: {  	[tilespmem:s25], [sflag:$0x2] =	stream.linear.gather [hbm4b:s24+s3], $0xBB8, $0x38;
	[tilespmem:$0x9420] =	vst v63  }
0x64: {  	_ =	swait.ge [sflag:s16], $0xBB8  }
0x65: {  	[sflag:s16] =	ssyncset.done $0x0  }
0x66: {  	[sflag:s16] =	ssyncadd.s32 $0xFFFFF448  }
0x67: {  	[spmem:s1] =	stream.indirect.scatter.add.f32 [tilespmem:s15], [sflag:$0x4], $0x10, s25, s20, $0xb8;
	[tilespmem:$0x9420] =	vst v63  }
0x68: {  	s24 =	simm.s32 $0xC30  }
0x69: {  	[spmem:s1] =	stream.indirect.scatter.add.f32 [tilespmem:s15], [sflag:$0x4], $0x10, s24, s20, $0xb8;
	[tilespmem:$0x9420] =	vst v63  }
0x6a: {  	s25 =	simm.s32 $0xCA8  }
0x6b: {  	[spmem:s1] =	stream.indirect.scatter.add.f32 [tilespmem:s15], [sflag:$0x4], $0x10, s25, s20, $0xb8;
	[tilespmem:$0x9420] =	vst v63  }
0x6c: {  	s24 =	simm.s32 $0xD20  }
0x6d: {  	[spmem:s1] =	stream.indirect.scatter.add.f32 [tilespmem:s15], [sflag:$0x4], $0x10, s24, s20, $0xb8;
	[tilespmem:$0x9420] =	vst v63  }
0x6e: {  	s25 =	simm.s32 $0xD98  }
0x6f: {  	[spmem:s1] =	stream.indirect.scatter.add.f32 [tilespmem:s15], [sflag:$0x4], $0x10, s25, s20, $0xb8;
	[tilespmem:$0x9420] =	vst v63  }
0x70: {  	s24 =	simm.s32 $0xE10  }
0x71: {  	[spmem:s1] =	stream.indirect.scatter.add.f32 [tilespmem:s15], [sflag:$0x4], $0x10, s24, s20, $0xb8;
	[tilespmem:$0x9420] =	vst v63  }
0x72: {  	s25 =	simm.s32 $0xE88  }
0x73: {  	[spmem:s1] =	stream.indirect.scatter.add.f32 [tilespmem:s15], [sflag:$0x4], $0x10, s25, s20, $0xb8;
	[tilespmem:$0x9420] =	vst v63  }
0x74: {  	_ = 	snop  }
0x75: {  	[spmem:s1] =	stream.indirect.scatter.add.f32 [tilespmem:s15], [sflag:$0x4], $0x10, s11, s20, $0xb8;
	[tilespmem:$0x9420] =	vst v63  }
0x76: {  	_ = 	snop  }
0x77: {  	[spmem:s1] =	stream.indirect.scatter.add.f32 [tilespmem:s15], [sflag:$0x4], $0x10, s12, s20, $0xb8;
	[tilespmem:$0x9420] =	vst v63  }
0x78: {  	_ = 	snop  }
0x79: {  	[spmem:s1] =	stream.indirect.scatter.add.f32 [tilespmem:s15], [sflag:$0x4], $0x10, s13, s20, $0xb8;
	[tilespmem:$0x9420] =	vst v63  }
0x7a: {  	_ = 	snop  }
0x7b: {  	[spmem:s1] =	stream.indirect.scatter.add.f32 [tilespmem:s15], [sflag:$0x4], $0x10, s7, s20, $0xb8;
	[tilespmem:$0x9420] =	vst v63  }
0x7c: {  	_ = 	snop  }
0x7d: {  	[spmem:s1] =	stream.indirect.scatter.add.f32 [tilespmem:s15], [sflag:$0x4], $0x10, s6, s20, $0xb8;
	[tilespmem:$0x9420] =	vst v63  }
0x7e: {  	_ = 	snop  }
0x7f: {  	[spmem:s1] =	stream.indirect.scatter.add.f32 [tilespmem:s15], [sflag:$0x4], $0x10, s14, s20, $0xb8;
	[tilespmem:$0x9420] =	vst v63  }
0x80: {  	_ = 	snop  }
0x81: {  	[spmem:s1] =	stream.indirect.scatter.add.f32 [tilespmem:s15], [sflag:$0x4], $0x10, s17, s20, $0xb8;
	[tilespmem:$0x9420] =	vst v63  }
0x82: {  	_ = 	snop  }
0x83: {  	[spmem:s1] =	stream.indirect.scatter.add.f32 [tilespmem:s15], [sflag:$0x4], $0x10, s28, s20, $0xb8;
	[tilespmem:$0x9420] =	vst v63  }
0x84: {  	_ = 	snop  }
0x85: {  	[spmem:s1] =	stream.indirect.scatter.add.f32 [tilespmem:s15], [sflag:$0x4], $0x10, s29, s20, $0xb8;
	[tilespmem:$0x9420] =	vst v63  }
0x86: {  	_ = 	snop  }
0x87: {  	[spmem:s1] =	stream.indirect.scatter.add.f32 [tilespmem:s15], [sflag:$0x4], $0x10, s30, s20, $0xb8;
	[tilespmem:$0x9420] =	vst v63  }
0x88: {  	_ = 	snop  }
0x89: {  	[spmem:s1] =	stream.indirect.scatter.add.f32 [tilespmem:s15], [sflag:$0x4], $0x10, s31, s20, $0xb8;
	[tilespmem:$0x9420] =	vst v63  }
0x8a: {  	_ = 	snop  }
0x8b: {  	[spmem:s1] =	stream.indirect.scatter.add.f32 [tilespmem:s15], [sflag:$0x4], $0x10, s18, s20, $0xb8;
	[tilespmem:$0x9420] =	vst v63  }
0x8c: {  	_ = 	snop  }
0x8d: {  	[spmem:s1] =	stream.indirect.scatter.add.f32 [tilespmem:s15], [sflag:$0x4], $0x10, s0, s20, $0xb8;
	[tilespmem:$0x9420] =	vst v63  }
0x8e: {  	_ = 	snop  }
0x8f: {  	[spmem:s1] =	stream.indirect.scatter.add.f32 [tilespmem:s15], [sflag:$0x4], $0x10, s2, s20, $0xb8;
	[tilespmem:$0x9420] =	vst v63  }
0x90: {  	_ = 	snop  }
0x91: {  	[spmem:s1] =	stream.indirect.scatter.add.f32 [tilespmem:s15], [sflag:$0x4], $0x10, s5, s20, $0xb8;
	[tilespmem:$0x9420] =	vst v63  }
0x92: {  	_ = 	snop  }
0x93: {  	[spmem:s1] =	stream.indirect.scatter.add.f32 [tilespmem:s15], [sflag:$0x4], $0x10, s8, s20, $0xb8;
	[tilespmem:$0x9420] =	vst v63  }
0x94: {  	_ = 	snop  }
0x95: {  	[spmem:s1] =	stream.indirect.scatter.add.f32 [tilespmem:s15], [sflag:$0x4], $0x10, s9, s20, $0xb8;
	[tilespmem:$0x9420] =	vst v63  }
0x96: {  	_ = 	snop  }
0x97: {  	[spmem:s1] =	stream.indirect.scatter.add.f32 [tilespmem:s15], [sflag:$0x4], $0x10, s10, s20, $0xb8;
	[tilespmem:$0x9420] =	vst v63  }
0x98: {  	_ =	swait.ge [sflag:s4], $0x780  }
0x99: {  	[sflag:s4] =	ssyncset.done $0x0  }
0x9a: {  	[sflag:s4] =	ssyncadd.s32 $0xFFFFF880  }
0x9b: {  	_ =	swait.ge [sflag:s4], $0x780  }
0x9c: {  	[sflag:s4] =	ssyncset.done $0x0  }
0x9d: {  	[sflag:s4] =	ssyncadd.s32 $0xFFFFF880  }
0x9e: {  	_ =	swait.ge [sflag:s4], $0x780  }
0x9f: {  	[sflag:s4] =	ssyncset.done $0x0  }
0xa0: {  	[sflag:s4] =	ssyncadd.s32 $0xFFFFF880  }
0xa1: {  	_ =	swait.ge [sflag:s4], $0x780  }
0xa2: {  	[sflag:s4] =	ssyncset.done $0x0  }
0xa3: {  	[sflag:s4] =	ssyncadd.s32 $0xFFFFF880  }
0xa4: {  	_ =	swait.ge [sflag:s4], $0x780  }
0xa5: {  	[sflag:s4] =	ssyncset.done $0x0  }
0xa6: {  	[sflag:s4] =	ssyncadd.s32 $0xFFFFF880  }
0xa7: {  	_ =	swait.ge [sflag:s4], $0x780  }
0xa8: {  	[sflag:s4] =	ssyncset.done $0x0  }
0xa9: {  	[sflag:s4] =	ssyncadd.s32 $0xFFFFF880  }
0xaa: {  	_ =	swait.ge [sflag:s4], $0x780  }
0xab: {  	[sflag:s4] =	ssyncset.done $0x0  }
0xac: {  	[sflag:s4] =	ssyncadd.s32 $0xFFFFF880  }
0xad: {  	_ =	swait.ge [sflag:s4], $0x780  }
0xae: {  	[sflag:s4] =	ssyncset.done $0x0  }
0xaf: {  	[sflag:s4] =	ssyncadd.s32 $0xFFFFF880  }
0xb0: {  	_ =	swait.ge [sflag:s4], $0x780  }
0xb1: {  	[sflag:s4] =	ssyncset.done $0x0  }
0xb2: {  	[sflag:s4] =	ssyncadd.s32 $0xFFFFF880  }
0xb3: {  	_ =	swait.ge [sflag:s4], $0x780  }
0xb4: {  	[sflag:s4] =	ssyncset.done $0x0  }
0xb5: {  	[sflag:s4] =	ssyncadd.s32 $0xFFFFF880  }
0xb6: {  	_ =	swait.ge [sflag:s4], $0x780  }
0xb7: {  	[sflag:s4] =	ssyncset.done $0x0  }
0xb8: {  	[sflag:s4] =	ssyncadd.s32 $0xFFFFF880  }
0xb9: {  	_ =	swait.ge [sflag:s4], $0x780  }
0xba: {  	[sflag:s4] =	ssyncset.done $0x0  }
0xbb: {  	[sflag:s4] =	ssyncadd.s32 $0xFFFFF880  }
0xbc: {  	_ =	swait.ge [sflag:s4], $0x780  }
0xbd: {  	[sflag:s4] =	ssyncset.done $0x0  }
0xbe: {  	[sflag:s4] =	ssyncadd.s32 $0xFFFFF880  }
0xbf: {  	_ =	swait.ge [sflag:s4], $0x780  }
0xc0: {  	[sflag:s4] =	ssyncset.done $0x0  }
0xc1: {  	[sflag:s4] =	ssyncadd.s32 $0xFFFFF880  }
0xc2: {  	_ =	swait.ge [sflag:s4], $0x780  }
0xc3: {  	[sflag:s4] =	ssyncset.done $0x0  }
0xc4: {  	[sflag:s4] =	ssyncadd.s32 $0xFFFFF880  }
0xc5: {  	_ =	swait.ge [sflag:s4], $0x780  }
0xc6: {  	[sflag:s4] =	ssyncset.done $0x0  }
0xc7: {  	[sflag:s4] =	ssyncadd.s32 $0xFFFFF880  }
0xc8: {  	_ =	swait.ge [sflag:s4], $0x780  }
0xc9: {  	[sflag:s4] =	ssyncset.done $0x0  }
0xca: {  	[sflag:s4] =	ssyncadd.s32 $0xFFFFF880  }
0xcb: {  	_ =	swait.ge [sflag:s4], $0x780  }
0xcc: {  	[sflag:s4] =	ssyncset.done $0x0  }
0xcd: {  	[sflag:s4] =	ssyncadd.s32 $0xFFFFF880  }
0xce: {  	_ =	swait.ge [sflag:s4], $0x780  }
0xcf: {  	[sflag:s4] =	ssyncset.done $0x0  }
0xd0: {  	[sflag:s4] =	ssyncadd.s32 $0xFFFFF880  }
0xd1: {  	_ =	swait.ge [sflag:s4], $0x780  }
0xd2: {  	[sflag:s4] =	ssyncset.done $0x0  }
0xd3: {  	[sflag:s4] =	ssyncadd.s32 $0xFFFFF880  }
0xd4: {  	_ =	swait.ge [sflag:s4], $0x780  }
0xd5: {  	[sflag:s4] =	ssyncset.done $0x0  }
0xd6: {  	[sflag:s4] =	ssyncadd.s32 $0xFFFFF880  }
0xd7: {  	_ =	swait.ge [sflag:s4], $0x780  }
0xd8: {  	[sflag:s4] =	ssyncset.done $0x0  }
0xd9: {  	[sflag:s4] =	ssyncadd.s32 $0xFFFFF880  }
0xda: {  	_ =	swait.ge [sflag:s4], $0x780  }
0xdb: {  	[sflag:s4] =	ssyncset.done $0x0  }
0xdc: {  	[sflag:s4] =	ssyncadd.s32 $0xFFFFF880  }
0xdd: {  	_ =	swait.ge [sflag:s4], $0x780  }
0xde: {  	[sflag:s4] =	ssyncset.done $0x0  }
0xdf: {  	[sflag:s4] =	ssyncadd.s32 $0xFFFFF880  }
0xe0: {  	_ =	swait.ge [sflag:s4], $0x780  }
0xe1: {  	s25 =	rddreg [dreg:$0xf]  }
0xe2: {  	[sflag:s4] =	ssyncset.done $0x0;
	s24 =	sshrl.u32 s25, $0x3  }
0xe3: {  	[sflag:s4] =	ssyncadd.s32 $0xFFFFF880;
	s22 =	sadd.s32 s23, s24  }
0xe4: {  	[tilespmem:s3], [sflag:$0x1] =	stream.linear.gather [hbm4b:s22+s3], $0xBB8, $0x38;
	[tilespmem:$0x9420] =	vst v63  }
0xe5: {  	_ =	swait.ge [sflag:s19], $0xBB8  }
0xe6: {  	[sflag:s19] =	ssyncset.done $0x0  }
0xe7: {  	[sflag:s19] =	ssyncadd.s32 $0xFFFFF448  }
0xe8: {  	[spmem:s1] =	stream.indirect.scatter.add.f32 [tilespmem:s15], [sflag:$0x3], $0x10, s3, s20, $0xb8;
	[tilespmem:$0x9420] =	vst v63  }
0xe9: {  	_ = 	snop  }
0xea: {  	[spmem:s1] =	stream.indirect.scatter.add.f32 [tilespmem:s15], [sflag:$0x3], $0x10, s20, s20, $0xb8;
	[tilespmem:$0x9420] =	vst v63  }
0xeb: {  	s24 =	simm.s32 $0xF0  }
0xec: {  	[spmem:s1] =	stream.indirect.scatter.add.f32 [tilespmem:s15], [sflag:$0x3], $0x10, s24, s20, $0xb8;
	[tilespmem:$0x9420] =	vst v63  }
0xed: {  	s24 =	simm.s32 $0x168  }
0xee: {  	[spmem:s1] =	stream.indirect.scatter.add.f32 [tilespmem:s15], [sflag:$0x3], $0x10, s24, s20, $0xb8;
	[tilespmem:$0x9420] =	vst v63  }
0xef: {  	_ = 	snop  }
0xf0: {  	[spmem:s1] =	stream.indirect.scatter.add.f32 [tilespmem:s15], [sflag:$0x3], $0x10, s26, s20, $0xb8;
	[tilespmem:$0x9420] =	vst v63  }
0xf1: {  	s24 =	simm.s32 $0x258  }
0xf2: {  	[spmem:s1] =	stream.indirect.scatter.add.f32 [tilespmem:s15], [sflag:$0x3], $0x10, s24, s20, $0xb8;
	[tilespmem:$0x9420] =	vst v63  }
0xf3: {  	s26 =	simm.s32 $0x2D0  }
0xf4: {  	[spmem:s1] =	stream.indirect.scatter.add.f32 [tilespmem:s15], [sflag:$0x3], $0x10, s26, s20, $0xb8;
	[tilespmem:$0x9420] =	vst v63  }
0xf5: {  	s24 =	simm.s32 $0x348  }
0xf6: {  	[spmem:s1] =	stream.indirect.scatter.add.f32 [tilespmem:s15], [sflag:$0x3], $0x10, s24, s20, $0xb8;
	[tilespmem:$0x9420] =	vst v63  }
0xf7: {  	s26 =	simm.s32 $0x3C0  }
0xf8: {  	[spmem:s1] =	stream.indirect.scatter.add.f32 [tilespmem:s15], [sflag:$0x3], $0x10, s26, s20, $0xb8;
	[tilespmem:$0x9420] =	vst v63  }
0xf9: {  	s24 =	simm.s32 $0x438  }
0xfa: {  	[spmem:s1] =	stream.indirect.scatter.add.f32 [tilespmem:s15], [sflag:$0x3], $0x10, s24, s20, $0xb8;
	[tilespmem:$0x9420] =	vst v63  }
0xfb: {  	s26 =	simm.s32 $0x4B0  }
0xfc: {  	[spmem:s1] =	stream.indirect.scatter.add.f32 [tilespmem:s15], [sflag:$0x3], $0x10, s26, s20, $0xb8;
	[tilespmem:$0x9420] =	vst v63  }
0xfd: {  	s24 =	simm.s32 $0x528  }
0xfe: {  	[spmem:s1] =	stream.indirect.scatter.add.f32 [tilespmem:s15], [sflag:$0x3], $0x10, s24, s20, $0xb8;
	[tilespmem:$0x9420] =	vst v63  }
0xff: {  	s26 =	simm.s32 $0x5A0  }
0x100: {  	[spmem:s1] =	stream.indirect.scatter.add.f32 [tilespmem:s15], [sflag:$0x3], $0x10, s26, s20, $0xb8;
	[tilespmem:$0x9420] =	vst v63  }
0x101: {  	s24 =	simm.s32 $0x618  }
0x102: {  	[spmem:s1] =	stream.indirect.scatter.add.f32 [tilespmem:s15], [sflag:$0x3], $0x10, s24, s20, $0xb8;
	[tilespmem:$0x9420] =	vst v63  }
0x103: {  	s26 =	simm.s32 $0x690  }
0x104: {  	[spmem:s1] =	stream.indirect.scatter.add.f32 [tilespmem:s15], [sflag:$0x3], $0x10, s26, s20, $0xb8;
	[tilespmem:$0x9420] =	vst v63  }
0x105: {  	s24 =	simm.s32 $0x708  }
0x106: {  	[spmem:s1] =	stream.indirect.scatter.add.f32 [tilespmem:s15], [sflag:$0x3], $0x10, s24, s20, $0xb8;
	[tilespmem:$0x9420] =	vst v63  }
0x107: {  	s26 =	simm.s32 $0x780  }
0x108: {  	[spmem:s1] =	stream.indirect.scatter.add.f32 [tilespmem:s15], [sflag:$0x3], $0x10, s26, s20, $0xb8;
	[tilespmem:$0x9420] =	vst v63  }
0x109: {  	s24 =	simm.s32 $0x7F8  }
0x10a: {  	[spmem:s1] =	stream.indirect.scatter.add.f32 [tilespmem:s15], [sflag:$0x3], $0x10, s24, s20, $0xb8;
	[tilespmem:$0x9420] =	vst v63  }
0x10b: {  	s26 =	simm.s32 $0x870  }
0x10c: {  	[spmem:s1] =	stream.indirect.scatter.add.f32 [tilespmem:s15], [sflag:$0x3], $0x10, s26, s20, $0xb8;
	[tilespmem:$0x9420] =	vst v63  }
0x10d: {  	s24 =	simm.s32 $0x8E8  }
0x10e: {  	[spmem:s1] =	stream.indirect.scatter.add.f32 [tilespmem:s15], [sflag:$0x3], $0x10, s24, s20, $0xb8;
	[tilespmem:$0x9420] =	vst v63  }
0x10f: {  	s26 =	simm.s32 $0x960  }
0x110: {  	[spmem:s1] =	stream.indirect.scatter.add.f32 [tilespmem:s15], [sflag:$0x3], $0x10, s26, s20, $0xb8;
	[tilespmem:$0x9420] =	vst v63  }
0x111: {  	s24 =	simm.s32 $0x9D8  }
0x112: {  	[spmem:s1] =	stream.indirect.scatter.add.f32 [tilespmem:s15], [sflag:$0x3], $0x10, s24, s20, $0xb8;
	[tilespmem:$0x9420] =	vst v63  }
0x113: {  	s26 =	simm.s32 $0xA50  }
0x114: {  	[spmem:s1] =	stream.indirect.scatter.add.f32 [tilespmem:s15], [sflag:$0x3], $0x10, s26, s20, $0xb8;
	[tilespmem:$0x9420] =	vst v63  }
0x115: {  	s24 =	simm.s32 $0xAC8  }
0x116: {  	[spmem:s1] =	stream.indirect.scatter.add.f32 [tilespmem:s15], [sflag:$0x3], $0x10, s24, s20, $0xb8;
	[tilespmem:$0x9420] =	vst v63  }
0x117: {  	s26 =	simm.s32 $0xB40  }
0x118: {  	[spmem:s1] =	stream.indirect.scatter.add.f32 [tilespmem:s15], [sflag:$0x3], $0x10, s26, s20, $0xb8;
	[tilespmem:$0x9420] =	vst v63  }
0x119: {  	_ =	swait.ge [sflag:s21], $0x780  }
0x11a: {  	[sflag:s21] =	ssyncset.done $0x0  }
0x11b: {  	[sflag:s21] =	ssyncadd.s32 $0xFFFFF880  }
0x11c: {  	_ =	swait.ge [sflag:s21], $0x780  }
0x11d: {  	[sflag:s21] =	ssyncset.done $0x0  }
0x11e: {  	[sflag:s21] =	ssyncadd.s32 $0xFFFFF880  }
0x11f: {  	_ =	swait.ge [sflag:s21], $0x780  }
0x120: {  	[sflag:s21] =	ssyncset.done $0x0  }
0x121: {  	[sflag:s21] =	ssyncadd.s32 $0xFFFFF880  }
0x122: {  	_ =	swait.ge [sflag:s21], $0x780  }
0x123: {  	[sflag:s21] =	ssyncset.done $0x0  }
0x124: {  	[sflag:s21] =	ssyncadd.s32 $0xFFFFF880  }
0x125: {  	_ =	swait.ge [sflag:s21], $0x780  }
0x126: {  	[sflag:s21] =	ssyncset.done $0x0  }
0x127: {  	[sflag:s21] =	ssyncadd.s32 $0xFFFFF880  }
0x128: {  	_ =	swait.ge [sflag:s21], $0x780  }
0x129: {  	[sflag:s21] =	ssyncset.done $0x0  }
0x12a: {  	[sflag:s21] =	ssyncadd.s32 $0xFFFFF880  }
0x12b: {  	_ =	swait.ge [sflag:s21], $0x780  }
0x12c: {  	[sflag:s21] =	ssyncset.done $0x0  }
0x12d: {  	[sflag:s21] =	ssyncadd.s32 $0xFFFFF880  }
0x12e: {  	_ =	swait.ge [sflag:s21], $0x780  }
0x12f: {  	[sflag:s21] =	ssyncset.done $0x0  }
0x130: {  	[sflag:s21] =	ssyncadd.s32 $0xFFFFF880  }
0x131: {  	_ =	swait.ge [sflag:s21], $0x780  }
0x132: {  	[sflag:s21] =	ssyncset.done $0x0  }
0x133: {  	[sflag:s21] =	ssyncadd.s32 $0xFFFFF880  }
0x134: {  	_ =	swait.ge [sflag:s21], $0x780  }
0x135: {  	[sflag:s21] =	ssyncset.done $0x0  }
0x136: {  	[sflag:s21] =	ssyncadd.s32 $0xFFFFF880  }
0x137: {  	_ =	swait.ge [sflag:s21], $0x780  }
0x138: {  	[sflag:s21] =	ssyncset.done $0x0  }
0x139: {  	[sflag:s21] =	ssyncadd.s32 $0xFFFFF880  }
0x13a: {  	_ =	swait.ge [sflag:s21], $0x780  }
0x13b: {  	[sflag:s21] =	ssyncset.done $0x0  }
0x13c: {  	[sflag:s21] =	ssyncadd.s32 $0xFFFFF880  }
0x13d: {  	_ =	swait.ge [sflag:s21], $0x780  }
0x13e: {  	[sflag:s21] =	ssyncset.done $0x0  }
0x13f: {  	[sflag:s21] =	ssyncadd.s32 $0xFFFFF880  }
0x140: {  	_ =	swait.ge [sflag:s21], $0x780  }
0x141: {  	[sflag:s21] =	ssyncset.done $0x0  }
0x142: {  	[sflag:s21] =	ssyncadd.s32 $0xFFFFF880  }
0x143: {  	_ =	swait.ge [sflag:s21], $0x780  }
0x144: {  	[sflag:s21] =	ssyncset.done $0x0  }
0x145: {  	[sflag:s21] =	ssyncadd.s32 $0xFFFFF880  }
0x146: {  	_ =	swait.ge [sflag:s21], $0x780  }
0x147: {  	[sflag:s21] =	ssyncset.done $0x0  }
0x148: {  	[sflag:s21] =	ssyncadd.s32 $0xFFFFF880  }
0x149: {  	_ =	swait.ge [sflag:s21], $0x780  }
0x14a: {  	[sflag:s21] =	ssyncset.done $0x0  }
0x14b: {  	[sflag:s21] =	ssyncadd.s32 $0xFFFFF880  }
0x14c: {  	_ =	swait.ge [sflag:s21], $0x780  }
0x14d: {  	[sflag:s21] =	ssyncset.done $0x0  }
0x14e: {  	[sflag:s21] =	ssyncadd.s32 $0xFFFFF880  }
0x14f: {  	_ =	swait.ge [sflag:s21], $0x780  }
0x150: {  	[sflag:s21] =	ssyncset.done $0x0  }
0x151: {  	[sflag:s21] =	ssyncadd.s32 $0xFFFFF880  }
0x152: {  	_ =	swait.ge [sflag:s21], $0x780  }
0x153: {  	[sflag:s21] =	ssyncset.done $0x0  }
0x154: {  	[sflag:s21] =	ssyncadd.s32 $0xFFFFF880  }
0x155: {  	_ =	swait.ge [sflag:s21], $0x780  }
0x156: {  	[sflag:s21] =	ssyncset.done $0x0  }
0x157: {  	[sflag:s21] =	ssyncadd.s32 $0xFFFFF880  }
0x158: {  	_ =	swait.ge [sflag:s21], $0x780  }
0x159: {  	[sflag:s21] =	ssyncset.done $0x0  }
0x15a: {  	[sflag:s21] =	ssyncadd.s32 $0xFFFFF880  }
0x15b: {  	_ =	swait.ge [sflag:s21], $0x780  }
0x15c: {  	[sflag:s21] =	ssyncset.done $0x0  }
0x15d: {  	[sflag:s21] =	ssyncadd.s32 $0xFFFFF880  }
0x15e: {  	_ =	swait.ge [sflag:s21], $0x780  }
0x15f: {  	[sflag:s21] =	ssyncset.done $0x0  }
0x160: {  	[sflag:s21] =	ssyncadd.s32 $0xFFFFF880  }
0x161: {  	s22 =	simm.s32 $0x2EE;
	_ =	swait.ge [sflag:s21], $0x780  }
0x162: {  	s26 =	smov.u32 s23;
	s24 =	rddreg [dreg:$0x3];
	[sflag:s21] =	ssyncset.done $0x0  }
0x163: {  	s23 =	sadd.s32 $0x1770, s25;
	[sflag:s21] =	ssyncadd.s32 $0xFFFFF880;
	s24 =	sadd.s32 $0x0, s24  }
.LBB2_2:
0x164: {  	s25 =	simm.s32 $0xBB8  }
0x165: {  	[tilespmem:s25], [sflag:$0x2] =	stream.linear.gather [hbm4b:s24+s3], $0xBB8, $0x38;
	[tilespmem:$0x9420] =	vst v63  }
0x166: {  	_ =	swait.ge [sflag:s16], $0xBB8  }
0x167: {  	[sflag:s16] =	ssyncset.done $0x0  }
0x168: {  	[sflag:s16] =	ssyncadd.s32 $0xFFFFF448  }
0x169: {  	[spmem:s1] =	stream.indirect.scatter.add.f32 [tilespmem:s15], [sflag:$0x4], $0x10, s25, s20, $0xb8;
	[tilespmem:$0x9420] =	vst v63  }
0x16a: {  	s25 =	simm.s32 $0xC30  }
0x16b: {  	[spmem:s1] =	stream.indirect.scatter.add.f32 [tilespmem:s15], [sflag:$0x4], $0x10, s25, s20, $0xb8;
	[tilespmem:$0x9420] =	vst v63  }
0x16c: {  	s25 =	simm.s32 $0xCA8  }
0x16d: {  	[spmem:s1] =	stream.indirect.scatter.add.f32 [tilespmem:s15], [sflag:$0x4], $0x10, s25, s20, $0xb8;
	[tilespmem:$0x9420] =	vst v63  }
0x16e: {  	s25 =	simm.s32 $0xD20  }
0x16f: {  	[spmem:s1] =	stream.indirect.scatter.add.f32 [tilespmem:s15], [sflag:$0x4], $0x10, s25, s20, $0xb8;
	[tilespmem:$0x9420] =	vst v63  }
0x170: {  	s25 =	simm.s32 $0xD98  }
0x171: {  	[spmem:s1] =	stream.indirect.scatter.add.f32 [tilespmem:s15], [sflag:$0x4], $0x10, s25, s20, $0xb8;
	[tilespmem:$0x9420] =	vst v63  }
0x172: {  	s25 =	simm.s32 $0xE10  }
0x173: {  	[spmem:s1] =	stream.indirect.scatter.add.f32 [tilespmem:s15], [sflag:$0x4], $0x10, s25, s20, $0xb8;
	[tilespmem:$0x9420] =	vst v63  }
0x174: {  	s25 =	simm.s32 $0xE88  }
0x175: {  	[spmem:s1] =	stream.indirect.scatter.add.f32 [tilespmem:s15], [sflag:$0x4], $0x10, s25, s20, $0xb8;
	[tilespmem:$0x9420] =	vst v63  }
0x176: {  	_ = 	snop  }
0x177: {  	[spmem:s1] =	stream.indirect.scatter.add.f32 [tilespmem:s15], [sflag:$0x4], $0x10, s11, s20, $0xb8;
	[tilespmem:$0x9420] =	vst v63  }
0x178: {  	_ = 	snop  }
0x179: {  	[spmem:s1] =	stream.indirect.scatter.add.f32 [tilespmem:s15], [sflag:$0x4], $0x10, s12, s20, $0xb8;
	[tilespmem:$0x9420] =	vst v63  }
0x17a: {  	_ = 	snop  }
0x17b: {  	[spmem:s1] =	stream.indirect.scatter.add.f32 [tilespmem:s15], [sflag:$0x4], $0x10, s13, s20, $0xb8;
	[tilespmem:$0x9420] =	vst v63  }
0x17c: {  	_ = 	snop  }
0x17d: {  	[spmem:s1] =	stream.indirect.scatter.add.f32 [tilespmem:s15], [sflag:$0x4], $0x10, s7, s20, $0xb8;
	[tilespmem:$0x9420] =	vst v63  }
0x17e: {  	_ = 	snop  }
0x17f: {  	[spmem:s1] =	stream.indirect.scatter.add.f32 [tilespmem:s15], [sflag:$0x4], $0x10, s6, s20, $0xb8;
	[tilespmem:$0x9420] =	vst v63  }
0x180: {  	_ = 	snop  }
0x181: {  	[spmem:s1] =	stream.indirect.scatter.add.f32 [tilespmem:s15], [sflag:$0x4], $0x10, s14, s20, $0xb8;
	[tilespmem:$0x9420] =	vst v63  }
0x182: {  	_ = 	snop  }
0x183: {  	[spmem:s1] =	stream.indirect.scatter.add.f32 [tilespmem:s15], [sflag:$0x4], $0x10, s17, s20, $0xb8;
	[tilespmem:$0x9420] =	vst v63  }
0x184: {  	_ = 	snop  }
0x185: {  	[spmem:s1] =	stream.indirect.scatter.add.f32 [tilespmem:s15], [sflag:$0x4], $0x10, s28, s20, $0xb8;
	[tilespmem:$0x9420] =	vst v63  }
0x186: {  	_ = 	snop  }
0x187: {  	[spmem:s1] =	stream.indirect.scatter.add.f32 [tilespmem:s15], [sflag:$0x4], $0x10, s29, s20, $0xb8;
	[tilespmem:$0x9420] =	vst v63  }
0x188: {  	_ = 	snop  }
0x189: {  	[spmem:s1] =	stream.indirect.scatter.add.f32 [tilespmem:s15], [sflag:$0x4], $0x10, s30, s20, $0xb8;
	[tilespmem:$0x9420] =	vst v63  }
0x18a: {  	_ = 	snop  }
0x18b: {  	[spmem:s1] =	stream.indirect.scatter.add.f32 [tilespmem:s15], [sflag:$0x4], $0x10, s31, s20, $0xb8;
	[tilespmem:$0x9420] =	vst v63  }
0x18c: {  	_ = 	snop  }
0x18d: {  	[spmem:s1] =	stream.indirect.scatter.add.f32 [tilespmem:s15], [sflag:$0x4], $0x10, s18, s20, $0xb8;
	[tilespmem:$0x9420] =	vst v63  }
0x18e: {  	_ = 	snop  }
0x18f: {  	[spmem:s1] =	stream.indirect.scatter.add.f32 [tilespmem:s15], [sflag:$0x4], $0x10, s0, s20, $0xb8;
	[tilespmem:$0x9420] =	vst v63  }
0x190: {  	_ = 	snop  }
0x191: {  	[spmem:s1] =	stream.indirect.scatter.add.f32 [tilespmem:s15], [sflag:$0x4], $0x10, s2, s20, $0xb8;
	[tilespmem:$0x9420] =	vst v63  }
0x192: {  	_ = 	snop  }
0x193: {  	[spmem:s1] =	stream.indirect.scatter.add.f32 [tilespmem:s15], [sflag:$0x4], $0x10, s5, s20, $0xb8;
	[tilespmem:$0x9420] =	vst v63  }
0x194: {  	_ = 	snop  }
0x195: {  	[spmem:s1] =	stream.indirect.scatter.add.f32 [tilespmem:s15], [sflag:$0x4], $0x10, s8, s20, $0xb8;
	[tilespmem:$0x9420] =	vst v63  }
0x196: {  	_ = 	snop  }
0x197: {  	[spmem:s1] =	stream.indirect.scatter.add.f32 [tilespmem:s15], [sflag:$0x4], $0x10, s9, s20, $0xb8;
	[tilespmem:$0x9420] =	vst v63  }
0x198: {  	_ = 	snop  }
0x199: {  	[spmem:s1] =	stream.indirect.scatter.add.f32 [tilespmem:s15], [sflag:$0x4], $0x10, s10, s20, $0xb8;
	[tilespmem:$0x9420] =	vst v63  }
0x19a: {  	_ =	swait.ge [sflag:s4], $0x780  }
0x19b: {  	[sflag:s4] =	ssyncset.done $0x0  }
0x19c: {  	[sflag:s4] =	ssyncadd.s32 $0xFFFFF880  }
0x19d: {  	_ =	swait.ge [sflag:s4], $0x780  }
0x19e: {  	[sflag:s4] =	ssyncset.done $0x0  }
0x19f: {  	[sflag:s4] =	ssyncadd.s32 $0xFFFFF880  }
0x1a0: {  	_ =	swait.ge [sflag:s4], $0x780  }
0x1a1: {  	[sflag:s4] =	ssyncset.done $0x0  }
0x1a2: {  	[sflag:s4] =	ssyncadd.s32 $0xFFFFF880  }
0x1a3: {  	_ =	swait.ge [sflag:s4], $0x780  }
0x1a4: {  	[sflag:s4] =	ssyncset.done $0x0  }
0x1a5: {  	[sflag:s4] =	ssyncadd.s32 $0xFFFFF880  }
0x1a6: {  	_ =	swait.ge [sflag:s4], $0x780  }
0x1a7: {  	[sflag:s4] =	ssyncset.done $0x0  }
0x1a8: {  	[sflag:s4] =	ssyncadd.s32 $0xFFFFF880  }
0x1a9: {  	_ =	swait.ge [sflag:s4], $0x780  }
0x1aa: {  	[sflag:s4] =	ssyncset.done $0x0  }
0x1ab: {  	[sflag:s4] =	ssyncadd.s32 $0xFFFFF880  }
0x1ac: {  	_ =	swait.ge [sflag:s4], $0x780  }
0x1ad: {  	[sflag:s4] =	ssyncset.done $0x0  }
0x1ae: {  	[sflag:s4] =	ssyncadd.s32 $0xFFFFF880  }
0x1af: {  	_ =	swait.ge [sflag:s4], $0x780  }
0x1b0: {  	[sflag:s4] =	ssyncset.done $0x0  }
0x1b1: {  	[sflag:s4] =	ssyncadd.s32 $0xFFFFF880  }
0x1b2: {  	_ =	swait.ge [sflag:s4], $0x780  }
0x1b3: {  	[sflag:s4] =	ssyncset.done $0x0  }
0x1b4: {  	[sflag:s4] =	ssyncadd.s32 $0xFFFFF880  }
0x1b5: {  	_ =	swait.ge [sflag:s4], $0x780  }
0x1b6: {  	[sflag:s4] =	ssyncset.done $0x0  }
0x1b7: {  	[sflag:s4] =	ssyncadd.s32 $0xFFFFF880  }
0x1b8: {  	_ =	swait.ge [sflag:s4], $0x780  }
0x1b9: {  	[sflag:s4] =	ssyncset.done $0x0  }
0x1ba: {  	[sflag:s4] =	ssyncadd.s32 $0xFFFFF880  }
0x1bb: {  	_ =	swait.ge [sflag:s4], $0x780  }
0x1bc: {  	[sflag:s4] =	ssyncset.done $0x0  }
0x1bd: {  	[sflag:s4] =	ssyncadd.s32 $0xFFFFF880  }
0x1be: {  	_ =	swait.ge [sflag:s4], $0x780  }
0x1bf: {  	[sflag:s4] =	ssyncset.done $0x0  }
0x1c0: {  	[sflag:s4] =	ssyncadd.s32 $0xFFFFF880  }
0x1c1: {  	_ =	swait.ge [sflag:s4], $0x780  }
0x1c2: {  	[sflag:s4] =	ssyncset.done $0x0  }
0x1c3: {  	[sflag:s4] =	ssyncadd.s32 $0xFFFFF880  }
0x1c4: {  	_ =	swait.ge [sflag:s4], $0x780  }
0x1c5: {  	[sflag:s4] =	ssyncset.done $0x0  }
0x1c6: {  	[sflag:s4] =	ssyncadd.s32 $0xFFFFF880  }
0x1c7: {  	_ =	swait.ge [sflag:s4], $0x780  }
0x1c8: {  	[sflag:s4] =	ssyncset.done $0x0  }
0x1c9: {  	[sflag:s4] =	ssyncadd.s32 $0xFFFFF880  }
0x1ca: {  	_ =	swait.ge [sflag:s4], $0x780  }
0x1cb: {  	[sflag:s4] =	ssyncset.done $0x0  }
0x1cc: {  	[sflag:s4] =	ssyncadd.s32 $0xFFFFF880  }
0x1cd: {  	_ =	swait.ge [sflag:s4], $0x780  }
0x1ce: {  	[sflag:s4] =	ssyncset.done $0x0  }
0x1cf: {  	[sflag:s4] =	ssyncadd.s32 $0xFFFFF880  }
0x1d0: {  	_ =	swait.ge [sflag:s4], $0x780  }
0x1d1: {  	[sflag:s4] =	ssyncset.done $0x0  }
0x1d2: {  	[sflag:s4] =	ssyncadd.s32 $0xFFFFF880  }
0x1d3: {  	_ =	swait.ge [sflag:s4], $0x780  }
0x1d4: {  	[sflag:s4] =	ssyncset.done $0x0  }
0x1d5: {  	[sflag:s4] =	ssyncadd.s32 $0xFFFFF880  }
0x1d6: {  	_ =	swait.ge [sflag:s4], $0x780  }
0x1d7: {  	[sflag:s4] =	ssyncset.done $0x0  }
0x1d8: {  	[sflag:s4] =	ssyncadd.s32 $0xFFFFF880  }
0x1d9: {  	_ =	swait.ge [sflag:s4], $0x780  }
0x1da: {  	[sflag:s4] =	ssyncset.done $0x0  }
0x1db: {  	[sflag:s4] =	ssyncadd.s32 $0xFFFFF880  }
0x1dc: {  	_ =	swait.ge [sflag:s4], $0x780  }
0x1dd: {  	[sflag:s4] =	ssyncset.done $0x0  }
0x1de: {  	[sflag:s4] =	ssyncadd.s32 $0xFFFFF880  }
0x1df: {  	_ =	swait.ge [sflag:s4], $0x780  }
0x1e0: {  	[sflag:s4] =	ssyncset.done $0x0  }
0x1e1: {  	[sflag:s4] =	ssyncadd.s32 $0xFFFFF880  }
0x1e2: {  	_ =	swait.ge [sflag:s4], $0x780  }
0x1e3: {  	s25 =	sshrl.u32 s23, $0x3;
	[sflag:s4] =	ssyncset.done $0x0  }
0x1e4: {  	s25 =	sadd.s32 s26, s25;
	[sflag:s4] =	ssyncadd.s32 $0xFFFFF880  }
0x1e5: {  	[tilespmem:s3], [sflag:$0x1] =	stream.linear.gather [hbm4b:s25+s3], $0xBB8, $0x38;
	[tilespmem:$0x9420] =	vst v63  }
0x1e6: {  	_ =	swait.ge [sflag:s19], $0xBB8  }
0x1e7: {  	[sflag:s19] =	ssyncset.done $0x0  }
0x1e8: {  	[sflag:s19] =	ssyncadd.s32 $0xFFFFF448  }
0x1e9: {  	[spmem:s1] =	stream.indirect.scatter.add.f32 [tilespmem:s15], [sflag:$0x3], $0x10, s3, s20, $0xb8;
	[tilespmem:$0x9420] =	vst v63  }
0x1ea: {  	_ = 	snop  }
0x1eb: {  	[spmem:s1] =	stream.indirect.scatter.add.f32 [tilespmem:s15], [sflag:$0x3], $0x10, s20, s20, $0xb8;
	[tilespmem:$0x9420] =	vst v63  }
0x1ec: {  	s25 =	simm.s32 $0xF0  }
0x1ed: {  	[spmem:s1] =	stream.indirect.scatter.add.f32 [tilespmem:s15], [sflag:$0x3], $0x10, s25, s20, $0xb8;
	[tilespmem:$0x9420] =	vst v63  }
0x1ee: {  	s25 =	simm.s32 $0x168  }
0x1ef: {  	[spmem:s1] =	stream.indirect.scatter.add.f32 [tilespmem:s15], [sflag:$0x3], $0x10, s25, s20, $0xb8;
	[tilespmem:$0x9420] =	vst v63  }
0x1f0: {  	s25 =	simm.s32 $0x1E0  }
0x1f1: {  	[spmem:s1] =	stream.indirect.scatter.add.f32 [tilespmem:s15], [sflag:$0x3], $0x10, s25, s20, $0xb8;
	[tilespmem:$0x9420] =	vst v63  }
0x1f2: {  	s25 =	simm.s32 $0x258  }
0x1f3: {  	[spmem:s1] =	stream.indirect.scatter.add.f32 [tilespmem:s15], [sflag:$0x3], $0x10, s25, s20, $0xb8;
	[tilespmem:$0x9420] =	vst v63  }
0x1f4: {  	s25 =	simm.s32 $0x2D0  }
0x1f5: {  	[spmem:s1] =	stream.indirect.scatter.add.f32 [tilespmem:s15], [sflag:$0x3], $0x10, s25, s20, $0xb8;
	[tilespmem:$0x9420] =	vst v63  }
0x1f6: {  	s25 =	simm.s32 $0x348  }
0x1f7: {  	[spmem:s1] =	stream.indirect.scatter.add.f32 [tilespmem:s15], [sflag:$0x3], $0x10, s25, s20, $0xb8;
	[tilespmem:$0x9420] =	vst v63  }
0x1f8: {  	s25 =	simm.s32 $0x3C0  }
0x1f9: {  	[spmem:s1] =	stream.indirect.scatter.add.f32 [tilespmem:s15], [sflag:$0x3], $0x10, s25, s20, $0xb8;
	[tilespmem:$0x9420] =	vst v63  }
0x1fa: {  	s25 =	simm.s32 $0x438  }
0x1fb: {  	[spmem:s1] =	stream.indirect.scatter.add.f32 [tilespmem:s15], [sflag:$0x3], $0x10, s25, s20, $0xb8;
	[tilespmem:$0x9420] =	vst v63  }
0x1fc: {  	s25 =	simm.s32 $0x4B0  }
0x1fd: {  	[spmem:s1] =	stream.indirect.scatter.add.f32 [tilespmem:s15], [sflag:$0x3], $0x10, s25, s20, $0xb8;
	[tilespmem:$0x9420] =	vst v63  }
0x1fe: {  	s25 =	simm.s32 $0x528  }
0x1ff: {  	[spmem:s1] =	stream.indirect.scatter.add.f32 [tilespmem:s15], [sflag:$0x3], $0x10, s25, s20, $0xb8;
	[tilespmem:$0x9420] =	vst v63  }
0x200: {  	s25 =	simm.s32 $0x5A0  }
0x201: {  	[spmem:s1] =	stream.indirect.scatter.add.f32 [tilespmem:s15], [sflag:$0x3], $0x10, s25, s20, $0xb8;
	[tilespmem:$0x9420] =	vst v63  }
0x202: {  	s25 =	simm.s32 $0x618  }
0x203: {  	[spmem:s1] =	stream.indirect.scatter.add.f32 [tilespmem:s15], [sflag:$0x3], $0x10, s25, s20, $0xb8;
	[tilespmem:$0x9420] =	vst v63  }
0x204: {  	s25 =	simm.s32 $0x690  }
0x205: {  	[spmem:s1] =	stream.indirect.scatter.add.f32 [tilespmem:s15], [sflag:$0x3], $0x10, s25, s20, $0xb8;
	[tilespmem:$0x9420] =	vst v63  }
0x206: {  	s25 =	simm.s32 $0x708  }
0x207: {  	[spmem:s1] =	stream.indirect.scatter.add.f32 [tilespmem:s15], [sflag:$0x3], $0x10, s25, s20, $0xb8;
	[tilespmem:$0x9420] =	vst v63  }
0x208: {  	s25 =	simm.s32 $0x780  }
0x209: {  	[spmem:s1] =	stream.indirect.scatter.add.f32 [tilespmem:s15], [sflag:$0x3], $0x10, s25, s20, $0xb8;
	[tilespmem:$0x9420] =	vst v63  }
0x20a: {  	s25 =	simm.s32 $0x7F8  }
0x20b: {  	[spmem:s1] =	stream.indirect.scatter.add.f32 [tilespmem:s15], [sflag:$0x3], $0x10, s25, s20, $0xb8;
	[tilespmem:$0x9420] =	vst v63  }
0x20c: {  	s25 =	simm.s32 $0x870  }
0x20d: {  	[spmem:s1] =	stream.indirect.scatter.add.f32 [tilespmem:s15], [sflag:$0x3], $0x10, s25, s20, $0xb8;
	[tilespmem:$0x9420] =	vst v63  }
0x20e: {  	s25 =	simm.s32 $0x8E8  }
0x20f: {  	[spmem:s1] =	stream.indirect.scatter.add.f32 [tilespmem:s15], [sflag:$0x3], $0x10, s25, s20, $0xb8;
	[tilespmem:$0x9420] =	vst v63  }
0x210: {  	s25 =	simm.s32 $0x960  }
0x211: {  	[spmem:s1] =	stream.indirect.scatter.add.f32 [tilespmem:s15], [sflag:$0x3], $0x10, s25, s20, $0xb8;
	[tilespmem:$0x9420] =	vst v63  }
0x212: {  	s25 =	simm.s32 $0x9D8  }
0x213: {  	[spmem:s1] =	stream.indirect.scatter.add.f32 [tilespmem:s15], [sflag:$0x3], $0x10, s25, s20, $0xb8;
	[tilespmem:$0x9420] =	vst v63  }
0x214: {  	s25 =	simm.s32 $0xA50  }
0x215: {  	[spmem:s1] =	stream.indirect.scatter.add.f32 [tilespmem:s15], [sflag:$0x3], $0x10, s25, s20, $0xb8;
	[tilespmem:$0x9420] =	vst v63  }
0x216: {  	s25 =	simm.s32 $0xAC8  }
0x217: {  	[spmem:s1] =	stream.indirect.scatter.add.f32 [tilespmem:s15], [sflag:$0x3], $0x10, s25, s20, $0xb8;
	[tilespmem:$0x9420] =	vst v63  }
0x218: {  	s25 =	simm.s32 $0xB40  }
0x219: {  	[spmem:s1] =	stream.indirect.scatter.add.f32 [tilespmem:s15], [sflag:$0x3], $0x10, s25, s20, $0xb8;
	[tilespmem:$0x9420] =	vst v63  }
0x21a: {  	_ =	swait.ge [sflag:s21], $0x780  }
0x21b: {  	[sflag:s21] =	ssyncset.done $0x0  }
0x21c: {  	[sflag:s21] =	ssyncadd.s32 $0xFFFFF880  }
0x21d: {  	_ =	swait.ge [sflag:s21], $0x780  }
0x21e: {  	[sflag:s21] =	ssyncset.done $0x0  }
0x21f: {  	[sflag:s21] =	ssyncadd.s32 $0xFFFFF880  }
0x220: {  	_ =	swait.ge [sflag:s21], $0x780  }
0x221: {  	[sflag:s21] =	ssyncset.done $0x0  }
0x222: {  	[sflag:s21] =	ssyncadd.s32 $0xFFFFF880  }
0x223: {  	_ =	swait.ge [sflag:s21], $0x780  }
0x224: {  	[sflag:s21] =	ssyncset.done $0x0  }
0x225: {  	[sflag:s21] =	ssyncadd.s32 $0xFFFFF880  }
0x226: {  	_ =	swait.ge [sflag:s21], $0x780  }
0x227: {  	[sflag:s21] =	ssyncset.done $0x0  }
0x228: {  	[sflag:s21] =	ssyncadd.s32 $0xFFFFF880  }
0x229: {  	_ =	swait.ge [sflag:s21], $0x780  }
0x22a: {  	[sflag:s21] =	ssyncset.done $0x0  }
0x22b: {  	[sflag:s21] =	ssyncadd.s32 $0xFFFFF880  }
0x22c: {  	_ =	swait.ge [sflag:s21], $0x780  }
0x22d: {  	[sflag:s21] =	ssyncset.done $0x0  }
0x22e: {  	[sflag:s21] =	ssyncadd.s32 $0xFFFFF880  }
0x22f: {  	_ =	swait.ge [sflag:s21], $0x780  }
0x230: {  	[sflag:s21] =	ssyncset.done $0x0  }
0x231: {  	[sflag:s21] =	ssyncadd.s32 $0xFFFFF880  }
0x232: {  	_ =	swait.ge [sflag:s21], $0x780  }
0x233: {  	[sflag:s21] =	ssyncset.done $0x0  }
0x234: {  	[sflag:s21] =	ssyncadd.s32 $0xFFFFF880  }
0x235: {  	_ =	swait.ge [sflag:s21], $0x780  }
0x236: {  	[sflag:s21] =	ssyncset.done $0x0  }
0x237: {  	[sflag:s21] =	ssyncadd.s32 $0xFFFFF880  }
0x238: {  	_ =	swait.ge [sflag:s21], $0x780  }
0x239: {  	[sflag:s21] =	ssyncset.done $0x0  }
0x23a: {  	[sflag:s21] =	ssyncadd.s32 $0xFFFFF880  }
0x23b: {  	_ =	swait.ge [sflag:s21], $0x780  }
0x23c: {  	[sflag:s21] =	ssyncset.done $0x0  }
0x23d: {  	[sflag:s21] =	ssyncadd.s32 $0xFFFFF880  }
0x23e: {  	_ =	swait.ge [sflag:s21], $0x780  }
0x23f: {  	[sflag:s21] =	ssyncset.done $0x0  }
0x240: {  	[sflag:s21] =	ssyncadd.s32 $0xFFFFF880  }
0x241: {  	_ =	swait.ge [sflag:s21], $0x780  }
0x242: {  	[sflag:s21] =	ssyncset.done $0x0  }
0x243: {  	[sflag:s21] =	ssyncadd.s32 $0xFFFFF880  }
0x244: {  	_ =	swait.ge [sflag:s21], $0x780  }
0x245: {  	[sflag:s21] =	ssyncset.done $0x0  }
0x246: {  	[sflag:s21] =	ssyncadd.s32 $0xFFFFF880  }
0x247: {  	_ =	swait.ge [sflag:s21], $0x780  }
0x248: {  	[sflag:s21] =	ssyncset.done $0x0  }
0x249: {  	[sflag:s21] =	ssyncadd.s32 $0xFFFFF880  }
0x24a: {  	_ =	swait.ge [sflag:s21], $0x780  }
0x24b: {  	[sflag:s21] =	ssyncset.done $0x0  }
0x24c: {  	[sflag:s21] =	ssyncadd.s32 $0xFFFFF880  }
0x24d: {  	_ =	swait.ge [sflag:s21], $0x780  }
0x24e: {  	[sflag:s21] =	ssyncset.done $0x0  }
0x24f: {  	[sflag:s21] =	ssyncadd.s32 $0xFFFFF880  }
0x250: {  	_ =	swait.ge [sflag:s21], $0x780  }
0x251: {  	[sflag:s21] =	ssyncset.done $0x0  }
0x252: {  	[sflag:s21] =	ssyncadd.s32 $0xFFFFF880  }
0x253: {  	_ =	swait.ge [sflag:s21], $0x780  }
0x254: {  	[sflag:s21] =	ssyncset.done $0x0  }
0x255: {  	[sflag:s21] =	ssyncadd.s32 $0xFFFFF880  }
0x256: {  	_ =	swait.ge [sflag:s21], $0x780  }
0x257: {  	[sflag:s21] =	ssyncset.done $0x0  }
0x258: {  	[sflag:s21] =	ssyncadd.s32 $0xFFFFF880  }
0x259: {  	_ =	swait.ge [sflag:s21], $0x780  }
0x25a: {  	[sflag:s21] =	ssyncset.done $0x0  }
0x25b: {  	[sflag:s21] =	ssyncadd.s32 $0xFFFFF880  }
0x25c: {  	_ =	swait.ge [sflag:s21], $0x780  }
0x25d: {  	[sflag:s21] =	ssyncset.done $0x0  }
0x25e: {  	[sflag:s21] =	ssyncadd.s32 $0xFFFFF880  }
0x25f: {  	p0 =	sne.s32 s22, $0x8CA;
	_ =	swait.ge [sflag:s21], $0x780  }
.Ltmp0:
0x260: {  	[sflag:s21] =	ssyncset.done $0x0;
	(pc) =	sbr.rel @p0 .LBB2_2-.Ltmp0, $4  }
0x261: {  	[sflag:s21] =	ssyncadd.s32 $0xFFFFF880  }
0x262: {  	s24 =	smov.u32 s22;
	_ =	swait.ge [sflag:s21], $0x780  }
0x263: {  	s22 =	sadd.s32 $0x2EE, s22;
	[sflag:s21] =	ssyncset.done $0x0;
	s25 =	rddreg [dreg:$0x3]  }
0x264: {  	s23 =	sadd.s32 $0x1770, s23;
	[sflag:s21] =	ssyncadd.s32 $0xFFFFF880;
	s24 =	sadd.s32 s24, s25  }
0x265: {  	s0 =	simm.s32 $0xBB8  }
0x266: {  	[tilespmem:s0], [sflag:$0x2] =	stream.linear.gather [hbm4b:s24+s3], $0xBB8, $0x38;
	[tilespmem:$0x9420] =	vst v63  }
0x267: {  	_ =	swait.ge [sflag:s16], $0xBB8  }
0x268: {  	[sflag:s16] =	ssyncset.done $0x0  }
0x269: {  	[sflag:s16] =	ssyncadd.s32 $0xFFFFF448  }
0x26a: {  	[spmem:s1] =	stream.indirect.scatter.add.f32 [tilespmem:s15], [sflag:$0x4], $0x10, s0, s20, $0xb8;
	[tilespmem:$0x9420] =	vst v63  }
0x26b: {  	s2 =	simm.s32 $0xC30  }
0x26c: {  	[spmem:s1] =	stream.indirect.scatter.add.f32 [tilespmem:s15], [sflag:$0x4], $0x10, s2, s20, $0xb8;
	[tilespmem:$0x9420] =	vst v63  }
0x26d: {  	s5 =	simm.s32 $0xCA8  }
0x26e: {  	[spmem:s1] =	stream.indirect.scatter.add.f32 [tilespmem:s15], [sflag:$0x4], $0x10, s5, s20, $0xb8;
	[tilespmem:$0x9420] =	vst v63  }
0x26f: {  	s7 =	simm.s32 $0xD20  }
0x270: {  	[spmem:s1] =	stream.indirect.scatter.add.f32 [tilespmem:s15], [sflag:$0x4], $0x10, s7, s20, $0xb8;
	[tilespmem:$0x9420] =	vst v63  }
0x271: {  	s8 =	simm.s32 $0xD98  }
0x272: {  	[spmem:s1] =	stream.indirect.scatter.add.f32 [tilespmem:s15], [sflag:$0x4], $0x10, s8, s20, $0xb8;
	[tilespmem:$0x9420] =	vst v63  }
0x273: {  	s9 =	simm.s32 $0xE10  }
0x274: {  	[spmem:s1] =	stream.indirect.scatter.add.f32 [tilespmem:s15], [sflag:$0x4], $0x10, s9, s20, $0xb8;
	[tilespmem:$0x9420] =	vst v63  }
0x275: {  	s10 =	simm.s32 $0xE88  }
0x276: {  	[spmem:s1] =	stream.indirect.scatter.add.f32 [tilespmem:s15], [sflag:$0x4], $0x10, s10, s20, $0xb8;
	[tilespmem:$0x9420] =	vst v63  }
0x277: {  	s12 =	simm.s32 $0xF00  }
0x278: {  	[spmem:s1] =	stream.indirect.scatter.add.f32 [tilespmem:s15], [sflag:$0x4], $0x10, s12, s20, $0xb8;
	[tilespmem:$0x9420] =	vst v63  }
0x279: {  	s13 =	simm.s32 $0xF78  }
0x27a: {  	[spmem:s1] =	stream.indirect.scatter.add.f32 [tilespmem:s15], [sflag:$0x4], $0x10, s13, s20, $0xb8;
	[tilespmem:$0x9420] =	vst v63  }
0x27b: {  	s14 =	simm.s32 $0xFF0  }
0x27c: {  	[spmem:s1] =	stream.indirect.scatter.add.f32 [tilespmem:s15], [sflag:$0x4], $0x10, s14, s20, $0xb8;
	[tilespmem:$0x9420] =	vst v63  }
0x27d: {  	s17 =	simm.s32 $0x1068  }
0x27e: {  	[spmem:s1] =	stream.indirect.scatter.add.f32 [tilespmem:s15], [sflag:$0x4], $0x10, s17, s20, $0xb8;
	[tilespmem:$0x9420] =	vst v63  }
0x27f: {  	s18 =	simm.s32 $0x10E0  }
0x280: {  	[spmem:s1] =	stream.indirect.scatter.add.f32 [tilespmem:s15], [sflag:$0x4], $0x10, s18, s20, $0xb8;
	[tilespmem:$0x9420] =	vst v63  }
0x281: {  	s28 =	simm.s32 $0x1158  }
0x282: {  	[spmem:s1] =	stream.indirect.scatter.add.f32 [tilespmem:s15], [sflag:$0x4], $0x10, s28, s20, $0xb8;
	[tilespmem:$0x9420] =	vst v63  }
0x283: {  	s29 =	simm.s32 $0x11D0  }
0x284: {  	[spmem:s1] =	stream.indirect.scatter.add.f32 [tilespmem:s15], [sflag:$0x4], $0x10, s29, s20, $0xb8;
	[tilespmem:$0x9420] =	vst v63  }
0x285: {  	s30 =	simm.s32 $0x1248  }
0x286: {  	[spmem:s1] =	stream.indirect.scatter.add.f32 [tilespmem:s15], [sflag:$0x4], $0x10, s30, s20, $0xb8;
	[tilespmem:$0x9420] =	vst v63  }
0x287: {  	s31 =	simm.s32 $0x12C0  }
0x288: {  	[spmem:s1] =	stream.indirect.scatter.add.f32 [tilespmem:s15], [sflag:$0x4], $0x10, s31, s20, $0xb8;
	[tilespmem:$0x9420] =	vst v63  }
0x289: {  	s6 =	simm.s32 $0x1338  }
0x28a: {  	[spmem:s1] =	stream.indirect.scatter.add.f32 [tilespmem:s15], [sflag:$0x4], $0x10, s6, s20, $0xb8;
	[tilespmem:$0x9420] =	vst v63  }
0x28b: {  	s23 =	simm.s32 $0x13B0  }
0x28c: {  	[spmem:s1] =	stream.indirect.scatter.add.f32 [tilespmem:s15], [sflag:$0x4], $0x10, s23, s20, $0xb8;
	[tilespmem:$0x9420] =	vst v63  }
0x28d: {  	s24 =	simm.s32 $0x1428  }
0x28e: {  	[spmem:s1] =	stream.indirect.scatter.add.f32 [tilespmem:s15], [sflag:$0x4], $0x10, s24, s20, $0xb8;
	[tilespmem:$0x9420] =	vst v63  }
0x28f: {  	s25 =	simm.s32 $0x14A0  }
0x290: {  	[spmem:s1] =	stream.indirect.scatter.add.f32 [tilespmem:s15], [sflag:$0x4], $0x10, s25, s20, $0xb8;
	[tilespmem:$0x9420] =	vst v63  }
0x291: {  	s26 =	simm.s32 $0x1518  }
0x292: {  	[spmem:s1] =	stream.indirect.scatter.add.f32 [tilespmem:s15], [sflag:$0x4], $0x10, s26, s20, $0xb8;
	[tilespmem:$0x9420] =	vst v63  }
0x293: {  	s11 =	simm.s32 $0x1590  }
0x294: {  	[spmem:s1] =	stream.indirect.scatter.add.f32 [tilespmem:s15], [sflag:$0x4], $0x10, s11, s20, $0xb8;
	[tilespmem:$0x9420] =	vst v63  }
0x295: {  	s22 =	simm.s32 $0x1608  }
0x296: {  	[spmem:s1] =	stream.indirect.scatter.add.f32 [tilespmem:s15], [sflag:$0x4], $0x10, s22, s20, $0xb8;
	[tilespmem:$0x9420] =	vst v63  }
0x297: {  	s23 =	simm.s32 $0x1680  }
0x298: {  	[spmem:s1] =	stream.indirect.scatter.add.f32 [tilespmem:s15], [sflag:$0x4], $0x10, s23, s20, $0xb8;
	[tilespmem:$0x9420] =	vst v63  }
0x299: {  	s24 =	simm.s32 $0x16F8  }
0x29a: {  	[spmem:s1] =	stream.indirect.scatter.add.f32 [tilespmem:s15], [sflag:$0x4], $0x10, s24, s20, $0xb8;
	[tilespmem:$0x9420] =	vst v63  }
0x29b: {  	_ =	swait.ge [sflag:s4], $0x780  }
0x29c: {  	[sflag:s4] =	ssyncset.done $0x0  }
0x29d: {  	[sflag:s4] =	ssyncadd.s32 $0xFFFFF880  }
0x29e: {  	_ =	swait.ge [sflag:s4], $0x780  }
0x29f: {  	[sflag:s4] =	ssyncset.done $0x0  }
0x2a0: {  	[sflag:s4] =	ssyncadd.s32 $0xFFFFF880  }
0x2a1: {  	_ =	swait.ge [sflag:s4], $0x780  }
0x2a2: {  	[sflag:s4] =	ssyncset.done $0x0  }
0x2a3: {  	[sflag:s4] =	ssyncadd.s32 $0xFFFFF880  }
0x2a4: {  	_ =	swait.ge [sflag:s4], $0x780  }
0x2a5: {  	[sflag:s4] =	ssyncset.done $0x0  }
0x2a6: {  	[sflag:s4] =	ssyncadd.s32 $0xFFFFF880  }
0x2a7: {  	_ =	swait.ge [sflag:s4], $0x780  }
0x2a8: {  	[sflag:s4] =	ssyncset.done $0x0  }
0x2a9: {  	[sflag:s4] =	ssyncadd.s32 $0xFFFFF880  }
0x2aa: {  	_ =	swait.ge [sflag:s4], $0x780  }
0x2ab: {  	[sflag:s4] =	ssyncset.done $0x0  }
0x2ac: {  	[sflag:s4] =	ssyncadd.s32 $0xFFFFF880  }
0x2ad: {  	_ =	swait.ge [sflag:s4], $0x780  }
0x2ae: {  	[sflag:s4] =	ssyncset.done $0x0  }
0x2af: {  	[sflag:s4] =	ssyncadd.s32 $0xFFFFF880  }
0x2b0: {  	_ =	swait.ge [sflag:s4], $0x780  }
0x2b1: {  	[sflag:s4] =	ssyncset.done $0x0  }
0x2b2: {  	[sflag:s4] =	ssyncadd.s32 $0xFFFFF880  }
0x2b3: {  	_ =	swait.ge [sflag:s4], $0x780  }
0x2b4: {  	[sflag:s4] =	ssyncset.done $0x0  }
0x2b5: {  	[sflag:s4] =	ssyncadd.s32 $0xFFFFF880  }
0x2b6: {  	_ =	swait.ge [sflag:s4], $0x780  }
0x2b7: {  	[sflag:s4] =	ssyncset.done $0x0  }
0x2b8: {  	[sflag:s4] =	ssyncadd.s32 $0xFFFFF880  }
0x2b9: {  	_ =	swait.ge [sflag:s4], $0x780  }
0x2ba: {  	[sflag:s4] =	ssyncset.done $0x0  }
0x2bb: {  	[sflag:s4] =	ssyncadd.s32 $0xFFFFF880  }
0x2bc: {  	_ =	swait.ge [sflag:s4], $0x780  }
0x2bd: {  	[sflag:s4] =	ssyncset.done $0x0  }
0x2be: {  	[sflag:s4] =	ssyncadd.s32 $0xFFFFF880  }
0x2bf: {  	_ =	swait.ge [sflag:s4], $0x780  }
0x2c0: {  	[sflag:s4] =	ssyncset.done $0x0  }
0x2c1: {  	[sflag:s4] =	ssyncadd.s32 $0xFFFFF880  }
0x2c2: {  	_ =	swait.ge [sflag:s4], $0x780  }
0x2c3: {  	[sflag:s4] =	ssyncset.done $0x0  }
0x2c4: {  	[sflag:s4] =	ssyncadd.s32 $0xFFFFF880  }
0x2c5: {  	_ =	swait.ge [sflag:s4], $0x780  }
0x2c6: {  	[sflag:s4] =	ssyncset.done $0x0  }
0x2c7: {  	[sflag:s4] =	ssyncadd.s32 $0xFFFFF880  }
0x2c8: {  	_ =	swait.ge [sflag:s4], $0x780  }
0x2c9: {  	[sflag:s4] =	ssyncset.done $0x0  }
0x2ca: {  	[sflag:s4] =	ssyncadd.s32 $0xFFFFF880  }
0x2cb: {  	_ =	swait.ge [sflag:s4], $0x780  }
0x2cc: {  	[sflag:s4] =	ssyncset.done $0x0  }
0x2cd: {  	[sflag:s4] =	ssyncadd.s32 $0xFFFFF880  }
0x2ce: {  	_ =	swait.ge [sflag:s4], $0x780  }
0x2cf: {  	[sflag:s4] =	ssyncset.done $0x0  }
0x2d0: {  	[sflag:s4] =	ssyncadd.s32 $0xFFFFF880  }
0x2d1: {  	_ =	swait.ge [sflag:s4], $0x780  }
0x2d2: {  	[sflag:s4] =	ssyncset.done $0x0  }
0x2d3: {  	[sflag:s4] =	ssyncadd.s32 $0xFFFFF880  }
0x2d4: {  	_ =	swait.ge [sflag:s4], $0x780  }
0x2d5: {  	[sflag:s4] =	ssyncset.done $0x0  }
0x2d6: {  	[sflag:s4] =	ssyncadd.s32 $0xFFFFF880  }
0x2d7: {  	_ =	swait.ge [sflag:s4], $0x780  }
0x2d8: {  	[sflag:s4] =	ssyncset.done $0x0  }
0x2d9: {  	[sflag:s4] =	ssyncadd.s32 $0xFFFFF880  }
0x2da: {  	_ =	swait.ge [sflag:s4], $0x780  }
0x2db: {  	[sflag:s4] =	ssyncset.done $0x0  }
0x2dc: {  	[sflag:s4] =	ssyncadd.s32 $0xFFFFF880  }
0x2dd: {  	_ =	swait.ge [sflag:s4], $0x780  }
0x2de: {  	[sflag:s4] =	ssyncset.done $0x0  }
0x2df: {  	[sflag:s4] =	ssyncadd.s32 $0xFFFFF880  }
0x2e0: {  	_ =	swait.ge [sflag:s4], $0x780  }
0x2e1: {  	[sflag:s4] =	ssyncset.done $0x0  }
0x2e2: {  	[sflag:s4] =	ssyncadd.s32 $0xFFFFF880  }
0x2e3: {  	_ =	swait.ge [sflag:s4], $0x780  }
0x2e4: {  	[sflag:s4] =	ssyncset.done $0x0  }
0x2e5: {  	[sflag:s4] =	ssyncadd.s32 $0xFFFFF880  }
0x2e6: {  	_ =	swait.ge [sflag:s21], $0x780  }
0x2e7: {  	[sflag:s21] =	ssyncset.done $0x0  }
0x2e8: {  	[sflag:s21] =	ssyncadd.s32 $0xFFFFF880  }
0x2e9: {  	_ =	swait.ge [sflag:s21], $0x780  }
0x2ea: {  	[sflag:s21] =	ssyncset.done $0x0  }
0x2eb: {  	[sflag:s21] =	ssyncadd.s32 $0xFFFFF880  }
0x2ec: {  	_ =	swait.ge [sflag:s21], $0x780  }
0x2ed: {  	[sflag:s21] =	ssyncset.done $0x0  }
0x2ee: {  	[sflag:s21] =	ssyncadd.s32 $0xFFFFF880  }
0x2ef: {  	_ =	swait.ge [sflag:s21], $0x780  }
0x2f0: {  	[sflag:s21] =	ssyncset.done $0x0  }
0x2f1: {  	[sflag:s21] =	ssyncadd.s32 $0xFFFFF880  }
0x2f2: {  	_ =	swait.ge [sflag:s21], $0x780  }
0x2f3: {  	[sflag:s21] =	ssyncset.done $0x0  }
0x2f4: {  	[sflag:s21] =	ssyncadd.s32 $0xFFFFF880  }
0x2f5: {  	_ =	swait.ge [sflag:s21], $0x780  }
0x2f6: {  	[sflag:s21] =	ssyncset.done $0x0  }
0x2f7: {  	[sflag:s21] =	ssyncadd.s32 $0xFFFFF880  }
0x2f8: {  	_ =	swait.ge [sflag:s21], $0x780  }
0x2f9: {  	[sflag:s21] =	ssyncset.done $0x0  }
0x2fa: {  	[sflag:s21] =	ssyncadd.s32 $0xFFFFF880  }
0x2fb: {  	_ =	swait.ge [sflag:s21], $0x780  }
0x2fc: {  	[sflag:s21] =	ssyncset.done $0x0  }
0x2fd: {  	[sflag:s21] =	ssyncadd.s32 $0xFFFFF880  }
0x2fe: {  	_ =	swait.ge [sflag:s21], $0x780  }
0x2ff: {  	[sflag:s21] =	ssyncset.done $0x0  }
0x300: {  	[sflag:s21] =	ssyncadd.s32 $0xFFFFF880  }
0x301: {  	_ =	swait.ge [sflag:s21], $0x780  }
0x302: {  	[sflag:s21] =	ssyncset.done $0x0  }
0x303: {  	[sflag:s21] =	ssyncadd.s32 $0xFFFFF880  }
0x304: {  	_ =	swait.ge [sflag:s21], $0x780  }
0x305: {  	[sflag:s21] =	ssyncset.done $0x0  }
0x306: {  	[sflag:s21] =	ssyncadd.s32 $0xFFFFF880  }
0x307: {  	_ =	swait.ge [sflag:s21], $0x780  }
0x308: {  	[sflag:s21] =	ssyncset.done $0x0  }
0x309: {  	[sflag:s21] =	ssyncadd.s32 $0xFFFFF880  }
0x30a: {  	_ =	swait.ge [sflag:s21], $0x780  }
0x30b: {  	[sflag:s21] =	ssyncset.done $0x0  }
0x30c: {  	[sflag:s21] =	ssyncadd.s32 $0xFFFFF880  }
0x30d: {  	_ =	swait.ge [sflag:s21], $0x780  }
0x30e: {  	[sflag:s21] =	ssyncset.done $0x0  }
0x30f: {  	[sflag:s21] =	ssyncadd.s32 $0xFFFFF880  }
0x310: {  	_ =	swait.ge [sflag:s21], $0x780  }
0x311: {  	[sflag:s21] =	ssyncset.done $0x0  }
0x312: {  	[sflag:s21] =	ssyncadd.s32 $0xFFFFF880  }
0x313: {  	_ =	swait.ge [sflag:s21], $0x780  }
0x314: {  	[sflag:s21] =	ssyncset.done $0x0  }
0x315: {  	[sflag:s21] =	ssyncadd.s32 $0xFFFFF880  }
0x316: {  	_ =	swait.ge [sflag:s21], $0x780  }
0x317: {  	[sflag:s21] =	ssyncset.done $0x0  }
0x318: {  	[sflag:s21] =	ssyncadd.s32 $0xFFFFF880  }
0x319: {  	_ =	swait.ge [sflag:s21], $0x780  }
0x31a: {  	[sflag:s21] =	ssyncset.done $0x0  }
0x31b: {  	[sflag:s21] =	ssyncadd.s32 $0xFFFFF880  }
0x31c: {  	_ =	swait.ge [sflag:s21], $0x780  }
0x31d: {  	[sflag:s21] =	ssyncset.done $0x0  }
0x31e: {  	[sflag:s21] =	ssyncadd.s32 $0xFFFFF880  }
0x31f: {  	_ =	swait.ge [sflag:s21], $0x780  }
0x320: {  	[sflag:s21] =	ssyncset.done $0x0  }
0x321: {  	[sflag:s21] =	ssyncadd.s32 $0xFFFFF880  }
0x322: {  	_ =	swait.ge [sflag:s21], $0x780  }
0x323: {  	[sflag:s21] =	ssyncset.done $0x0  }
0x324: {  	[sflag:s21] =	ssyncadd.s32 $0xFFFFF880  }
0x325: {  	_ =	swait.ge [sflag:s21], $0x780  }
0x326: {  	[sflag:s21] =	ssyncset.done $0x0  }
0x327: {  	[sflag:s21] =	ssyncadd.s32 $0xFFFFF880  }
0x328: {  	_ =	swait.ge [sflag:s21], $0x780  }
0x329: {  	[sflag:s21] =	ssyncset.done $0x0  }
0x32a: {  	[sflag:s21] =	ssyncadd.s32 $0xFFFFF880  }
0x32b: {  	_ =	swait.ge [sflag:s21], $0x780  }
0x32c: {  	[sflag:s21] =	ssyncset.done $0x0  }
0x32d: {  	[sflag:s21] =	ssyncadd.s32 $0xFFFFF880  }
0x32e: {  	_ =	swait.ge [sflag:s21], $0x780  }
0x32f: {  	[sflag:s21] =	ssyncset.done $0x0  }
0x330: {  	[sflag:s21] =	ssyncadd.s32 $0xFFFFF880  }
0x331: {  	[bflag:$0x0] =	sbarrier.arrive $0xFFFF  }
0x332: {  	s22 =	rddreg [dreg:$0xa]  }
0x333: {  	s23 =	rddreg [dreg:$0x10]  }
0x334: {  	s26 =	simm.s32 $0x5;
	s25 =	rddreg [dreg:$0x12]  }
0x335: {  	[hbm:s22], [sflag:s23] =	dma.local [spmem:s25], $0xEA6  }
0x336: {  	_ =	swait.ge [sflag:s26], $0xEA6  }
0x337: {  	[sflag:s26] =	ssyncset.done $0x0  }
0x338: {  	s11 =	rddreg [dreg:$0x7];
	[sflag:s26] =	ssyncadd.s32 $0xFFFFF15A  }
0x339: {  	[spmem:s25], [sflag:s23] =	dma.local [hbm:s11], $0xEA6  }
0x33a: {  	_ =	swait.ge [sflag:s26], $0xEA6  }
0x33b: {  	[sflag:s26] =	ssyncset.done $0x0  }
0x33c: {  	[sflag:s26] =	ssyncadd.s32 $0xFFFFF15A  }
0x33d: {  	[bflag:$0x0] =	sbarrier.arrive $0xFFFF  }
0x33e: {  	s22 =	simm.s32 $0x0;
	s24 =	rddreg [dreg:$0xb]  }
0x33f: {  	[tilespmem:s22], [sflag:$0x1] =	stream.linear.gather [hbm4b:s24+s22], $0xBB8, $0x38;
	[tilespmem:$0x9420] =	vst v63  }
0x340: {  	_ =	swait.ge [sflag:s19], $0xBB8  }
0x341: {  	[sflag:s19] =	ssyncset.done $0x0  }
0x342: {  	[sflag:s19] =	ssyncadd.s32 $0xFFFFF448  }
0x343: {  	[spmem:s1] =	stream.indirect.scatter.add.f32 [tilespmem:s15], [sflag:$0x3], $0x10, s22, s20, $0xb8;
	[tilespmem:$0x9420] =	vst v63  }
0x344: {  	_ = 	snop  }
0x345: {  	[spmem:s1] =	stream.indirect.scatter.add.f32 [tilespmem:s15], [sflag:$0x3], $0x10, s20, s20, $0xb8;
	[tilespmem:$0x9420] =	vst v63  }
0x346: {  	s25 =	simm.s32 $0xF0  }
0x347: {  	[spmem:s1] =	stream.indirect.scatter.add.f32 [tilespmem:s15], [sflag:$0x3], $0x10, s25, s20, $0xb8;
	[tilespmem:$0x9420] =	vst v63  }
0x348: {  	s26 =	simm.s32 $0x168  }
0x349: {  	[spmem:s1] =	stream.indirect.scatter.add.f32 [tilespmem:s15], [sflag:$0x3], $0x10, s26, s20, $0xb8;
	[tilespmem:$0x9420] =	vst v63  }
0x34a: {  	s24 =	simm.s32 $0x1E0  }
0x34b: {  	[spmem:s1] =	stream.indirect.scatter.add.f32 [tilespmem:s15], [sflag:$0x3], $0x10, s24, s20, $0xb8;
	[tilespmem:$0x9420] =	vst v63  }
0x34c: {  	s25 =	simm.s32 $0x258  }
0x34d: {  	[spmem:s1] =	stream.indirect.scatter.add.f32 [tilespmem:s15], [sflag:$0x3], $0x10, s25, s20, $0xb8;
	[tilespmem:$0x9420] =	vst v63  }
0x34e: {  	s26 =	simm.s32 $0x2D0  }
0x34f: {  	[spmem:s1] =	stream.indirect.scatter.add.f32 [tilespmem:s15], [sflag:$0x3], $0x10, s26, s20, $0xb8;
	[tilespmem:$0x9420] =	vst v63  }
0x350: {  	s11 =	simm.s32 $0x348  }
0x351: {  	[spmem:s1] =	stream.indirect.scatter.add.f32 [tilespmem:s15], [sflag:$0x3], $0x10, s11, s20, $0xb8;
	[tilespmem:$0x9420] =	vst v63  }
0x352: {  	s23 =	simm.s32 $0x3C0  }
0x353: {  	[spmem:s1] =	stream.indirect.scatter.add.f32 [tilespmem:s15], [sflag:$0x3], $0x10, s23, s20, $0xb8;
	[tilespmem:$0x9420] =	vst v63  }
0x354: {  	s11 =	simm.s32 $0x438  }
0x355: {  	[spmem:s1] =	stream.indirect.scatter.add.f32 [tilespmem:s15], [sflag:$0x3], $0x10, s11, s20, $0xb8;
	[tilespmem:$0x9420] =	vst v63  }
0x356: {  	s23 =	simm.s32 $0x4B0  }
0x357: {  	[spmem:s1] =	stream.indirect.scatter.add.f32 [tilespmem:s15], [sflag:$0x3], $0x10, s23, s20, $0xb8;
	[tilespmem:$0x9420] =	vst v63  }
0x358: {  	s11 =	simm.s32 $0x528  }
0x359: {  	[spmem:s1] =	stream.indirect.scatter.add.f32 [tilespmem:s15], [sflag:$0x3], $0x10, s11, s20, $0xb8;
	[tilespmem:$0x9420] =	vst v63  }
0x35a: {  	s23 =	simm.s32 $0x5A0  }
0x35b: {  	[spmem:s1] =	stream.indirect.scatter.add.f32 [tilespmem:s15], [sflag:$0x3], $0x10, s23, s20, $0xb8;
	[tilespmem:$0x9420] =	vst v63  }
0x35c: {  	s11 =	simm.s32 $0x618  }
0x35d: {  	[spmem:s1] =	stream.indirect.scatter.add.f32 [tilespmem:s15], [sflag:$0x3], $0x10, s11, s20, $0xb8;
	[tilespmem:$0x9420] =	vst v63  }
0x35e: {  	s23 =	simm.s32 $0x690  }
0x35f: {  	[spmem:s1] =	stream.indirect.scatter.add.f32 [tilespmem:s15], [sflag:$0x3], $0x10, s23, s20, $0xb8;
	[tilespmem:$0x9420] =	vst v63  }
0x360: {  	s11 =	simm.s32 $0x708  }
0x361: {  	[spmem:s1] =	stream.indirect.scatter.add.f32 [tilespmem:s15], [sflag:$0x3], $0x10, s11, s20, $0xb8;
	[tilespmem:$0x9420] =	vst v63  }
0x362: {  	s23 =	simm.s32 $0x780  }
0x363: {  	[spmem:s1] =	stream.indirect.scatter.add.f32 [tilespmem:s15], [sflag:$0x3], $0x10, s23, s20, $0xb8;
	[tilespmem:$0x9420] =	vst v63  }
0x364: {  	s11 =	simm.s32 $0x7F8  }
0x365: {  	[spmem:s1] =	stream.indirect.scatter.add.f32 [tilespmem:s15], [sflag:$0x3], $0x10, s11, s20, $0xb8;
	[tilespmem:$0x9420] =	vst v63  }
0x366: {  	s23 =	simm.s32 $0x870  }
0x367: {  	[spmem:s1] =	stream.indirect.scatter.add.f32 [tilespmem:s15], [sflag:$0x3], $0x10, s23, s20, $0xb8;
	[tilespmem:$0x9420] =	vst v63  }
0x368: {  	s11 =	simm.s32 $0x8E8  }
0x369: {  	[spmem:s1] =	stream.indirect.scatter.add.f32 [tilespmem:s15], [sflag:$0x3], $0x10, s11, s20, $0xb8;
	[tilespmem:$0x9420] =	vst v63  }
0x36a: {  	s23 =	simm.s32 $0x960  }
0x36b: {  	[spmem:s1] =	stream.indirect.scatter.add.f32 [tilespmem:s15], [sflag:$0x3], $0x10, s23, s20, $0xb8;
	[tilespmem:$0x9420] =	vst v63  }
0x36c: {  	s11 =	simm.s32 $0x9D8  }
0x36d: {  	[spmem:s1] =	stream.indirect.scatter.add.f32 [tilespmem:s15], [sflag:$0x3], $0x10, s11, s20, $0xb8;
	[tilespmem:$0x9420] =	vst v63  }
0x36e: {  	s23 =	simm.s32 $0xA50  }
0x36f: {  	[spmem:s1] =	stream.indirect.scatter.add.f32 [tilespmem:s15], [sflag:$0x3], $0x10, s23, s20, $0xb8;
	[tilespmem:$0x9420] =	vst v63  }
0x370: {  	s11 =	simm.s32 $0xAC8  }
0x371: {  	[spmem:s1] =	stream.indirect.scatter.add.f32 [tilespmem:s15], [sflag:$0x3], $0x10, s11, s20, $0xb8;
	[tilespmem:$0x9420] =	vst v63  }
0x372: {  	s23 =	simm.s32 $0xB40  }
0x373: {  	[spmem:s1] =	stream.indirect.scatter.add.f32 [tilespmem:s15], [sflag:$0x3], $0x10, s23, s20, $0xb8;
	[tilespmem:$0x9420] =	vst v63  }
0x374: {  	s11 =	rddreg [dreg:$0xc]  }
0x375: {  	[tilespmem:s0], [sflag:$0x2] =	stream.linear.gather [hbm4b:s11+s22], $0xBB8, $0x38;
	[tilespmem:$0x9420] =	vst v63  }
0x376: {  	_ =	swait.ge [sflag:s16], $0xBB8  }
0x377: {  	[sflag:s16] =	ssyncset.done $0x0  }
0x378: {  	[sflag:s16] =	ssyncadd.s32 $0xFFFFF448  }
0x379: {  	[spmem:s1] =	stream.indirect.scatter.add.f32 [tilespmem:s15], [sflag:$0x4], $0x10, s0, s20, $0xb8;
	[tilespmem:$0x9420] =	vst v63  }
0x37a: {  	_ = 	snop  }
0x37b: {  	[spmem:s1] =	stream.indirect.scatter.add.f32 [tilespmem:s15], [sflag:$0x4], $0x10, s2, s20, $0xb8;
	[tilespmem:$0x9420] =	vst v63  }
0x37c: {  	_ = 	snop  }
0x37d: {  	[spmem:s1] =	stream.indirect.scatter.add.f32 [tilespmem:s15], [sflag:$0x4], $0x10, s5, s20, $0xb8;
	[tilespmem:$0x9420] =	vst v63  }
0x37e: {  	_ = 	snop  }
0x37f: {  	[spmem:s1] =	stream.indirect.scatter.add.f32 [tilespmem:s15], [sflag:$0x4], $0x10, s7, s20, $0xb8;
	[tilespmem:$0x9420] =	vst v63  }
0x380: {  	_ = 	snop  }
0x381: {  	[spmem:s1] =	stream.indirect.scatter.add.f32 [tilespmem:s15], [sflag:$0x4], $0x10, s8, s20, $0xb8;
	[tilespmem:$0x9420] =	vst v63  }
0x382: {  	_ = 	snop  }
0x383: {  	[spmem:s1] =	stream.indirect.scatter.add.f32 [tilespmem:s15], [sflag:$0x4], $0x10, s9, s20, $0xb8;
	[tilespmem:$0x9420] =	vst v63  }
0x384: {  	_ = 	snop  }
0x385: {  	[spmem:s1] =	stream.indirect.scatter.add.f32 [tilespmem:s15], [sflag:$0x4], $0x10, s10, s20, $0xb8;
	[tilespmem:$0x9420] =	vst v63  }
0x386: {  	_ = 	snop  }
0x387: {  	[spmem:s1] =	stream.indirect.scatter.add.f32 [tilespmem:s15], [sflag:$0x4], $0x10, s12, s20, $0xb8;
	[tilespmem:$0x9420] =	vst v63  }
0x388: {  	_ = 	snop  }
0x389: {  	[spmem:s1] =	stream.indirect.scatter.add.f32 [tilespmem:s15], [sflag:$0x4], $0x10, s13, s20, $0xb8;
	[tilespmem:$0x9420] =	vst v63  }
0x38a: {  	_ = 	snop  }
0x38b: {  	[spmem:s1] =	stream.indirect.scatter.add.f32 [tilespmem:s15], [sflag:$0x4], $0x10, s14, s20, $0xb8;
	[tilespmem:$0x9420] =	vst v63  }
0x38c: {  	_ = 	snop  }
0x38d: {  	[spmem:s1] =	stream.indirect.scatter.add.f32 [tilespmem:s15], [sflag:$0x4], $0x10, s17, s20, $0xb8;
	[tilespmem:$0x9420] =	vst v63  }
0x38e: {  	_ = 	snop  }
0x38f: {  	[spmem:s1] =	stream.indirect.scatter.add.f32 [tilespmem:s15], [sflag:$0x4], $0x10, s18, s20, $0xb8;
	[tilespmem:$0x9420] =	vst v63  }
0x390: {  	_ = 	snop  }
0x391: {  	[spmem:s1] =	stream.indirect.scatter.add.f32 [tilespmem:s15], [sflag:$0x4], $0x10, s28, s20, $0xb8;
	[tilespmem:$0x9420] =	vst v63  }
0x392: {  	_ = 	snop  }
0x393: {  	[spmem:s1] =	stream.indirect.scatter.add.f32 [tilespmem:s15], [sflag:$0x4], $0x10, s29, s20, $0xb8;
	[tilespmem:$0x9420] =	vst v63  }
0x394: {  	_ = 	snop  }
0x395: {  	[spmem:s1] =	stream.indirect.scatter.add.f32 [tilespmem:s15], [sflag:$0x4], $0x10, s30, s20, $0xb8;
	[tilespmem:$0x9420] =	vst v63  }
0x396: {  	_ = 	snop  }
0x397: {  	[spmem:s1] =	stream.indirect.scatter.add.f32 [tilespmem:s15], [sflag:$0x4], $0x10, s31, s20, $0xb8;
	[tilespmem:$0x9420] =	vst v63  }
0x398: {  	s22 =	simm.s32 $0x1338  }
0x399: {  	[spmem:s1] =	stream.indirect.scatter.add.f32 [tilespmem:s15], [sflag:$0x4], $0x10, s22, s20, $0xb8;
	[tilespmem:$0x9420] =	vst v63  }
0x39a: {  	s23 =	simm.s32 $0x13B0  }
0x39b: {  	[spmem:s1] =	stream.indirect.scatter.add.f32 [tilespmem:s15], [sflag:$0x4], $0x10, s23, s20, $0xb8;
	[tilespmem:$0x9420] =	vst v63  }
0x39c: {  	s2 =	simm.s32 $0x1428  }
0x39d: {  	[spmem:s1] =	stream.indirect.scatter.add.f32 [tilespmem:s15], [sflag:$0x4], $0x10, s2, s20, $0xb8;
	[tilespmem:$0x9420] =	vst v63  }
0x39e: {  	s5 =	simm.s32 $0x14A0  }
0x39f: {  	[spmem:s1] =	stream.indirect.scatter.add.f32 [tilespmem:s15], [sflag:$0x4], $0x10, s5, s20, $0xb8;
	[tilespmem:$0x9420] =	vst v63  }
0x3a0: {  	s8 =	simm.s32 $0x1518  }
0x3a1: {  	[spmem:s1] =	stream.indirect.scatter.add.f32 [tilespmem:s15], [sflag:$0x4], $0x10, s8, s20, $0xb8;
	[tilespmem:$0x9420] =	vst v63  }
0x3a2: {  	s9 =	simm.s32 $0x1590  }
0x3a3: {  	[spmem:s1] =	stream.indirect.scatter.add.f32 [tilespmem:s15], [sflag:$0x4], $0x10, s9, s20, $0xb8;
	[tilespmem:$0x9420] =	vst v63  }
0x3a4: {  	s10 =	simm.s32 $0x1608  }
0x3a5: {  	[spmem:s1] =	stream.indirect.scatter.add.f32 [tilespmem:s15], [sflag:$0x4], $0x10, s10, s20, $0xb8;
	[tilespmem:$0x9420] =	vst v63  }
0x3a6: {  	s22 =	simm.s32 $0x1680  }
0x3a7: {  	[spmem:s1] =	stream.indirect.scatter.add.f32 [tilespmem:s15], [sflag:$0x4], $0x10, s22, s20, $0xb8;
	[tilespmem:$0x9420] =	vst v63  }
0x3a8: {  	s23 =	simm.s32 $0x16F8  }
0x3a9: {  	[spmem:s1] =	stream.indirect.scatter.add.f32 [tilespmem:s15], [sflag:$0x4], $0x10, s23, s20, $0xb8;
	[tilespmem:$0x9420] =	vst v63  }
0x3aa: {  	_ =	swait.ge [sflag:s4], $0x780  }
0x3ab: {  	[sflag:s4] =	ssyncset.done $0x0  }
0x3ac: {  	[sflag:s4] =	ssyncadd.s32 $0xFFFFF880  }
0x3ad: {  	_ =	swait.ge [sflag:s4], $0x780  }
0x3ae: {  	[sflag:s4] =	ssyncset.done $0x0  }
0x3af: {  	[sflag:s4] =	ssyncadd.s32 $0xFFFFF880  }
0x3b0: {  	_ =	swait.ge [sflag:s4], $0x780  }
0x3b1: {  	[sflag:s4] =	ssyncset.done $0x0  }
0x3b2: {  	[sflag:s4] =	ssyncadd.s32 $0xFFFFF880  }
0x3b3: {  	_ =	swait.ge [sflag:s4], $0x780  }
0x3b4: {  	[sflag:s4] =	ssyncset.done $0x0  }
0x3b5: {  	[sflag:s4] =	ssyncadd.s32 $0xFFFFF880  }
0x3b6: {  	_ =	swait.ge [sflag:s4], $0x780  }
0x3b7: {  	[sflag:s4] =	ssyncset.done $0x0  }
0x3b8: {  	[sflag:s4] =	ssyncadd.s32 $0xFFFFF880  }
0x3b9: {  	_ =	swait.ge [sflag:s4], $0x780  }
0x3ba: {  	[sflag:s4] =	ssyncset.done $0x0  }
0x3bb: {  	[sflag:s4] =	ssyncadd.s32 $0xFFFFF880  }
0x3bc: {  	_ =	swait.ge [sflag:s4], $0x780  }
0x3bd: {  	[sflag:s4] =	ssyncset.done $0x0  }
0x3be: {  	[sflag:s4] =	ssyncadd.s32 $0xFFFFF880  }
0x3bf: {  	_ =	swait.ge [sflag:s4], $0x780  }
0x3c0: {  	[sflag:s4] =	ssyncset.done $0x0  }
0x3c1: {  	[sflag:s4] =	ssyncadd.s32 $0xFFFFF880  }
0x3c2: {  	_ =	swait.ge [sflag:s4], $0x780  }
0x3c3: {  	[sflag:s4] =	ssyncset.done $0x0  }
0x3c4: {  	[sflag:s4] =	ssyncadd.s32 $0xFFFFF880  }
0x3c5: {  	_ =	swait.ge [sflag:s4], $0x780  }
0x3c6: {  	[sflag:s4] =	ssyncset.done $0x0  }
0x3c7: {  	[sflag:s4] =	ssyncadd.s32 $0xFFFFF880  }
0x3c8: {  	_ =	swait.ge [sflag:s4], $0x780  }
0x3c9: {  	[sflag:s4] =	ssyncset.done $0x0  }
0x3ca: {  	[sflag:s4] =	ssyncadd.s32 $0xFFFFF880  }
0x3cb: {  	_ =	swait.ge [sflag:s4], $0x780  }
0x3cc: {  	[sflag:s4] =	ssyncset.done $0x0  }
0x3cd: {  	[sflag:s4] =	ssyncadd.s32 $0xFFFFF880  }
0x3ce: {  	_ =	swait.ge [sflag:s4], $0x780  }
0x3cf: {  	[sflag:s4] =	ssyncset.done $0x0  }
0x3d0: {  	[sflag:s4] =	ssyncadd.s32 $0xFFFFF880  }
0x3d1: {  	_ =	swait.ge [sflag:s4], $0x780  }
0x3d2: {  	[sflag:s4] =	ssyncset.done $0x0  }
0x3d3: {  	[sflag:s4] =	ssyncadd.s32 $0xFFFFF880  }
0x3d4: {  	_ =	swait.ge [sflag:s4], $0x780  }
0x3d5: {  	[sflag:s4] =	ssyncset.done $0x0  }
0x3d6: {  	[sflag:s4] =	ssyncadd.s32 $0xFFFFF880  }
0x3d7: {  	_ =	swait.ge [sflag:s4], $0x780  }
0x3d8: {  	[sflag:s4] =	ssyncset.done $0x0  }
0x3d9: {  	[sflag:s4] =	ssyncadd.s32 $0xFFFFF880  }
0x3da: {  	_ =	swait.ge [sflag:s4], $0x780  }
0x3db: {  	[sflag:s4] =	ssyncset.done $0x0  }
0x3dc: {  	[sflag:s4] =	ssyncadd.s32 $0xFFFFF880  }
0x3dd: {  	_ =	swait.ge [sflag:s4], $0x780  }
0x3de: {  	[sflag:s4] =	ssyncset.done $0x0  }
0x3df: {  	[sflag:s4] =	ssyncadd.s32 $0xFFFFF880  }
0x3e0: {  	_ =	swait.ge [sflag:s4], $0x780  }
0x3e1: {  	[sflag:s4] =	ssyncset.done $0x0  }
0x3e2: {  	[sflag:s4] =	ssyncadd.s32 $0xFFFFF880  }
0x3e3: {  	_ =	swait.ge [sflag:s4], $0x780  }
0x3e4: {  	[sflag:s4] =	ssyncset.done $0x0  }
0x3e5: {  	[sflag:s4] =	ssyncadd.s32 $0xFFFFF880  }
0x3e6: {  	_ =	swait.ge [sflag:s4], $0x780  }
0x3e7: {  	[sflag:s4] =	ssyncset.done $0x0  }
0x3e8: {  	[sflag:s4] =	ssyncadd.s32 $0xFFFFF880  }
0x3e9: {  	_ =	swait.ge [sflag:s4], $0x780  }
0x3ea: {  	[sflag:s4] =	ssyncset.done $0x0  }
0x3eb: {  	[sflag:s4] =	ssyncadd.s32 $0xFFFFF880  }
0x3ec: {  	_ =	swait.ge [sflag:s4], $0x780  }
0x3ed: {  	[sflag:s4] =	ssyncset.done $0x0  }
0x3ee: {  	[sflag:s4] =	ssyncadd.s32 $0xFFFFF880  }
0x3ef: {  	_ =	swait.ge [sflag:s4], $0x780  }
0x3f0: {  	[sflag:s4] =	ssyncset.done $0x0  }
0x3f1: {  	[sflag:s4] =	ssyncadd.s32 $0xFFFFF880  }
0x3f2: {  	_ =	swait.ge [sflag:s4], $0x780  }
0x3f3: {  	s23 =	rddreg [dreg:$0x5];
	[sflag:s4] =	ssyncset.done $0x0  }
0x3f4: {  	[sflag:s4] =	ssyncadd.s32 $0xFFFFF880;
	s22 =	sadd.s32 $0x0, s23  }
0x3f5: {  	[tilespmem:s3], [sflag:$0x1] =	stream.linear.gather [hbm4b:s22+s3], $0xBB8, $0x38;
	[tilespmem:$0x9420] =	vst v63  }
0x3f6: {  	_ =	swait.ge [sflag:s19], $0xBB8  }
0x3f7: {  	[sflag:s19] =	ssyncset.done $0x0  }
0x3f8: {  	[sflag:s19] =	ssyncadd.s32 $0xFFFFF448  }
0x3f9: {  	[spmem:s1] =	stream.indirect.scatter.add.f32 [tilespmem:s15], [sflag:$0x3], $0x10, s3, s20, $0xb8;
	[tilespmem:$0x9420] =	vst v63  }
0x3fa: {  	_ = 	snop  }
0x3fb: {  	[spmem:s1] =	stream.indirect.scatter.add.f32 [tilespmem:s15], [sflag:$0x3], $0x10, s20, s20, $0xb8;
	[tilespmem:$0x9420] =	vst v63  }
0x3fc: {  	s23 =	simm.s32 $0xF0  }
0x3fd: {  	[spmem:s1] =	stream.indirect.scatter.add.f32 [tilespmem:s15], [sflag:$0x3], $0x10, s23, s20, $0xb8;
	[tilespmem:$0x9420] =	vst v63  }
0x3fe: {  	s23 =	simm.s32 $0x168  }
0x3ff: {  	[spmem:s1] =	stream.indirect.scatter.add.f32 [tilespmem:s15], [sflag:$0x3], $0x10, s23, s20, $0xb8;
	[tilespmem:$0x9420] =	vst v63  }
0x400: {  	_ = 	snop  }
0x401: {  	[spmem:s1] =	stream.indirect.scatter.add.f32 [tilespmem:s15], [sflag:$0x3], $0x10, s24, s20, $0xb8;
	[tilespmem:$0x9420] =	vst v63  }
0x402: {  	_ = 	snop  }
0x403: {  	[spmem:s1] =	stream.indirect.scatter.add.f32 [tilespmem:s15], [sflag:$0x3], $0x10, s25, s20, $0xb8;
	[tilespmem:$0x9420] =	vst v63  }
0x404: {  	_ = 	snop  }
0x405: {  	[spmem:s1] =	stream.indirect.scatter.add.f32 [tilespmem:s15], [sflag:$0x3], $0x10, s26, s20, $0xb8;
	[tilespmem:$0x9420] =	vst v63  }
0x406: {  	s24 =	simm.s32 $0x348  }
0x407: {  	[spmem:s1] =	stream.indirect.scatter.add.f32 [tilespmem:s15], [sflag:$0x3], $0x10, s24, s20, $0xb8;
	[tilespmem:$0x9420] =	vst v63  }
0x408: {  	s25 =	simm.s32 $0x3C0  }
0x409: {  	[spmem:s1] =	stream.indirect.scatter.add.f32 [tilespmem:s15], [sflag:$0x3], $0x10, s25, s20, $0xb8;
	[tilespmem:$0x9420] =	vst v63  }
0x40a: {  	s26 =	simm.s32 $0x438  }
0x40b: {  	[spmem:s1] =	stream.indirect.scatter.add.f32 [tilespmem:s15], [sflag:$0x3], $0x10, s26, s20, $0xb8;
	[tilespmem:$0x9420] =	vst v63  }
0x40c: {  	s23 =	simm.s32 $0x4B0  }
0x40d: {  	[spmem:s1] =	stream.indirect.scatter.add.f32 [tilespmem:s15], [sflag:$0x3], $0x10, s23, s20, $0xb8;
	[tilespmem:$0x9420] =	vst v63  }
0x40e: {  	s24 =	simm.s32 $0x528  }
0x40f: {  	[spmem:s1] =	stream.indirect.scatter.add.f32 [tilespmem:s15], [sflag:$0x3], $0x10, s24, s20, $0xb8;
	[tilespmem:$0x9420] =	vst v63  }
0x410: {  	s25 =	simm.s32 $0x5A0  }
0x411: {  	[spmem:s1] =	stream.indirect.scatter.add.f32 [tilespmem:s15], [sflag:$0x3], $0x10, s25, s20, $0xb8;
	[tilespmem:$0x9420] =	vst v63  }
0x412: {  	s26 =	simm.s32 $0x618  }
0x413: {  	[spmem:s1] =	stream.indirect.scatter.add.f32 [tilespmem:s15], [sflag:$0x3], $0x10, s26, s20, $0xb8;
	[tilespmem:$0x9420] =	vst v63  }
0x414: {  	s23 =	simm.s32 $0x690  }
0x415: {  	[spmem:s1] =	stream.indirect.scatter.add.f32 [tilespmem:s15], [sflag:$0x3], $0x10, s23, s20, $0xb8;
	[tilespmem:$0x9420] =	vst v63  }
0x416: {  	s24 =	simm.s32 $0x708  }
0x417: {  	[spmem:s1] =	stream.indirect.scatter.add.f32 [tilespmem:s15], [sflag:$0x3], $0x10, s24, s20, $0xb8;
	[tilespmem:$0x9420] =	vst v63  }
0x418: {  	s25 =	simm.s32 $0x780  }
0x419: {  	[spmem:s1] =	stream.indirect.scatter.add.f32 [tilespmem:s15], [sflag:$0x3], $0x10, s25, s20, $0xb8;
	[tilespmem:$0x9420] =	vst v63  }
0x41a: {  	s26 =	simm.s32 $0x7F8  }
0x41b: {  	[spmem:s1] =	stream.indirect.scatter.add.f32 [tilespmem:s15], [sflag:$0x3], $0x10, s26, s20, $0xb8;
	[tilespmem:$0x9420] =	vst v63  }
0x41c: {  	s23 =	simm.s32 $0x870  }
0x41d: {  	[spmem:s1] =	stream.indirect.scatter.add.f32 [tilespmem:s15], [sflag:$0x3], $0x10, s23, s20, $0xb8;
	[tilespmem:$0x9420] =	vst v63  }
0x41e: {  	s24 =	simm.s32 $0x8E8  }
0x41f: {  	[spmem:s1] =	stream.indirect.scatter.add.f32 [tilespmem:s15], [sflag:$0x3], $0x10, s24, s20, $0xb8;
	[tilespmem:$0x9420] =	vst v63  }
0x420: {  	s25 =	simm.s32 $0x960  }
0x421: {  	[spmem:s1] =	stream.indirect.scatter.add.f32 [tilespmem:s15], [sflag:$0x3], $0x10, s25, s20, $0xb8;
	[tilespmem:$0x9420] =	vst v63  }
0x422: {  	s26 =	simm.s32 $0x9D8  }
0x423: {  	[spmem:s1] =	stream.indirect.scatter.add.f32 [tilespmem:s15], [sflag:$0x3], $0x10, s26, s20, $0xb8;
	[tilespmem:$0x9420] =	vst v63  }
0x424: {  	s23 =	simm.s32 $0xA50  }
0x425: {  	[spmem:s1] =	stream.indirect.scatter.add.f32 [tilespmem:s15], [sflag:$0x3], $0x10, s23, s20, $0xb8;
	[tilespmem:$0x9420] =	vst v63  }
0x426: {  	s24 =	simm.s32 $0xAC8  }
0x427: {  	[spmem:s1] =	stream.indirect.scatter.add.f32 [tilespmem:s15], [sflag:$0x3], $0x10, s24, s20, $0xb8;
	[tilespmem:$0x9420] =	vst v63  }
0x428: {  	s25 =	simm.s32 $0xB40  }
0x429: {  	[spmem:s1] =	stream.indirect.scatter.add.f32 [tilespmem:s15], [sflag:$0x3], $0x10, s25, s20, $0xb8;
	[tilespmem:$0x9420] =	vst v63  }
0x42a: {  	_ =	swait.ge [sflag:s21], $0x780  }
0x42b: {  	[sflag:s21] =	ssyncset.done $0x0  }
0x42c: {  	[sflag:s21] =	ssyncadd.s32 $0xFFFFF880  }
0x42d: {  	_ =	swait.ge [sflag:s21], $0x780  }
0x42e: {  	[sflag:s21] =	ssyncset.done $0x0  }
0x42f: {  	[sflag:s21] =	ssyncadd.s32 $0xFFFFF880  }
0x430: {  	_ =	swait.ge [sflag:s21], $0x780  }
0x431: {  	[sflag:s21] =	ssyncset.done $0x0  }
0x432: {  	[sflag:s21] =	ssyncadd.s32 $0xFFFFF880  }
0x433: {  	_ =	swait.ge [sflag:s21], $0x780  }
0x434: {  	[sflag:s21] =	ssyncset.done $0x0  }
0x435: {  	[sflag:s21] =	ssyncadd.s32 $0xFFFFF880  }
0x436: {  	_ =	swait.ge [sflag:s21], $0x780  }
0x437: {  	[sflag:s21] =	ssyncset.done $0x0  }
0x438: {  	[sflag:s21] =	ssyncadd.s32 $0xFFFFF880  }
0x439: {  	_ =	swait.ge [sflag:s21], $0x780  }
0x43a: {  	[sflag:s21] =	ssyncset.done $0x0  }
0x43b: {  	[sflag:s21] =	ssyncadd.s32 $0xFFFFF880  }
0x43c: {  	_ =	swait.ge [sflag:s21], $0x780  }
0x43d: {  	[sflag:s21] =	ssyncset.done $0x0  }
0x43e: {  	[sflag:s21] =	ssyncadd.s32 $0xFFFFF880  }
0x43f: {  	_ =	swait.ge [sflag:s21], $0x780  }
0x440: {  	[sflag:s21] =	ssyncset.done $0x0  }
0x441: {  	[sflag:s21] =	ssyncadd.s32 $0xFFFFF880  }
0x442: {  	_ =	swait.ge [sflag:s21], $0x780  }
0x443: {  	[sflag:s21] =	ssyncset.done $0x0  }
0x444: {  	[sflag:s21] =	ssyncadd.s32 $0xFFFFF880  }
0x445: {  	_ =	swait.ge [sflag:s21], $0x780  }
0x446: {  	[sflag:s21] =	ssyncset.done $0x0  }
0x447: {  	[sflag:s21] =	ssyncadd.s32 $0xFFFFF880  }
0x448: {  	_ =	swait.ge [sflag:s21], $0x780  }
0x449: {  	[sflag:s21] =	ssyncset.done $0x0  }
0x44a: {  	[sflag:s21] =	ssyncadd.s32 $0xFFFFF880  }
0x44b: {  	_ =	swait.ge [sflag:s21], $0x780  }
0x44c: {  	[sflag:s21] =	ssyncset.done $0x0  }
0x44d: {  	[sflag:s21] =	ssyncadd.s32 $0xFFFFF880  }
0x44e: {  	_ =	swait.ge [sflag:s21], $0x780  }
0x44f: {  	[sflag:s21] =	ssyncset.done $0x0  }
0x450: {  	[sflag:s21] =	ssyncadd.s32 $0xFFFFF880  }
0x451: {  	_ =	swait.ge [sflag:s21], $0x780  }
0x452: {  	[sflag:s21] =	ssyncset.done $0x0  }
0x453: {  	[sflag:s21] =	ssyncadd.s32 $0xFFFFF880  }
0x454: {  	_ =	swait.ge [sflag:s21], $0x780  }
0x455: {  	[sflag:s21] =	ssyncset.done $0x0  }
0x456: {  	[sflag:s21] =	ssyncadd.s32 $0xFFFFF880  }
0x457: {  	_ =	swait.ge [sflag:s21], $0x780  }
0x458: {  	[sflag:s21] =	ssyncset.done $0x0  }
0x459: {  	[sflag:s21] =	ssyncadd.s32 $0xFFFFF880  }
0x45a: {  	_ =	swait.ge [sflag:s21], $0x780  }
0x45b: {  	[sflag:s21] =	ssyncset.done $0x0  }
0x45c: {  	[sflag:s21] =	ssyncadd.s32 $0xFFFFF880  }
0x45d: {  	_ =	swait.ge [sflag:s21], $0x780  }
0x45e: {  	[sflag:s21] =	ssyncset.done $0x0  }
0x45f: {  	[sflag:s21] =	ssyncadd.s32 $0xFFFFF880  }
0x460: {  	_ =	swait.ge [sflag:s21], $0x780  }
0x461: {  	[sflag:s21] =	ssyncset.done $0x0  }
0x462: {  	[sflag:s21] =	ssyncadd.s32 $0xFFFFF880  }
0x463: {  	_ =	swait.ge [sflag:s21], $0x780  }
0x464: {  	[sflag:s21] =	ssyncset.done $0x0  }
0x465: {  	[sflag:s21] =	ssyncadd.s32 $0xFFFFF880  }
0x466: {  	_ =	swait.ge [sflag:s21], $0x780  }
0x467: {  	[sflag:s21] =	ssyncset.done $0x0  }
0x468: {  	[sflag:s21] =	ssyncadd.s32 $0xFFFFF880  }
0x469: {  	s6 =	simm.s32 $0x10E0;
	_ =	swait.ge [sflag:s21], $0x780  }
0x46a: {  	s11 =	simm.s32 $0xF00;
	s0 =	simm.s32 $0x14A0;
	[sflag:s21] =	ssyncset.done $0x0  }
0x46b: {  	s7 =	simm.s32 $0x1068;
	s12 =	simm.s32 $0xF78;
	[sflag:s21] =	ssyncadd.s32 $0xFFFFF880  }
0x46c: {  	s13 =	simm.s32 $0xFF0;
	s14 =	simm.s32 $0x1158;
	_ =	swait.ge [sflag:s21], $0x780  }
0x46d: {  	s17 =	simm.s32 $0x11D0;
	s18 =	simm.s32 $0x1428;
	[sflag:s21] =	ssyncset.done $0x0  }
0x46e: {  	s28 =	simm.s32 $0x1248;
	s29 =	simm.s32 $0x12C0;
	[sflag:s21] =	ssyncadd.s32 $0xFFFFF880  }
0x46f: {  	s30 =	simm.s32 $0x1338;
	s31 =	simm.s32 $0x13B0;
	_ =	swait.ge [sflag:s21], $0x780  }
0x470: {  	s2 =	simm.s32 $0x1518;
	s5 =	simm.s32 $0x1590;
	[sflag:s21] =	ssyncset.done $0x0  }
0x471: {  	s8 =	simm.s32 $0x1608;
	s9 =	simm.s32 $0x1680;
	[sflag:s21] =	ssyncadd.s32 $0xFFFFF880  }
0x472: {  	s10 =	simm.s32 $0x16F8;
	s22 =	simm.s32 $0x2EE;
	_ =	swait.ge [sflag:s21], $0x780  }
0x473: {  	s25 =	simm.s32 $0xF0;
	s26 =	rddreg [dreg:$0x4];
	[sflag:s21] =	ssyncset.done $0x0  }
0x474: {  	[sflag:s21] =	ssyncadd.s32 $0xFFFFF880;
	s23 =	sadd.s32 $0x0, s26;
	s26 =	simm.s32 $0x168  }
.LBB2_4:
0x475: {  	s24 =	simm.s32 $0xBB8  }
0x476: {  	[tilespmem:s24], [sflag:$0x2] =	stream.linear.gather [hbm4b:s23+s3], $0xBB8, $0x38;
	[tilespmem:$0x9420] =	vst v63  }
0x477: {  	_ =	swait.ge [sflag:s16], $0xBB8  }
0x478: {  	[sflag:s16] =	ssyncset.done $0x0  }
0x479: {  	[sflag:s16] =	ssyncadd.s32 $0xFFFFF448  }
0x47a: {  	[spmem:s1] =	stream.indirect.scatter.add.f32 [tilespmem:s15], [sflag:$0x4], $0x10, s24, s20, $0xb8;
	[tilespmem:$0x9420] =	vst v63  }
0x47b: {  	s24 =	simm.s32 $0xC30  }
0x47c: {  	[spmem:s1] =	stream.indirect.scatter.add.f32 [tilespmem:s15], [sflag:$0x4], $0x10, s24, s20, $0xb8;
	[tilespmem:$0x9420] =	vst v63  }
0x47d: {  	s24 =	simm.s32 $0xCA8  }
0x47e: {  	[spmem:s1] =	stream.indirect.scatter.add.f32 [tilespmem:s15], [sflag:$0x4], $0x10, s24, s20, $0xb8;
	[tilespmem:$0x9420] =	vst v63  }
0x47f: {  	s24 =	simm.s32 $0xD20  }
0x480: {  	[spmem:s1] =	stream.indirect.scatter.add.f32 [tilespmem:s15], [sflag:$0x4], $0x10, s24, s20, $0xb8;
	[tilespmem:$0x9420] =	vst v63  }
0x481: {  	s24 =	simm.s32 $0xD98  }
0x482: {  	[spmem:s1] =	stream.indirect.scatter.add.f32 [tilespmem:s15], [sflag:$0x4], $0x10, s24, s20, $0xb8;
	[tilespmem:$0x9420] =	vst v63  }
0x483: {  	s24 =	simm.s32 $0xE10  }
0x484: {  	[spmem:s1] =	stream.indirect.scatter.add.f32 [tilespmem:s15], [sflag:$0x4], $0x10, s24, s20, $0xb8;
	[tilespmem:$0x9420] =	vst v63  }
0x485: {  	s24 =	simm.s32 $0xE88  }
0x486: {  	[spmem:s1] =	stream.indirect.scatter.add.f32 [tilespmem:s15], [sflag:$0x4], $0x10, s24, s20, $0xb8;
	[tilespmem:$0x9420] =	vst v63  }
0x487: {  	_ = 	snop  }
0x488: {  	[spmem:s1] =	stream.indirect.scatter.add.f32 [tilespmem:s15], [sflag:$0x4], $0x10, s11, s20, $0xb8;
	[tilespmem:$0x9420] =	vst v63  }
0x489: {  	_ = 	snop  }
0x48a: {  	[spmem:s1] =	stream.indirect.scatter.add.f32 [tilespmem:s15], [sflag:$0x4], $0x10, s12, s20, $0xb8;
	[tilespmem:$0x9420] =	vst v63  }
0x48b: {  	_ = 	snop  }
0x48c: {  	[spmem:s1] =	stream.indirect.scatter.add.f32 [tilespmem:s15], [sflag:$0x4], $0x10, s13, s20, $0xb8;
	[tilespmem:$0x9420] =	vst v63  }
0x48d: {  	_ = 	snop  }
0x48e: {  	[spmem:s1] =	stream.indirect.scatter.add.f32 [tilespmem:s15], [sflag:$0x4], $0x10, s7, s20, $0xb8;
	[tilespmem:$0x9420] =	vst v63  }
0x48f: {  	_ = 	snop  }
0x490: {  	[spmem:s1] =	stream.indirect.scatter.add.f32 [tilespmem:s15], [sflag:$0x4], $0x10, s6, s20, $0xb8;
	[tilespmem:$0x9420] =	vst v63  }
0x491: {  	_ = 	snop  }
0x492: {  	[spmem:s1] =	stream.indirect.scatter.add.f32 [tilespmem:s15], [sflag:$0x4], $0x10, s14, s20, $0xb8;
	[tilespmem:$0x9420] =	vst v63  }
0x493: {  	_ = 	snop  }
0x494: {  	[spmem:s1] =	stream.indirect.scatter.add.f32 [tilespmem:s15], [sflag:$0x4], $0x10, s17, s20, $0xb8;
	[tilespmem:$0x9420] =	vst v63  }
0x495: {  	_ = 	snop  }
0x496: {  	[spmem:s1] =	stream.indirect.scatter.add.f32 [tilespmem:s15], [sflag:$0x4], $0x10, s28, s20, $0xb8;
	[tilespmem:$0x9420] =	vst v63  }
0x497: {  	_ = 	snop  }
0x498: {  	[spmem:s1] =	stream.indirect.scatter.add.f32 [tilespmem:s15], [sflag:$0x4], $0x10, s29, s20, $0xb8;
	[tilespmem:$0x9420] =	vst v63  }
0x499: {  	_ = 	snop  }
0x49a: {  	[spmem:s1] =	stream.indirect.scatter.add.f32 [tilespmem:s15], [sflag:$0x4], $0x10, s30, s20, $0xb8;
	[tilespmem:$0x9420] =	vst v63  }
0x49b: {  	_ = 	snop  }
0x49c: {  	[spmem:s1] =	stream.indirect.scatter.add.f32 [tilespmem:s15], [sflag:$0x4], $0x10, s31, s20, $0xb8;
	[tilespmem:$0x9420] =	vst v63  }
0x49d: {  	_ = 	snop  }
0x49e: {  	[spmem:s1] =	stream.indirect.scatter.add.f32 [tilespmem:s15], [sflag:$0x4], $0x10, s18, s20, $0xb8;
	[tilespmem:$0x9420] =	vst v63  }
0x49f: {  	_ = 	snop  }
0x4a0: {  	[spmem:s1] =	stream.indirect.scatter.add.f32 [tilespmem:s15], [sflag:$0x4], $0x10, s0, s20, $0xb8;
	[tilespmem:$0x9420] =	vst v63  }
0x4a1: {  	_ = 	snop  }
0x4a2: {  	[spmem:s1] =	stream.indirect.scatter.add.f32 [tilespmem:s15], [sflag:$0x4], $0x10, s2, s20, $0xb8;
	[tilespmem:$0x9420] =	vst v63  }
0x4a3: {  	_ = 	snop  }
0x4a4: {  	[spmem:s1] =	stream.indirect.scatter.add.f32 [tilespmem:s15], [sflag:$0x4], $0x10, s5, s20, $0xb8;
	[tilespmem:$0x9420] =	vst v63  }
0x4a5: {  	_ = 	snop  }
0x4a6: {  	[spmem:s1] =	stream.indirect.scatter.add.f32 [tilespmem:s15], [sflag:$0x4], $0x10, s8, s20, $0xb8;
	[tilespmem:$0x9420] =	vst v63  }
0x4a7: {  	_ = 	snop  }
0x4a8: {  	[spmem:s1] =	stream.indirect.scatter.add.f32 [tilespmem:s15], [sflag:$0x4], $0x10, s9, s20, $0xb8;
	[tilespmem:$0x9420] =	vst v63  }
0x4a9: {  	_ = 	snop  }
0x4aa: {  	[spmem:s1] =	stream.indirect.scatter.add.f32 [tilespmem:s15], [sflag:$0x4], $0x10, s10, s20, $0xb8;
	[tilespmem:$0x9420] =	vst v63  }
0x4ab: {  	_ =	swait.ge [sflag:s4], $0x780  }
0x4ac: {  	[sflag:s4] =	ssyncset.done $0x0  }
0x4ad: {  	[sflag:s4] =	ssyncadd.s32 $0xFFFFF880  }
0x4ae: {  	_ =	swait.ge [sflag:s4], $0x780  }
0x4af: {  	[sflag:s4] =	ssyncset.done $0x0  }
0x4b0: {  	[sflag:s4] =	ssyncadd.s32 $0xFFFFF880  }
0x4b1: {  	_ =	swait.ge [sflag:s4], $0x780  }
0x4b2: {  	[sflag:s4] =	ssyncset.done $0x0  }
0x4b3: {  	[sflag:s4] =	ssyncadd.s32 $0xFFFFF880  }
0x4b4: {  	_ =	swait.ge [sflag:s4], $0x780  }
0x4b5: {  	[sflag:s4] =	ssyncset.done $0x0  }
0x4b6: {  	[sflag:s4] =	ssyncadd.s32 $0xFFFFF880  }
0x4b7: {  	_ =	swait.ge [sflag:s4], $0x780  }
0x4b8: {  	[sflag:s4] =	ssyncset.done $0x0  }
0x4b9: {  	[sflag:s4] =	ssyncadd.s32 $0xFFFFF880  }
0x4ba: {  	_ =	swait.ge [sflag:s4], $0x780  }
0x4bb: {  	[sflag:s4] =	ssyncset.done $0x0  }
0x4bc: {  	[sflag:s4] =	ssyncadd.s32 $0xFFFFF880  }
0x4bd: {  	_ =	swait.ge [sflag:s4], $0x780  }
0x4be: {  	[sflag:s4] =	ssyncset.done $0x0  }
0x4bf: {  	[sflag:s4] =	ssyncadd.s32 $0xFFFFF880  }
0x4c0: {  	_ =	swait.ge [sflag:s4], $0x780  }
0x4c1: {  	[sflag:s4] =	ssyncset.done $0x0  }
0x4c2: {  	[sflag:s4] =	ssyncadd.s32 $0xFFFFF880  }
0x4c3: {  	_ =	swait.ge [sflag:s4], $0x780  }
0x4c4: {  	[sflag:s4] =	ssyncset.done $0x0  }
0x4c5: {  	[sflag:s4] =	ssyncadd.s32 $0xFFFFF880  }
0x4c6: {  	_ =	swait.ge [sflag:s4], $0x780  }
0x4c7: {  	[sflag:s4] =	ssyncset.done $0x0  }
0x4c8: {  	[sflag:s4] =	ssyncadd.s32 $0xFFFFF880  }
0x4c9: {  	_ =	swait.ge [sflag:s4], $0x780  }
0x4ca: {  	[sflag:s4] =	ssyncset.done $0x0  }
0x4cb: {  	[sflag:s4] =	ssyncadd.s32 $0xFFFFF880  }
0x4cc: {  	_ =	swait.ge [sflag:s4], $0x780  }
0x4cd: {  	[sflag:s4] =	ssyncset.done $0x0  }
0x4ce: {  	[sflag:s4] =	ssyncadd.s32 $0xFFFFF880  }
0x4cf: {  	_ =	swait.ge [sflag:s4], $0x780  }
0x4d0: {  	[sflag:s4] =	ssyncset.done $0x0  }
0x4d1: {  	[sflag:s4] =	ssyncadd.s32 $0xFFFFF880  }
0x4d2: {  	_ =	swait.ge [sflag:s4], $0x780  }
0x4d3: {  	[sflag:s4] =	ssyncset.done $0x0  }
0x4d4: {  	[sflag:s4] =	ssyncadd.s32 $0xFFFFF880  }
0x4d5: {  	_ =	swait.ge [sflag:s4], $0x780  }
0x4d6: {  	[sflag:s4] =	ssyncset.done $0x0  }
0x4d7: {  	[sflag:s4] =	ssyncadd.s32 $0xFFFFF880  }
0x4d8: {  	_ =	swait.ge [sflag:s4], $0x780  }
0x4d9: {  	[sflag:s4] =	ssyncset.done $0x0  }
0x4da: {  	[sflag:s4] =	ssyncadd.s32 $0xFFFFF880  }
0x4db: {  	_ =	swait.ge [sflag:s4], $0x780  }
0x4dc: {  	[sflag:s4] =	ssyncset.done $0x0  }
0x4dd: {  	[sflag:s4] =	ssyncadd.s32 $0xFFFFF880  }
0x4de: {  	_ =	swait.ge [sflag:s4], $0x780  }
0x4df: {  	[sflag:s4] =	ssyncset.done $0x0  }
0x4e0: {  	[sflag:s4] =	ssyncadd.s32 $0xFFFFF880  }
0x4e1: {  	_ =	swait.ge [sflag:s4], $0x780  }
0x4e2: {  	[sflag:s4] =	ssyncset.done $0x0  }
0x4e3: {  	[sflag:s4] =	ssyncadd.s32 $0xFFFFF880  }
0x4e4: {  	_ =	swait.ge [sflag:s4], $0x780  }
0x4e5: {  	[sflag:s4] =	ssyncset.done $0x0  }
0x4e6: {  	[sflag:s4] =	ssyncadd.s32 $0xFFFFF880  }
0x4e7: {  	_ =	swait.ge [sflag:s4], $0x780  }
0x4e8: {  	[sflag:s4] =	ssyncset.done $0x0  }
0x4e9: {  	[sflag:s4] =	ssyncadd.s32 $0xFFFFF880  }
0x4ea: {  	_ =	swait.ge [sflag:s4], $0x780  }
0x4eb: {  	[sflag:s4] =	ssyncset.done $0x0  }
0x4ec: {  	[sflag:s4] =	ssyncadd.s32 $0xFFFFF880  }
0x4ed: {  	_ =	swait.ge [sflag:s4], $0x780  }
0x4ee: {  	[sflag:s4] =	ssyncset.done $0x0  }
0x4ef: {  	[sflag:s4] =	ssyncadd.s32 $0xFFFFF880  }
0x4f0: {  	_ =	swait.ge [sflag:s4], $0x780  }
0x4f1: {  	[sflag:s4] =	ssyncset.done $0x0  }
0x4f2: {  	[sflag:s4] =	ssyncadd.s32 $0xFFFFF880  }
0x4f3: {  	_ =	swait.ge [sflag:s4], $0x780  }
0x4f4: {  	s23 =	smov.u32 s22;
	s24 =	rddreg [dreg:$0x5];
	[sflag:s4] =	ssyncset.done $0x0  }
0x4f5: {  	[sflag:s4] =	ssyncadd.s32 $0xFFFFF880;
	s24 =	sadd.s32 s23, s24  }
0x4f6: {  	[tilespmem:s3], [sflag:$0x1] =	stream.linear.gather [hbm4b:s24+s3], $0xBB8, $0x38;
	[tilespmem:$0x9420] =	vst v63  }
0x4f7: {  	_ =	swait.ge [sflag:s19], $0xBB8  }
0x4f8: {  	[sflag:s19] =	ssyncset.done $0x0  }
0x4f9: {  	[sflag:s19] =	ssyncadd.s32 $0xFFFFF448  }
0x4fa: {  	[spmem:s1] =	stream.indirect.scatter.add.f32 [tilespmem:s15], [sflag:$0x3], $0x10, s3, s20, $0xb8;
	[tilespmem:$0x9420] =	vst v63  }
0x4fb: {  	_ = 	snop  }
0x4fc: {  	[spmem:s1] =	stream.indirect.scatter.add.f32 [tilespmem:s15], [sflag:$0x3], $0x10, s20, s20, $0xb8;
	[tilespmem:$0x9420] =	vst v63  }
0x4fd: {  	_ = 	snop  }
0x4fe: {  	[spmem:s1] =	stream.indirect.scatter.add.f32 [tilespmem:s15], [sflag:$0x3], $0x10, s25, s20, $0xb8;
	[tilespmem:$0x9420] =	vst v63  }
0x4ff: {  	_ = 	snop  }
0x500: {  	[spmem:s1] =	stream.indirect.scatter.add.f32 [tilespmem:s15], [sflag:$0x3], $0x10, s26, s20, $0xb8;
	[tilespmem:$0x9420] =	vst v63  }
0x501: {  	s24 =	simm.s32 $0x1E0  }
0x502: {  	[spmem:s1] =	stream.indirect.scatter.add.f32 [tilespmem:s15], [sflag:$0x3], $0x10, s24, s20, $0xb8;
	[tilespmem:$0x9420] =	vst v63  }
0x503: {  	s24 =	simm.s32 $0x258  }
0x504: {  	[spmem:s1] =	stream.indirect.scatter.add.f32 [tilespmem:s15], [sflag:$0x3], $0x10, s24, s20, $0xb8;
	[tilespmem:$0x9420] =	vst v63  }
0x505: {  	s24 =	simm.s32 $0x2D0  }
0x506: {  	[spmem:s1] =	stream.indirect.scatter.add.f32 [tilespmem:s15], [sflag:$0x3], $0x10, s24, s20, $0xb8;
	[tilespmem:$0x9420] =	vst v63  }
0x507: {  	s24 =	simm.s32 $0x348  }
0x508: {  	[spmem:s1] =	stream.indirect.scatter.add.f32 [tilespmem:s15], [sflag:$0x3], $0x10, s24, s20, $0xb8;
	[tilespmem:$0x9420] =	vst v63  }
0x509: {  	s24 =	simm.s32 $0x3C0  }
0x50a: {  	[spmem:s1] =	stream.indirect.scatter.add.f32 [tilespmem:s15], [sflag:$0x3], $0x10, s24, s20, $0xb8;
	[tilespmem:$0x9420] =	vst v63  }
0x50b: {  	s24 =	simm.s32 $0x438  }
0x50c: {  	[spmem:s1] =	stream.indirect.scatter.add.f32 [tilespmem:s15], [sflag:$0x3], $0x10, s24, s20, $0xb8;
	[tilespmem:$0x9420] =	vst v63  }
0x50d: {  	s24 =	simm.s32 $0x4B0  }
0x50e: {  	[spmem:s1] =	stream.indirect.scatter.add.f32 [tilespmem:s15], [sflag:$0x3], $0x10, s24, s20, $0xb8;
	[tilespmem:$0x9420] =	vst v63  }
0x50f: {  	s24 =	simm.s32 $0x528  }
0x510: {  	[spmem:s1] =	stream.indirect.scatter.add.f32 [tilespmem:s15], [sflag:$0x3], $0x10, s24, s20, $0xb8;
	[tilespmem:$0x9420] =	vst v63  }
0x511: {  	s24 =	simm.s32 $0x5A0  }
0x512: {  	[spmem:s1] =	stream.indirect.scatter.add.f32 [tilespmem:s15], [sflag:$0x3], $0x10, s24, s20, $0xb8;
	[tilespmem:$0x9420] =	vst v63  }
0x513: {  	s24 =	simm.s32 $0x618  }
0x514: {  	[spmem:s1] =	stream.indirect.scatter.add.f32 [tilespmem:s15], [sflag:$0x3], $0x10, s24, s20, $0xb8;
	[tilespmem:$0x9420] =	vst v63  }
0x515: {  	s24 =	simm.s32 $0x690  }
0x516: {  	[spmem:s1] =	stream.indirect.scatter.add.f32 [tilespmem:s15], [sflag:$0x3], $0x10, s24, s20, $0xb8;
	[tilespmem:$0x9420] =	vst v63  }
0x517: {  	s24 =	simm.s32 $0x708  }
0x518: {  	[spmem:s1] =	stream.indirect.scatter.add.f32 [tilespmem:s15], [sflag:$0x3], $0x10, s24, s20, $0xb8;
	[tilespmem:$0x9420] =	vst v63  }
0x519: {  	s24 =	simm.s32 $0x780  }
0x51a: {  	[spmem:s1] =	stream.indirect.scatter.add.f32 [tilespmem:s15], [sflag:$0x3], $0x10, s24, s20, $0xb8;
	[tilespmem:$0x9420] =	vst v63  }
0x51b: {  	s24 =	simm.s32 $0x7F8  }
0x51c: {  	[spmem:s1] =	stream.indirect.scatter.add.f32 [tilespmem:s15], [sflag:$0x3], $0x10, s24, s20, $0xb8;
	[tilespmem:$0x9420] =	vst v63  }
0x51d: {  	s24 =	simm.s32 $0x870  }
0x51e: {  	[spmem:s1] =	stream.indirect.scatter.add.f32 [tilespmem:s15], [sflag:$0x3], $0x10, s24, s20, $0xb8;
	[tilespmem:$0x9420] =	vst v63  }
0x51f: {  	s24 =	simm.s32 $0x8E8  }
0x520: {  	[spmem:s1] =	stream.indirect.scatter.add.f32 [tilespmem:s15], [sflag:$0x3], $0x10, s24, s20, $0xb8;
	[tilespmem:$0x9420] =	vst v63  }
0x521: {  	s24 =	simm.s32 $0x960  }
0x522: {  	[spmem:s1] =	stream.indirect.scatter.add.f32 [tilespmem:s15], [sflag:$0x3], $0x10, s24, s20, $0xb8;
	[tilespmem:$0x9420] =	vst v63  }
0x523: {  	s24 =	simm.s32 $0x9D8  }
0x524: {  	[spmem:s1] =	stream.indirect.scatter.add.f32 [tilespmem:s15], [sflag:$0x3], $0x10, s24, s20, $0xb8;
	[tilespmem:$0x9420] =	vst v63  }
0x525: {  	s24 =	simm.s32 $0xA50  }
0x526: {  	[spmem:s1] =	stream.indirect.scatter.add.f32 [tilespmem:s15], [sflag:$0x3], $0x10, s24, s20, $0xb8;
	[tilespmem:$0x9420] =	vst v63  }
0x527: {  	s24 =	simm.s32 $0xAC8  }
0x528: {  	[spmem:s1] =	stream.indirect.scatter.add.f32 [tilespmem:s15], [sflag:$0x3], $0x10, s24, s20, $0xb8;
	[tilespmem:$0x9420] =	vst v63  }
0x529: {  	s24 =	simm.s32 $0xB40  }
0x52a: {  	[spmem:s1] =	stream.indirect.scatter.add.f32 [tilespmem:s15], [sflag:$0x3], $0x10, s24, s20, $0xb8;
	[tilespmem:$0x9420] =	vst v63  }
0x52b: {  	_ =	swait.ge [sflag:s21], $0x780  }
0x52c: {  	[sflag:s21] =	ssyncset.done $0x0  }
0x52d: {  	[sflag:s21] =	ssyncadd.s32 $0xFFFFF880  }
0x52e: {  	_ =	swait.ge [sflag:s21], $0x780  }
0x52f: {  	[sflag:s21] =	ssyncset.done $0x0  }
0x530: {  	[sflag:s21] =	ssyncadd.s32 $0xFFFFF880  }
0x531: {  	_ =	swait.ge [sflag:s21], $0x780  }
0x532: {  	[sflag:s21] =	ssyncset.done $0x0  }
0x533: {  	[sflag:s21] =	ssyncadd.s32 $0xFFFFF880  }
0x534: {  	_ =	swait.ge [sflag:s21], $0x780  }
0x535: {  	[sflag:s21] =	ssyncset.done $0x0  }
0x536: {  	[sflag:s21] =	ssyncadd.s32 $0xFFFFF880  }
0x537: {  	_ =	swait.ge [sflag:s21], $0x780  }
0x538: {  	[sflag:s21] =	ssyncset.done $0x0  }
0x539: {  	[sflag:s21] =	ssyncadd.s32 $0xFFFFF880  }
0x53a: {  	_ =	swait.ge [sflag:s21], $0x780  }
0x53b: {  	[sflag:s21] =	ssyncset.done $0x0  }
0x53c: {  	[sflag:s21] =	ssyncadd.s32 $0xFFFFF880  }
0x53d: {  	_ =	swait.ge [sflag:s21], $0x780  }
0x53e: {  	[sflag:s21] =	ssyncset.done $0x0  }
0x53f: {  	[sflag:s21] =	ssyncadd.s32 $0xFFFFF880  }
0x540: {  	_ =	swait.ge [sflag:s21], $0x780  }
0x541: {  	[sflag:s21] =	ssyncset.done $0x0  }
0x542: {  	[sflag:s21] =	ssyncadd.s32 $0xFFFFF880  }
0x543: {  	_ =	swait.ge [sflag:s21], $0x780  }
0x544: {  	[sflag:s21] =	ssyncset.done $0x0  }
0x545: {  	[sflag:s21] =	ssyncadd.s32 $0xFFFFF880  }
0x546: {  	_ =	swait.ge [sflag:s21], $0x780  }
0x547: {  	[sflag:s21] =	ssyncset.done $0x0  }
0x548: {  	[sflag:s21] =	ssyncadd.s32 $0xFFFFF880  }
0x549: {  	_ =	swait.ge [sflag:s21], $0x780  }
0x54a: {  	[sflag:s21] =	ssyncset.done $0x0  }
0x54b: {  	[sflag:s21] =	ssyncadd.s32 $0xFFFFF880  }
0x54c: {  	_ =	swait.ge [sflag:s21], $0x780  }
0x54d: {  	[sflag:s21] =	ssyncset.done $0x0  }
0x54e: {  	[sflag:s21] =	ssyncadd.s32 $0xFFFFF880  }
0x54f: {  	_ =	swait.ge [sflag:s21], $0x780  }
0x550: {  	[sflag:s21] =	ssyncset.done $0x0  }
0x551: {  	[sflag:s21] =	ssyncadd.s32 $0xFFFFF880  }
0x552: {  	_ =	swait.ge [sflag:s21], $0x780  }
0x553: {  	[sflag:s21] =	ssyncset.done $0x0  }
0x554: {  	[sflag:s21] =	ssyncadd.s32 $0xFFFFF880  }
0x555: {  	_ =	swait.ge [sflag:s21], $0x780  }
0x556: {  	[sflag:s21] =	ssyncset.done $0x0  }
0x557: {  	[sflag:s21] =	ssyncadd.s32 $0xFFFFF880  }
0x558: {  	_ =	swait.ge [sflag:s21], $0x780  }
0x559: {  	[sflag:s21] =	ssyncset.done $0x0  }
0x55a: {  	[sflag:s21] =	ssyncadd.s32 $0xFFFFF880  }
0x55b: {  	_ =	swait.ge [sflag:s21], $0x780  }
0x55c: {  	[sflag:s21] =	ssyncset.done $0x0  }
0x55d: {  	[sflag:s21] =	ssyncadd.s32 $0xFFFFF880  }
0x55e: {  	_ =	swait.ge [sflag:s21], $0x780  }
0x55f: {  	[sflag:s21] =	ssyncset.done $0x0  }
0x560: {  	[sflag:s21] =	ssyncadd.s32 $0xFFFFF880  }
0x561: {  	_ =	swait.ge [sflag:s21], $0x780  }
0x562: {  	[sflag:s21] =	ssyncset.done $0x0  }
0x563: {  	[sflag:s21] =	ssyncadd.s32 $0xFFFFF880  }
0x564: {  	_ =	swait.ge [sflag:s21], $0x780  }
0x565: {  	[sflag:s21] =	ssyncset.done $0x0  }
0x566: {  	[sflag:s21] =	ssyncadd.s32 $0xFFFFF880  }
0x567: {  	_ =	swait.ge [sflag:s21], $0x780  }
0x568: {  	[sflag:s21] =	ssyncset.done $0x0  }
0x569: {  	[sflag:s21] =	ssyncadd.s32 $0xFFFFF880  }
0x56a: {  	_ =	swait.ge [sflag:s21], $0x780  }
0x56b: {  	[sflag:s21] =	ssyncset.done $0x0  }
0x56c: {  	[sflag:s21] =	ssyncadd.s32 $0xFFFFF880  }
0x56d: {  	_ =	swait.ge [sflag:s21], $0x780  }
0x56e: {  	[sflag:s21] =	ssyncset.done $0x0  }
0x56f: {  	[sflag:s21] =	ssyncadd.s32 $0xFFFFF880  }
0x570: {  	p0 =	sne.s32 s22, $0x8CA;
	_ =	swait.ge [sflag:s21], $0x780  }
.Ltmp1:
0x571: {  	[sflag:s21] =	ssyncset.done $0x0;
	(pc) =	sbr.rel @p0 .LBB2_4-.Ltmp1, $4  }
0x572: {  	[sflag:s21] =	ssyncadd.s32 $0xFFFFF880  }
0x573: {  	_ =	swait.ge [sflag:s21], $0x780  }
0x574: {  	[sflag:s21] =	ssyncset.done $0x0;
	s24 =	rddreg [dreg:$0x4]  }
0x575: {  	s22 =	sadd.s32 $0x2EE, s22;
	[sflag:s21] =	ssyncadd.s32 $0xFFFFF880;
	s23 =	sadd.s32 s23, s24  }
0x576: {  	s22 =	simm.s32 $0xBB8  }
0x577: {  	[tilespmem:s22], [sflag:$0x2] =	stream.linear.gather [hbm4b:s23+s3], $0xBB8, $0x38;
	[tilespmem:$0x9420] =	vst v63  }
0x578: {  	_ =	swait.ge [sflag:s16], $0xBB8  }
0x579: {  	[sflag:s16] =	ssyncset.done $0x0  }
0x57a: {  	[sflag:s16] =	ssyncadd.s32 $0xFFFFF448  }
0x57b: {  	[spmem:s1] =	stream.indirect.scatter.add.f32 [tilespmem:s15], [sflag:$0x4], $0x10, s22, s20, $0xb8;
	[tilespmem:$0x9420] =	vst v63  }
0x57c: {  	s26 =	simm.s32 $0xC30  }
0x57d: {  	[spmem:s1] =	stream.indirect.scatter.add.f32 [tilespmem:s15], [sflag:$0x4], $0x10, s26, s20, $0xb8;
	[tilespmem:$0x9420] =	vst v63  }
0x57e: {  	s23 =	simm.s32 $0xCA8  }
0x57f: {  	[spmem:s1] =	stream.indirect.scatter.add.f32 [tilespmem:s15], [sflag:$0x4], $0x10, s23, s20, $0xb8;
	[tilespmem:$0x9420] =	vst v63  }
0x580: {  	s24 =	simm.s32 $0xD20  }
0x581: {  	[spmem:s1] =	stream.indirect.scatter.add.f32 [tilespmem:s15], [sflag:$0x4], $0x10, s24, s20, $0xb8;
	[tilespmem:$0x9420] =	vst v63  }
0x582: {  	s25 =	simm.s32 $0xD98  }
0x583: {  	[spmem:s1] =	stream.indirect.scatter.add.f32 [tilespmem:s15], [sflag:$0x4], $0x10, s25, s20, $0xb8;
	[tilespmem:$0x9420] =	vst v63  }
0x584: {  	s26 =	simm.s32 $0xE10  }
0x585: {  	[spmem:s1] =	stream.indirect.scatter.add.f32 [tilespmem:s15], [sflag:$0x4], $0x10, s26, s20, $0xb8;
	[tilespmem:$0x9420] =	vst v63  }
0x586: {  	s23 =	simm.s32 $0xE88  }
0x587: {  	[spmem:s1] =	stream.indirect.scatter.add.f32 [tilespmem:s15], [sflag:$0x4], $0x10, s23, s20, $0xb8;
	[tilespmem:$0x9420] =	vst v63  }
0x588: {  	_ = 	snop  }
0x589: {  	[spmem:s1] =	stream.indirect.scatter.add.f32 [tilespmem:s15], [sflag:$0x4], $0x10, s11, s20, $0xb8;
	[tilespmem:$0x9420] =	vst v63  }
0x58a: {  	_ = 	snop  }
0x58b: {  	[spmem:s1] =	stream.indirect.scatter.add.f32 [tilespmem:s15], [sflag:$0x4], $0x10, s12, s20, $0xb8;
	[tilespmem:$0x9420] =	vst v63  }
0x58c: {  	_ = 	snop  }
0x58d: {  	[spmem:s1] =	stream.indirect.scatter.add.f32 [tilespmem:s15], [sflag:$0x4], $0x10, s13, s20, $0xb8;
	[tilespmem:$0x9420] =	vst v63  }
0x58e: {  	_ = 	snop  }
0x58f: {  	[spmem:s1] =	stream.indirect.scatter.add.f32 [tilespmem:s15], [sflag:$0x4], $0x10, s7, s20, $0xb8;
	[tilespmem:$0x9420] =	vst v63  }
0x590: {  	_ = 	snop  }
0x591: {  	[spmem:s1] =	stream.indirect.scatter.add.f32 [tilespmem:s15], [sflag:$0x4], $0x10, s6, s20, $0xb8;
	[tilespmem:$0x9420] =	vst v63  }
0x592: {  	_ = 	snop  }
0x593: {  	[spmem:s1] =	stream.indirect.scatter.add.f32 [tilespmem:s15], [sflag:$0x4], $0x10, s14, s20, $0xb8;
	[tilespmem:$0x9420] =	vst v63  }
0x594: {  	_ = 	snop  }
0x595: {  	[spmem:s1] =	stream.indirect.scatter.add.f32 [tilespmem:s15], [sflag:$0x4], $0x10, s17, s20, $0xb8;
	[tilespmem:$0x9420] =	vst v63  }
0x596: {  	_ = 	snop  }
0x597: {  	[spmem:s1] =	stream.indirect.scatter.add.f32 [tilespmem:s15], [sflag:$0x4], $0x10, s28, s20, $0xb8;
	[tilespmem:$0x9420] =	vst v63  }
0x598: {  	_ = 	snop  }
0x599: {  	[spmem:s1] =	stream.indirect.scatter.add.f32 [tilespmem:s15], [sflag:$0x4], $0x10, s29, s20, $0xb8;
	[tilespmem:$0x9420] =	vst v63  }
0x59a: {  	_ = 	snop  }
0x59b: {  	[spmem:s1] =	stream.indirect.scatter.add.f32 [tilespmem:s15], [sflag:$0x4], $0x10, s30, s20, $0xb8;
	[tilespmem:$0x9420] =	vst v63  }
0x59c: {  	_ = 	snop  }
0x59d: {  	[spmem:s1] =	stream.indirect.scatter.add.f32 [tilespmem:s15], [sflag:$0x4], $0x10, s31, s20, $0xb8;
	[tilespmem:$0x9420] =	vst v63  }
0x59e: {  	_ = 	snop  }
0x59f: {  	[spmem:s1] =	stream.indirect.scatter.add.f32 [tilespmem:s15], [sflag:$0x4], $0x10, s18, s20, $0xb8;
	[tilespmem:$0x9420] =	vst v63  }
0x5a0: {  	_ = 	snop  }
0x5a1: {  	[spmem:s1] =	stream.indirect.scatter.add.f32 [tilespmem:s15], [sflag:$0x4], $0x10, s0, s20, $0xb8;
	[tilespmem:$0x9420] =	vst v63  }
0x5a2: {  	_ = 	snop  }
0x5a3: {  	[spmem:s1] =	stream.indirect.scatter.add.f32 [tilespmem:s15], [sflag:$0x4], $0x10, s2, s20, $0xb8;
	[tilespmem:$0x9420] =	vst v63  }
0x5a4: {  	_ = 	snop  }
0x5a5: {  	[spmem:s1] =	stream.indirect.scatter.add.f32 [tilespmem:s15], [sflag:$0x4], $0x10, s5, s20, $0xb8;
	[tilespmem:$0x9420] =	vst v63  }
0x5a6: {  	_ = 	snop  }
0x5a7: {  	[spmem:s1] =	stream.indirect.scatter.add.f32 [tilespmem:s15], [sflag:$0x4], $0x10, s8, s20, $0xb8;
	[tilespmem:$0x9420] =	vst v63  }
0x5a8: {  	_ = 	snop  }
0x5a9: {  	[spmem:s1] =	stream.indirect.scatter.add.f32 [tilespmem:s15], [sflag:$0x4], $0x10, s9, s20, $0xb8;
	[tilespmem:$0x9420] =	vst v63  }
0x5aa: {  	_ = 	snop  }
0x5ab: {  	[spmem:s1] =	stream.indirect.scatter.add.f32 [tilespmem:s15], [sflag:$0x4], $0x10, s10, s20, $0xb8;
	[tilespmem:$0x9420] =	vst v63  }
0x5ac: {  	_ =	swait.ge [sflag:s4], $0x780  }
0x5ad: {  	[sflag:s4] =	ssyncset.done $0x0  }
0x5ae: {  	[sflag:s4] =	ssyncadd.s32 $0xFFFFF880  }
0x5af: {  	_ =	swait.ge [sflag:s4], $0x780  }
0x5b0: {  	[sflag:s4] =	ssyncset.done $0x0  }
0x5b1: {  	[sflag:s4] =	ssyncadd.s32 $0xFFFFF880  }
0x5b2: {  	_ =	swait.ge [sflag:s4], $0x780  }
0x5b3: {  	[sflag:s4] =	ssyncset.done $0x0  }
0x5b4: {  	[sflag:s4] =	ssyncadd.s32 $0xFFFFF880  }
0x5b5: {  	_ =	swait.ge [sflag:s4], $0x780  }
0x5b6: {  	[sflag:s4] =	ssyncset.done $0x0  }
0x5b7: {  	[sflag:s4] =	ssyncadd.s32 $0xFFFFF880  }
0x5b8: {  	_ =	swait.ge [sflag:s4], $0x780  }
0x5b9: {  	[sflag:s4] =	ssyncset.done $0x0  }
0x5ba: {  	[sflag:s4] =	ssyncadd.s32 $0xFFFFF880  }
0x5bb: {  	_ =	swait.ge [sflag:s4], $0x780  }
0x5bc: {  	[sflag:s4] =	ssyncset.done $0x0  }
0x5bd: {  	[sflag:s4] =	ssyncadd.s32 $0xFFFFF880  }
0x5be: {  	_ =	swait.ge [sflag:s4], $0x780  }
0x5bf: {  	[sflag:s4] =	ssyncset.done $0x0  }
0x5c0: {  	[sflag:s4] =	ssyncadd.s32 $0xFFFFF880  }
0x5c1: {  	_ =	swait.ge [sflag:s4], $0x780  }
0x5c2: {  	[sflag:s4] =	ssyncset.done $0x0  }
0x5c3: {  	[sflag:s4] =	ssyncadd.s32 $0xFFFFF880  }
0x5c4: {  	_ =	swait.ge [sflag:s4], $0x780  }
0x5c5: {  	[sflag:s4] =	ssyncset.done $0x0  }
0x5c6: {  	[sflag:s4] =	ssyncadd.s32 $0xFFFFF880  }
0x5c7: {  	_ =	swait.ge [sflag:s4], $0x780  }
0x5c8: {  	[sflag:s4] =	ssyncset.done $0x0  }
0x5c9: {  	[sflag:s4] =	ssyncadd.s32 $0xFFFFF880  }
0x5ca: {  	_ =	swait.ge [sflag:s4], $0x780  }
0x5cb: {  	[sflag:s4] =	ssyncset.done $0x0  }
0x5cc: {  	[sflag:s4] =	ssyncadd.s32 $0xFFFFF880  }
0x5cd: {  	_ =	swait.ge [sflag:s4], $0x780  }
0x5ce: {  	[sflag:s4] =	ssyncset.done $0x0  }
0x5cf: {  	[sflag:s4] =	ssyncadd.s32 $0xFFFFF880  }
0x5d0: {  	_ =	swait.ge [sflag:s4], $0x780  }
0x5d1: {  	[sflag:s4] =	ssyncset.done $0x0  }
0x5d2: {  	[sflag:s4] =	ssyncadd.s32 $0xFFFFF880  }
0x5d3: {  	_ =	swait.ge [sflag:s4], $0x780  }
0x5d4: {  	[sflag:s4] =	ssyncset.done $0x0  }
0x5d5: {  	[sflag:s4] =	ssyncadd.s32 $0xFFFFF880  }
0x5d6: {  	_ =	swait.ge [sflag:s4], $0x780  }
0x5d7: {  	[sflag:s4] =	ssyncset.done $0x0  }
0x5d8: {  	[sflag:s4] =	ssyncadd.s32 $0xFFFFF880  }
0x5d9: {  	_ =	swait.ge [sflag:s4], $0x780  }
0x5da: {  	[sflag:s4] =	ssyncset.done $0x0  }
0x5db: {  	[sflag:s4] =	ssyncadd.s32 $0xFFFFF880  }
0x5dc: {  	_ =	swait.ge [sflag:s4], $0x780  }
0x5dd: {  	[sflag:s4] =	ssyncset.done $0x0  }
0x5de: {  	[sflag:s4] =	ssyncadd.s32 $0xFFFFF880  }
0x5df: {  	_ =	swait.ge [sflag:s4], $0x780  }
0x5e0: {  	[sflag:s4] =	ssyncset.done $0x0  }
0x5e1: {  	[sflag:s4] =	ssyncadd.s32 $0xFFFFF880  }
0x5e2: {  	_ =	swait.ge [sflag:s4], $0x780  }
0x5e3: {  	[sflag:s4] =	ssyncset.done $0x0  }
0x5e4: {  	[sflag:s4] =	ssyncadd.s32 $0xFFFFF880  }
0x5e5: {  	_ =	swait.ge [sflag:s4], $0x780  }
0x5e6: {  	[sflag:s4] =	ssyncset.done $0x0  }
0x5e7: {  	[sflag:s4] =	ssyncadd.s32 $0xFFFFF880  }
0x5e8: {  	_ =	swait.ge [sflag:s4], $0x780  }
0x5e9: {  	[sflag:s4] =	ssyncset.done $0x0  }
0x5ea: {  	[sflag:s4] =	ssyncadd.s32 $0xFFFFF880  }
0x5eb: {  	_ =	swait.ge [sflag:s4], $0x780  }
0x5ec: {  	[sflag:s4] =	ssyncset.done $0x0  }
0x5ed: {  	[sflag:s4] =	ssyncadd.s32 $0xFFFFF880  }
0x5ee: {  	_ =	swait.ge [sflag:s4], $0x780  }
0x5ef: {  	[sflag:s4] =	ssyncset.done $0x0  }
0x5f0: {  	[sflag:s4] =	ssyncadd.s32 $0xFFFFF880  }
0x5f1: {  	_ =	swait.ge [sflag:s4], $0x780  }
0x5f2: {  	[sflag:s4] =	ssyncset.done $0x0  }
0x5f3: {  	[sflag:s4] =	ssyncadd.s32 $0xFFFFF880  }
0x5f4: {  	_ =	swait.ge [sflag:s4], $0x780  }
0x5f5: {  	[sflag:s4] =	ssyncset.done $0x0  }
0x5f6: {  	[sflag:s4] =	ssyncadd.s32 $0xFFFFF880  }
0x5f7: {  	_ =	swait.ge [sflag:s21], $0x780  }
0x5f8: {  	[sflag:s21] =	ssyncset.done $0x0  }
0x5f9: {  	[sflag:s21] =	ssyncadd.s32 $0xFFFFF880  }
0x5fa: {  	_ =	swait.ge [sflag:s21], $0x780  }
0x5fb: {  	[sflag:s21] =	ssyncset.done $0x0  }
0x5fc: {  	[sflag:s21] =	ssyncadd.s32 $0xFFFFF880  }
0x5fd: {  	_ =	swait.ge [sflag:s21], $0x780  }
0x5fe: {  	[sflag:s21] =	ssyncset.done $0x0  }
0x5ff: {  	[sflag:s21] =	ssyncadd.s32 $0xFFFFF880  }
0x600: {  	_ =	swait.ge [sflag:s21], $0x780  }
0x601: {  	[sflag:s21] =	ssyncset.done $0x0  }
0x602: {  	[sflag:s21] =	ssyncadd.s32 $0xFFFFF880  }
0x603: {  	_ =	swait.ge [sflag:s21], $0x780  }
0x604: {  	[sflag:s21] =	ssyncset.done $0x0  }
0x605: {  	[sflag:s21] =	ssyncadd.s32 $0xFFFFF880  }
0x606: {  	_ =	swait.ge [sflag:s21], $0x780  }
0x607: {  	[sflag:s21] =	ssyncset.done $0x0  }
0x608: {  	[sflag:s21] =	ssyncadd.s32 $0xFFFFF880  }
0x609: {  	_ =	swait.ge [sflag:s21], $0x780  }
0x60a: {  	[sflag:s21] =	ssyncset.done $0x0  }
0x60b: {  	[sflag:s21] =	ssyncadd.s32 $0xFFFFF880  }
0x60c: {  	_ =	swait.ge [sflag:s21], $0x780  }
0x60d: {  	[sflag:s21] =	ssyncset.done $0x0  }
0x60e: {  	[sflag:s21] =	ssyncadd.s32 $0xFFFFF880  }
0x60f: {  	_ =	swait.ge [sflag:s21], $0x780  }
0x610: {  	[sflag:s21] =	ssyncset.done $0x0  }
0x611: {  	[sflag:s21] =	ssyncadd.s32 $0xFFFFF880  }
0x612: {  	_ =	swait.ge [sflag:s21], $0x780  }
0x613: {  	[sflag:s21] =	ssyncset.done $0x0  }
0x614: {  	[sflag:s21] =	ssyncadd.s32 $0xFFFFF880  }
0x615: {  	_ =	swait.ge [sflag:s21], $0x780  }
0x616: {  	[sflag:s21] =	ssyncset.done $0x0  }
0x617: {  	[sflag:s21] =	ssyncadd.s32 $0xFFFFF880  }
0x618: {  	_ =	swait.ge [sflag:s21], $0x780  }
0x619: {  	[sflag:s21] =	ssyncset.done $0x0  }
0x61a: {  	[sflag:s21] =	ssyncadd.s32 $0xFFFFF880  }
0x61b: {  	_ =	swait.ge [sflag:s21], $0x780  }
0x61c: {  	[sflag:s21] =	ssyncset.done $0x0  }
0x61d: {  	[sflag:s21] =	ssyncadd.s32 $0xFFFFF880  }
0x61e: {  	_ =	swait.ge [sflag:s21], $0x780  }
0x61f: {  	[sflag:s21] =	ssyncset.done $0x0  }
0x620: {  	[sflag:s21] =	ssyncadd.s32 $0xFFFFF880  }
0x621: {  	_ =	swait.ge [sflag:s21], $0x780  }
0x622: {  	[sflag:s21] =	ssyncset.done $0x0  }
0x623: {  	[sflag:s21] =	ssyncadd.s32 $0xFFFFF880  }
0x624: {  	_ =	swait.ge [sflag:s21], $0x780  }
0x625: {  	[sflag:s21] =	ssyncset.done $0x0  }
0x626: {  	[sflag:s21] =	ssyncadd.s32 $0xFFFFF880  }
0x627: {  	_ =	swait.ge [sflag:s21], $0x780  }
0x628: {  	[sflag:s21] =	ssyncset.done $0x0  }
0x629: {  	[sflag:s21] =	ssyncadd.s32 $0xFFFFF880  }
0x62a: {  	_ =	swait.ge [sflag:s21], $0x780  }
0x62b: {  	[sflag:s21] =	ssyncset.done $0x0  }
0x62c: {  	[sflag:s21] =	ssyncadd.s32 $0xFFFFF880  }
0x62d: {  	_ =	swait.ge [sflag:s21], $0x780  }
0x62e: {  	[sflag:s21] =	ssyncset.done $0x0  }
0x62f: {  	[sflag:s21] =	ssyncadd.s32 $0xFFFFF880  }
0x630: {  	_ =	swait.ge [sflag:s21], $0x780  }
0x631: {  	[sflag:s21] =	ssyncset.done $0x0  }
0x632: {  	[sflag:s21] =	ssyncadd.s32 $0xFFFFF880  }
0x633: {  	_ =	swait.ge [sflag:s21], $0x780  }
0x634: {  	[sflag:s21] =	ssyncset.done $0x0  }
0x635: {  	[sflag:s21] =	ssyncadd.s32 $0xFFFFF880  }
0x636: {  	_ =	swait.ge [sflag:s21], $0x780  }
0x637: {  	[sflag:s21] =	ssyncset.done $0x0  }
0x638: {  	[sflag:s21] =	ssyncadd.s32 $0xFFFFF880  }
0x639: {  	_ =	swait.ge [sflag:s21], $0x780  }
0x63a: {  	[sflag:s21] =	ssyncset.done $0x0  }
0x63b: {  	[sflag:s21] =	ssyncadd.s32 $0xFFFFF880  }
0x63c: {  	_ =	swait.ge [sflag:s21], $0x780  }
0x63d: {  	[sflag:s21] =	ssyncset.done $0x0  }
0x63e: {  	[sflag:s21] =	ssyncadd.s32 $0xFFFFF880  }
0x63f: {  	_ =	swait.ge [sflag:s21], $0x780  }
0x640: {  	[sflag:s21] =	ssyncset.done $0x0  }
0x641: {  	[sflag:s21] =	ssyncadd.s32 $0xFFFFF880  }
0x642: {  	[bflag:$0x0] =	sbarrier.arrive $0xFFFF  }
0x643: {  	s24 =	rddreg [dreg:$0xd]  }
0x644: {  	s25 =	rddreg [dreg:$0x10]  }
0x645: {  	s26 =	rddreg [dreg:$0x12]  }
0x646: {  	[hbm:s24], [sflag:s25] =	dma.local [spmem:s26], $0xEA6  }
0x647: {  	s24 =	simm.s32 $0x5  }
0x648: {  	_ =	swait.ge [sflag:s24], $0xEA6  }
0x649: {  	s22 =	rddreg [dreg:$0x13]  }
0x64a: {  	s23 =	sadd.s32 $0x1, s22;
	s22 =	rddreg [dreg:$0xe]  }
0x64b: {  	p0 =	sne.s32 s23, s22  }
.Ltmp2:
0x64c: {  	_ = 	snop;
	(pc) =	sbr.rel @p0 .LBB2_1-.Ltmp2, $3  }
0x64d: {  	_ =	sdelay $0x1  }
0x64e: {  	[sflag:s24] =	ssyncset.done $0x0;
	[dreg:$0x13] =	wrdreg s23  }
0x64f: {  	[sflag:s24] =	ssyncadd.s32 $0xFFFFF15A;
	s23 =	rddreg [dreg:$0x11]  }
0x650: {  	_ =	sfence.sel $0x180000  }
0x651: {  	[bflag:$0x0] =	sbarrier.arrive $0xFFFF  }
0x652: {  	_ =	strace $0x90000047  }
0x653: {  	s0 =	stileid.u32;
	[bflag:$0x2] =	sbarrier.arrive $0xFFFF  }
0x654: {  	p0 =	sne.s32 s0, $0x0;
	s0 =	rddreg [dreg:$0x2]  }
0x655: {  	s0 =	sadd.s32 @!p0 $0x100000, s0  }
0x656: {  	[sflag:s0] =	ssyncadd.tile.s32 @!p0 $0x1;
	_ =	shalt  }
.Lfunc_end2:
_tile_overlayer_lowered:
.L_overlay_start_2:
0x657: {  	(tag) =	ssettag $0x2  }
0x658: {  	s0 =	rddreg [dreg:$0x0];
	s2 =	stileid.u32  }
0x659: {  	s1 =	rddreg [dreg:$0x1];
	p0 =	sne.s32 s2, $0x0  }
0x65a: {  	s3 =	rddreg [dreg:$0x2];
	[bflag:$0x3] =	sbarrier.arrive $0xFFFF;
	s2 =	simm.s32 @!p0 $0x1C05  }
0x65b: {  	[timem:s3], [sflag:s2] =	dma.local @!p0 [hbm:s0], s1  }
0x65c: {  	s0 =	simm.s32 @!p0 $0x5  }
0x65d: {  	_ =	swait.ge @!p0 [sflag:s0], s1  }
0x65e: {  	s1 =	ssub.s32 @!p0 $0x0, s1;
	[sflag:s0] =	ssyncset.done @!p0 $0x0  }
0x65f: {  	[sflag:s0] =	ssyncadd.s32 @!p0 s1  }
0x660: {  	[bflag:$0x3] =	sbarrier.arrive $0xFFFF  }
0x661: {  	_ =	shalt  }

// kernel: kernel.9.cloned.1.call-start
scs
__scs_entry_jumppad:
0x0: {  	(pc) =	sbr.rel $0x88, $3  }
0x1: {  	(tag) =	ssettag $0x0;
	lr =	simm.s32 $0x1  }
0x2: {  	[smem:$0x3F99] =	sst lr;
	_ =	strace $0xD0000000  }
0x3: {  	_ = 	snop  }
0x4: {  	_ = 	snop  }
0x5: {  	_ = 	snop  }
0x6: {  	_ = 	snop  }
0x7: {  	_ = 	snop  }
__scs_overlays_trampoline_lowered:
0x8: {  	[smem:$0x3FA8] =	sst s0  }
0x9: {  	[smem:$0x3FA9] =	sst s1  }
0xa: {  	[smem:$0x3FAA] =	sst s2  }
0xb: {  	[smem:$0x3FAB] =	sst s3  }
0xc: {  	[smem:$0x3FAC] =	sst s4  }
0xd: {  	[smem:$0x3FAD] =	sst s5  }
0xe: {  	[smem:$0x3FAE] =	sst s6  }
0xf: {  	[smem:$0x3FAF] =	sst s7  }
0x10: {  	[smem:$0x3FB0] =	sst s8  }
0x11: {  	[smem:$0x3FB1] =	sst s9;
	s0 =	simm.s32 @!p0 $0x0  }
0x12: {  	s1 =	sld [smem:$0x3F97];
	s0 =	simm.s32 @p0 $0x1  }
0x13: {  	[smem:$0x3FB2] =	sst s0;
	s0 =	simm.s32 @!p1 $0x0  }
0x14: {  	s2 =	sld [smem:$0x3F96];
	s0 =	simm.s32 @p1 $0x1  }
0x15: {  	[smem:$0x3FB3] =	sst s0;
	s0 =	simm.s32 @!p2 $0x0  }
0x16: {  	s3 =	sld [smem:$0x3FDB];
	s0 =	simm.s32 @p2 $0x1  }
0x17: {  	s4 =	simm.s32 $0x1BF5;
	[smem:$0x3FB5] =	sst s0  }
0x18: {  	s0 =	sld [smem:$0x3F98];
	_ =	swait.ge [sflag:s4], $0x0  }
0x19: {  	s7 =	sld [smem:$0x3F99]  }
0x1a: {  	s8 =	sadd.s32 $0xFFFFE003, lr  }
0x1b: {  	s9 =	sadd.s32 $0xFFFFFEF7, lr;
	s5 =	simm.s32 $0xFFFFFFFF;
	p2 =	slt.u32 s8, $0xFFFFF086  }
0x1c: {  	p1 =	slt.u32 s9, $0xF7A;
	s5 =	simm.s32 @!p2 $0x0  }
0x1d: {  	s5 =	simm.s32 @p1 $0x1;
	p0 =	seq.s32 s7, s2  }
0x1e: {  	s7 =	smul.u32 @!p0 $0xF7A, s2;
	p2 =	seq.s32 @!p0 s5, $0x0  }
0x1f: {  	s9 =	smul.u32 $0xF7A, s1;
	s8 =	simm.s32 @!p0 $0x1BF5;
	p2 =	por !p2, p0  }
0x20: {  	[sflag:s8] =	ssyncset.s32 @!p0 $0xFFFFF086;
	s6 =	sadd.s32 @!p0 s3, s7;
	s7 =	simm.s32 @!p0 $0x108  }
0x21: {  	s3 =	sadd.s32 s3, s9;
	s6 =	sadd.s32 @!p0 $0x88, s6;
	s7 =	simm.s32 @p2 $0x1082  }
0x22: {  	[simem:s7], [sflag:s8] =	dma.local @!p0 [hbm:s6], $0xF7A  }
0x23: {  	s9 =	sor.u32 $0xD0000000, s2;
	s6 =	simm.s32 $0x108;
	_ =	swait.ge @!p0 [sflag:s8], $0x0  }
0x24: {  	s3 =	sadd.s32 $0x88, s3;
	s6 =	simm.s32 @!p1 $0x1082;
	[sflag:s4] =	ssyncset.s32 $0xFFFFF086  }
0x25: {  	[simem:s6], [sflag:s4] =	dma.local [hbm:s3], $0xF7A  }
0x26: {  	[smem:$0x3F99] =	sst s1;
	(tag) =	ssettag s2;
	_ =	strace s9  }
0x27: {  	s1 =	sld [smem:$0x3FA9]  }
0x28: {  	s2 =	sld [smem:$0x3FAA]  }
0x29: {  	s4 =	sld [smem:$0x3FAC]  }
0x2a: {  	p0 =	seq.s32 s5, $0x0;
	s5 =	sld [smem:$0x3FAD]  }
0x2b: {  	s6 =	sld [smem:$0x3FAE]  }
0x2c: {  	s7 =	sld [smem:$0x3FAF]  }
0x2d: {  	s3 =	simm.s32 $0x108;
	s8 =	sld [smem:$0x3FB0]  }
0x2e: {  	s3 =	simm.s32 @!p0 $0x1082;
	s9 =	sld [smem:$0x3FB1]  }
0x2f: {  	lr =	sadd.s32 s0, s3;
	s0 =	sld [smem:$0x3FA8]  }
0x30: {  	s3 =	sld [smem:$0x3FAB]  }
0x31: {  	[smem:$0x3FB4] =	sst s10  }
0x32: {  	s10 =	sld [smem:$0x3FB2];
	_ =	sdelay $0x3  }
0x33: {  	p0 =	seq.s32 s10, $0x1;
	s10 =	sld [smem:$0x3FB4];
	_ =	sdelay $0x3  }
0x34: {  	[smem:$0x3FB4] =	sst s10  }
0x35: {  	s10 =	sld [smem:$0x3FB3];
	_ =	sdelay $0x3  }
0x36: {  	p1 =	seq.s32 s10, $0x1;
	s10 =	sld [smem:$0x3FB4];
	_ =	sdelay $0x3  }
0x37: {  	[smem:$0x3FB4] =	sst s10  }
0x38: {  	s10 =	sld [smem:$0x3FB5]  }
0x39: {  	_ = 	snop;
	(pc) =	sbr.ind lr, $3  }
0x3a: {  	_ = 	snop  }
0x3b: {  	_ = 	snop  }
0x3c: {  	p2 =	seq.s32 s10, $0x1;
	s10 =	sld [smem:$0x3FB4]  }
0x3d: {  	_ =	shalt  }
0x3e: {  	_ =	shalt  }
0x3f: {  	_ =	shalt  }
0x40: {  	_ =	shalt  }
0x41: {  	_ =	shalt  }
0x42: {  	_ =	shalt  }
0x43: {  	_ =	shalt  }
0x44: {  	_ =	shalt  }
0x45: {  	_ =	shalt  }
0x46: {  	_ =	shalt  }
0x47: {  	_ =	shalt  }
0x48: {  	_ =	shalt  }
0x49: {  	_ =	shalt  }
0x4a: {  	_ =	shalt  }
0x4b: {  	_ =	shalt  }
0x4c: {  	_ =	shalt  }
0x4d: {  	_ =	shalt  }
0x4e: {  	_ =	shalt  }
0x4f: {  	_ =	shalt  }
0x50: {  	_ =	shalt  }
0x51: {  	_ =	shalt  }
0x52: {  	_ =	shalt  }
0x53: {  	_ =	shalt  }
0x54: {  	_ =	shalt  }
0x55: {  	_ =	shalt  }
0x56: {  	_ =	shalt  }
0x57: {  	_ =	shalt  }
0x58: {  	_ =	shalt  }
0x59: {  	_ =	shalt  }
0x5a: {  	_ =	shalt  }
0x5b: {  	_ =	shalt  }
0x5c: {  	_ =	shalt  }
0x5d: {  	_ =	shalt  }
0x5e: {  	_ =	shalt  }
0x5f: {  	_ =	shalt  }
0x60: {  	_ =	shalt  }
0x61: {  	_ =	shalt  }
0x62: {  	_ =	shalt  }
0x63: {  	_ =	shalt  }
0x64: {  	_ =	shalt  }
0x65: {  	_ =	shalt  }
0x66: {  	_ =	shalt  }
0x67: {  	_ =	shalt  }
0x68: {  	_ =	shalt  }
0x69: {  	_ =	shalt  }
0x6a: {  	_ =	shalt  }
0x6b: {  	_ =	shalt  }
0x6c: {  	_ =	shalt  }
0x6d: {  	_ =	shalt  }
0x6e: {  	_ =	shalt  }
0x6f: {  	_ =	shalt  }
0x70: {  	_ =	shalt  }
0x71: {  	_ =	shalt  }
0x72: {  	_ =	shalt  }
0x73: {  	_ =	shalt  }
0x74: {  	_ =	shalt  }
0x75: {  	_ =	shalt  }
0x76: {  	_ =	shalt  }
0x77: {  	_ =	shalt  }
0x78: {  	_ =	shalt  }
0x79: {  	_ =	shalt  }
0x7a: {  	_ =	shalt  }
0x7b: {  	_ =	shalt  }
0x7c: {  	_ =	shalt  }
0x7d: {  	_ =	shalt  }
0x7e: {  	_ =	shalt  }
0x7f: {  	_ =	shalt  }
0x80: {  	_ =	shalt  }
0x81: {  	_ =	shalt  }
0x82: {  	_ =	shalt  }
0x83: {  	_ =	shalt  }
0x84: {  	_ =	shalt  }
0x85: {  	_ =	shalt  }
0x86: {  	_ =	shalt  }
0x87: {  	_ =	shalt  }
.Lfunc_end0:
.L_simem_size_0:
called_computation.1_lowered:
.L_overlay_start_0:
0x88: {  	s2 =	sld [smem:$0x3FD9]  }
0x89: {  	s3 =	sld [smem:$0x3FFE];
	_ =	sdelay $0x1  }
0x8a: {  	s1 =	srdreg.scid  }
0x8b: {  	s0 =	sand.u32 $0x1, s1  }
0x8c: {  	s16 =	sshll.u32 s0, $0xA;
	s2 =	sadd.s32 s3, s2  }
0x8d: {  	s2 =	sadd.s32 s2, s16  }
0x8e: {  	[smem:$0x3FC0] =	sst s2  }
0x8f: {  	_ = 	snop  }
0x90: {  	(tm) =	ssettm $0x1  }
0x91: {  	s17 =	sld [smem:$0x3FFB];
	_ =	sdelay $0x3  }
0x92: {  	_ =	strace s17  }
0x93: {  	s2 =	sld [smem:$0x3FFC];
	_ =	sdelay $0x3  }
0x94: {  	_ =	strace s2  }
0x95: {  	s2 =	sld [smem:$0x3FFD];
	_ =	sdelay $0x3  }
0x96: {  	_ =	strace s2  }
0x97: {  	_ =	strace $0x8FFFFFFF  }
0x98: {  	s18 =	sld [smem:$0x3FDB];
	_ =	sdelay $0x1  }
0x99: {  	s19 =	simm.s32 $_scs_section_size  }
0x9a: {  	s4 =	simm.s32 $_size__tile_overlayer_lowered;
	s5 =	simm.s32 $_tile_overlayer_lowered  }
0x9b: {  	s22 =	simm.s32 $0x1BFF;
	s21 =	sshll.u32 s5, $0x1;
	s2 =	sadd.s32 s19, s18  }
0x9c: {  	s6 =	simm.s32 $0x0;
	s20 =	sshll.u32 s4, $0x1;
	s4 =	sadd.s32 s21, s2  }
0x9d: {  	[timem:s6], [sflag:s22] =	dma.local [hbm:s4], s20  }
0x9e: {  	_ =	swait.ge [sflag:s22], s20  }
0x9f: {  	s3 =	ssub.s32 $0x0, s20;
	[sflag:s22] =	ssyncset.done $0x0  }
0xa0: {  	[sflag:s22] =	ssyncadd.s32 s3;
	_ =	sdelay $0x1  }
0xa1: {  	s23 =	simm.s32 $0x1B8B  }
0xa2: {  	_ =	swait.ge [sflag:s23], $0x1  }
0xa3: {  	[sflag:s23] =	ssyncset.done $0x0  }
0xa4: {  	s25 =	simm.s32 $0x1B8E;
	s24 =	sld [smem:$0x3FFE];
	[sflag:s23] =	ssyncadd.s32 $0xFFFFFFFF  }
0xa5: {  	s26 =	simm.s32 $execute0_lowered;
	[smem:$0x3FD2] =	sst s25  }
0xa6: {  	s4 =	sshll.u32 s26, $0x1;
	_ =	strace $0x80000049;
	[dreg:$0x1] =	wrdreg $0xFFFFFFFF  }
0xa7: {  	s28 =	simm.s32 $_size_execute0_lowered;
	s2 =	sadd.s32 s2, s4;
	[dreg:$0x0] =	wrdreg $0x0  }
0xa8: {  	s4 =	sshll.u32 s28, $0x1;
	[dreg:$0x2] =	wrdreg s2  }
0xa9: {  	[dreg:$0x3] =	wrdreg s4  }
0xaa: {  	[dreg:$0x4] =	wrdreg $0xC0  }
0xab: {  	_ =	task [dreg:s6], $0x5FFFF  }
0xac: {  	[dreg:$0x1] =	wrdreg $0xFFFFFFFF  }
0xad: {  	[dreg:$0x0] =	wrdreg $0x60  }
0xae: {  	[dreg:$0x2] =	wrdreg s24  }
0xaf: {  	[dreg:$0x3] =	wrdreg $0xC6200  }
0xb0: {  	[dreg:$0x4] =	wrdreg $0x9  }
0xb1: {  	_ =	task.clear_ibuf [dreg:s6], $0x5FFFF;
	_ =	strace $0x90000049  }
0xb2: {  	s29 =	simm.s32 $0x9;
	_ =	strace $0x8000004B  }
0xb3: {  	_ =	swait.ge [sflag:s29], $0x1  }
0xb4: {  	[sflag:s29] =	ssyncadd.s32 $0xFFFFFFFF  }
0xb5: {  	_ =	strace $0x9000004B  }
0xb6: {  	_ =	sfence  }
0xb7: {  	s30 =	sld [smem:$0x0];
	_ =	sdelay $0x2  }
0xb8: {  	s31 =	sshll.u32 s1, $0xD;
	s1 =	sshrl.u32 s1, $0x2  }
0xb9: {  	s3 =	sand.u32 $0x4000, s31;
	s1 =	sadd.s32 s1, s30  }
0xba: {  	s0 =	sor.u32 s3, s0;
	s1 =	sshll.u32 s1, $0x11  }
0xbb: {  	s0 =	sor.u32 s1, s0  }
0xbc: {  	s0 =	sadd.s32 $0x8F2B, s0  }
0xbd: {  	[sflag:s0] =	ssyncadd.remote.s32 $0x1  }
0xbe: {  	_ =	sfence.sel $0xFFFF  }
0xbf: {  	[dreg:$0x0] =	wrdreg $0xFFFFFFFF;
	(pc) =	sbr.abs _section_cstart, $3  }
0xc0: {  	[dreg:$0x1] =	wrdreg $0xFFFFFFFF  }
0xc1: {  	_ =	task.clear_ibuf [dreg:s6], $0x2FFFF;
	_ =	strace $0x9FFFFFFF  }
0xc2: {  	(tm) =	ssettm $0x7FFFFFFF  }
0xc3: {  	_ =	shalt  }
tec
execute0_lowered:
.L_overlay_start_1:
0x0: {  	(tag) =	ssettag $0x1  }
0x1: {  	s0 =	rddreg [dreg:$0x0]  }
0x2: {  	s1 =	rddreg [dreg:$0x1]  }
0x3: {  	s3 =	simm.s32 $0x0;
	s2 =	srdreg.scid;
	s12 =	stileid.u32  }
0x4: {  	s28 =	simm.s32 $0x9E20;
	s29 =	simm.s32 $0x4;
	s30 =	simm.s32 $0x2  }
0x5: {  	s31 =	simm.s32 $0x2760;
	s14 =	simm.s32 $0x0;
	[smem:$0x7FF] =	sst s3  }
0x6: {  	s2 =	sand.u32 $0x1, s2;
	s7 =	smul.u32 $0x13880, s12;
	s4 =	sadd.s32 $0xB2400, s0  }
0x7: {  	s8 =	sadd.s32 $0x77800, s0;
	s9 =	sadd.s32 $0x94E00, s0;
	s5 =	sadd.s32 $0x1200, s0  }
0x8: {  	s15 =	sshll.u32 s12, $0x1;
	s16 =	smul.u32 $0x4E200, s12;
	s18 =	sshll.u32 s12, $0x6  }
0x9: {  	s12 =	sadd.s32 $0xD9500, s0;
	s6 =	smul.u32 $0x138800, s2;
	s10 =	ssub.s32 $0x2, s2  }
0xa: {  	_ =	strace $0x8000004A;
	s2 =	sor.u32 s2, s15;
	s11 =	sshrl.u32 s10, $0x1  }
0xb: {  	s2 =	smul.u32 $0x2710, s2;
	s17 =	sshrl.u32 s16, $0x2;
	s16 =	sadd.s32 $0x100600, s0  }
0xc: {  	s6 =	sadd.s32 s7, s6;
	s10 =	ssub.s32 s10, s11;
	s7 =	sadd.s32 s17, s1  }
0xd: {  	s6 =	sshrl.u32 s6, $0x3;
	s2 =	sshrl.u32 s2, $0x3;
	s26 =	smax.u32 s10, $0x1  }
0xe: {  	s10 =	simm.s32 $0x6;
	s13 =	sadd.s32 s6, s0;
	s6 =	sor.u32 $0x1C07, s18  }
0xf: {  	s19 =	sadd.s32 s8, s2;
	s20 =	sadd.s32 $0x9C40, s2;
	[dreg:$0xc] =	wrdreg s26  }
0x10: {  	s21 =	sadd.s32 s9, s2;
	s2 =	sadd.s32 $0x13880, s2;
	[dreg:$0x3] =	wrdreg s19  }
0x11: {  	s26 =	simm.s32 $0xA0;
	[dreg:$0x4] =	wrdreg s21;
	s22 =	sadd.s32 $0x2FC400, s13  }
0x12: {  	s0 =	simm.s32 $0xF0;
	s23 =	sadd.s32 s8, s20;
	[dreg:$0x5] =	wrdreg s22  }
0x13: {  	s11 =	sadd.s32 s9, s20;
	s24 =	sadd.s32 $0x34A600, s13;
	[dreg:$0x6] =	wrdreg s23  }
0x14: {  	s8 =	sadd.s32 s8, s2;
	s2 =	sadd.s32 s9, s2;
	[dreg:$0x7] =	wrdreg s11  }
0x15: {  	s25 =	sadd.s32 $0x398800, s13;
	s19 =	sshrl.u32 s7, $0x3;
	[dreg:$0x8] =	wrdreg s24  }
0x16: {  	s20 =	simm.s32 $0x7;
	s21 =	simm.s32 $0x2710;
	[dreg:$0x9] =	wrdreg s8  }
0x17: {  	s7 =	simm.s32 $0x3;
	s9 =	simm.s32 $0x140;
	[dreg:$0xa] =	wrdreg s2  }
0x18: {  	s13 =	simm.s32 $0x4DD0;
	[dreg:$0xb] =	wrdreg s25;
	s22 =	simm.s32 $0x50  }
0x19: {  	s23 =	simm.s32 $0x4E20;
	s24 =	simm.s32 $0x7620;
	s25 =	simm.s32 $0x1  }
0x1a: {  	s2 =	simm.s32 $0x5;
	s8 =	simm.s32 $0x27B0;
	s11 =	simm.s32 $0x4D80  }
.LBB2_1:
0x1b: {  	[spmem:s19], [sflag:s6] =	dma.local [hbm:s5], $0x2710  }
0x1c: {  	_ =	swait.ge [sflag:s20], $0x2710  }
0x1d: {  	[sflag:s20] =	ssyncset.done $0x0  }
0x1e: {  	s15 =	rddreg [dreg:$0x3];
	[sflag:s20] =	ssyncadd.s32 $0xFFFFD8F0  }
0x1f: {  	[tilespmem:s3], [sflag:$0x7] =	stream.linear.gather [hbm4b:s15+s3], $0x2710, $0x38;
	[tilespmem:$0x1FEA0] =	vst v63  }
0x20: {  	_ =	swait.ge [sflag:s20], $0x2710  }
0x21: {  	[sflag:s20] =	ssyncset.done $0x0  }
0x22: {  	s17 =	rddreg [dreg:$0x4];
	[sflag:s20] =	ssyncadd.s32 $0xFFFFD8F0  }
0x23: {  	[tilespmem:s21], [sflag:$0x7] =	stream.linear.gather [hbm4b:s17+s3], $0x2710, $0x38;
	[tilespmem:$0x1FEA0] =	vst v63  }
0x24: {  	_ =	swait.ge [sflag:s20], $0x2710  }
0x25: {  	[sflag:s20] =	ssyncset.done $0x0  }
0x26: {  	[sflag:s20] =	ssyncadd.s32 $0xFFFFD8F0  }
0x27: {  	[bflag:$0x0] =	sbarrier.arrive $0xFFFF  }
0x28: {  	[tilespmem:s23], [sflag:$0x1] =	stream.indirect.gather [hbm4b:s4+s22], $0x80, s3, s22, $0xb8;
	[tilespmem:$0x1FEA0] =	vst v63  }
0x29: {  	_ = 	snop  }
0x2a: {  	[tilespmem:s24], [sflag:$0x2] =	stream.indirect.gather [hbm4b:s4+s22], $0x80, s22, s22, $0xb8;
	[tilespmem:$0x1FEA0] =	vst v63  }
0x2b: {  	_ =	swait.ge [sflag:s25], $0x2800  }
0x2c: {  	[sflag:s25] =	ssyncset.done $0x0  }
0x2d: {  	[sflag:s25] =	ssyncadd.s32 $0xFFFFD800  }
0x2e: {  	[spmem:s1] =	stream.indirect.scatter.add.f32 [tilespmem:s23], [sflag:$0x4], $0x80, s21, s22, $0xb8;
	[tilespmem:$0x1FEA0] =	vst v63  }
0x2f: {  	_ = 	snop  }
0x30: {  	[tilespmem:s28], [sflag:$0x3] =	stream.indirect.gather [hbm4b:s4+s22], $0x80, s26, s22, $0xb8;
	[tilespmem:$0x1FEA0] =	vst v63  }
0x31: {  	_ =	swait.ge [sflag:s29], $0x2800  }
0x32: {  	[sflag:s29] =	ssyncset.done $0x0  }
0x33: {  	[sflag:s29] =	ssyncadd.s32 $0xFFFFD800  }
0x34: {  	_ =	swait.ge [sflag:s30], $0x2800  }
0x35: {  	[sflag:s30] =	ssyncset.done $0x0  }
0x36: {  	[sflag:s30] =	ssyncadd.s32 $0xFFFFD800  }
0x37: {  	[spmem:s1] =	stream.indirect.scatter.add.f32 [tilespmem:s24], [sflag:$0x5], $0x80, s31, s22, $0xb8;
	[tilespmem:$0x1FEA0] =	vst v63  }
0x38: {  	_ = 	snop  }
0x39: {  	[tilespmem:s23], [sflag:$0x1] =	stream.indirect.gather [hbm4b:s4+s22], $0x80, s0, s22, $0xb8;
	[tilespmem:$0x1FEA0] =	vst v63  }
0x3a: {  	_ =	swait.ge [sflag:s2], $0x2800  }
0x3b: {  	[sflag:s2] =	ssyncset.done $0x0  }
0x3c: {  	[sflag:s2] =	ssyncadd.s32 $0xFFFFD800  }
0x3d: {  	_ =	swait.ge [sflag:s7], $0x2800  }
0x3e: {  	[sflag:s7] =	ssyncset.done $0x0  }
0x3f: {  	[sflag:s7] =	ssyncadd.s32 $0xFFFFD800  }
0x40: {  	[spmem:s1] =	stream.indirect.scatter.add.f32 [tilespmem:s28], [sflag:$0x6], $0x80, s8, s22, $0xb8;
	[tilespmem:$0x1FEA0] =	vst v63  }
0x41: {  	_ = 	snop  }
0x42: {  	[tilespmem:s24], [sflag:$0x2] =	stream.indirect.gather [hbm4b:s4+s22], $0x80, s9, s22, $0xb8;
	[tilespmem:$0x1FEA0] =	vst v63  }
0x43: {  	_ =	swait.ge [sflag:s10], $0x2800  }
0x44: {  	[sflag:s10] =	ssyncset.done $0x0  }
0x45: {  	[sflag:s10] =	ssyncadd.s32 $0xFFFFD800  }
0x46: {  	_ =	swait.ge [sflag:s25], $0x2800  }
0x47: {  	[sflag:s25] =	ssyncset.done $0x0  }
0x48: {  	s18 =	simm.s32 $0x2800;
	[sflag:s25] =	ssyncadd.s32 $0xFFFFD800  }
0x49: {  	[spmem:s1] =	stream.indirect.scatter.add.f32 [tilespmem:s23], [sflag:$0x4], $0x80, s18, s22, $0xb8;
	[tilespmem:$0x1FEA0] =	vst v63  }
0x4a: {  	s17 =	simm.s32 $0x190  }
0x4b: {  	[tilespmem:s28], [sflag:$0x3] =	stream.indirect.gather [hbm4b:s4+s22], $0x80, s17, s22, $0xb8;
	[tilespmem:$0x1FEA0] =	vst v63  }
0x4c: {  	_ =	swait.ge [sflag:s29], $0x2800  }
0x4d: {  	[sflag:s29] =	ssyncset.done $0x0  }
0x4e: {  	[sflag:s29] =	ssyncadd.s32 $0xFFFFD800  }
0x4f: {  	_ =	swait.ge [sflag:s30], $0x2800  }
0x50: {  	[sflag:s30] =	ssyncset.done $0x0  }
0x51: {  	s18 =	simm.s32 $0x2850;
	[sflag:s30] =	ssyncadd.s32 $0xFFFFD800  }
0x52: {  	[spmem:s1] =	stream.indirect.scatter.add.f32 [tilespmem:s24], [sflag:$0x5], $0x80, s18, s22, $0xb8;
	[tilespmem:$0x1FEA0] =	vst v63  }
0x53: {  	s17 =	simm.s32 $0x1E0  }
0x54: {  	[tilespmem:s23], [sflag:$0x1] =	stream.indirect.gather [hbm4b:s4+s22], $0x80, s17, s22, $0xb8;
	[tilespmem:$0x1FEA0] =	vst v63  }
0x55: {  	_ =	swait.ge [sflag:s2], $0x2800  }
0x56: {  	[sflag:s2] =	ssyncset.done $0x0  }
0x57: {  	[sflag:s2] =	ssyncadd.s32 $0xFFFFD800  }
0x58: {  	_ =	swait.ge [sflag:s7], $0x2800  }
0x59: {  	s15 =	simm.s32 $0x3C0;
	[sflag:s7] =	ssyncset.done $0x0  }
0x5a: {  	s18 =	simm.s32 $0x28A0;
	s17 =	simm.s32 $0x230;
	[sflag:s7] =	ssyncadd.s32 $0xFFFFD800  }
0x5b: {  	[spmem:s1] =	stream.indirect.scatter.add.f32 [tilespmem:s28], [sflag:$0x6], $0x80, s18, s22, $0xb8;
	[tilespmem:$0x1FEA0] =	vst v63  }
.LBB2_2:
0x5c: {  	[tilespmem:s24], [sflag:$0x2] =	stream.indirect.gather [hbm4b:s4+s22], $0x80, s17, s22, $0xb8;
	[tilespmem:$0x1FEA0] =	vst v63  }
0x5d: {  	s17 =	smov.u32 s15  }
0x5e: {  	p0 =	sne.s32 s15, $0x9240;
	s15 =	sadd.s32 $0x3C0, s15;
	_ =	swait.ge [sflag:s10], $0x2800  }
0x5f: {  	[sflag:s10] =	ssyncset.done $0x0  }
0x60: {  	[sflag:s10] =	ssyncadd.s32 $0xFFFFD800  }
0x61: {  	_ =	swait.ge [sflag:s25], $0x2800  }
0x62: {  	s17 =	sshra.s32 s17, $0x2;
	[sflag:s25] =	ssyncset.done $0x0  }
0x63: {  	s18 =	sadd.s32 $0x2800, s17;
	[sflag:s25] =	ssyncadd.s32 $0xFFFFD800  }
0x64: {  	[spmem:s1] =	stream.indirect.scatter.add.f32 [tilespmem:s23], [sflag:$0x4], $0x80, s18, s22, $0xb8;
	[tilespmem:$0x1FEA0] =	vst v63  }
0x65: {  	s18 =	sadd.s32 $0x190, s17  }
0x66: {  	[tilespmem:s28], [sflag:$0x3] =	stream.indirect.gather [hbm4b:s4+s22], $0x80, s18, s22, $0xb8;
	[tilespmem:$0x1FEA0] =	vst v63  }
0x67: {  	_ =	swait.ge [sflag:s29], $0x2800  }
0x68: {  	[sflag:s29] =	ssyncset.done $0x0  }
0x69: {  	[sflag:s29] =	ssyncadd.s32 $0xFFFFD800  }
0x6a: {  	_ =	swait.ge [sflag:s30], $0x2800  }
0x6b: {  	[sflag:s30] =	ssyncset.done $0x0  }
0x6c: {  	s18 =	sadd.s32 $0x2850, s17;
	[sflag:s30] =	ssyncadd.s32 $0xFFFFD800  }
0x6d: {  	[spmem:s1] =	stream.indirect.scatter.add.f32 [tilespmem:s24], [sflag:$0x5], $0x80, s18, s22, $0xb8;
	[tilespmem:$0x1FEA0] =	vst v63  }
0x6e: {  	s18 =	sadd.s32 $0x1E0, s17  }
0x6f: {  	[tilespmem:s23], [sflag:$0x1] =	stream.indirect.gather [hbm4b:s4+s22], $0x80, s18, s22, $0xb8;
	[tilespmem:$0x1FEA0] =	vst v63  }
0x70: {  	_ =	swait.ge [sflag:s2], $0x2800  }
0x71: {  	[sflag:s2] =	ssyncset.done $0x0  }
0x72: {  	[sflag:s2] =	ssyncadd.s32 $0xFFFFD800  }
.Ltmp0:
0x73: {  	_ =	swait.ge [sflag:s7], $0x2800;
	(pc) =	sbr.rel @p0 .LBB2_2-.Ltmp0, $4  }
0x74: {  	[sflag:s7] =	ssyncset.done $0x0  }
0x75: {  	s18 =	sadd.s32 $0x28A0, s17;
	[sflag:s7] =	ssyncadd.s32 $0xFFFFD800  }
0x76: {  	[spmem:s1] =	stream.indirect.scatter.add.f32 [tilespmem:s28], [sflag:$0x6], $0x80, s18, s22, $0xb8;
	[tilespmem:$0x1FEA0] =	vst v63  }
0x77: {  	s17 =	sadd.s32 $0x230, s17  }
0x78: {  	[tilespmem:s24], [sflag:$0x2] =	stream.indirect.gather [hbm4b:s4+s22], $0x80, s17, s22, $0xb8;
	[tilespmem:$0x1FEA0] =	vst v63  }
0x79: {  	_ =	swait.ge [sflag:s10], $0x2800  }
0x7a: {  	[sflag:s10] =	ssyncset.done $0x0  }
0x7b: {  	[sflag:s10] =	ssyncadd.s32 $0xFFFFD800  }
0x7c: {  	_ =	swait.ge [sflag:s25], $0x2800  }
0x7d: {  	[sflag:s25] =	ssyncset.done $0x0  }
0x7e: {  	[sflag:s25] =	ssyncadd.s32 $0xFFFFD800  }
0x7f: {  	[spmem:s1] =	stream.indirect.scatter.add.f32 [tilespmem:s23], [sflag:$0x4], $0x80, s11, s22, $0xb8;
	[tilespmem:$0x1FEA0] =	vst v63  }
0x80: {  	_ =	swait.ge [sflag:s29], $0x2800  }
0x81: {  	[sflag:s29] =	ssyncset.done $0x0  }
0x82: {  	[sflag:s29] =	ssyncadd.s32 $0xFFFFD800  }
0x83: {  	_ =	swait.ge [sflag:s30], $0x2800  }
0x84: {  	[sflag:s30] =	ssyncset.done $0x0  }
0x85: {  	[sflag:s30] =	ssyncadd.s32 $0xFFFFD800  }
0x86: {  	[spmem:s1] =	stream.indirect.scatter.add.f32 [tilespmem:s24], [sflag:$0x5], $0x80, s13, s22, $0xb8;
	[tilespmem:$0x1FEA0] =	vst v63  }
0x87: {  	_ =	swait.ge [sflag:s2], $0x2800  }
0x88: {  	[sflag:s2] =	ssyncset.done $0x0  }
0x89: {  	[sflag:s2] =	ssyncadd.s32 $0xFFFFD800  }
0x8a: {  	[bflag:$0x0] =	sbarrier.arrive $0xFFFF  }
0x8b: {  	s15 =	rddreg [dreg:$0x5]  }
0x8c: {  	[hbm:s15], [sflag:s6] =	dma.local [spmem:s19], $0x2710  }
0x8d: {  	_ =	swait.ge [sflag:s20], $0x2710  }
0x8e: {  	[sflag:s20] =	ssyncset.done $0x0  }
0x8f: {  	[sflag:s20] =	ssyncadd.s32 $0xFFFFD8F0  }
0x90: {  	[bflag:$0x0] =	sbarrier.arrive $0xFFFF  }
0x91: {  	[spmem:s19], [sflag:s6] =	dma.local [hbm:s5], $0x2710  }
0x92: {  	_ =	swait.ge [sflag:s20], $0x2710  }
0x93: {  	[sflag:s20] =	ssyncset.done $0x0  }
0x94: {  	s15 =	simm.s32 $0x0;
	s18 =	rddreg [dreg:$0x6];
	[sflag:s20] =	ssyncadd.s32 $0xFFFFD8F0  }
0x95: {  	[tilespmem:s15], [sflag:$0x7] =	stream.linear.gather [hbm4b:s18+s15], $0x2710, $0x38;
	[tilespmem:$0x1FEA0] =	vst v63  }
0x96: {  	_ =	swait.ge [sflag:s20], $0x2710  }
0x97: {  	[sflag:s20] =	ssyncset.done $0x0  }
0x98: {  	s18 =	rddreg [dreg:$0x7];
	[sflag:s20] =	ssyncadd.s32 $0xFFFFD8F0  }
0x99: {  	[tilespmem:s21], [sflag:$0x7] =	stream.linear.gather [hbm4b:s18+s15], $0x2710, $0x38;
	[tilespmem:$0x1FEA0] =	vst v63  }
0x9a: {  	_ =	swait.ge [sflag:s20], $0x2710  }
0x9b: {  	[sflag:s20] =	ssyncset.done $0x0  }
0x9c: {  	[sflag:s20] =	ssyncadd.s32 $0xFFFFD8F0  }
0x9d: {  	[bflag:$0x0] =	sbarrier.arrive $0xFFFF  }
0x9e: {  	[tilespmem:s23], [sflag:$0x1] =	stream.indirect.gather [hbm4b:s12+s22], $0x80, s15, s22, $0xb8;
	[tilespmem:$0x1FEA0] =	vst v63  }
0x9f: {  	_ = 	snop  }
0xa0: {  	[tilespmem:s24], [sflag:$0x2] =	stream.indirect.gather [hbm4b:s12+s22], $0x80, s22, s22, $0xb8;
	[tilespmem:$0x1FEA0] =	vst v63  }
0xa1: {  	_ =	swait.ge [sflag:s25], $0x2800  }
0xa2: {  	[sflag:s25] =	ssyncset.done $0x0  }
0xa3: {  	[sflag:s25] =	ssyncadd.s32 $0xFFFFD800  }
0xa4: {  	[spmem:s1] =	stream.indirect.scatter.add.f32 [tilespmem:s23], [sflag:$0x4], $0x80, s21, s22, $0xb8;
	[tilespmem:$0x1FEA0] =	vst v63  }
0xa5: {  	_ = 	snop  }
0xa6: {  	[tilespmem:s28], [sflag:$0x3] =	stream.indirect.gather [hbm4b:s12+s22], $0x80, s26, s22, $0xb8;
	[tilespmem:$0x1FEA0] =	vst v63  }
0xa7: {  	_ =	swait.ge [sflag:s29], $0x2800  }
0xa8: {  	[sflag:s29] =	ssyncset.done $0x0  }
0xa9: {  	[sflag:s29] =	ssyncadd.s32 $0xFFFFD800  }
0xaa: {  	_ =	swait.ge [sflag:s30], $0x2800  }
0xab: {  	[sflag:s30] =	ssyncset.done $0x0  }
0xac: {  	[sflag:s30] =	ssyncadd.s32 $0xFFFFD800  }
0xad: {  	[spmem:s1] =	stream.indirect.scatter.add.f32 [tilespmem:s24], [sflag:$0x5], $0x80, s31, s22, $0xb8;
	[tilespmem:$0x1FEA0] =	vst v63  }
0xae: {  	_ = 	snop  }
0xaf: {  	[tilespmem:s23], [sflag:$0x1] =	stream.indirect.gather [hbm4b:s12+s22], $0x80, s0, s22, $0xb8;
	[tilespmem:$0x1FEA0] =	vst v63  }
0xb0: {  	_ =	swait.ge [sflag:s2], $0x2800  }
0xb1: {  	[sflag:s2] =	ssyncset.done $0x0  }
0xb2: {  	[sflag:s2] =	ssyncadd.s32 $0xFFFFD800  }
0xb3: {  	_ =	swait.ge [sflag:s7], $0x2800  }
0xb4: {  	[sflag:s7] =	ssyncset.done $0x0  }
0xb5: {  	[sflag:s7] =	ssyncadd.s32 $0xFFFFD800  }
0xb6: {  	[spmem:s1] =	stream.indirect.scatter.add.f32 [tilespmem:s28], [sflag:$0x6], $0x80, s8, s22, $0xb8;
	[tilespmem:$0x1FEA0] =	vst v63  }
0xb7: {  	_ = 	snop  }
0xb8: {  	[tilespmem:s24], [sflag:$0x2] =	stream.indirect.gather [hbm4b:s12+s22], $0x80, s9, s22, $0xb8;
	[tilespmem:$0x1FEA0] =	vst v63  }
0xb9: {  	_ =	swait.ge [sflag:s10], $0x2800  }
0xba: {  	[sflag:s10] =	ssyncset.done $0x0  }
0xbb: {  	[sflag:s10] =	ssyncadd.s32 $0xFFFFD800  }
0xbc: {  	_ =	swait.ge [sflag:s25], $0x2800  }
0xbd: {  	[sflag:s25] =	ssyncset.done $0x0  }
0xbe: {  	s18 =	simm.s32 $0x2800;
	[sflag:s25] =	ssyncadd.s32 $0xFFFFD800  }
0xbf: {  	[spmem:s1] =	stream.indirect.scatter.add.f32 [tilespmem:s23], [sflag:$0x4], $0x80, s18, s22, $0xb8;
	[tilespmem:$0x1FEA0] =	vst v63  }
0xc0: {  	s17 =	simm.s32 $0x190  }
0xc1: {  	[tilespmem:s28], [sflag:$0x3] =	stream.indirect.gather [hbm4b:s12+s22], $0x80, s17, s22, $0xb8;
	[tilespmem:$0x1FEA0] =	vst v63  }
0xc2: {  	_ =	swait.ge [sflag:s29], $0x2800  }
0xc3: {  	[sflag:s29] =	ssyncset.done $0x0  }
0xc4: {  	[sflag:s29] =	ssyncadd.s32 $0xFFFFD800  }
0xc5: {  	_ =	swait.ge [sflag:s30], $0x2800  }
0xc6: {  	[sflag:s30] =	ssyncset.done $0x0  }
0xc7: {  	s18 =	simm.s32 $0x2850;
	[sflag:s30] =	ssyncadd.s32 $0xFFFFD800  }
0xc8: {  	[spmem:s1] =	stream.indirect.scatter.add.f32 [tilespmem:s24], [sflag:$0x5], $0x80, s18, s22, $0xb8;
	[tilespmem:$0x1FEA0] =	vst v63  }
0xc9: {  	s17 =	simm.s32 $0x1E0  }
0xca: {  	[tilespmem:s23], [sflag:$0x1] =	stream.indirect.gather [hbm4b:s12+s22], $0x80, s17, s22, $0xb8;
	[tilespmem:$0x1FEA0] =	vst v63  }
0xcb: {  	_ =	swait.ge [sflag:s2], $0x2800  }
0xcc: {  	[sflag:s2] =	ssyncset.done $0x0  }
0xcd: {  	[sflag:s2] =	ssyncadd.s32 $0xFFFFD800  }
0xce: {  	_ =	swait.ge [sflag:s7], $0x2800  }
0xcf: {  	s15 =	simm.s32 $0x3C0;
	[sflag:s7] =	ssyncset.done $0x0  }
0xd0: {  	s18 =	simm.s32 $0x28A0;
	s17 =	simm.s32 $0x230;
	[sflag:s7] =	ssyncadd.s32 $0xFFFFD800  }
0xd1: {  	[spmem:s1] =	stream.indirect.scatter.add.f32 [tilespmem:s28], [sflag:$0x6], $0x80, s18, s22, $0xb8;
	[tilespmem:$0x1FEA0] =	vst v63  }
.LBB2_4:
0xd2: {  	[tilespmem:s24], [sflag:$0x2] =	stream.indirect.gather [hbm4b:s12+s22], $0x80, s17, s22, $0xb8;
	[tilespmem:$0x1FEA0] =	vst v63  }
0xd3: {  	s17 =	smov.u32 s15  }
0xd4: {  	p0 =	sne.s32 s15, $0x9240;
	s15 =	sadd.s32 $0x3C0, s15;
	_ =	swait.ge [sflag:s10], $0x2800  }
0xd5: {  	[sflag:s10] =	ssyncset.done $0x0  }
0xd6: {  	[sflag:s10] =	ssyncadd.s32 $0xFFFFD800  }
0xd7: {  	_ =	swait.ge [sflag:s25], $0x2800  }
0xd8: {  	s17 =	sshra.s32 s17, $0x2;
	[sflag:s25] =	ssyncset.done $0x0  }
0xd9: {  	s18 =	sadd.s32 $0x2800, s17;
	[sflag:s25] =	ssyncadd.s32 $0xFFFFD800  }
0xda: {  	[spmem:s1] =	stream.indirect.scatter.add.f32 [tilespmem:s23], [sflag:$0x4], $0x80, s18, s22, $0xb8;
	[tilespmem:$0x1FEA0] =	vst v63  }
0xdb: {  	s18 =	sadd.s32 $0x190, s17  }
0xdc: {  	[tilespmem:s28], [sflag:$0x3] =	stream.indirect.gather [hbm4b:s12+s22], $0x80, s18, s22, $0xb8;
	[tilespmem:$0x1FEA0] =	vst v63  }
0xdd: {  	_ =	swait.ge [sflag:s29], $0x2800  }
0xde: {  	[sflag:s29] =	ssyncset.done $0x0  }
0xdf: {  	[sflag:s29] =	ssyncadd.s32 $0xFFFFD800  }
0xe0: {  	_ =	swait.ge [sflag:s30], $0x2800  }
0xe1: {  	[sflag:s30] =	ssyncset.done $0x0  }
0xe2: {  	s18 =	sadd.s32 $0x2850, s17;
	[sflag:s30] =	ssyncadd.s32 $0xFFFFD800  }
0xe3: {  	[spmem:s1] =	stream.indirect.scatter.add.f32 [tilespmem:s24], [sflag:$0x5], $0x80, s18, s22, $0xb8;
	[tilespmem:$0x1FEA0] =	vst v63  }
0xe4: {  	s18 =	sadd.s32 $0x1E0, s17  }
0xe5: {  	[tilespmem:s23], [sflag:$0x1] =	stream.indirect.gather [hbm4b:s12+s22], $0x80, s18, s22, $0xb8;
	[tilespmem:$0x1FEA0] =	vst v63  }
0xe6: {  	_ =	swait.ge [sflag:s2], $0x2800  }
0xe7: {  	[sflag:s2] =	ssyncset.done $0x0  }
0xe8: {  	[sflag:s2] =	ssyncadd.s32 $0xFFFFD800  }
.Ltmp1:
0xe9: {  	_ =	swait.ge [sflag:s7], $0x2800;
	(pc) =	sbr.rel @p0 .LBB2_4-.Ltmp1, $4  }
0xea: {  	[sflag:s7] =	ssyncset.done $0x0  }
0xeb: {  	s18 =	sadd.s32 $0x28A0, s17;
	[sflag:s7] =	ssyncadd.s32 $0xFFFFD800  }
0xec: {  	[spmem:s1] =	stream.indirect.scatter.add.f32 [tilespmem:s28], [sflag:$0x6], $0x80, s18, s22, $0xb8;
	[tilespmem:$0x1FEA0] =	vst v63  }
0xed: {  	s17 =	sadd.s32 $0x230, s17  }
0xee: {  	[tilespmem:s24], [sflag:$0x2] =	stream.indirect.gather [hbm4b:s12+s22], $0x80, s17, s22, $0xb8;
	[tilespmem:$0x1FEA0] =	vst v63  }
0xef: {  	_ =	swait.ge [sflag:s10], $0x2800  }
0xf0: {  	[sflag:s10] =	ssyncset.done $0x0  }
0xf1: {  	[sflag:s10] =	ssyncadd.s32 $0xFFFFD800  }
0xf2: {  	_ =	swait.ge [sflag:s25], $0x2800  }
0xf3: {  	[sflag:s25] =	ssyncset.done $0x0  }
0xf4: {  	[sflag:s25] =	ssyncadd.s32 $0xFFFFD800  }
0xf5: {  	[spmem:s1] =	stream.indirect.scatter.add.f32 [tilespmem:s23], [sflag:$0x4], $0x80, s11, s22, $0xb8;
	[tilespmem:$0x1FEA0] =	vst v63  }
0xf6: {  	_ =	swait.ge [sflag:s29], $0x2800  }
0xf7: {  	[sflag:s29] =	ssyncset.done $0x0  }
0xf8: {  	[sflag:s29] =	ssyncadd.s32 $0xFFFFD800  }
0xf9: {  	_ =	swait.ge [sflag:s30], $0x2800  }
0xfa: {  	[sflag:s30] =	ssyncset.done $0x0  }
0xfb: {  	[sflag:s30] =	ssyncadd.s32 $0xFFFFD800  }
0xfc: {  	[spmem:s1] =	stream.indirect.scatter.add.f32 [tilespmem:s24], [sflag:$0x5], $0x80, s13, s22, $0xb8;
	[tilespmem:$0x1FEA0] =	vst v63  }
0xfd: {  	_ =	swait.ge [sflag:s2], $0x2800  }
0xfe: {  	[sflag:s2] =	ssyncset.done $0x0  }
0xff: {  	[sflag:s2] =	ssyncadd.s32 $0xFFFFD800  }
0x100: {  	[bflag:$0x0] =	sbarrier.arrive $0xFFFF  }
0x101: {  	s15 =	rddreg [dreg:$0x8]  }
0x102: {  	[hbm:s15], [sflag:s6] =	dma.local [spmem:s19], $0x2710  }
0x103: {  	_ =	swait.ge [sflag:s20], $0x2710  }
0x104: {  	[sflag:s20] =	ssyncset.done $0x0  }
0x105: {  	[sflag:s20] =	ssyncadd.s32 $0xFFFFD8F0  }
0x106: {  	[bflag:$0x0] =	sbarrier.arrive $0xFFFF  }
0x107: {  	[spmem:s19], [sflag:s6] =	dma.local [hbm:s5], $0x2710  }
0x108: {  	_ =	swait.ge [sflag:s20], $0x2710  }
0x109: {  	[sflag:s20] =	ssyncset.done $0x0  }
0x10a: {  	s15 =	simm.s32 $0x0;
	s18 =	rddreg [dreg:$0x9];
	[sflag:s20] =	ssyncadd.s32 $0xFFFFD8F0  }
0x10b: {  	[tilespmem:s15], [sflag:$0x7] =	stream.linear.gather [hbm4b:s18+s15], $0x2710, $0x38;
	[tilespmem:$0x1FEA0] =	vst v63  }
0x10c: {  	_ =	swait.ge [sflag:s20], $0x2710  }
0x10d: {  	[sflag:s20] =	ssyncset.done $0x0  }
0x10e: {  	s18 =	rddreg [dreg:$0xa];
	[sflag:s20] =	ssyncadd.s32 $0xFFFFD8F0  }
0x10f: {  	[tilespmem:s21], [sflag:$0x7] =	stream.linear.gather [hbm4b:s18+s15], $0x2710, $0x38;
	[tilespmem:$0x1FEA0] =	vst v63  }
0x110: {  	_ =	swait.ge [sflag:s20], $0x2710  }
0x111: {  	[sflag:s20] =	ssyncset.done $0x0  }
0x112: {  	[sflag:s20] =	ssyncadd.s32 $0xFFFFD8F0  }
0x113: {  	[bflag:$0x0] =	sbarrier.arrive $0xFFFF  }
0x114: {  	[tilespmem:s23], [sflag:$0x1] =	stream.indirect.gather [hbm4b:s16+s22], $0x80, s15, s22, $0xb8;
	[tilespmem:$0x1FEA0] =	vst v63  }
0x115: {  	_ = 	snop  }
0x116: {  	[tilespmem:s24], [sflag:$0x2] =	stream.indirect.gather [hbm4b:s16+s22], $0x80, s22, s22, $0xb8;
	[tilespmem:$0x1FEA0] =	vst v63  }
0x117: {  	_ =	swait.ge [sflag:s25], $0x2800  }
0x118: {  	[sflag:s25] =	ssyncset.done $0x0  }
0x119: {  	[sflag:s25] =	ssyncadd.s32 $0xFFFFD800  }
0x11a: {  	[spmem:s1] =	stream.indirect.scatter.add.f32 [tilespmem:s23], [sflag:$0x4], $0x80, s21, s22, $0xb8;
	[tilespmem:$0x1FEA0] =	vst v63  }
0x11b: {  	_ = 	snop  }
0x11c: {  	[tilespmem:s28], [sflag:$0x3] =	stream.indirect.gather [hbm4b:s16+s22], $0x80, s26, s22, $0xb8;
	[tilespmem:$0x1FEA0] =	vst v63  }
0x11d: {  	_ =	swait.ge [sflag:s29], $0x2800  }
0x11e: {  	[sflag:s29] =	ssyncset.done $0x0  }
0x11f: {  	[sflag:s29] =	ssyncadd.s32 $0xFFFFD800  }
0x120: {  	_ =	swait.ge [sflag:s30], $0x2800  }
0x121: {  	[sflag:s30] =	ssyncset.done $0x0  }
0x122: {  	[sflag:s30] =	ssyncadd.s32 $0xFFFFD800  }
0x123: {  	[spmem:s1] =	stream.indirect.scatter.add.f32 [tilespmem:s24], [sflag:$0x5], $0x80, s31, s22, $0xb8;
	[tilespmem:$0x1FEA0] =	vst v63  }
0x124: {  	_ = 	snop  }
0x125: {  	[tilespmem:s23], [sflag:$0x1] =	stream.indirect.gather [hbm4b:s16+s22], $0x80, s0, s22, $0xb8;
	[tilespmem:$0x1FEA0] =	vst v63  }
0x126: {  	_ =	swait.ge [sflag:s2], $0x2800  }
0x127: {  	[sflag:s2] =	ssyncset.done $0x0  }
0x128: {  	[sflag:s2] =	ssyncadd.s32 $0xFFFFD800  }
0x129: {  	_ =	swait.ge [sflag:s7], $0x2800  }
0x12a: {  	[sflag:s7] =	ssyncset.done $0x0  }
0x12b: {  	[sflag:s7] =	ssyncadd.s32 $0xFFFFD800  }
0x12c: {  	[spmem:s1] =	stream.indirect.scatter.add.f32 [tilespmem:s28], [sflag:$0x6], $0x80, s8, s22, $0xb8;
	[tilespmem:$0x1FEA0] =	vst v63  }
0x12d: {  	_ = 	snop  }
0x12e: {  	[tilespmem:s24], [sflag:$0x2] =	stream.indirect.gather [hbm4b:s16+s22], $0x80, s9, s22, $0xb8;
	[tilespmem:$0x1FEA0] =	vst v63  }
0x12f: {  	_ =	swait.ge [sflag:s10], $0x2800  }
0x130: {  	[sflag:s10] =	ssyncset.done $0x0  }
0x131: {  	[sflag:s10] =	ssyncadd.s32 $0xFFFFD800  }
0x132: {  	_ =	swait.ge [sflag:s25], $0x2800  }
0x133: {  	[sflag:s25] =	ssyncset.done $0x0  }
0x134: {  	s18 =	simm.s32 $0x2800;
	[sflag:s25] =	ssyncadd.s32 $0xFFFFD800  }
0x135: {  	[spmem:s1] =	stream.indirect.scatter.add.f32 [tilespmem:s23], [sflag:$0x4], $0x80, s18, s22, $0xb8;
	[tilespmem:$0x1FEA0] =	vst v63  }
0x136: {  	s17 =	simm.s32 $0x190  }
0x137: {  	[tilespmem:s28], [sflag:$0x3] =	stream.indirect.gather [hbm4b:s16+s22], $0x80, s17, s22, $0xb8;
	[tilespmem:$0x1FEA0] =	vst v63  }
0x138: {  	_ =	swait.ge [sflag:s29], $0x2800  }
0x139: {  	[sflag:s29] =	ssyncset.done $0x0  }
0x13a: {  	[sflag:s29] =	ssyncadd.s32 $0xFFFFD800  }
0x13b: {  	_ =	swait.ge [sflag:s30], $0x2800  }
0x13c: {  	[sflag:s30] =	ssyncset.done $0x0  }
0x13d: {  	s18 =	simm.s32 $0x2850;
	[sflag:s30] =	ssyncadd.s32 $0xFFFFD800  }
0x13e: {  	[spmem:s1] =	stream.indirect.scatter.add.f32 [tilespmem:s24], [sflag:$0x5], $0x80, s18, s22, $0xb8;
	[tilespmem:$0x1FEA0] =	vst v63  }
0x13f: {  	s17 =	simm.s32 $0x1E0  }
0x140: {  	[tilespmem:s23], [sflag:$0x1] =	stream.indirect.gather [hbm4b:s16+s22], $0x80, s17, s22, $0xb8;
	[tilespmem:$0x1FEA0] =	vst v63  }
0x141: {  	_ =	swait.ge [sflag:s2], $0x2800  }
0x142: {  	[sflag:s2] =	ssyncset.done $0x0  }
0x143: {  	[sflag:s2] =	ssyncadd.s32 $0xFFFFD800  }
0x144: {  	_ =	swait.ge [sflag:s7], $0x2800  }
0x145: {  	s15 =	simm.s32 $0x3C0;
	[sflag:s7] =	ssyncset.done $0x0  }
0x146: {  	s18 =	simm.s32 $0x28A0;
	s17 =	simm.s32 $0x230;
	[sflag:s7] =	ssyncadd.s32 $0xFFFFD800  }
0x147: {  	[spmem:s1] =	stream.indirect.scatter.add.f32 [tilespmem:s28], [sflag:$0x6], $0x80, s18, s22, $0xb8;
	[tilespmem:$0x1FEA0] =	vst v63  }
.LBB2_6:
0x148: {  	[tilespmem:s24], [sflag:$0x2] =	stream.indirect.gather [hbm4b:s16+s22], $0x80, s17, s22, $0xb8;
	[tilespmem:$0x1FEA0] =	vst v63  }
0x149: {  	s17 =	smov.u32 s15  }
0x14a: {  	p0 =	sne.s32 s15, $0x9240;
	s15 =	sadd.s32 $0x3C0, s15;
	_ =	swait.ge [sflag:s10], $0x2800  }
0x14b: {  	[sflag:s10] =	ssyncset.done $0x0  }
0x14c: {  	[sflag:s10] =	ssyncadd.s32 $0xFFFFD800  }
0x14d: {  	_ =	swait.ge [sflag:s25], $0x2800  }
0x14e: {  	s17 =	sshra.s32 s17, $0x2;
	[sflag:s25] =	ssyncset.done $0x0  }
0x14f: {  	s18 =	sadd.s32 $0x2800, s17;
	[sflag:s25] =	ssyncadd.s32 $0xFFFFD800  }
0x150: {  	[spmem:s1] =	stream.indirect.scatter.add.f32 [tilespmem:s23], [sflag:$0x4], $0x80, s18, s22, $0xb8;
	[tilespmem:$0x1FEA0] =	vst v63  }
0x151: {  	s18 =	sadd.s32 $0x190, s17  }
0x152: {  	[tilespmem:s28], [sflag:$0x3] =	stream.indirect.gather [hbm4b:s16+s22], $0x80, s18, s22, $0xb8;
	[tilespmem:$0x1FEA0] =	vst v63  }
0x153: {  	_ =	swait.ge [sflag:s29], $0x2800  }
0x154: {  	[sflag:s29] =	ssyncset.done $0x0  }
0x155: {  	[sflag:s29] =	ssyncadd.s32 $0xFFFFD800  }
0x156: {  	_ =	swait.ge [sflag:s30], $0x2800  }
0x157: {  	[sflag:s30] =	ssyncset.done $0x0  }
0x158: {  	s18 =	sadd.s32 $0x2850, s17;
	[sflag:s30] =	ssyncadd.s32 $0xFFFFD800  }
0x159: {  	[spmem:s1] =	stream.indirect.scatter.add.f32 [tilespmem:s24], [sflag:$0x5], $0x80, s18, s22, $0xb8;
	[tilespmem:$0x1FEA0] =	vst v63  }
0x15a: {  	s18 =	sadd.s32 $0x1E0, s17  }
0x15b: {  	[tilespmem:s23], [sflag:$0x1] =	stream.indirect.gather [hbm4b:s16+s22], $0x80, s18, s22, $0xb8;
	[tilespmem:$0x1FEA0] =	vst v63  }
0x15c: {  	_ =	swait.ge [sflag:s2], $0x2800  }
0x15d: {  	[sflag:s2] =	ssyncset.done $0x0  }
0x15e: {  	[sflag:s2] =	ssyncadd.s32 $0xFFFFD800  }
.Ltmp2:
0x15f: {  	_ =	swait.ge [sflag:s7], $0x2800;
	(pc) =	sbr.rel @p0 .LBB2_6-.Ltmp2, $4  }
0x160: {  	[sflag:s7] =	ssyncset.done $0x0  }
0x161: {  	s18 =	sadd.s32 $0x28A0, s17;
	[sflag:s7] =	ssyncadd.s32 $0xFFFFD800  }
0x162: {  	[spmem:s1] =	stream.indirect.scatter.add.f32 [tilespmem:s28], [sflag:$0x6], $0x80, s18, s22, $0xb8;
	[tilespmem:$0x1FEA0] =	vst v63  }
0x163: {  	s17 =	sadd.s32 $0x230, s17  }
0x164: {  	[tilespmem:s24], [sflag:$0x2] =	stream.indirect.gather [hbm4b:s16+s22], $0x80, s17, s22, $0xb8;
	[tilespmem:$0x1FEA0] =	vst v63  }
0x165: {  	_ =	swait.ge [sflag:s10], $0x2800  }
0x166: {  	[sflag:s10] =	ssyncset.done $0x0  }
0x167: {  	[sflag:s10] =	ssyncadd.s32 $0xFFFFD800  }
0x168: {  	_ =	swait.ge [sflag:s25], $0x2800  }
0x169: {  	[sflag:s25] =	ssyncset.done $0x0  }
0x16a: {  	[sflag:s25] =	ssyncadd.s32 $0xFFFFD800  }
0x16b: {  	[spmem:s1] =	stream.indirect.scatter.add.f32 [tilespmem:s23], [sflag:$0x4], $0x80, s11, s22, $0xb8;
	[tilespmem:$0x1FEA0] =	vst v63  }
0x16c: {  	_ =	swait.ge [sflag:s29], $0x2800  }
0x16d: {  	[sflag:s29] =	ssyncset.done $0x0  }
0x16e: {  	[sflag:s29] =	ssyncadd.s32 $0xFFFFD800  }
0x16f: {  	_ =	swait.ge [sflag:s30], $0x2800  }
0x170: {  	[sflag:s30] =	ssyncset.done $0x0  }
0x171: {  	[sflag:s30] =	ssyncadd.s32 $0xFFFFD800  }
0x172: {  	[spmem:s1] =	stream.indirect.scatter.add.f32 [tilespmem:s24], [sflag:$0x5], $0x80, s13, s22, $0xb8;
	[tilespmem:$0x1FEA0] =	vst v63  }
0x173: {  	_ =	swait.ge [sflag:s2], $0x2800  }
0x174: {  	[sflag:s2] =	ssyncset.done $0x0  }
0x175: {  	[sflag:s2] =	ssyncadd.s32 $0xFFFFD800  }
0x176: {  	[bflag:$0x0] =	sbarrier.arrive $0xFFFF  }
0x177: {  	s15 =	rddreg [dreg:$0xb]  }
0x178: {  	[hbm:s15], [sflag:s6] =	dma.local [spmem:s19], $0x2710  }
0x179: {  	_ =	swait.ge [sflag:s20], $0x2710  }
0x17a: {  	s14 =	sadd.s32 $0x1, s14;
	s18 =	rddreg [dreg:$0xc]  }
0x17b: {  	p0 =	sne.s32 s14, s18  }
.Ltmp3:
0x17c: {  	_ = 	snop;
	(pc) =	sbr.rel @p0 .LBB2_1-.Ltmp3, $3  }
0x17d: {  	[sflag:s20] =	ssyncset.done $0x0  }
0x17e: {  	[sflag:s20] =	ssyncadd.s32 $0xFFFFD8F0  }
0x17f: {  	[bflag:$0x0] =	sbarrier.arrive $0xFFFF;
	_ =	sdelay $0x1  }
0x180: {  	_ =	sfence.sel $0x180000  }
0x181: {  	[bflag:$0x0] =	sbarrier.arrive $0xFFFF  }
0x182: {  	_ =	strace $0x9000004A  }
0x183: {  	s0 =	stileid.u32;
	[bflag:$0x2] =	sbarrier.arrive $0xFFFF  }
0x184: {  	p0 =	sne.s32 s0, $0x0;
	s0 =	rddreg [dreg:$0x2]  }
0x185: {  	s0 =	sadd.s32 @!p0 $0x100000, s0  }
0x186: {  	[sflag:s0] =	ssyncadd.tile.s32 @!p0 $0x1;
	_ =	shalt  }
.Lfunc_end2:
_tile_overlayer_lowered:
.L_overlay_start_2:
0x187: {  	(tag) =	ssettag $0x2  }
0x188: {  	s0 =	rddreg [dreg:$0x0];
	s2 =	stileid.u32  }
0x189: {  	s1 =	rddreg [dreg:$0x1];
	p0 =	sne.s32 s2, $0x0  }
0x18a: {  	s3 =	rddreg [dreg:$0x2];
	[bflag:$0x3] =	sbarrier.arrive $0xFFFF;
	s2 =	simm.s32 @!p0 $0x1C07  }
0x18b: {  	[timem:s3], [sflag:s2] =	dma.local @!p0 [hbm:s0], s1  }
0x18c: {  	s0 =	simm.s32 @!p0 $0x7  }
0x18d: {  	_ =	swait.ge @!p0 [sflag:s0], s1  }
0x18e: {  	s1 =	ssub.s32 @!p0 $0x0, s1;
	[sflag:s0] =	ssyncset.done @!p0 $0x0  }
0x18f: {  	[sflag:s0] =	ssyncadd.s32 @!p0 s1  }
0x190: {  	[bflag:$0x3] =	sbarrier.arrive $0xFFFF  }
0x191: {  	_ =	shalt  }

</sc_bundles>
